<compile_context>
chip_gen: v7x
topology: tpu7x:2x2x1
jax: 0.10.2.dev20260603
libtpu: 0.0.44.dev20260713+nightly
codegen_flags: <defaults>
</compile_context>

<pallas_src>
import functools

import jax
import jax.numpy as jnp
import numpy as np
from jax import lax
from jax.experimental import pallas as pl
from jax.experimental.pallas import tpu as pltpu
from jax.experimental.pallas import tpu_sc as plsc

NC = 2
NS = 16
NW = NC * NS
CHUNK = 128
ECH = 128
G = 16
D = 128
TBLK = 2048
DEGW = 128

_mesh = functools.partial(
    plsc.VectorSubcoreMesh, core_axis_name="c", subcore_axis_name="s"
)


def _sc_degree(nacc, c_chunks):
  rpt = nacc // NS

  @functools.partial(
      pl.kernel,
      out_type=jax.ShapeDtypeStruct((NC, nacc, DEGW), jnp.float32),
      mesh=_mesh(),
      scratch_types=[
          pltpu.VMEM((c_chunks, ECH), jnp.int32),
          pltpu.VMEM((ECH, DEGW), jnp.float32),
          pltpu.VMEM_SHARED((nacc, DEGW), jnp.float32),
          pltpu.SemaphoreType.DMA,
      ],
  )
  def k(e_hbm, ones_hbm, zeros_hbm, out_hbm, dst_v, ones_v, cnt_sh, sem):
    c = lax.axis_index("c")
    s = lax.axis_index("s")
    pltpu.sync_copy(e_hbm.at[1, c, s], dst_v)
    pltpu.sync_copy(ones_hbm, ones_v)
    pltpu.sync_copy(zeros_hbm, cnt_sh.at[pl.ds(s * rpt, rpt)])
    plsc.subcore_barrier()

    def body(j, carry):
      pltpu.async_copy(ones_v, cnt_sh.at[dst_v.at[j]], sem, add=True)
      return carry

    lax.fori_loop(0, c_chunks, body, 0, unroll=False)

    def drain(j, carry):
      pltpu.make_async_copy(ones_hbm, ones_v, sem).wait()
      return carry

    lax.fori_loop(0, c_chunks, drain, 0, unroll=False)
    plsc.subcore_barrier()
    pltpu.sync_copy(cnt_sh.at[pl.ds(s * rpt, rpt)],
                    out_hbm.at[c, pl.ds(s * rpt, rpt)])

  return k


def _sc_spmm(nacc, c_chunks):
  rpt = nacc // NS

  nstg = c_chunks // G

  @functools.partial(
      pl.kernel,
      out_type=jax.ShapeDtypeStruct((NC, nacc, D), jnp.float32),
      mesh=_mesh(),
      scratch_types=[
          pltpu.VMEM((3, G, ECH), jnp.int32),
          pltpu.VMEM((3, G, ECH), jnp.int32),
          pltpu.VMEM((ECH, D), jnp.float32),
          pltpu.VMEM((ECH, D), jnp.float32),
          pltpu.VMEM_SHARED((nacc, D), jnp.float32),
          pltpu.SemaphoreType.DMA,
          pltpu.SemaphoreType.DMA,
          pltpu.SemaphoreType.DMA,
          pltpu.SemaphoreType.DMA,
          pltpu.SemaphoreType.DMA,
      ],
  )
  def k(h_hbm, e_hbm, zrow_hbm, out_hbm,
        src_v, dst_v, rows_a, rows_b, acc_sh, sem_a, sem_b, ssa, ssb, isem):
    c = lax.axis_index("c")
    s = lax.axis_index("s")
    pltpu.sync_copy(e_hbm.at[0, c, s, pl.ds(0, G)], src_v.at[0])
    pltpu.sync_copy(e_hbm.at[1, c, s, pl.ds(0, G)], dst_v.at[0])
    pltpu.async_copy(e_hbm.at[0, c, s, pl.ds(G, G)], src_v.at[1], isem)
    pltpu.async_copy(e_hbm.at[1, c, s, pl.ds(G, G)], dst_v.at[1], isem)
    pltpu.sync_copy(zrow_hbm, rows_a)
    for kk in range(rpt // ECH):
      pltpu.sync_copy(rows_a, acc_sh.at[pl.ds(s * rpt + kk * ECH, ECH)])
    plsc.subcore_barrier()

    def wait(buf, sem):
      pltpu.make_async_copy(h_hbm.at[pl.ds(0, ECH)], buf, sem).wait()

    def src_row(j):
      return src_v.at[(j // G) % 3, j % G]

    def dst_row(j):
      return dst_v.at[(j // G) % 3, j % G]

    def fire(j, buf, sem):
      @pl.when(jnp.logical_and(j % G == 0, j > 0))
      def _():
        pltpu.make_async_copy(e_hbm.at[0, 0, 0, pl.ds(0, G)], src_v.at[0],
                              isem).wait()
        pltpu.make_async_copy(e_hbm.at[1, 0, 0, pl.ds(0, G)], dst_v.at[0],
                              isem).wait()
        st1 = j // G + 1

        @pl.when(st1 < nstg)
        def _():
          pltpu.async_copy(e_hbm.at[0, c, s, pl.ds(st1 * G, G)],
                           src_v.at[st1 % 3], isem)
          pltpu.async_copy(e_hbm.at[1, c, s, pl.ds(st1 * G, G)],
                           dst_v.at[st1 % 3], isem)

      pltpu.async_copy(h_hbm.at[src_row(j)], buf, sem)

    fire(0, rows_a, sem_a)

    def body(jj, carry):
      j0 = 2 * jj
      j1 = j0 + 1
      j2 = j0 + 2
      wait(rows_a, sem_a)
      fire(j1, rows_b, sem_b)
      pltpu.sync_copy(rows_a, acc_sh.at[dst_row(j0)], add=True)

      @pl.when(j2 < c_chunks)
      def _():
        fire(j2, rows_a, sem_a)

      wait(rows_b, sem_b)
      pltpu.sync_copy(rows_b, acc_sh.at[dst_row(j1)], add=True)
      return carry

    lax.fori_loop(0, c_chunks // 2, body, 0, unroll=False)
    plsc.subcore_barrier()
    pltpu.sync_copy(acc_sh.at[pl.ds(s * rpt, rpt)],
                    out_hbm.at[c, pl.ds(s * rpt, rpt)])

  return k


def _tc_w0(nacc):
  nb = nacc // TBLK

  def body(x, w, g_ref):
    g_ref[...] = jnp.dot(x[...], w[...], preferred_element_type=jnp.float32)

  return pl.pallas_call(
      body,
      grid=(nb,),
      in_specs=[
          pl.BlockSpec((TBLK, D), lambda i: (i, 0)),
          pl.BlockSpec((D, D), lambda i: (0, 0)),
      ],
      out_specs=pl.BlockSpec((TBLK, D), lambda i: (i, 0)),
      out_shape=jax.ShapeDtypeStruct((nacc, D), jnp.float32),
  )


def _tc_first(nacc):
  nb = nacc // TBLK

  def body(cnt, g, dinv_ref, h_ref):
    deg = cnt[0, :, 0:1] + cnt[1, :, 0:1] + 1.0
    dinv = lax.rsqrt(deg)
    dinv_ref[...] = dinv
    h_ref[...] = dinv * g[...]

  return pl.pallas_call(
      body,
      grid=(nb,),
      in_specs=[
          pl.BlockSpec((2, TBLK, DEGW), lambda i: (0, i, 0)),
          pl.BlockSpec((TBLK, D), lambda i: (i, 0)),
      ],
      out_specs=[
          pl.BlockSpec((TBLK, 1), lambda i: (i, 0)),
          pl.BlockSpec((TBLK, D), lambda i: (i, 0)),
      ],
      out_shape=[
          jax.ShapeDtypeStruct((nacc, 1), jnp.float32),
          jax.ShapeDtypeStruct((nacc, D), jnp.float32),
      ],
  )


def _tc_mid(nacc):
  nb = nacc // TBLK

  def body(a, hp, dinv, b, w, o_ref, h_ref):
    acc = a[0] + a[1] + hp[...]
    o = jnp.maximum(dinv[...] * acc + b[...], 0.0)
    o_ref[...] = o
    h_ref[...] = dinv[...] * jnp.dot(
        o, w[...], preferred_element_type=jnp.float32)

  return pl.pallas_call(
      body,
      grid=(nb,),
      in_specs=[
          pl.BlockSpec((2, TBLK, D), lambda i: (0, i, 0)),
          pl.BlockSpec((TBLK, D), lambda i: (i, 0)),
          pl.BlockSpec((TBLK, 1), lambda i: (i, 0)),
          pl.BlockSpec((1, D), lambda i: (0, 0)),
          pl.BlockSpec((D, D), lambda i: (0, 0)),
      ],
      out_specs=[
          pl.BlockSpec((TBLK, D), lambda i: (i, 0)),
          pl.BlockSpec((TBLK, D), lambda i: (i, 0)),
      ],
      out_shape=[
          jax.ShapeDtypeStruct((nacc, D), jnp.float32),
          jax.ShapeDtypeStruct((nacc, D), jnp.float32),
      ],
  )


def _tc_jk_partial(nacc):
  nb = nacc // TBLK

  def body(o0, o1, o2, wo, bo, out_ref):
    w = wo[...]
    r = jnp.dot(o0[...], w[0:128], preferred_element_type=jnp.float32)
    r += jnp.dot(o1[...], w[128:256], preferred_element_type=jnp.float32)
    r += jnp.dot(o2[...], w[256:384], preferred_element_type=jnp.float32)
    out_ref[...] = r + bo[...]

  return pl.pallas_call(
      body,
      grid=(nb,),
      in_specs=[
          pl.BlockSpec((TBLK, D), lambda i: (i, 0)),
          pl.BlockSpec((TBLK, D), lambda i: (i, 0)),
          pl.BlockSpec((TBLK, D), lambda i: (i, 0)),
          pl.BlockSpec((4 * D, D), lambda i: (0, 0)),
          pl.BlockSpec((1, D), lambda i: (0, 0)),
      ],
      out_specs=pl.BlockSpec((TBLK, D), lambda i: (i, 0)),
      out_shape=jax.ShapeDtypeStruct((nacc, D), jnp.float32),
  )


def _tc_last(nacc, n):
  nb = nacc // TBLK

  def body(a, hp, dinv, b, jkp, wo, out_ref):
    acc = a[0] + a[1] + hp[...]
    o3 = jnp.maximum(dinv[...] * acc + b[...], 0.0)
    w = wo[...]
    out_ref[...] = jkp[...] + jnp.dot(o3, w[384:512],
                                      preferred_element_type=jnp.float32)

  return pl.pallas_call(
      body,
      grid=(nb,),
      in_specs=[
          pl.BlockSpec((2, TBLK, D), lambda i: (0, i, 0)),
          pl.BlockSpec((TBLK, D), lambda i: (i, 0)),
          pl.BlockSpec((TBLK, 1), lambda i: (i, 0)),
          pl.BlockSpec((1, D), lambda i: (0, 0)),
          pl.BlockSpec((TBLK, D), lambda i: (i, 0)),
          pl.BlockSpec((4 * D, D), lambda i: (0, 0)),
      ],
      out_specs=pl.BlockSpec((TBLK, D), lambda i: (i, 0)),
      out_shape=jax.ShapeDtypeStruct((n, D), jnp.float32),
  )


def kernel(x, edge_index, W0, b0, W1, b1, W2, b2, W3, b3, Wout, bout):
  n = x.shape[0]
  e = edge_index.shape[1]

  nacc = ((n + NS * CHUNK - 1) // (NS * CHUNK)) * NS * CHUNK
  pad_rows = nacc - n

  ee = NW * ECH * G
  ep = ((e + ee - 1) // ee) * ee
  pad_e = ep - e
  c_chunks = ep // (NW * ECH)
  pad_idx = jnp.asarray(
      np.broadcast_to(n + (np.arange(pad_e) % pad_rows), (2, pad_e)),
      dtype=jnp.int32)
  edges = jnp.concatenate([edge_index, pad_idx], axis=1).reshape(
      2, NC, NS, c_chunks, ECH)

  ones_deg = jnp.ones((ECH, DEGW), jnp.float32)
  zeros_deg = jnp.zeros((nacc // NS, DEGW), jnp.float32)
  zrow = jnp.zeros((ECH, D), jnp.float32)
  x_pad = jnp.pad(x, ((0, pad_rows), (0, 0)))

  deg_k = _sc_degree(nacc, c_chunks)
  spmm_k = _sc_spmm(nacc, c_chunks)
  tc_w0 = _tc_w0(nacc)
  tc_first = _tc_first(nacc)
  tc_mid = _tc_mid(nacc)
  tc_jkp = _tc_jk_partial(nacc)
  tc_last = _tc_last(nacc, n)

  cnt = deg_k(edges, ones_deg, zeros_deg)
  g0 = tc_w0(x_pad, W0)
  dinv, hp = tc_first(cnt, g0)

  acc = spmm_k(hp, edges, zrow)
  o0, hp = tc_mid(acc, hp, dinv, b0.reshape(1, D), W1)
  acc = spmm_k(hp, edges, zrow)
  o1, hp = tc_mid(acc, hp, dinv, b1.reshape(1, D), W2)
  acc = spmm_k(hp, edges, zrow)
  o2, hp = tc_mid(acc, hp, dinv, b2.reshape(1, D), W3)
  acc = spmm_k(hp, edges, zrow)
  jkp = tc_jkp(o0, o1, o2, Wout, bout.reshape(1, D))
  out = tc_last(acc, hp, dinv, b3.reshape(1, D), jkp, Wout)
  return out

# --- scband reference (transcript-rebuilt; emitter-appended) ---
"""Pipeline reference for scband-jknet-27504970563788 (READ-ONLY COPY).

The authoritative reference and input builder live on the scoring server;
editing this copy changes nothing except your own understanding.
"""

import jax, jax.numpy as jnp
import numpy as np

N = 10000
E = 320000
DIN = 128
DH = 128
DOUT = 128
L = 4


def gcn_conv(x, edge_index, W, b):
    n = x.shape[0]
    src = edge_index[0]
    dst = edge_index[1]
    loop = jnp.arange(n, dtype=src.dtype)
    src = jnp.concatenate([src, loop])
    dst = jnp.concatenate([dst, loop])
    deg = jnp.zeros((n,), dtype=x.dtype).at[dst].add(1.0)
    dinv = jnp.where(deg > 0, jax.lax.rsqrt(jnp.maximum(deg, 1e-12)), 0.0)
    norm = dinv[src] * dinv[dst]
    h = x @ W
    msg = h[src] * norm[:, None]
    out = jax.ops.segment_sum(msg, dst, num_segments=n)
    return out + b


def setup_inputs(seed: int = 0) -> dict:
    key = jax.random.key(seed)
    ks = jax.random.split(key, 16)
    x = jax.random.normal(ks[0], (N, DIN), dtype=jnp.float32)
    edge_index = jax.random.randint(ks[1], (2, E), 0, N, dtype=jnp.int32)
    inp = {"x": x, "edge_index": edge_index}
    dims = [(DIN, DH), (DH, DH), (DH, DH), (DH, DH)]
    for i, (di, do) in enumerate(dims):
        inp[f"W{i}"] = jax.random.normal(ks[2 + 2 * i], (di, do), dtype=jnp.float32) * (1.0 / np.sqrt(di))
        inp[f"b{i}"] = jnp.zeros((do,), dtype=jnp.float32)
    inp["Wout"] = jax.random.normal(ks[12], (DH * L, DOUT), dtype=jnp.float32) * (1.0 / np.sqrt(DH * L))
    inp["bout"] = jnp.zeros((DOUT,), dtype=jnp.float32)
    return inp


def reference(x, edge_index, W0, b0, W1, b1, W2, b2, W3, b3, Wout, bout):
    params = [(W0, b0), (W1, b1), (W2, b2), (W3, b3)]
    h = x
    layer_outputs = []
    for W, b in params:
        h = gcn_conv(h, edge_index, W, b)
        h = jax.nn.relu(h)
        # dropout p=0.0 -> identity
        layer_outputs.append(h)
    hcat = jnp.concatenate(layer_outputs, axis=-1)  # JumpingKnowledge mode='cat'
    return hcat @ Wout + bout

if __name__ == "__main__":
    import jax
    _d = setup_inputs()
    print(jax.jit(kernel)(*tuple(_d.values())))

</pallas_src>

<mosaic_0001>
#map = affine_map<(d0, d1) -> (0, 0)>
#map1 = affine_map<(d0, d1) -> (0, 0, 0, 0, 0)>
#map2 = affine_map<(d0, d1) -> (0, 0, 0)>
module attributes {stable_mosaic.version = 14 : i64} {
  func.func @k(%arg0: i32, %arg1: i32, %arg2: memref<10240x128xf32, #tpu.memory_space<hbm>>, %arg3: memref<2x2x16x80x128xi32, #tpu.memory_space<hbm>>, %arg4: memref<128x128xf32, #tpu.memory_space<hbm>>, %arg5: memref<2x10240x128xf32, #tpu.memory_space<hbm>>, %arg6: memref<3x16x128xi32, #tpu.memory_space<vmem>>, %arg7: memref<3x16x128xi32, #tpu.memory_space<vmem>>, %arg8: memref<128x128xf32, #tpu.memory_space<vmem>>, %arg9: memref<128x128xf32, #tpu.memory_space<vmem>>, %arg10: memref<10240x128xf32, #tpu.memory_space<vmem_shared>>, %arg11: memref<!tpu.dma_semaphore, #tpu.memory_space<semaphore_mem>>, %arg12: memref<!tpu.dma_semaphore, #tpu.memory_space<semaphore_mem>>, %arg13: memref<!tpu.dma_semaphore, #tpu.memory_space<semaphore_mem>>, %arg14: memref<!tpu.dma_semaphore, #tpu.memory_space<semaphore_mem>>, %arg15: memref<!tpu.dma_semaphore, #tpu.memory_space<semaphore_mem>>) attributes {dimension_semantics = [#tpu.dimension_semantics<core_parallel>, #tpu.dimension_semantics<subcore_parallel>], iteration_bounds = array<i64: 2, 16>, scalar_prefetch = 0 : i64, scratch_operands = 10 : i64, tpu.core_type = #tpu.core_type<sc_vector_subcore>, window_params = [{transform_indices = #map}, {transform_indices = #map1}, {transform_indices = #map}, {transform_indices = #map2}]} {
    %run_scoped3A = arith.constant 0 : i32
    %run_scoped3A_0 = arith.constant 0 : i32
    "tpu.region"() ({
      %run_scoped3A_77 = tpu.sem_alloc : memref<!tpu.dma_semaphore, #tpu.memory_space<semaphore_mem>>
      %dma_start3A_78 = arith.constant 0 : i32
      %dma_start3A_79 = arith.constant 0 : i32
      %dma_start3A_80 = tpu.memref_slice %arg6[%run_scoped3A_0, %dma_start3A_78, %dma_start3A_79] : memref<3x16x128xi32, #tpu.memory_space<vmem>> -> memref<1x16x128xi32, #tpu.memory_space<vmem>>
      %dma_start3A_81 = tpu.memref_squeeze %dma_start3A_80 : memref<1x16x128xi32, #tpu.memory_space<vmem>> -> memref<16x128xi32, #tpu.memory_space<vmem>>
      %dma_start3A_82 = arith.constant 0 : i32
      %dma_start3A_83 = arith.constant 0 : i32
      %dma_start3A_84 = tpu.memref_slice %arg3[%run_scoped3A, %arg0, %arg1, %dma_start3A_82, %dma_start3A_83] : memref<2x2x16x80x128xi32, #tpu.memory_space<hbm>> -> memref<1x1x1x16x128xi32, #tpu.memory_space<hbm>>
      %dma_start3A_85 = tpu.memref_squeeze %dma_start3A_84 : memref<1x1x1x16x128xi32, #tpu.memory_space<hbm>> -> memref<16x128xi32, #tpu.memory_space<hbm>>
      %dma_start3A_86 = arith.constant 0 : i32
      %dma_start3A_87 = arith.constant 0 : i32
      %dma_start3A_88 = tpu.memref_slice %arg6[%run_scoped3A_0, %dma_start3A_86, %dma_start3A_87] : memref<3x16x128xi32, #tpu.memory_space<vmem>> -> memref<1x16x128xi32, #tpu.memory_space<vmem>>
      %dma_start3A_89 = tpu.memref_squeeze %dma_start3A_88 : memref<1x16x128xi32, #tpu.memory_space<vmem>> -> memref<16x128xi32, #tpu.memory_space<vmem>>
      %dma_start3A_90 = arith.constant 0 : i32
      %dma_start3A_91 = arith.constant 0 : i32
      %dma_start3A_92 = tpu.memref_slice %arg3[%run_scoped3A, %arg0, %arg1, %dma_start3A_90, %dma_start3A_91] : memref<2x2x16x80x128xi32, #tpu.memory_space<hbm>> -> memref<1x1x1x16x128xi32, #tpu.memory_space<hbm>>
      %dma_start3A_93 = tpu.memref_squeeze %dma_start3A_92 : memref<1x1x1x16x128xi32, #tpu.memory_space<hbm>> -> memref<16x128xi32, #tpu.memory_space<hbm>>
      tpu.enqueue_dma source(%dma_start3A_93 : memref<16x128xi32, #tpu.memory_space<hbm>>) target(%dma_start3A_89 : memref<16x128xi32, #tpu.memory_space<vmem>>) target_semaphore(%run_scoped3A_77 : memref<!tpu.dma_semaphore, #tpu.memory_space<semaphore_mem>>)
      %dma_wait3A = arith.constant 0 : i32
      %dma_wait3A_94 = arith.constant 0 : i32
      %dma_wait3A_95 = tpu.memref_slice %arg6[%run_scoped3A_0, %dma_wait3A, %dma_wait3A_94] : memref<3x16x128xi32, #tpu.memory_space<vmem>> -> memref<1x16x128xi32, #tpu.memory_space<vmem>>
      %dma_wait3A_96 = tpu.memref_squeeze %dma_wait3A_95 : memref<1x16x128xi32, #tpu.memory_space<vmem>> -> memref<16x128xi32, #tpu.memory_space<vmem>>
      %dma_wait3A_97 = arith.constant 0 : i32
      %dma_wait3A_98 = arith.constant 0 : i32
      %dma_wait3A_99 = tpu.memref_slice %arg3[%run_scoped3A, %arg0, %arg1, %dma_wait3A_97, %dma_wait3A_98] : memref<2x2x16x80x128xi32, #tpu.memory_space<hbm>> -> memref<1x1x1x16x128xi32, #tpu.memory_space<hbm>>
      %dma_wait3A_100 = tpu.memref_squeeze %dma_wait3A_99 : memref<1x1x1x16x128xi32, #tpu.memory_space<hbm>> -> memref<16x128xi32, #tpu.memory_space<hbm>>
      %dma_wait3A_101 = arith.constant 0 : i32
      %dma_wait3A_102 = arith.constant 0 : i32
      %dma_wait3A_103 = tpu.memref_slice %arg6[%run_scoped3A_0, %dma_wait3A_101, %dma_wait3A_102] : memref<3x16x128xi32, #tpu.memory_space<vmem>> -> memref<1x16x128xi32, #tpu.memory_space<vmem>>
      %dma_wait3A_104 = tpu.memref_squeeze %dma_wait3A_103 : memref<1x16x128xi32, #tpu.memory_space<vmem>> -> memref<16x128xi32, #tpu.memory_space<vmem>>
      %dma_wait3A_105 = arith.constant 0 : i32
      %dma_wait3A_106 = arith.constant 0 : i32
      %dma_wait3A_107 = tpu.memref_slice %arg3[%run_scoped3A, %arg0, %arg1, %dma_wait3A_105, %dma_wait3A_106] : memref<2x2x16x80x128xi32, #tpu.memory_space<hbm>> -> memref<1x1x1x16x128xi32, #tpu.memory_space<hbm>>
      %dma_wait3A_108 = tpu.memref_squeeze %dma_wait3A_107 : memref<1x1x1x16x128xi32, #tpu.memory_space<hbm>> -> memref<16x128xi32, #tpu.memory_space<hbm>>
      tpu.wait_dma2 semaphore(%run_scoped3A_77 : memref<!tpu.dma_semaphore, #tpu.memory_space<semaphore_mem>>) src(%dma_wait3A_108 : memref<16x128xi32, #tpu.memory_space<hbm>>) dst(%dma_wait3A_104 : memref<16x128xi32, #tpu.memory_space<vmem>>)
      tpu.yield
    }) : () -> ()
    %run_scoped3A_1 = arith.constant 1 : i32
    %run_scoped3A_2 = arith.constant 0 : i32
    "tpu.region"() ({
      %run_scoped3A_77 = tpu.sem_alloc : memref<!tpu.dma_semaphore, #tpu.memory_space<semaphore_mem>>
      %dma_start3A_78 = arith.constant 0 : i32
      %dma_start3A_79 = arith.constant 0 : i32
      %dma_start3A_80 = tpu.memref_slice %arg7[%run_scoped3A_2, %dma_start3A_78, %dma_start3A_79] : memref<3x16x128xi32, #tpu.memory_space<vmem>> -> memref<1x16x128xi32, #tpu.memory_space<vmem>>
      %dma_start3A_81 = tpu.memref_squeeze %dma_start3A_80 : memref<1x16x128xi32, #tpu.memory_space<vmem>> -> memref<16x128xi32, #tpu.memory_space<vmem>>
      %dma_start3A_82 = arith.constant 0 : i32
      %dma_start3A_83 = arith.constant 0 : i32
      %dma_start3A_84 = tpu.memref_slice %arg3[%run_scoped3A_1, %arg0, %arg1, %dma_start3A_82, %dma_start3A_83] : memref<2x2x16x80x128xi32, #tpu.memory_space<hbm>> -> memref<1x1x1x16x128xi32, #tpu.memory_space<hbm>>
      %dma_start3A_85 = tpu.memref_squeeze %dma_start3A_84 : memref<1x1x1x16x128xi32, #tpu.memory_space<hbm>> -> memref<16x128xi32, #tpu.memory_space<hbm>>
      %dma_start3A_86 = arith.constant 0 : i32
      %dma_start3A_87 = arith.constant 0 : i32
      %dma_start3A_88 = tpu.memref_slice %arg7[%run_scoped3A_2, %dma_start3A_86, %dma_start3A_87] : memref<3x16x128xi32, #tpu.memory_space<vmem>> -> memref<1x16x128xi32, #tpu.memory_space<vmem>>
      %dma_start3A_89 = tpu.memref_squeeze %dma_start3A_88 : memref<1x16x128xi32, #tpu.memory_space<vmem>> -> memref<16x128xi32, #tpu.memory_space<vmem>>
      %dma_start3A_90 = arith.constant 0 : i32
      %dma_start3A_91 = arith.constant 0 : i32
      %dma_start3A_92 = tpu.memref_slice %arg3[%run_scoped3A_1, %arg0, %arg1, %dma_start3A_90, %dma_start3A_91] : memref<2x2x16x80x128xi32, #tpu.memory_space<hbm>> -> memref<1x1x1x16x128xi32, #tpu.memory_space<hbm>>
      %dma_start3A_93 = tpu.memref_squeeze %dma_start3A_92 : memref<1x1x1x16x128xi32, #tpu.memory_space<hbm>> -> memref<16x128xi32, #tpu.memory_space<hbm>>
      tpu.enqueue_dma source(%dma_start3A_93 : memref<16x128xi32, #tpu.memory_space<hbm>>) target(%dma_start3A_89 : memref<16x128xi32, #tpu.memory_space<vmem>>) target_semaphore(%run_scoped3A_77 : memref<!tpu.dma_semaphore, #tpu.memory_space<semaphore_mem>>)
      %dma_wait3A = arith.constant 0 : i32
      %dma_wait3A_94 = arith.constant 0 : i32
      %dma_wait3A_95 = tpu.memref_slice %arg7[%run_scoped3A_2, %dma_wait3A, %dma_wait3A_94] : memref<3x16x128xi32, #tpu.memory_space<vmem>> -> memref<1x16x128xi32, #tpu.memory_space<vmem>>
      %dma_wait3A_96 = tpu.memref_squeeze %dma_wait3A_95 : memref<1x16x128xi32, #tpu.memory_space<vmem>> -> memref<16x128xi32, #tpu.memory_space<vmem>>
      %dma_wait3A_97 = arith.constant 0 : i32
      %dma_wait3A_98 = arith.constant 0 : i32
      %dma_wait3A_99 = tpu.memref_slice %arg3[%run_scoped3A_1, %arg0, %arg1, %dma_wait3A_97, %dma_wait3A_98] : memref<2x2x16x80x128xi32, #tpu.memory_space<hbm>> -> memref<1x1x1x16x128xi32, #tpu.memory_space<hbm>>
      %dma_wait3A_100 = tpu.memref_squeeze %dma_wait3A_99 : memref<1x1x1x16x128xi32, #tpu.memory_space<hbm>> -> memref<16x128xi32, #tpu.memory_space<hbm>>
      %dma_wait3A_101 = arith.constant 0 : i32
      %dma_wait3A_102 = arith.constant 0 : i32
      %dma_wait3A_103 = tpu.memref_slice %arg7[%run_scoped3A_2, %dma_wait3A_101, %dma_wait3A_102] : memref<3x16x128xi32, #tpu.memory_space<vmem>> -> memref<1x16x128xi32, #tpu.memory_space<vmem>>
      %dma_wait3A_104 = tpu.memref_squeeze %dma_wait3A_103 : memref<1x16x128xi32, #tpu.memory_space<vmem>> -> memref<16x128xi32, #tpu.memory_space<vmem>>
      %dma_wait3A_105 = arith.constant 0 : i32
      %dma_wait3A_106 = arith.constant 0 : i32
      %dma_wait3A_107 = tpu.memref_slice %arg3[%run_scoped3A_1, %arg0, %arg1, %dma_wait3A_105, %dma_wait3A_106] : memref<2x2x16x80x128xi32, #tpu.memory_space<hbm>> -> memref<1x1x1x16x128xi32, #tpu.memory_space<hbm>>
      %dma_wait3A_108 = tpu.memref_squeeze %dma_wait3A_107 : memref<1x1x1x16x128xi32, #tpu.memory_space<hbm>> -> memref<16x128xi32, #tpu.memory_space<hbm>>
      tpu.wait_dma2 semaphore(%run_scoped3A_77 : memref<!tpu.dma_semaphore, #tpu.memory_space<semaphore_mem>>) src(%dma_wait3A_108 : memref<16x128xi32, #tpu.memory_space<hbm>>) dst(%dma_wait3A_104 : memref<16x128xi32, #tpu.memory_space<vmem>>)
      tpu.yield
    }) : () -> ()
    %dma_start3A = arith.constant 0 : i32
    %dma_start3A_3 = arith.constant 1 : i32
    %dma_start3A_4 = arith.constant 0 : i32
    %dma_start3A_5 = arith.constant 0 : i32
    %dma_start3A_6 = tpu.memref_slice %arg6[%dma_start3A_3, %dma_start3A_4, %dma_start3A_5] : memref<3x16x128xi32, #tpu.memory_space<vmem>> -> memref<1x16x128xi32, #tpu.memory_space<vmem>>
    %dma_start3A_7 = tpu.memref_squeeze %dma_start3A_6 : memref<1x16x128xi32, #tpu.memory_space<vmem>> -> memref<16x128xi32, #tpu.memory_space<vmem>>
    %dma_start3A_8 = arith.constant 16 : i32
    %dma_start3A_9 = arith.constant 0 : i32
    %dma_start3A_10 = tpu.memref_slice %arg3[%dma_start3A, %arg0, %arg1, %dma_start3A_8, %dma_start3A_9] : memref<2x2x16x80x128xi32, #tpu.memory_space<hbm>> -> memref<1x1x1x16x128xi32, #tpu.memory_space<hbm>>
    %dma_start3A_11 = tpu.memref_squeeze %dma_start3A_10 : memref<1x1x1x16x128xi32, #tpu.memory_space<hbm>> -> memref<16x128xi32, #tpu.memory_space<hbm>>
    %dma_start3A_12 = arith.constant 0 : i32
    %dma_start3A_13 = arith.constant 0 : i32
    %dma_start3A_14 = tpu.memref_slice %arg6[%dma_start3A_3, %dma_start3A_12, %dma_start3A_13] : memref<3x16x128xi32, #tpu.memory_space<vmem>> -> memref<1x16x128xi32, #tpu.memory_space<vmem>>
    %dma_start3A_15 = tpu.memref_squeeze %dma_start3A_14 : memref<1x16x128xi32, #tpu.memory_space<vmem>> -> memref<16x128xi32, #tpu.memory_space<vmem>>
    %dma_start3A_16 = arith.constant 16 : i32
    %dma_start3A_17 = arith.constant 0 : i32
    %dma_start3A_18 = tpu.memref_slice %arg3[%dma_start3A, %arg0, %arg1, %dma_start3A_16, %dma_start3A_17] : memref<2x2x16x80x128xi32, #tpu.memory_space<hbm>> -> memref<1x1x1x16x128xi32, #tpu.memory_space<hbm>>
    %dma_start3A_19 = tpu.memref_squeeze %dma_start3A_18 : memref<1x1x1x16x128xi32, #tpu.memory_space<hbm>> -> memref<16x128xi32, #tpu.memory_space<hbm>>
    tpu.enqueue_dma source(%dma_start3A_19 : memref<16x128xi32, #tpu.memory_space<hbm>>) target(%dma_start3A_15 : memref<16x128xi32, #tpu.memory_space<vmem>>) target_semaphore(%arg15 : memref<!tpu.dma_semaphore, #tpu.memory_space<semaphore_mem>>)
    %dma_start3A_20 = arith.constant 1 : i32
    %dma_start3A_21 = arith.constant 1 : i32
    %dma_start3A_22 = arith.constant 0 : i32
    %dma_start3A_23 = arith.constant 0 : i32
    %dma_start3A_24 = tpu.memref_slice %arg7[%dma_start3A_21, %dma_start3A_22, %dma_start3A_23] : memref<3x16x128xi32, #tpu.memory_space<vmem>> -> memref<1x16x128xi32, #tpu.memory_space<vmem>>
    %dma_start3A_25 = tpu.memref_squeeze %dma_start3A_24 : memref<1x16x128xi32, #tpu.memory_space<vmem>> -> memref<16x128xi32, #tpu.memory_space<vmem>>
    %dma_start3A_26 = arith.constant 16 : i32
    %dma_start3A_27 = arith.constant 0 : i32
    %dma_start3A_28 = tpu.memref_slice %arg3[%dma_start3A_20, %arg0, %arg1, %dma_start3A_26, %dma_start3A_27] : memref<2x2x16x80x128xi32, #tpu.memory_space<hbm>> -> memref<1x1x1x16x128xi32, #tpu.memory_space<hbm>>
    %dma_start3A_29 = tpu.memref_squeeze %dma_start3A_28 : memref<1x1x1x16x128xi32, #tpu.memory_space<hbm>> -> memref<16x128xi32, #tpu.memory_space<hbm>>
    %dma_start3A_30 = arith.constant 0 : i32
    %dma_start3A_31 = arith.constant 0 : i32
    %dma_start3A_32 = tpu.memref_slice %arg7[%dma_start3A_21, %dma_start3A_30, %dma_start3A_31] : memref<3x16x128xi32, #tpu.memory_space<vmem>> -> memref<1x16x128xi32, #tpu.memory_space<vmem>>
    %dma_start3A_33 = tpu.memref_squeeze %dma_start3A_32 : memref<1x16x128xi32, #tpu.memory_space<vmem>> -> memref<16x128xi32, #tpu.memory_space<vmem>>
    %dma_start3A_34 = arith.constant 16 : i32
    %dma_start3A_35 = arith.constant 0 : i32
    %dma_start3A_36 = tpu.memref_slice %arg3[%dma_start3A_20, %arg0, %arg1, %dma_start3A_34, %dma_start3A_35] : memref<2x2x16x80x128xi32, #tpu.memory_space<hbm>> -> memref<1x1x1x16x128xi32, #tpu.memory_space<hbm>>
    %dma_start3A_37 = tpu.memref_squeeze %dma_start3A_36 : memref<1x1x1x16x128xi32, #tpu.memory_space<hbm>> -> memref<16x128xi32, #tpu.memory_space<hbm>>
    tpu.enqueue_dma source(%dma_start3A_37 : memref<16x128xi32, #tpu.memory_space<hbm>>) target(%dma_start3A_33 : memref<16x128xi32, #tpu.memory_space<vmem>>) target_semaphore(%arg15 : memref<!tpu.dma_semaphore, #tpu.memory_space<semaphore_mem>>)
    "tpu.region"() ({
      %run_scoped3A_77 = tpu.sem_alloc : memref<!tpu.dma_semaphore, #tpu.memory_space<semaphore_mem>>
      tpu.enqueue_dma source(%arg4 : memref<128x128xf32, #tpu.memory_space<hbm>>) target(%arg8 : memref<128x128xf32, #tpu.memory_space<vmem>>) target_semaphore(%run_scoped3A_77 : memref<!tpu.dma_semaphore, #tpu.memory_space<semaphore_mem>>)
      tpu.wait_dma2 semaphore(%run_scoped3A_77 : memref<!tpu.dma_semaphore, #tpu.memory_space<semaphore_mem>>) src(%arg4 : memref<128x128xf32, #tpu.memory_space<hbm>>) dst(%arg8 : memref<128x128xf32, #tpu.memory_space<vmem>>)
      tpu.yield
    }) : () -> ()
    %mul3A = arith.constant 640 : i32
    %mul3A_38 = arith.muli %arg1, %mul3A : i32
    %add3A = arith.constant 0 : i32
    %add3A_39 = arith.addi %mul3A_38, %add3A : i32
    "tpu.region"() ({
      %run_scoped3A_77 = tpu.sem_alloc : memref<!tpu.dma_semaphore, #tpu.memory_space<semaphore_mem>>
      %dma_start3A_78 = arith.constant 0 : i32
      %dma_start3A_79 = tpu.memref_slice %arg10[%add3A_39, %dma_start3A_78] : memref<10240x128xf32, #tpu.memory_space<vmem_shared>> -> memref<128x128xf32, #tpu.memory_space<vmem_shared>>
      %dma_start3A_80 = arith.constant 0 : i32
      %dma_start3A_81 = tpu.memref_slice %arg10[%add3A_39, %dma_start3A_80] : memref<10240x128xf32, #tpu.memory_space<vmem_shared>> -> memref<128x128xf32, #tpu.memory_space<vmem_shared>>
      tpu.enqueue_dma source(%arg8 : memref<128x128xf32, #tpu.memory_space<vmem>>) target(%dma_start3A_81 : memref<128x128xf32, #tpu.memory_space<vmem_shared>>) target_semaphore(%run_scoped3A_77 : memref<!tpu.dma_semaphore, #tpu.memory_space<semaphore_mem>>)
      %dma_wait3A = arith.constant 0 : i32
      %dma_wait3A_82 = tpu.memref_slice %arg10[%add3A_39, %dma_wait3A] : memref<10240x128xf32, #tpu.memory_space<vmem_shared>> -> memref<128x128xf32, #tpu.memory_space<vmem_shared>>
      %dma_wait3A_83 = arith.constant 0 : i32
      %dma_wait3A_84 = tpu.memref_slice %arg10[%add3A_39, %dma_wait3A_83] : memref<10240x128xf32, #tpu.memory_space<vmem_shared>> -> memref<128x128xf32, #tpu.memory_space<vmem_shared>>
      tpu.wait_dma2 semaphore(%run_scoped3A_77 : memref<!tpu.dma_semaphore, #tpu.memory_space<semaphore_mem>>) src(%arg8 : memref<128x128xf32, #tpu.memory_space<vmem>>) dst(%dma_wait3A_84 : memref<128x128xf32, #tpu.memory_space<vmem_shared>>)
      tpu.yield
    }) : () -> ()
    %mul3A_40 = arith.constant 640 : i32
    %mul3A_41 = arith.muli %arg1, %mul3A_40 : i32
    %add3A_42 = arith.constant 128 : i32
    %add3A_43 = arith.addi %mul3A_41, %add3A_42 : i32
    "tpu.region"() ({
      %run_scoped3A_77 = tpu.sem_alloc : memref<!tpu.dma_semaphore, #tpu.memory_space<semaphore_mem>>
      %dma_start3A_78 = arith.constant 0 : i32
      %dma_start3A_79 = tpu.memref_slice %arg10[%add3A_43, %dma_start3A_78] : memref<10240x128xf32, #tpu.memory_space<vmem_shared>> -> memref<128x128xf32, #tpu.memory_space<vmem_shared>>
      %dma_start3A_80 = arith.constant 0 : i32
      %dma_start3A_81 = tpu.memref_slice %arg10[%add3A_43, %dma_start3A_80] : memref<10240x128xf32, #tpu.memory_space<vmem_shared>> -> memref<128x128xf32, #tpu.memory_space<vmem_shared>>
      tpu.enqueue_dma source(%arg8 : memref<128x128xf32, #tpu.memory_space<vmem>>) target(%dma_start3A_81 : memref<128x128xf32, #tpu.memory_space<vmem_shared>>) target_semaphore(%run_scoped3A_77 : memref<!tpu.dma_semaphore, #tpu.memory_space<semaphore_mem>>)
      %dma_wait3A = arith.constant 0 : i32
      %dma_wait3A_82 = tpu.memref_slice %arg10[%add3A_43, %dma_wait3A] : memref<10240x128xf32, #tpu.memory_space<vmem_shared>> -> memref<128x128xf32, #tpu.memory_space<vmem_shared>>
      %dma_wait3A_83 = arith.constant 0 : i32
      %dma_wait3A_84 = tpu.memref_slice %arg10[%add3A_43, %dma_wait3A_83] : memref<10240x128xf32, #tpu.memory_space<vmem_shared>> -> memref<128x128xf32, #tpu.memory_space<vmem_shared>>
      tpu.wait_dma2 semaphore(%run_scoped3A_77 : memref<!tpu.dma_semaphore, #tpu.memory_space<semaphore_mem>>) src(%arg8 : memref<128x128xf32, #tpu.memory_space<vmem>>) dst(%dma_wait3A_84 : memref<128x128xf32, #tpu.memory_space<vmem_shared>>)
      tpu.yield
    }) : () -> ()
    %mul3A_44 = arith.constant 640 : i32
    %mul3A_45 = arith.muli %arg1, %mul3A_44 : i32
    %add3A_46 = arith.constant 256 : i32
    %add3A_47 = arith.addi %mul3A_45, %add3A_46 : i32
    "tpu.region"() ({
      %run_scoped3A_77 = tpu.sem_alloc : memref<!tpu.dma_semaphore, #tpu.memory_space<semaphore_mem>>
      %dma_start3A_78 = arith.constant 0 : i32
      %dma_start3A_79 = tpu.memref_slice %arg10[%add3A_47, %dma_start3A_78] : memref<10240x128xf32, #tpu.memory_space<vmem_shared>> -> memref<128x128xf32, #tpu.memory_space<vmem_shared>>
      %dma_start3A_80 = arith.constant 0 : i32
      %dma_start3A_81 = tpu.memref_slice %arg10[%add3A_47, %dma_start3A_80] : memref<10240x128xf32, #tpu.memory_space<vmem_shared>> -> memref<128x128xf32, #tpu.memory_space<vmem_shared>>
      tpu.enqueue_dma source(%arg8 : memref<128x128xf32, #tpu.memory_space<vmem>>) target(%dma_start3A_81 : memref<128x128xf32, #tpu.memory_space<vmem_shared>>) target_semaphore(%run_scoped3A_77 : memref<!tpu.dma_semaphore, #tpu.memory_space<semaphore_mem>>)
      %dma_wait3A = arith.constant 0 : i32
      %dma_wait3A_82 = tpu.memref_slice %arg10[%add3A_47, %dma_wait3A] : memref<10240x128xf32, #tpu.memory_space<vmem_shared>> -> memref<128x128xf32, #tpu.memory_space<vmem_shared>>
      %dma_wait3A_83 = arith.constant 0 : i32
      %dma_wait3A_84 = tpu.memref_slice %arg10[%add3A_47, %dma_wait3A_83] : memref<10240x128xf32, #tpu.memory_space<vmem_shared>> -> memref<128x128xf32, #tpu.memory_space<vmem_shared>>
      tpu.wait_dma2 semaphore(%run_scoped3A_77 : memref<!tpu.dma_semaphore, #tpu.memory_space<semaphore_mem>>) src(%arg8 : memref<128x128xf32, #tpu.memory_space<vmem>>) dst(%dma_wait3A_84 : memref<128x128xf32, #tpu.memory_space<vmem_shared>>)
      tpu.yield
    }) : () -> ()
    %mul3A_48 = arith.constant 640 : i32
    %mul3A_49 = arith.muli %arg1, %mul3A_48 : i32
    %add3A_50 = arith.constant 384 : i32
    %add3A_51 = arith.addi %mul3A_49, %add3A_50 : i32
    "tpu.region"() ({
      %run_scoped3A_77 = tpu.sem_alloc : memref<!tpu.dma_semaphore, #tpu.memory_space<semaphore_mem>>
      %dma_start3A_78 = arith.constant 0 : i32
      %dma_start3A_79 = tpu.memref_slice %arg10[%add3A_51, %dma_start3A_78] : memref<10240x128xf32, #tpu.memory_space<vmem_shared>> -> memref<128x128xf32, #tpu.memory_space<vmem_shared>>
      %dma_start3A_80 = arith.constant 0 : i32
      %dma_start3A_81 = tpu.memref_slice %arg10[%add3A_51, %dma_start3A_80] : memref<10240x128xf32, #tpu.memory_space<vmem_shared>> -> memref<128x128xf32, #tpu.memory_space<vmem_shared>>
      tpu.enqueue_dma source(%arg8 : memref<128x128xf32, #tpu.memory_space<vmem>>) target(%dma_start3A_81 : memref<128x128xf32, #tpu.memory_space<vmem_shared>>) target_semaphore(%run_scoped3A_77 : memref<!tpu.dma_semaphore, #tpu.memory_space<semaphore_mem>>)
      %dma_wait3A = arith.constant 0 : i32
      %dma_wait3A_82 = tpu.memref_slice %arg10[%add3A_51, %dma_wait3A] : memref<10240x128xf32, #tpu.memory_space<vmem_shared>> -> memref<128x128xf32, #tpu.memory_space<vmem_shared>>
      %dma_wait3A_83 = arith.constant 0 : i32
      %dma_wait3A_84 = tpu.memref_slice %arg10[%add3A_51, %dma_wait3A_83] : memref<10240x128xf32, #tpu.memory_space<vmem_shared>> -> memref<128x128xf32, #tpu.memory_space<vmem_shared>>
      tpu.wait_dma2 semaphore(%run_scoped3A_77 : memref<!tpu.dma_semaphore, #tpu.memory_space<semaphore_mem>>) src(%arg8 : memref<128x128xf32, #tpu.memory_space<vmem>>) dst(%dma_wait3A_84 : memref<128x128xf32, #tpu.memory_space<vmem_shared>>)
      tpu.yield
    }) : () -> ()
    %mul3A_52 = arith.constant 640 : i32
    %mul3A_53 = arith.muli %arg1, %mul3A_52 : i32
    %add3A_54 = arith.constant 512 : i32
    %add3A_55 = arith.addi %mul3A_53, %add3A_54 : i32
    "tpu.region"() ({
      %run_scoped3A_77 = tpu.sem_alloc : memref<!tpu.dma_semaphore, #tpu.memory_space<semaphore_mem>>
      %dma_start3A_78 = arith.constant 0 : i32
      %dma_start3A_79 = tpu.memref_slice %arg10[%add3A_55, %dma_start3A_78] : memref<10240x128xf32, #tpu.memory_space<vmem_shared>> -> memref<128x128xf32, #tpu.memory_space<vmem_shared>>
      %dma_start3A_80 = arith.constant 0 : i32
      %dma_start3A_81 = tpu.memref_slice %arg10[%add3A_55, %dma_start3A_80] : memref<10240x128xf32, #tpu.memory_space<vmem_shared>> -> memref<128x128xf32, #tpu.memory_space<vmem_shared>>
      tpu.enqueue_dma source(%arg8 : memref<128x128xf32, #tpu.memory_space<vmem>>) target(%dma_start3A_81 : memref<128x128xf32, #tpu.memory_space<vmem_shared>>) target_semaphore(%run_scoped3A_77 : memref<!tpu.dma_semaphore, #tpu.memory_space<semaphore_mem>>)
      %dma_wait3A = arith.constant 0 : i32
      %dma_wait3A_82 = tpu.memref_slice %arg10[%add3A_55, %dma_wait3A] : memref<10240x128xf32, #tpu.memory_space<vmem_shared>> -> memref<128x128xf32, #tpu.memory_space<vmem_shared>>
      %dma_wait3A_83 = arith.constant 0 : i32
      %dma_wait3A_84 = tpu.memref_slice %arg10[%add3A_55, %dma_wait3A_83] : memref<10240x128xf32, #tpu.memory_space<vmem_shared>> -> memref<128x128xf32, #tpu.memory_space<vmem_shared>>
      tpu.wait_dma2 semaphore(%run_scoped3A_77 : memref<!tpu.dma_semaphore, #tpu.memory_space<semaphore_mem>>) src(%arg8 : memref<128x128xf32, #tpu.memory_space<vmem>>) dst(%dma_wait3A_84 : memref<128x128xf32, #tpu.memory_space<vmem_shared>>)
      tpu.yield
    }) : () -> ()
    %barrier3A = arith.constant 0 : index
    tpu.barrier barrier_id(%barrier3A)
    %and3A = arith.constant true
    %and3A_56 = arith.constant false
    %and3A_57 = arith.andi %and3A, %and3A_56 : i1
    %convert_element_type3A = arith.extui %and3A_57 : i1 to i32
    %cond3A = arith.constant 0 : i32
    %cond3A_58 = arith.cmpi ne, %convert_element_type3A, %cond3A : i32
    scf.if %cond3A_58 {
      %dma_wait3A = arith.constant 0 : i32
      %dma_wait3A_77 = arith.constant 0 : i32
      %dma_wait3A_78 = arith.constant 0 : i32
      %dma_wait3A_79 = arith.constant 0 : i32
      %dma_wait3A_80 = arith.constant 0 : i32
      %dma_wait3A_81 = arith.constant 0 : i32
      %dma_wait3A_82 = tpu.memref_slice %arg6[%dma_wait3A_79, %dma_wait3A_80, %dma_wait3A_81] : memref<3x16x128xi32, #tpu.memory_space<vmem>> -> memref<1x16x128xi32, #tpu.memory_space<vmem>>
      %dma_wait3A_83 = tpu.memref_squeeze %dma_wait3A_82 : memref<1x16x128xi32, #tpu.memory_space<vmem>> -> memref<16x128xi32, #tpu.memory_space<vmem>>
      %dma_wait3A_84 = arith.constant 0 : i32
      %dma_wait3A_85 = arith.constant 0 : i32
      %dma_wait3A_86 = tpu.memref_slice %arg3[%dma_wait3A, %dma_wait3A_77, %dma_wait3A_78, %dma_wait3A_84, %dma_wait3A_85] : memref<2x2x16x80x128xi32, #tpu.memory_space<hbm>> -> memref<1x1x1x16x128xi32, #tpu.memory_space<hbm>>
      %dma_wait3A_87 = tpu.memref_squeeze %dma_wait3A_86 : memref<1x1x1x16x128xi32, #tpu.memory_space<hbm>> -> memref<16x128xi32, #tpu.memory_space<hbm>>
      %dma_wait3A_88 = arith.constant 0 : i32
      %dma_wait3A_89 = arith.constant 0 : i32
      %dma_wait3A_90 = tpu.memref_slice %arg6[%dma_wait3A_79, %dma_wait3A_88, %dma_wait3A_89] : memref<3x16x128xi32, #tpu.memory_space<vmem>> -> memref<1x16x128xi32, #tpu.memory_space<vmem>>
      %dma_wait3A_91 = tpu.memref_squeeze %dma_wait3A_90 : memref<1x16x128xi32, #tpu.memory_space<vmem>> -> memref<16x128xi32, #tpu.memory_space<vmem>>
      %dma_wait3A_92 = arith.constant 0 : i32
      %dma_wait3A_93 = arith.constant 0 : i32
      %dma_wait3A_94 = tpu.memref_slice %arg3[%dma_wait3A, %dma_wait3A_77, %dma_wait3A_78, %dma_wait3A_92, %dma_wait3A_93] : memref<2x2x16x80x128xi32, #tpu.memory_space<hbm>> -> memref<1x1x1x16x128xi32, #tpu.memory_space<hbm>>
      %dma_wait3A_95 = tpu.memref_squeeze %dma_wait3A_94 : memref<1x1x1x16x128xi32, #tpu.memory_space<hbm>> -> memref<16x128xi32, #tpu.memory_space<hbm>>
      tpu.wait_dma2 semaphore(%arg15 : memref<!tpu.dma_semaphore, #tpu.memory_space<semaphore_mem>>) src(%dma_wait3A_95 : memref<16x128xi32, #tpu.memory_space<hbm>>) dst(%dma_wait3A_91 : memref<16x128xi32, #tpu.memory_space<vmem>>)
      %dma_wait3A_96 = arith.constant 1 : i32
      %dma_wait3A_97 = arith.constant 0 : i32
      %dma_wait3A_98 = arith.constant 0 : i32
      %dma_wait3A_99 = arith.constant 0 : i32
      %dma_wait3A_100 = arith.constant 0 : i32
      %dma_wait3A_101 = arith.constant 0 : i32
      %dma_wait3A_102 = tpu.memref_slice %arg7[%dma_wait3A_99, %dma_wait3A_100, %dma_wait3A_101] : memref<3x16x128xi32, #tpu.memory_space<vmem>> -> memref<1x16x128xi32, #tpu.memory_space<vmem>>
      %dma_wait3A_103 = tpu.memref_squeeze %dma_wait3A_102 : memref<1x16x128xi32, #tpu.memory_space<vmem>> -> memref<16x128xi32, #tpu.memory_space<vmem>>
      %dma_wait3A_104 = arith.constant 0 : i32
      %dma_wait3A_105 = arith.constant 0 : i32
      %dma_wait3A_106 = tpu.memref_slice %arg3[%dma_wait3A_96, %dma_wait3A_97, %dma_wait3A_98, %dma_wait3A_104, %dma_wait3A_105] : memref<2x2x16x80x128xi32, #tpu.memory_space<hbm>> -> memref<1x1x1x16x128xi32, #tpu.memory_space<hbm>>
      %dma_wait3A_107 = tpu.memref_squeeze %dma_wait3A_106 : memref<1x1x1x16x128xi32, #tpu.memory_space<hbm>> -> memref<16x128xi32, #tpu.memory_space<hbm>>
      %dma_wait3A_108 = arith.constant 0 : i32
      %dma_wait3A_109 = arith.constant 0 : i32
      %dma_wait3A_110 = tpu.memref_slice %arg7[%dma_wait3A_99, %dma_wait3A_108, %dma_wait3A_109] : memref<3x16x128xi32, #tpu.memory_space<vmem>> -> memref<1x16x128xi32, #tpu.memory_space<vmem>>
      %dma_wait3A_111 = tpu.memref_squeeze %dma_wait3A_110 : memref<1x16x128xi32, #tpu.memory_space<vmem>> -> memref<16x128xi32, #tpu.memory_space<vmem>>
      %dma_wait3A_112 = arith.constant 0 : i32
      %dma_wait3A_113 = arith.constant 0 : i32
      %dma_wait3A_114 = tpu.memref_slice %arg3[%dma_wait3A_96, %dma_wait3A_97, %dma_wait3A_98, %dma_wait3A_112, %dma_wait3A_113] : memref<2x2x16x80x128xi32, #tpu.memory_space<hbm>> -> memref<1x1x1x16x128xi32, #tpu.memory_space<hbm>>
      %dma_wait3A_115 = tpu.memref_squeeze %dma_wait3A_114 : memref<1x1x1x16x128xi32, #tpu.memory_space<hbm>> -> memref<16x128xi32, #tpu.memory_space<hbm>>
      tpu.wait_dma2 semaphore(%arg15 : memref<!tpu.dma_semaphore, #tpu.memory_space<semaphore_mem>>) src(%dma_wait3A_115 : memref<16x128xi32, #tpu.memory_space<hbm>>) dst(%dma_wait3A_111 : memref<16x128xi32, #tpu.memory_space<vmem>>)
      %dma_start3A_116 = arith.constant 0 : i32
      %dma_start3A_117 = arith.constant 1 : i32
      %dma_start3A_118 = arith.constant 0 : i32
      %dma_start3A_119 = arith.constant 0 : i32
      %dma_start3A_120 = tpu.memref_slice %arg6[%dma_start3A_117, %dma_start3A_118, %dma_start3A_119] : memref<3x16x128xi32, #tpu.memory_space<vmem>> -> memref<1x16x128xi32, #tpu.memory_space<vmem>>
      %dma_start3A_121 = tpu.memref_squeeze %dma_start3A_120 : memref<1x16x128xi32, #tpu.memory_space<vmem>> -> memref<16x128xi32, #tpu.memory_space<vmem>>
      %dma_start3A_122 = arith.constant 16 : i32
      %dma_start3A_123 = arith.constant 0 : i32
      %dma_start3A_124 = tpu.memref_slice %arg3[%dma_start3A_116, %arg0, %arg1, %dma_start3A_122, %dma_start3A_123] : memref<2x2x16x80x128xi32, #tpu.memory_space<hbm>> -> memref<1x1x1x16x128xi32, #tpu.memory_space<hbm>>
      %dma_start3A_125 = tpu.memref_squeeze %dma_start3A_124 : memref<1x1x1x16x128xi32, #tpu.memory_space<hbm>> -> memref<16x128xi32, #tpu.memory_space<hbm>>
      %dma_start3A_126 = arith.constant 0 : i32
      %dma_start3A_127 = arith.constant 0 : i32
      %dma_start3A_128 = tpu.memref_slice %arg6[%dma_start3A_117, %dma_start3A_126, %dma_start3A_127] : memref<3x16x128xi32, #tpu.memory_space<vmem>> -> memref<1x16x128xi32, #tpu.memory_space<vmem>>
      %dma_start3A_129 = tpu.memref_squeeze %dma_start3A_128 : memref<1x16x128xi32, #tpu.memory_space<vmem>> -> memref<16x128xi32, #tpu.memory_space<vmem>>
      %dma_start3A_130 = arith.constant 16 : i32
      %dma_start3A_131 = arith.constant 0 : i32
      %dma_start3A_132 = tpu.memref_slice %arg3[%dma_start3A_116, %arg0, %arg1, %dma_start3A_130, %dma_start3A_131] : memref<2x2x16x80x128xi32, #tpu.memory_space<hbm>> -> memref<1x1x1x16x128xi32, #tpu.memory_space<hbm>>
      %dma_start3A_133 = tpu.memref_squeeze %dma_start3A_132 : memref<1x1x1x16x128xi32, #tpu.memory_space<hbm>> -> memref<16x128xi32, #tpu.memory_space<hbm>>
      tpu.enqueue_dma source(%dma_start3A_133 : memref<16x128xi32, #tpu.memory_space<hbm>>) target(%dma_start3A_129 : memref<16x128xi32, #tpu.memory_space<vmem>>) target_semaphore(%arg15 : memref<!tpu.dma_semaphore, #tpu.memory_space<semaphore_mem>>)
      %dma_start3A_134 = arith.constant 1 : i32
      %dma_start3A_135 = arith.constant 1 : i32
      %dma_start3A_136 = arith.constant 0 : i32
      %dma_start3A_137 = arith.constant 0 : i32
      %dma_start3A_138 = tpu.memref_slice %arg7[%dma_start3A_135, %dma_start3A_136, %dma_start3A_137] : memref<3x16x128xi32, #tpu.memory_space<vmem>> -> memref<1x16x128xi32, #tpu.memory_space<vmem>>
      %dma_start3A_139 = tpu.memref_squeeze %dma_start3A_138 : memref<1x16x128xi32, #tpu.memory_space<vmem>> -> memref<16x128xi32, #tpu.memory_space<vmem>>
      %dma_start3A_140 = arith.constant 16 : i32
      %dma_start3A_141 = arith.constant 0 : i32
      %dma_start3A_142 = tpu.memref_slice %arg3[%dma_start3A_134, %arg0, %arg1, %dma_start3A_140, %dma_start3A_141] : memref<2x2x16x80x128xi32, #tpu.memory_space<hbm>> -> memref<1x1x1x16x128xi32, #tpu.memory_space<hbm>>
      %dma_start3A_143 = tpu.memref_squeeze %dma_start3A_142 : memref<1x1x1x16x128xi32, #tpu.memory_space<hbm>> -> memref<16x128xi32, #tpu.memory_space<hbm>>
      %dma_start3A_144 = arith.constant 0 : i32
      %dma_start3A_145 = arith.constant 0 : i32
      %dma_start3A_146 = tpu.memref_slice %arg7[%dma_start3A_135, %dma_start3A_144, %dma_start3A_145] : memref<3x16x128xi32, #tpu.memory_space<vmem>> -> memref<1x16x128xi32, #tpu.memory_space<vmem>>
      %dma_start3A_147 = tpu.memref_squeeze %dma_start3A_146 : memref<1x16x128xi32, #tpu.memory_space<vmem>> -> memref<16x128xi32, #tpu.memory_space<vmem>>
      %dma_start3A_148 = arith.constant 16 : i32
      %dma_start3A_149 = arith.constant 0 : i32
      %dma_start3A_150 = tpu.memref_slice %arg3[%dma_start3A_134, %arg0, %arg1, %dma_start3A_148, %dma_start3A_149] : memref<2x2x16x80x128xi32, #tpu.memory_space<hbm>> -> memref<1x1x1x16x128xi32, #tpu.memory_space<hbm>>
      %dma_start3A_151 = tpu.memref_squeeze %dma_start3A_150 : memref<1x1x1x16x128xi32, #tpu.memory_space<hbm>> -> memref<16x128xi32, #tpu.memory_space<hbm>>
      tpu.enqueue_dma source(%dma_start3A_151 : memref<16x128xi32, #tpu.memory_space<hbm>>) target(%dma_start3A_147 : memref<16x128xi32, #tpu.memory_space<vmem>>) target_semaphore(%arg15 : memref<!tpu.dma_semaphore, #tpu.memory_space<semaphore_mem>>)
    } else {
    }
    %dma_start3A_59 = arith.constant 0 : i32
    %dma_start3A_60 = arith.constant 0 : i32
    %dma_start3A_61 = arith.constant 0 : i32
    %dma_start3A_62 = tpu.memref_slice %arg6[%dma_start3A_59, %dma_start3A_60, %dma_start3A_61] : memref<3x16x128xi32, #tpu.memory_space<vmem>> -> memref<1x1x128xi32, #tpu.memory_space<vmem>>
    %dma_start3A_63 = tpu.memref_squeeze %dma_start3A_62 : memref<1x1x128xi32, #tpu.memory_space<vmem>> -> memref<128xi32, #tpu.memory_space<vmem>>
    %dma_start3A_64 = arith.constant 0 : i32
    %dma_start3A_65 = arith.constant 0 : i32
    %dma_start3A_66 = tpu.memref_slice %arg2[%dma_start3A_64, %dma_start3A_65] : memref<10240x128xf32, #tpu.memory_space<hbm>> -> memref<10240x128xf32, #tpu.memory_space<hbm>>
    tpu.enqueue_indirect_dma source(%dma_start3A_66 : memref<10240x128xf32, #tpu.memory_space<hbm>>) target(%arg8 : memref<128x128xf32, #tpu.memory_space<vmem>>) offsets(%dma_start3A_63 : memref<128xi32, #tpu.memory_space<vmem>>) semaphore(%arg11 : memref<!tpu.dma_semaphore, #tpu.memory_space<semaphore_mem>>)
    %scan3A = arith.constant 0 : i32
    %scan3A_67 = arith.constant 0 : i32
    %scan3A_68 = arith.constant 40 : i32
    %scan3A_69 = arith.addi %scan3A_67, %scan3A_68 : i32
    %scan3A_70 = arith.constant 1 : i32
    scf.for %scan3A_77 = %scan3A_67 to %scan3A_69 step %scan3A_70  : i32 {
      %mul3A_78 = arith.constant 2 : i32
      %mul3A_79 = arith.muli %mul3A_78, %scan3A_77 : i32
      %add3A_80 = arith.constant 1 : i32
      %add3A_81 = arith.addi %mul3A_79, %add3A_80 : i32
      %add3A_82 = arith.constant 2 : i32
      %add3A_83 = arith.addi %mul3A_79, %add3A_82 : i32
      %dma_wait3A = arith.constant 0 : i32
      %dma_wait3A_84 = arith.constant 0 : i32
      %dma_wait3A_85 = tpu.memref_slice %arg2[%dma_wait3A, %dma_wait3A_84] : memref<10240x128xf32, #tpu.memory_space<hbm>> -> memref<128x128xf32, #tpu.memory_space<hbm>>
      %dma_wait3A_86 = arith.constant 0 : i32
      %dma_wait3A_87 = arith.constant 0 : i32
      %dma_wait3A_88 = tpu.memref_slice %arg2[%dma_wait3A_86, %dma_wait3A_87] : memref<10240x128xf32, #tpu.memory_space<hbm>> -> memref<128x128xf32, #tpu.memory_space<hbm>>
      tpu.wait_dma2 semaphore(%arg11 : memref<!tpu.dma_semaphore, #tpu.memory_space<semaphore_mem>>) src(%dma_wait3A_88 : memref<128x128xf32, #tpu.memory_space<hbm>>) dst(%arg8 : memref<128x128xf32, #tpu.memory_space<vmem>>)
      %jit3A = arith.constant 16 : i32
      %eq3A = arith.constant 0 : i32
      %eq3A_89 = arith.cmpi eq, %jit3A, %eq3A : i32
      %jit3A_90 = arith.constant 1 : i32
      %select_n3A = arith.select %eq3A_89, %jit3A_90, %jit3A : i32
      %rem3A = arith.remsi %add3A_81, %select_n3A : i32
      %ne3A = arith.constant 0 : i32
      %ne3A_91 = arith.cmpi ne, %rem3A, %ne3A : i32
      %lt3A = arith.constant 0 : i32
      %lt3A_92 = arith.cmpi slt, %rem3A, %lt3A : i32
      %lt3A_93 = arith.constant 0 : i32
      %lt3A_94 = arith.cmpi slt, %select_n3A, %lt3A_93 : i32
      %ne3A_95 = arith.xori %lt3A_92, %lt3A_94 : i1
      %and3A_96 = arith.andi %ne3A_95, %ne3A_91 : i1
      %add3A_97 = arith.addi %rem3A, %select_n3A : i32
      %select_n3A_98 = arith.select %and3A_96, %add3A_97, %rem3A : i32
      %eq3A_99 = arith.constant 0 : i32
      %eq3A_100 = arith.cmpi eq, %select_n3A_98, %eq3A_99 : i32
      %gt3A = arith.constant 0 : i32
      %gt3A_101 = arith.cmpi sgt, %add3A_81, %gt3A : i32
      %and3A_102 = arith.andi %eq3A_100, %gt3A_101 : i1
      %convert_element_type3A_103 = arith.extui %and3A_102 : i1 to i32
      %cond3A_104 = arith.constant 0 : i32
      %cond3A_105 = arith.cmpi ne, %convert_element_type3A_103, %cond3A_104 : i32
      scf.if %cond3A_105 {
        %dma_wait3A_288 = arith.constant 0 : i32
        %dma_wait3A_289 = arith.constant 0 : i32
        %dma_wait3A_290 = arith.constant 0 : i32
        %dma_wait3A_291 = arith.constant 0 : i32
        %dma_wait3A_292 = arith.constant 0 : i32
        %dma_wait3A_293 = arith.constant 0 : i32
        %dma_wait3A_294 = tpu.memref_slice %arg6[%dma_wait3A_291, %dma_wait3A_292, %dma_wait3A_293] : memref<3x16x128xi32, #tpu.memory_space<vmem>> -> memref<1x16x128xi32, #tpu.memory_space<vmem>>
        %dma_wait3A_295 = tpu.memref_squeeze %dma_wait3A_294 : memref<1x16x128xi32, #tpu.memory_space<vmem>> -> memref<16x128xi32, #tpu.memory_space<vmem>>
        %dma_wait3A_296 = arith.constant 0 : i32
        %dma_wait3A_297 = arith.constant 0 : i32
        %dma_wait3A_298 = tpu.memref_slice %arg3[%dma_wait3A_288, %dma_wait3A_289, %dma_wait3A_290, %dma_wait3A_296, %dma_wait3A_297] : memref<2x2x16x80x128xi32, #tpu.memory_space<hbm>> -> memref<1x1x1x16x128xi32, #tpu.memory_space<hbm>>
        %dma_wait3A_299 = tpu.memref_squeeze %dma_wait3A_298 : memref<1x1x1x16x128xi32, #tpu.memory_space<hbm>> -> memref<16x128xi32, #tpu.memory_space<hbm>>
        %dma_wait3A_300 = arith.constant 0 : i32
        %dma_wait3A_301 = arith.constant 0 : i32
        %dma_wait3A_302 = tpu.memref_slice %arg6[%dma_wait3A_291, %dma_wait3A_300, %dma_wait3A_301] : memref<3x16x128xi32, #tpu.memory_space<vmem>> -> memref<1x16x128xi32, #tpu.memory_space<vmem>>
        %dma_wait3A_303 = tpu.memref_squeeze %dma_wait3A_302 : memref<1x16x128xi32, #tpu.memory_space<vmem>> -> memref<16x128xi32, #tpu.memory_space<vmem>>
        %dma_wait3A_304 = arith.constant 0 : i32
        %dma_wait3A_305 = arith.constant 0 : i32
        %dma_wait3A_306 = tpu.memref_slice %arg3[%dma_wait3A_288, %dma_wait3A_289, %dma_wait3A_290, %dma_wait3A_304, %dma_wait3A_305] : memref<2x2x16x80x128xi32, #tpu.memory_space<hbm>> -> memref<1x1x1x16x128xi32, #tpu.memory_space<hbm>>
        %dma_wait3A_307 = tpu.memref_squeeze %dma_wait3A_306 : memref<1x1x1x16x128xi32, #tpu.memory_space<hbm>> -> memref<16x128xi32, #tpu.memory_space<hbm>>
        tpu.wait_dma2 semaphore(%arg15 : memref<!tpu.dma_semaphore, #tpu.memory_space<semaphore_mem>>) src(%dma_wait3A_307 : memref<16x128xi32, #tpu.memory_space<hbm>>) dst(%dma_wait3A_303 : memref<16x128xi32, #tpu.memory_space<vmem>>)
        %dma_wait3A_308 = arith.constant 1 : i32
        %dma_wait3A_309 = arith.constant 0 : i32
        %dma_wait3A_310 = arith.constant 0 : i32
        %dma_wait3A_311 = arith.constant 0 : i32
        %dma_wait3A_312 = arith.constant 0 : i32
        %dma_wait3A_313 = arith.constant 0 : i32
        %dma_wait3A_314 = tpu.memref_slice %arg7[%dma_wait3A_311, %dma_wait3A_312, %dma_wait3A_313] : memref<3x16x128xi32, #tpu.memory_space<vmem>> -> memref<1x16x128xi32, #tpu.memory_space<vmem>>
        %dma_wait3A_315 = tpu.memref_squeeze %dma_wait3A_314 : memref<1x16x128xi32, #tpu.memory_space<vmem>> -> memref<16x128xi32, #tpu.memory_space<vmem>>
        %dma_wait3A_316 = arith.constant 0 : i32
        %dma_wait3A_317 = arith.constant 0 : i32
        %dma_wait3A_318 = tpu.memref_slice %arg3[%dma_wait3A_308, %dma_wait3A_309, %dma_wait3A_310, %dma_wait3A_316, %dma_wait3A_317] : memref<2x2x16x80x128xi32, #tpu.memory_space<hbm>> -> memref<1x1x1x16x128xi32, #tpu.memory_space<hbm>>
        %dma_wait3A_319 = tpu.memref_squeeze %dma_wait3A_318 : memref<1x1x1x16x128xi32, #tpu.memory_space<hbm>> -> memref<16x128xi32, #tpu.memory_space<hbm>>
        %dma_wait3A_320 = arith.constant 0 : i32
        %dma_wait3A_321 = arith.constant 0 : i32
        %dma_wait3A_322 = tpu.memref_slice %arg7[%dma_wait3A_311, %dma_wait3A_320, %dma_wait3A_321] : memref<3x16x128xi32, #tpu.memory_space<vmem>> -> memref<1x16x128xi32, #tpu.memory_space<vmem>>
        %dma_wait3A_323 = tpu.memref_squeeze %dma_wait3A_322 : memref<1x16x128xi32, #tpu.memory_space<vmem>> -> memref<16x128xi32, #tpu.memory_space<vmem>>
        %dma_wait3A_324 = arith.constant 0 : i32
        %dma_wait3A_325 = arith.constant 0 : i32
        %dma_wait3A_326 = tpu.memref_slice %arg3[%dma_wait3A_308, %dma_wait3A_309, %dma_wait3A_310, %dma_wait3A_324, %dma_wait3A_325] : memref<2x2x16x80x128xi32, #tpu.memory_space<hbm>> -> memref<1x1x1x16x128xi32, #tpu.memory_space<hbm>>
        %dma_wait3A_327 = tpu.memref_squeeze %dma_wait3A_326 : memref<1x1x1x16x128xi32, #tpu.memory_space<hbm>> -> memref<16x128xi32, #tpu.memory_space<hbm>>
        tpu.wait_dma2 semaphore(%arg15 : memref<!tpu.dma_semaphore, #tpu.memory_space<semaphore_mem>>) src(%dma_wait3A_327 : memref<16x128xi32, #tpu.memory_space<hbm>>) dst(%dma_wait3A_323 : memref<16x128xi32, #tpu.memory_space<vmem>>)
        %jit3A_328 = arith.constant 16 : i32
        %div3A_329 = arith.divsi %add3A_81, %jit3A_328 : i32
        %sign3A_330 = arith.constant 0 : i32
        %sign3A_331 = arith.cmpi sgt, %add3A_81, %sign3A_330 : i32
        %sign3A_332 = arith.extui %sign3A_331 : i1 to i32
        %sign3A_333 = arith.constant 0 : i32
        %sign3A_334 = arith.cmpi slt, %add3A_81, %sign3A_333 : i32
        %sign3A_335 = arith.extui %sign3A_334 : i1 to i32
        %sign3A_336 = arith.subi %sign3A_332, %sign3A_335 : i32
        %sign3A_337 = arith.constant 0 : i32
        %sign3A_338 = arith.cmpi sgt, %jit3A_328, %sign3A_337 : i32
        %sign3A_339 = arith.extui %sign3A_338 : i1 to i32
        %sign3A_340 = arith.constant 0 : i32
        %sign3A_341 = arith.cmpi slt, %jit3A_328, %sign3A_340 : i32
        %sign3A_342 = arith.extui %sign3A_341 : i1 to i32
        %sign3A_343 = arith.subi %sign3A_339, %sign3A_342 : i32
        %ne3A_344 = arith.cmpi ne, %sign3A_336, %sign3A_343 : i32
        %rem3A_345 = arith.remsi %add3A_81, %jit3A_328 : i32
        %ne3A_346 = arith.constant 0 : i32
        %ne3A_347 = arith.cmpi ne, %rem3A_345, %ne3A_346 : i32
        %and3A_348 = arith.andi %ne3A_344, %ne3A_347 : i1
        %sub3A_349 = arith.constant 1 : i32
        %sub3A_350 = arith.subi %div3A_329, %sub3A_349 : i32
        %select_n3A_351 = arith.select %and3A_348, %sub3A_350, %div3A_329 : i32
        %add3A_352 = arith.constant 1 : i32
        %add3A_353 = arith.addi %select_n3A_351, %add3A_352 : i32
        %lt3A_354 = arith.constant 5 : i32
        %lt3A_355 = arith.cmpi slt, %add3A_353, %lt3A_354 : i32
        %convert_element_type3A_356 = arith.extui %lt3A_355 : i1 to i32
        %cond3A_357 = arith.constant 0 : i32
        %cond3A_358 = arith.cmpi ne, %convert_element_type3A_356, %cond3A_357 : i32
        scf.if %cond3A_358 {
          %mul3A_359 = arith.constant 16 : i32
          %mul3A_360 = arith.muli %add3A_353, %mul3A_359 : i32
          %jit3A_361 = arith.constant 3 : i32
          %eq3A_362 = arith.constant 0 : i32
          %eq3A_363 = arith.cmpi eq, %jit3A_361, %eq3A_362 : i32
          %jit3A_364 = arith.constant 1 : i32
          %select_n3A_365 = arith.select %eq3A_363, %jit3A_364, %jit3A_361 : i32
          %rem3A_366 = arith.remsi %add3A_353, %select_n3A_365 : i32
          %ne3A_367 = arith.constant 0 : i32
          %ne3A_368 = arith.cmpi ne, %rem3A_366, %ne3A_367 : i32
          %lt3A_369 = arith.constant 0 : i32
          %lt3A_370 = arith.cmpi slt, %rem3A_366, %lt3A_369 : i32
          %lt3A_371 = arith.constant 0 : i32
          %lt3A_372 = arith.cmpi slt, %select_n3A_365, %lt3A_371 : i32
          %ne3A_373 = arith.xori %lt3A_370, %lt3A_372 : i1
          %and3A_374 = arith.andi %ne3A_373, %ne3A_368 : i1
          %add3A_375 = arith.addi %rem3A_366, %select_n3A_365 : i32
          %select_n3A_376 = arith.select %and3A_374, %add3A_375, %rem3A_366 : i32
          %dma_start3A_377 = arith.constant 0 : i32
          %dma_start3A_378 = arith.constant 0 : i32
          %dma_start3A_379 = arith.constant 0 : i32
          %dma_start3A_380 = tpu.memref_slice %arg6[%select_n3A_376, %dma_start3A_378, %dma_start3A_379] : memref<3x16x128xi32, #tpu.memory_space<vmem>> -> memref<1x16x128xi32, #tpu.memory_space<vmem>>
          %dma_start3A_381 = tpu.memref_squeeze %dma_start3A_380 : memref<1x16x128xi32, #tpu.memory_space<vmem>> -> memref<16x128xi32, #tpu.memory_space<vmem>>
          %dma_start3A_382 = arith.constant 0 : i32
          %dma_start3A_383 = tpu.memref_slice %arg3[%dma_start3A_377, %arg0, %arg1, %mul3A_360, %dma_start3A_382] : memref<2x2x16x80x128xi32, #tpu.memory_space<hbm>> -> memref<1x1x1x16x128xi32, #tpu.memory_space<hbm>>
          %dma_start3A_384 = tpu.memref_squeeze %dma_start3A_383 : memref<1x1x1x16x128xi32, #tpu.memory_space<hbm>> -> memref<16x128xi32, #tpu.memory_space<hbm>>
          %dma_start3A_385 = arith.constant 0 : i32
          %dma_start3A_386 = arith.constant 0 : i32
          %dma_start3A_387 = tpu.memref_slice %arg6[%select_n3A_376, %dma_start3A_385, %dma_start3A_386] : memref<3x16x128xi32, #tpu.memory_space<vmem>> -> memref<1x16x128xi32, #tpu.memory_space<vmem>>
          %dma_start3A_388 = tpu.memref_squeeze %dma_start3A_387 : memref<1x16x128xi32, #tpu.memory_space<vmem>> -> memref<16x128xi32, #tpu.memory_space<vmem>>
          %dma_start3A_389 = arith.constant 0 : i32
          %dma_start3A_390 = tpu.memref_slice %arg3[%dma_start3A_377, %arg0, %arg1, %mul3A_360, %dma_start3A_389] : memref<2x2x16x80x128xi32, #tpu.memory_space<hbm>> -> memref<1x1x1x16x128xi32, #tpu.memory_space<hbm>>
          %dma_start3A_391 = tpu.memref_squeeze %dma_start3A_390 : memref<1x1x1x16x128xi32, #tpu.memory_space<hbm>> -> memref<16x128xi32, #tpu.memory_space<hbm>>
          tpu.enqueue_dma source(%dma_start3A_391 : memref<16x128xi32, #tpu.memory_space<hbm>>) target(%dma_start3A_388 : memref<16x128xi32, #tpu.memory_space<vmem>>) target_semaphore(%arg15 : memref<!tpu.dma_semaphore, #tpu.memory_space<semaphore_mem>>)
          %mul3A_392 = arith.constant 16 : i32
          %mul3A_393 = arith.muli %add3A_353, %mul3A_392 : i32
          %jit3A_394 = arith.constant 3 : i32
          %eq3A_395 = arith.constant 0 : i32
          %eq3A_396 = arith.cmpi eq, %jit3A_394, %eq3A_395 : i32
          %jit3A_397 = arith.constant 1 : i32
          %select_n3A_398 = arith.select %eq3A_396, %jit3A_397, %jit3A_394 : i32
          %rem3A_399 = arith.remsi %add3A_353, %select_n3A_398 : i32
          %ne3A_400 = arith.constant 0 : i32
          %ne3A_401 = arith.cmpi ne, %rem3A_399, %ne3A_400 : i32
          %lt3A_402 = arith.constant 0 : i32
          %lt3A_403 = arith.cmpi slt, %rem3A_399, %lt3A_402 : i32
          %lt3A_404 = arith.constant 0 : i32
          %lt3A_405 = arith.cmpi slt, %select_n3A_398, %lt3A_404 : i32
          %ne3A_406 = arith.xori %lt3A_403, %lt3A_405 : i1
          %and3A_407 = arith.andi %ne3A_406, %ne3A_401 : i1
          %add3A_408 = arith.addi %rem3A_399, %select_n3A_398 : i32
          %select_n3A_409 = arith.select %and3A_407, %add3A_408, %rem3A_399 : i32
          %dma_start3A_410 = arith.constant 1 : i32
          %dma_start3A_411 = arith.constant 0 : i32
          %dma_start3A_412 = arith.constant 0 : i32
          %dma_start3A_413 = tpu.memref_slice %arg7[%select_n3A_409, %dma_start3A_411, %dma_start3A_412] : memref<3x16x128xi32, #tpu.memory_space<vmem>> -> memref<1x16x128xi32, #tpu.memory_space<vmem>>
          %dma_start3A_414 = tpu.memref_squeeze %dma_start3A_413 : memref<1x16x128xi32, #tpu.memory_space<vmem>> -> memref<16x128xi32, #tpu.memory_space<vmem>>
          %dma_start3A_415 = arith.constant 0 : i32
          %dma_start3A_416 = tpu.memref_slice %arg3[%dma_start3A_410, %arg0, %arg1, %mul3A_393, %dma_start3A_415] : memref<2x2x16x80x128xi32, #tpu.memory_space<hbm>> -> memref<1x1x1x16x128xi32, #tpu.memory_space<hbm>>
          %dma_start3A_417 = tpu.memref_squeeze %dma_start3A_416 : memref<1x1x1x16x128xi32, #tpu.memory_space<hbm>> -> memref<16x128xi32, #tpu.memory_space<hbm>>
          %dma_start3A_418 = arith.constant 0 : i32
          %dma_start3A_419 = arith.constant 0 : i32
          %dma_start3A_420 = tpu.memref_slice %arg7[%select_n3A_409, %dma_start3A_418, %dma_start3A_419] : memref<3x16x128xi32, #tpu.memory_space<vmem>> -> memref<1x16x128xi32, #tpu.memory_space<vmem>>
          %dma_start3A_421 = tpu.memref_squeeze %dma_start3A_420 : memref<1x16x128xi32, #tpu.memory_space<vmem>> -> memref<16x128xi32, #tpu.memory_space<vmem>>
          %dma_start3A_422 = arith.constant 0 : i32
          %dma_start3A_423 = tpu.memref_slice %arg3[%dma_start3A_410, %arg0, %arg1, %mul3A_393, %dma_start3A_422] : memref<2x2x16x80x128xi32, #tpu.memory_space<hbm>> -> memref<1x1x1x16x128xi32, #tpu.memory_space<hbm>>
          %dma_start3A_424 = tpu.memref_squeeze %dma_start3A_423 : memref<1x1x1x16x128xi32, #tpu.memory_space<hbm>> -> memref<16x128xi32, #tpu.memory_space<hbm>>
          tpu.enqueue_dma source(%dma_start3A_424 : memref<16x128xi32, #tpu.memory_space<hbm>>) target(%dma_start3A_421 : memref<16x128xi32, #tpu.memory_space<vmem>>) target_semaphore(%arg15 : memref<!tpu.dma_semaphore, #tpu.memory_space<semaphore_mem>>)
        } else {
        }
      } else {
      }
      %jit3A_106 = arith.constant 16 : i32
      %div3A = arith.divsi %add3A_81, %jit3A_106 : i32
      %sign3A = arith.constant 0 : i32
      %sign3A_107 = arith.cmpi sgt, %add3A_81, %sign3A : i32
      %sign3A_108 = arith.extui %sign3A_107 : i1 to i32
      %sign3A_109 = arith.constant 0 : i32
      %sign3A_110 = arith.cmpi slt, %add3A_81, %sign3A_109 : i32
      %sign3A_111 = arith.extui %sign3A_110 : i1 to i32
      %sign3A_112 = arith.subi %sign3A_108, %sign3A_111 : i32
      %sign3A_113 = arith.constant 0 : i32
      %sign3A_114 = arith.cmpi sgt, %jit3A_106, %sign3A_113 : i32
      %sign3A_115 = arith.extui %sign3A_114 : i1 to i32
      %sign3A_116 = arith.constant 0 : i32
      %sign3A_117 = arith.cmpi slt, %jit3A_106, %sign3A_116 : i32
      %sign3A_118 = arith.extui %sign3A_117 : i1 to i32
      %sign3A_119 = arith.subi %sign3A_115, %sign3A_118 : i32
      %ne3A_120 = arith.cmpi ne, %sign3A_112, %sign3A_119 : i32
      %rem3A_121 = arith.remsi %add3A_81, %jit3A_106 : i32
      %ne3A_122 = arith.constant 0 : i32
      %ne3A_123 = arith.cmpi ne, %rem3A_121, %ne3A_122 : i32
      %and3A_124 = arith.andi %ne3A_120, %ne3A_123 : i1
      %sub3A = arith.constant 1 : i32
      %sub3A_125 = arith.subi %div3A, %sub3A : i32
      %select_n3A_126 = arith.select %and3A_124, %sub3A_125, %div3A : i32
      %jit3A_127 = arith.constant 3 : i32
      %eq3A_128 = arith.constant 0 : i32
      %eq3A_129 = arith.cmpi eq, %jit3A_127, %eq3A_128 : i32
      %jit3A_130 = arith.constant 1 : i32
      %select_n3A_131 = arith.select %eq3A_129, %jit3A_130, %jit3A_127 : i32
      %rem3A_132 = arith.remsi %select_n3A_126, %select_n3A_131 : i32
      %ne3A_133 = arith.constant 0 : i32
      %ne3A_134 = arith.cmpi ne, %rem3A_132, %ne3A_133 : i32
      %lt3A_135 = arith.constant 0 : i32
      %lt3A_136 = arith.cmpi slt, %rem3A_132, %lt3A_135 : i32
      %lt3A_137 = arith.constant 0 : i32
      %lt3A_138 = arith.cmpi slt, %select_n3A_131, %lt3A_137 : i32
      %ne3A_139 = arith.xori %lt3A_136, %lt3A_138 : i1
      %and3A_140 = arith.andi %ne3A_139, %ne3A_134 : i1
      %add3A_141 = arith.addi %rem3A_132, %select_n3A_131 : i32
      %select_n3A_142 = arith.select %and3A_140, %add3A_141, %rem3A_132 : i32
      %jit3A_143 = arith.constant 16 : i32
      %eq3A_144 = arith.constant 0 : i32
      %eq3A_145 = arith.cmpi eq, %jit3A_143, %eq3A_144 : i32
      %jit3A_146 = arith.constant 1 : i32
      %select_n3A_147 = arith.select %eq3A_145, %jit3A_146, %jit3A_143 : i32
      %rem3A_148 = arith.remsi %add3A_81, %select_n3A_147 : i32
      %ne3A_149 = arith.constant 0 : i32
      %ne3A_150 = arith.cmpi ne, %rem3A_148, %ne3A_149 : i32
      %lt3A_151 = arith.constant 0 : i32
      %lt3A_152 = arith.cmpi slt, %rem3A_148, %lt3A_151 : i32
      %lt3A_153 = arith.constant 0 : i32
      %lt3A_154 = arith.cmpi slt, %select_n3A_147, %lt3A_153 : i32
      %ne3A_155 = arith.xori %lt3A_152, %lt3A_154 : i1
      %and3A_156 = arith.andi %ne3A_155, %ne3A_150 : i1
      %add3A_157 = arith.addi %rem3A_148, %select_n3A_147 : i32
      %select_n3A_158 = arith.select %and3A_156, %add3A_157, %rem3A_148 : i32
      %dma_start3A_159 = arith.constant 0 : i32
      %dma_start3A_160 = tpu.memref_slice %arg6[%select_n3A_142, %select_n3A_158, %dma_start3A_159] : memref<3x16x128xi32, #tpu.memory_space<vmem>> -> memref<1x1x128xi32, #tpu.memory_space<vmem>>
      %dma_start3A_161 = tpu.memref_squeeze %dma_start3A_160 : memref<1x1x128xi32, #tpu.memory_space<vmem>> -> memref<128xi32, #tpu.memory_space<vmem>>
      %dma_start3A_162 = arith.constant 0 : i32
      %dma_start3A_163 = arith.constant 0 : i32
      %dma_start3A_164 = tpu.memref_slice %arg2[%dma_start3A_162, %dma_start3A_163] : memref<10240x128xf32, #tpu.memory_space<hbm>> -> memref<10240x128xf32, #tpu.memory_space<hbm>>
      tpu.enqueue_indirect_dma source(%dma_start3A_164 : memref<10240x128xf32, #tpu.memory_space<hbm>>) target(%arg9 : memref<128x128xf32, #tpu.memory_space<vmem>>) offsets(%dma_start3A_161 : memref<128xi32, #tpu.memory_space<vmem>>) semaphore(%arg12 : memref<!tpu.dma_semaphore, #tpu.memory_space<semaphore_mem>>)
      %jit3A_165 = arith.constant 16 : i32
      %div3A_166 = arith.divsi %mul3A_79, %jit3A_165 : i32
      %sign3A_167 = arith.constant 0 : i32
      %sign3A_168 = arith.cmpi sgt, %mul3A_79, %sign3A_167 : i32
      %sign3A_169 = arith.extui %sign3A_168 : i1 to i32
      %sign3A_170 = arith.constant 0 : i32
      %sign3A_171 = arith.cmpi slt, %mul3A_79, %sign3A_170 : i32
      %sign3A_172 = arith.extui %sign3A_171 : i1 to i32
      %sign3A_173 = arith.subi %sign3A_169, %sign3A_172 : i32
      %sign3A_174 = arith.constant 0 : i32
      %sign3A_175 = arith.cmpi sgt, %jit3A_165, %sign3A_174 : i32
      %sign3A_176 = arith.extui %sign3A_175 : i1 to i32
      %sign3A_177 = arith.constant 0 : i32
      %sign3A_178 = arith.cmpi slt, %jit3A_165, %sign3A_177 : i32
      %sign3A_179 = arith.extui %sign3A_178 : i1 to i32
      %sign3A_180 = arith.subi %sign3A_176, %sign3A_179 : i32
      %ne3A_181 = arith.cmpi ne, %sign3A_173, %sign3A_180 : i32
      %rem3A_182 = arith.remsi %mul3A_79, %jit3A_165 : i32
      %ne3A_183 = arith.constant 0 : i32
      %ne3A_184 = arith.cmpi ne, %rem3A_182, %ne3A_183 : i32
      %and3A_185 = arith.andi %ne3A_181, %ne3A_184 : i1
      %sub3A_186 = arith.constant 1 : i32
      %sub3A_187 = arith.subi %div3A_166, %sub3A_186 : i32
      %select_n3A_188 = arith.select %and3A_185, %sub3A_187, %div3A_166 : i32
      %jit3A_189 = arith.constant 3 : i32
      %eq3A_190 = arith.constant 0 : i32
      %eq3A_191 = arith.cmpi eq, %jit3A_189, %eq3A_190 : i32
      %jit3A_192 = arith.constant 1 : i32
      %select_n3A_193 = arith.select %eq3A_191, %jit3A_192, %jit3A_189 : i32
      %rem3A_194 = arith.remsi %select_n3A_188, %select_n3A_193 : i32
      %ne3A_195 = arith.constant 0 : i32
      %ne3A_196 = arith.cmpi ne, %rem3A_194, %ne3A_195 : i32
      %lt3A_197 = arith.constant 0 : i32
      %lt3A_198 = arith.cmpi slt, %rem3A_194, %lt3A_197 : i32
      %lt3A_199 = arith.constant 0 : i32
      %lt3A_200 = arith.cmpi slt, %select_n3A_193, %lt3A_199 : i32
      %ne3A_201 = arith.xori %lt3A_198, %lt3A_200 : i1
      %and3A_202 = arith.andi %ne3A_201, %ne3A_196 : i1
      %add3A_203 = arith.addi %rem3A_194, %select_n3A_193 : i32
      %select_n3A_204 = arith.select %and3A_202, %add3A_203, %rem3A_194 : i32
      %jit3A_205 = arith.constant 16 : i32
      %eq3A_206 = arith.constant 0 : i32
      %eq3A_207 = arith.cmpi eq, %jit3A_205, %eq3A_206 : i32
      %jit3A_208 = arith.constant 1 : i32
      %select_n3A_209 = arith.select %eq3A_207, %jit3A_208, %jit3A_205 : i32
      %rem3A_210 = arith.remsi %mul3A_79, %select_n3A_209 : i32
      %ne3A_211 = arith.constant 0 : i32
      %ne3A_212 = arith.cmpi ne, %rem3A_210, %ne3A_211 : i32
      %lt3A_213 = arith.constant 0 : i32
      %lt3A_214 = arith.cmpi slt, %rem3A_210, %lt3A_213 : i32
      %lt3A_215 = arith.constant 0 : i32
      %lt3A_216 = arith.cmpi slt, %select_n3A_209, %lt3A_215 : i32
      %ne3A_217 = arith.xori %lt3A_214, %lt3A_216 : i1
      %and3A_218 = arith.andi %ne3A_217, %ne3A_212 : i1
      %add3A_219 = arith.addi %rem3A_210, %select_n3A_209 : i32
      %select_n3A_220 = arith.select %and3A_218, %add3A_219, %rem3A_210 : i32
      "tpu.region"() ({
        %run_scoped3A_288 = tpu.sem_alloc : memref<!tpu.dma_semaphore, #tpu.memory_space<semaphore_mem>>
        %dma_start3A_289 = arith.constant 0 : i32
        %dma_start3A_290 = tpu.memref_slice %arg7[%select_n3A_204, %select_n3A_220, %dma_start3A_289] : memref<3x16x128xi32, #tpu.memory_space<vmem>> -> memref<1x1x128xi32, #tpu.memory_space<vmem>>
        %dma_start3A_291 = tpu.memref_squeeze %dma_start3A_290 : memref<1x1x128xi32, #tpu.memory_space<vmem>> -> memref<128xi32, #tpu.memory_space<vmem>>
        %dma_start3A_292 = arith.constant 0 : i32
        %dma_start3A_293 = arith.constant 0 : i32
        %dma_start3A_294 = tpu.memref_slice %arg10[%dma_start3A_292, %dma_start3A_293] : memref<10240x128xf32, #tpu.memory_space<vmem_shared>> -> memref<10240x128xf32, #tpu.memory_space<vmem_shared>>
        tpu.enqueue_indirect_dma source(%arg8 : memref<128x128xf32, #tpu.memory_space<vmem>>) target(%dma_start3A_294 : memref<10240x128xf32, #tpu.memory_space<vmem_shared>>) offsets(%dma_start3A_291 : memref<128xi32, #tpu.memory_space<vmem>>) semaphore(%run_scoped3A_288 : memref<!tpu.dma_semaphore, #tpu.memory_space<semaphore_mem>>) {add = true}
        %dma_wait3A_295 = arith.constant 0 : i32
        %dma_wait3A_296 = tpu.memref_slice %arg7[%select_n3A_204, %select_n3A_220, %dma_wait3A_295] : memref<3x16x128xi32, #tpu.memory_space<vmem>> -> memref<1x1x128xi32, #tpu.memory_space<vmem>>
        %dma_wait3A_297 = tpu.memref_squeeze %dma_wait3A_296 : memref<1x1x128xi32, #tpu.memory_space<vmem>> -> memref<128xi32, #tpu.memory_space<vmem>>
        %dma_wait3A_298 = arith.constant 0 : i32
        %dma_wait3A_299 = arith.constant 0 : i32
        %dma_wait3A_300 = tpu.memref_slice %arg10[%dma_wait3A_298, %dma_wait3A_299] : memref<10240x128xf32, #tpu.memory_space<vmem_shared>> -> memref<10240x128xf32, #tpu.memory_space<vmem_shared>>
        tpu.wait_indirect_dma semaphore(%run_scoped3A_288 : memref<!tpu.dma_semaphore, #tpu.memory_space<semaphore_mem>>) src(%arg8 : memref<128x128xf32, #tpu.memory_space<vmem>>) dst(%dma_wait3A_300 : memref<10240x128xf32, #tpu.memory_space<vmem_shared>>)
        tpu.yield
      }) : () -> ()
      %lt3A_221 = arith.constant 80 : i32
      %lt3A_222 = arith.cmpi slt, %add3A_83, %lt3A_221 : i32
      %convert_element_type3A_223 = arith.extui %lt3A_222 : i1 to i32
      %cond3A_224 = arith.constant 0 : i32
      %cond3A_225 = arith.cmpi ne, %convert_element_type3A_223, %cond3A_224 : i32
      scf.if %cond3A_225 {
        %jit3A_288 = arith.constant 16 : i32
        %eq3A_289 = arith.constant 0 : i32
        %eq3A_290 = arith.cmpi eq, %jit3A_288, %eq3A_289 : i32
        %jit3A_291 = arith.constant 1 : i32
        %select_n3A_292 = arith.select %eq3A_290, %jit3A_291, %jit3A_288 : i32
        %rem3A_293 = arith.remsi %add3A_83, %select_n3A_292 : i32
        %ne3A_294 = arith.constant 0 : i32
        %ne3A_295 = arith.cmpi ne, %rem3A_293, %ne3A_294 : i32
        %lt3A_296 = arith.constant 0 : i32
        %lt3A_297 = arith.cmpi slt, %rem3A_293, %lt3A_296 : i32
        %lt3A_298 = arith.constant 0 : i32
        %lt3A_299 = arith.cmpi slt, %select_n3A_292, %lt3A_298 : i32
        %ne3A_300 = arith.xori %lt3A_297, %lt3A_299 : i1
        %and3A_301 = arith.andi %ne3A_300, %ne3A_295 : i1
        %add3A_302 = arith.addi %rem3A_293, %select_n3A_292 : i32
        %select_n3A_303 = arith.select %and3A_301, %add3A_302, %rem3A_293 : i32
        %eq3A_304 = arith.constant 0 : i32
        %eq3A_305 = arith.cmpi eq, %select_n3A_303, %eq3A_304 : i32
        %gt3A_306 = arith.constant 0 : i32
        %gt3A_307 = arith.cmpi sgt, %add3A_83, %gt3A_306 : i32
        %and3A_308 = arith.andi %eq3A_305, %gt3A_307 : i1
        %convert_element_type3A_309 = arith.extui %and3A_308 : i1 to i32
        %cond3A_310 = arith.constant 0 : i32
        %cond3A_311 = arith.cmpi ne, %convert_element_type3A_309, %cond3A_310 : i32
        scf.if %cond3A_311 {
          %dma_wait3A_374 = arith.constant 0 : i32
          %dma_wait3A_375 = arith.constant 0 : i32
          %dma_wait3A_376 = arith.constant 0 : i32
          %dma_wait3A_377 = arith.constant 0 : i32
          %dma_wait3A_378 = arith.constant 0 : i32
          %dma_wait3A_379 = arith.constant 0 : i32
          %dma_wait3A_380 = tpu.memref_slice %arg6[%dma_wait3A_377, %dma_wait3A_378, %dma_wait3A_379] : memref<3x16x128xi32, #tpu.memory_space<vmem>> -> memref<1x16x128xi32, #tpu.memory_space<vmem>>
          %dma_wait3A_381 = tpu.memref_squeeze %dma_wait3A_380 : memref<1x16x128xi32, #tpu.memory_space<vmem>> -> memref<16x128xi32, #tpu.memory_space<vmem>>
          %dma_wait3A_382 = arith.constant 0 : i32
          %dma_wait3A_383 = arith.constant 0 : i32
          %dma_wait3A_384 = tpu.memref_slice %arg3[%dma_wait3A_374, %dma_wait3A_375, %dma_wait3A_376, %dma_wait3A_382, %dma_wait3A_383] : memref<2x2x16x80x128xi32, #tpu.memory_space<hbm>> -> memref<1x1x1x16x128xi32, #tpu.memory_space<hbm>>
          %dma_wait3A_385 = tpu.memref_squeeze %dma_wait3A_384 : memref<1x1x1x16x128xi32, #tpu.memory_space<hbm>> -> memref<16x128xi32, #tpu.memory_space<hbm>>
          %dma_wait3A_386 = arith.constant 0 : i32
          %dma_wait3A_387 = arith.constant 0 : i32
          %dma_wait3A_388 = tpu.memref_slice %arg6[%dma_wait3A_377, %dma_wait3A_386, %dma_wait3A_387] : memref<3x16x128xi32, #tpu.memory_space<vmem>> -> memref<1x16x128xi32, #tpu.memory_space<vmem>>
          %dma_wait3A_389 = tpu.memref_squeeze %dma_wait3A_388 : memref<1x16x128xi32, #tpu.memory_space<vmem>> -> memref<16x128xi32, #tpu.memory_space<vmem>>
          %dma_wait3A_390 = arith.constant 0 : i32
          %dma_wait3A_391 = arith.constant 0 : i32
          %dma_wait3A_392 = tpu.memref_slice %arg3[%dma_wait3A_374, %dma_wait3A_375, %dma_wait3A_376, %dma_wait3A_390, %dma_wait3A_391] : memref<2x2x16x80x128xi32, #tpu.memory_space<hbm>> -> memref<1x1x1x16x128xi32, #tpu.memory_space<hbm>>
          %dma_wait3A_393 = tpu.memref_squeeze %dma_wait3A_392 : memref<1x1x1x16x128xi32, #tpu.memory_space<hbm>> -> memref<16x128xi32, #tpu.memory_space<hbm>>
          tpu.wait_dma2 semaphore(%arg15 : memref<!tpu.dma_semaphore, #tpu.memory_space<semaphore_mem>>) src(%dma_wait3A_393 : memref<16x128xi32, #tpu.memory_space<hbm>>) dst(%dma_wait3A_389 : memref<16x128xi32, #tpu.memory_space<vmem>>)
          %dma_wait3A_394 = arith.constant 1 : i32
          %dma_wait3A_395 = arith.constant 0 : i32
          %dma_wait3A_396 = arith.constant 0 : i32
          %dma_wait3A_397 = arith.constant 0 : i32
          %dma_wait3A_398 = arith.constant 0 : i32
          %dma_wait3A_399 = arith.constant 0 : i32
          %dma_wait3A_400 = tpu.memref_slice %arg7[%dma_wait3A_397, %dma_wait3A_398, %dma_wait3A_399] : memref<3x16x128xi32, #tpu.memory_space<vmem>> -> memref<1x16x128xi32, #tpu.memory_space<vmem>>
          %dma_wait3A_401 = tpu.memref_squeeze %dma_wait3A_400 : memref<1x16x128xi32, #tpu.memory_space<vmem>> -> memref<16x128xi32, #tpu.memory_space<vmem>>
          %dma_wait3A_402 = arith.constant 0 : i32
          %dma_wait3A_403 = arith.constant 0 : i32
          %dma_wait3A_404 = tpu.memref_slice %arg3[%dma_wait3A_394, %dma_wait3A_395, %dma_wait3A_396, %dma_wait3A_402, %dma_wait3A_403] : memref<2x2x16x80x128xi32, #tpu.memory_space<hbm>> -> memref<1x1x1x16x128xi32, #tpu.memory_space<hbm>>
          %dma_wait3A_405 = tpu.memref_squeeze %dma_wait3A_404 : memref<1x1x1x16x128xi32, #tpu.memory_space<hbm>> -> memref<16x128xi32, #tpu.memory_space<hbm>>
          %dma_wait3A_406 = arith.constant 0 : i32
          %dma_wait3A_407 = arith.constant 0 : i32
          %dma_wait3A_408 = tpu.memref_slice %arg7[%dma_wait3A_397, %dma_wait3A_406, %dma_wait3A_407] : memref<3x16x128xi32, #tpu.memory_space<vmem>> -> memref<1x16x128xi32, #tpu.memory_space<vmem>>
          %dma_wait3A_409 = tpu.memref_squeeze %dma_wait3A_408 : memref<1x16x128xi32, #tpu.memory_space<vmem>> -> memref<16x128xi32, #tpu.memory_space<vmem>>
          %dma_wait3A_410 = arith.constant 0 : i32
          %dma_wait3A_411 = arith.constant 0 : i32
          %dma_wait3A_412 = tpu.memref_slice %arg3[%dma_wait3A_394, %dma_wait3A_395, %dma_wait3A_396, %dma_wait3A_410, %dma_wait3A_411] : memref<2x2x16x80x128xi32, #tpu.memory_space<hbm>> -> memref<1x1x1x16x128xi32, #tpu.memory_space<hbm>>
          %dma_wait3A_413 = tpu.memref_squeeze %dma_wait3A_412 : memref<1x1x1x16x128xi32, #tpu.memory_space<hbm>> -> memref<16x128xi32, #tpu.memory_space<hbm>>
          tpu.wait_dma2 semaphore(%arg15 : memref<!tpu.dma_semaphore, #tpu.memory_space<semaphore_mem>>) src(%dma_wait3A_413 : memref<16x128xi32, #tpu.memory_space<hbm>>) dst(%dma_wait3A_409 : memref<16x128xi32, #tpu.memory_space<vmem>>)
          %jit3A_414 = arith.constant 16 : i32
          %div3A_415 = arith.divsi %add3A_83, %jit3A_414 : i32
          %sign3A_416 = arith.constant 0 : i32
          %sign3A_417 = arith.cmpi sgt, %add3A_83, %sign3A_416 : i32
          %sign3A_418 = arith.extui %sign3A_417 : i1 to i32
          %sign3A_419 = arith.constant 0 : i32
          %sign3A_420 = arith.cmpi slt, %add3A_83, %sign3A_419 : i32
          %sign3A_421 = arith.extui %sign3A_420 : i1 to i32
          %sign3A_422 = arith.subi %sign3A_418, %sign3A_421 : i32
          %sign3A_423 = arith.constant 0 : i32
          %sign3A_424 = arith.cmpi sgt, %jit3A_414, %sign3A_423 : i32
          %sign3A_425 = arith.extui %sign3A_424 : i1 to i32
          %sign3A_426 = arith.constant 0 : i32
          %sign3A_427 = arith.cmpi slt, %jit3A_414, %sign3A_426 : i32
          %sign3A_428 = arith.extui %sign3A_427 : i1 to i32
          %sign3A_429 = arith.subi %sign3A_425, %sign3A_428 : i32
          %ne3A_430 = arith.cmpi ne, %sign3A_422, %sign3A_429 : i32
          %rem3A_431 = arith.remsi %add3A_83, %jit3A_414 : i32
          %ne3A_432 = arith.constant 0 : i32
          %ne3A_433 = arith.cmpi ne, %rem3A_431, %ne3A_432 : i32
          %and3A_434 = arith.andi %ne3A_430, %ne3A_433 : i1
          %sub3A_435 = arith.constant 1 : i32
          %sub3A_436 = arith.subi %div3A_415, %sub3A_435 : i32
          %select_n3A_437 = arith.select %and3A_434, %sub3A_436, %div3A_415 : i32
          %add3A_438 = arith.constant 1 : i32
          %add3A_439 = arith.addi %select_n3A_437, %add3A_438 : i32
          %lt3A_440 = arith.constant 5 : i32
          %lt3A_441 = arith.cmpi slt, %add3A_439, %lt3A_440 : i32
          %convert_element_type3A_442 = arith.extui %lt3A_441 : i1 to i32
          %cond3A_443 = arith.constant 0 : i32
          %cond3A_444 = arith.cmpi ne, %convert_element_type3A_442, %cond3A_443 : i32
          scf.if %cond3A_444 {
            %mul3A_445 = arith.constant 16 : i32
            %mul3A_446 = arith.muli %add3A_439, %mul3A_445 : i32
            %jit3A_447 = arith.constant 3 : i32
            %eq3A_448 = arith.constant 0 : i32
            %eq3A_449 = arith.cmpi eq, %jit3A_447, %eq3A_448 : i32
            %jit3A_450 = arith.constant 1 : i32
            %select_n3A_451 = arith.select %eq3A_449, %jit3A_450, %jit3A_447 : i32
            %rem3A_452 = arith.remsi %add3A_439, %select_n3A_451 : i32
            %ne3A_453 = arith.constant 0 : i32
            %ne3A_454 = arith.cmpi ne, %rem3A_452, %ne3A_453 : i32
            %lt3A_455 = arith.constant 0 : i32
            %lt3A_456 = arith.cmpi slt, %rem3A_452, %lt3A_455 : i32
            %lt3A_457 = arith.constant 0 : i32
            %lt3A_458 = arith.cmpi slt, %select_n3A_451, %lt3A_457 : i32
            %ne3A_459 = arith.xori %lt3A_456, %lt3A_458 : i1
            %and3A_460 = arith.andi %ne3A_459, %ne3A_454 : i1
            %add3A_461 = arith.addi %rem3A_452, %select_n3A_451 : i32
            %select_n3A_462 = arith.select %and3A_460, %add3A_461, %rem3A_452 : i32
            %dma_start3A_463 = arith.constant 0 : i32
            %dma_start3A_464 = arith.constant 0 : i32
            %dma_start3A_465 = arith.constant 0 : i32
            %dma_start3A_466 = tpu.memref_slice %arg6[%select_n3A_462, %dma_start3A_464, %dma_start3A_465] : memref<3x16x128xi32, #tpu.memory_space<vmem>> -> memref<1x16x128xi32, #tpu.memory_space<vmem>>
            %dma_start3A_467 = tpu.memref_squeeze %dma_start3A_466 : memref<1x16x128xi32, #tpu.memory_space<vmem>> -> memref<16x128xi32, #tpu.memory_space<vmem>>
            %dma_start3A_468 = arith.constant 0 : i32
            %dma_start3A_469 = tpu.memref_slice %arg3[%dma_start3A_463, %arg0, %arg1, %mul3A_446, %dma_start3A_468] : memref<2x2x16x80x128xi32, #tpu.memory_space<hbm>> -> memref<1x1x1x16x128xi32, #tpu.memory_space<hbm>>
            %dma_start3A_470 = tpu.memref_squeeze %dma_start3A_469 : memref<1x1x1x16x128xi32, #tpu.memory_space<hbm>> -> memref<16x128xi32, #tpu.memory_space<hbm>>
            %dma_start3A_471 = arith.constant 0 : i32
            %dma_start3A_472 = arith.constant 0 : i32
            %dma_start3A_473 = tpu.memref_slice %arg6[%select_n3A_462, %dma_start3A_471, %dma_start3A_472] : memref<3x16x128xi32, #tpu.memory_space<vmem>> -> memref<1x16x128xi32, #tpu.memory_space<vmem>>
            %dma_start3A_474 = tpu.memref_squeeze %dma_start3A_473 : memref<1x16x128xi32, #tpu.memory_space<vmem>> -> memref<16x128xi32, #tpu.memory_space<vmem>>
            %dma_start3A_475 = arith.constant 0 : i32
            %dma_start3A_476 = tpu.memref_slice %arg3[%dma_start3A_463, %arg0, %arg1, %mul3A_446, %dma_start3A_475] : memref<2x2x16x80x128xi32, #tpu.memory_space<hbm>> -> memref<1x1x1x16x128xi32, #tpu.memory_space<hbm>>
            %dma_start3A_477 = tpu.memref_squeeze %dma_start3A_476 : memref<1x1x1x16x128xi32, #tpu.memory_space<hbm>> -> memref<16x128xi32, #tpu.memory_space<hbm>>
            tpu.enqueue_dma source(%dma_start3A_477 : memref<16x128xi32, #tpu.memory_space<hbm>>) target(%dma_start3A_474 : memref<16x128xi32, #tpu.memory_space<vmem>>) target_semaphore(%arg15 : memref<!tpu.dma_semaphore, #tpu.memory_space<semaphore_mem>>)
            %mul3A_478 = arith.constant 16 : i32
            %mul3A_479 = arith.muli %add3A_439, %mul3A_478 : i32
            %jit3A_480 = arith.constant 3 : i32
            %eq3A_481 = arith.constant 0 : i32
            %eq3A_482 = arith.cmpi eq, %jit3A_480, %eq3A_481 : i32
            %jit3A_483 = arith.constant 1 : i32
            %select_n3A_484 = arith.select %eq3A_482, %jit3A_483, %jit3A_480 : i32
            %rem3A_485 = arith.remsi %add3A_439, %select_n3A_484 : i32
            %ne3A_486 = arith.constant 0 : i32
            %ne3A_487 = arith.cmpi ne, %rem3A_485, %ne3A_486 : i32
            %lt3A_488 = arith.constant 0 : i32
            %lt3A_489 = arith.cmpi slt, %rem3A_485, %lt3A_488 : i32
            %lt3A_490 = arith.constant 0 : i32
            %lt3A_491 = arith.cmpi slt, %select_n3A_484, %lt3A_490 : i32
            %ne3A_492 = arith.xori %lt3A_489, %lt3A_491 : i1
            %and3A_493 = arith.andi %ne3A_492, %ne3A_487 : i1
            %add3A_494 = arith.addi %rem3A_485, %select_n3A_484 : i32
            %select_n3A_495 = arith.select %and3A_493, %add3A_494, %rem3A_485 : i32
            %dma_start3A_496 = arith.constant 1 : i32
            %dma_start3A_497 = arith.constant 0 : i32
            %dma_start3A_498 = arith.constant 0 : i32
            %dma_start3A_499 = tpu.memref_slice %arg7[%select_n3A_495, %dma_start3A_497, %dma_start3A_498] : memref<3x16x128xi32, #tpu.memory_space<vmem>> -> memref<1x16x128xi32, #tpu.memory_space<vmem>>
            %dma_start3A_500 = tpu.memref_squeeze %dma_start3A_499 : memref<1x16x128xi32, #tpu.memory_space<vmem>> -> memref<16x128xi32, #tpu.memory_space<vmem>>
            %dma_start3A_501 = arith.constant 0 : i32
            %dma_start3A_502 = tpu.memref_slice %arg3[%dma_start3A_496, %arg0, %arg1, %mul3A_479, %dma_start3A_501] : memref<2x2x16x80x128xi32, #tpu.memory_space<hbm>> -> memref<1x1x1x16x128xi32, #tpu.memory_space<hbm>>
            %dma_start3A_503 = tpu.memref_squeeze %dma_start3A_502 : memref<1x1x1x16x128xi32, #tpu.memory_space<hbm>> -> memref<16x128xi32, #tpu.memory_space<hbm>>
            %dma_start3A_504 = arith.constant 0 : i32
            %dma_start3A_505 = arith.constant 0 : i32
            %dma_start3A_506 = tpu.memref_slice %arg7[%select_n3A_495, %dma_start3A_504, %dma_start3A_505] : memref<3x16x128xi32, #tpu.memory_space<vmem>> -> memref<1x16x128xi32, #tpu.memory_space<vmem>>
            %dma_start3A_507 = tpu.memref_squeeze %dma_start3A_506 : memref<1x16x128xi32, #tpu.memory_space<vmem>> -> memref<16x128xi32, #tpu.memory_space<vmem>>
            %dma_start3A_508 = arith.constant 0 : i32
            %dma_start3A_509 = tpu.memref_slice %arg3[%dma_start3A_496, %arg0, %arg1, %mul3A_479, %dma_start3A_508] : memref<2x2x16x80x128xi32, #tpu.memory_space<hbm>> -> memref<1x1x1x16x128xi32, #tpu.memory_space<hbm>>
            %dma_start3A_510 = tpu.memref_squeeze %dma_start3A_509 : memref<1x1x1x16x128xi32, #tpu.memory_space<hbm>> -> memref<16x128xi32, #tpu.memory_space<hbm>>
            tpu.enqueue_dma source(%dma_start3A_510 : memref<16x128xi32, #tpu.memory_space<hbm>>) target(%dma_start3A_507 : memref<16x128xi32, #tpu.memory_space<vmem>>) target_semaphore(%arg15 : memref<!tpu.dma_semaphore, #tpu.memory_space<semaphore_mem>>)
          } else {
          }
        } else {
        }
        %jit3A_312 = arith.constant 16 : i32
        %div3A_313 = arith.divsi %add3A_83, %jit3A_312 : i32
        %sign3A_314 = arith.constant 0 : i32
        %sign3A_315 = arith.cmpi sgt, %add3A_83, %sign3A_314 : i32
        %sign3A_316 = arith.extui %sign3A_315 : i1 to i32
        %sign3A_317 = arith.constant 0 : i32
        %sign3A_318 = arith.cmpi slt, %add3A_83, %sign3A_317 : i32
        %sign3A_319 = arith.extui %sign3A_318 : i1 to i32
        %sign3A_320 = arith.subi %sign3A_316, %sign3A_319 : i32
        %sign3A_321 = arith.constant 0 : i32
        %sign3A_322 = arith.cmpi sgt, %jit3A_312, %sign3A_321 : i32
        %sign3A_323 = arith.extui %sign3A_322 : i1 to i32
        %sign3A_324 = arith.constant 0 : i32
        %sign3A_325 = arith.cmpi slt, %jit3A_312, %sign3A_324 : i32
        %sign3A_326 = arith.extui %sign3A_325 : i1 to i32
        %sign3A_327 = arith.subi %sign3A_323, %sign3A_326 : i32
        %ne3A_328 = arith.cmpi ne, %sign3A_320, %sign3A_327 : i32
        %rem3A_329 = arith.remsi %add3A_83, %jit3A_312 : i32
        %ne3A_330 = arith.constant 0 : i32
        %ne3A_331 = arith.cmpi ne, %rem3A_329, %ne3A_330 : i32
        %and3A_332 = arith.andi %ne3A_328, %ne3A_331 : i1
        %sub3A_333 = arith.constant 1 : i32
        %sub3A_334 = arith.subi %div3A_313, %sub3A_333 : i32
        %select_n3A_335 = arith.select %and3A_332, %sub3A_334, %div3A_313 : i32
        %jit3A_336 = arith.constant 3 : i32
        %eq3A_337 = arith.constant 0 : i32
        %eq3A_338 = arith.cmpi eq, %jit3A_336, %eq3A_337 : i32
        %jit3A_339 = arith.constant 1 : i32
        %select_n3A_340 = arith.select %eq3A_338, %jit3A_339, %jit3A_336 : i32
        %rem3A_341 = arith.remsi %select_n3A_335, %select_n3A_340 : i32
        %ne3A_342 = arith.constant 0 : i32
        %ne3A_343 = arith.cmpi ne, %rem3A_341, %ne3A_342 : i32
        %lt3A_344 = arith.constant 0 : i32
        %lt3A_345 = arith.cmpi slt, %rem3A_341, %lt3A_344 : i32
        %lt3A_346 = arith.constant 0 : i32
        %lt3A_347 = arith.cmpi slt, %select_n3A_340, %lt3A_346 : i32
        %ne3A_348 = arith.xori %lt3A_345, %lt3A_347 : i1
        %and3A_349 = arith.andi %ne3A_348, %ne3A_343 : i1
        %add3A_350 = arith.addi %rem3A_341, %select_n3A_340 : i32
        %select_n3A_351 = arith.select %and3A_349, %add3A_350, %rem3A_341 : i32
        %jit3A_352 = arith.constant 16 : i32
        %eq3A_353 = arith.constant 0 : i32
        %eq3A_354 = arith.cmpi eq, %jit3A_352, %eq3A_353 : i32
        %jit3A_355 = arith.constant 1 : i32
        %select_n3A_356 = arith.select %eq3A_354, %jit3A_355, %jit3A_352 : i32
        %rem3A_357 = arith.remsi %add3A_83, %select_n3A_356 : i32
        %ne3A_358 = arith.constant 0 : i32
        %ne3A_359 = arith.cmpi ne, %rem3A_357, %ne3A_358 : i32
        %lt3A_360 = arith.constant 0 : i32
        %lt3A_361 = arith.cmpi slt, %rem3A_357, %lt3A_360 : i32
        %lt3A_362 = arith.constant 0 : i32
        %lt3A_363 = arith.cmpi slt, %select_n3A_356, %lt3A_362 : i32
        %ne3A_364 = arith.xori %lt3A_361, %lt3A_363 : i1
        %and3A_365 = arith.andi %ne3A_364, %ne3A_359 : i1
        %add3A_366 = arith.addi %rem3A_357, %select_n3A_356 : i32
        %select_n3A_367 = arith.select %and3A_365, %add3A_366, %rem3A_357 : i32
        %dma_start3A_368 = arith.constant 0 : i32
        %dma_start3A_369 = tpu.memref_slice %arg6[%select_n3A_351, %select_n3A_367, %dma_start3A_368] : memref<3x16x128xi32, #tpu.memory_space<vmem>> -> memref<1x1x128xi32, #tpu.memory_space<vmem>>
        %dma_start3A_370 = tpu.memref_squeeze %dma_start3A_369 : memref<1x1x128xi32, #tpu.memory_space<vmem>> -> memref<128xi32, #tpu.memory_space<vmem>>
        %dma_start3A_371 = arith.constant 0 : i32
        %dma_start3A_372 = arith.constant 0 : i32
        %dma_start3A_373 = tpu.memref_slice %arg2[%dma_start3A_371, %dma_start3A_372] : memref<10240x128xf32, #tpu.memory_space<hbm>> -> memref<10240x128xf32, #tpu.memory_space<hbm>>
        tpu.enqueue_indirect_dma source(%dma_start3A_373 : memref<10240x128xf32, #tpu.memory_space<hbm>>) target(%arg8 : memref<128x128xf32, #tpu.memory_space<vmem>>) offsets(%dma_start3A_370 : memref<128xi32, #tpu.memory_space<vmem>>) semaphore(%arg11 : memref<!tpu.dma_semaphore, #tpu.memory_space<semaphore_mem>>)
      } else {
      }
      %dma_wait3A_226 = arith.constant 0 : i32
      %dma_wait3A_227 = arith.constant 0 : i32
      %dma_wait3A_228 = tpu.memref_slice %arg2[%dma_wait3A_226, %dma_wait3A_227] : memref<10240x128xf32, #tpu.memory_space<hbm>> -> memref<128x128xf32, #tpu.memory_space<hbm>>
      %dma_wait3A_229 = arith.constant 0 : i32
      %dma_wait3A_230 = arith.constant 0 : i32
      %dma_wait3A_231 = tpu.memref_slice %arg2[%dma_wait3A_229, %dma_wait3A_230] : memref<10240x128xf32, #tpu.memory_space<hbm>> -> memref<128x128xf32, #tpu.memory_space<hbm>>
      tpu.wait_dma2 semaphore(%arg12 : memref<!tpu.dma_semaphore, #tpu.memory_space<semaphore_mem>>) src(%dma_wait3A_231 : memref<128x128xf32, #tpu.memory_space<hbm>>) dst(%arg9 : memref<128x128xf32, #tpu.memory_space<vmem>>)
      %jit3A_232 = arith.constant 16 : i32
      %div3A_233 = arith.divsi %add3A_81, %jit3A_232 : i32
      %sign3A_234 = arith.constant 0 : i32
      %sign3A_235 = arith.cmpi sgt, %add3A_81, %sign3A_234 : i32
      %sign3A_236 = arith.extui %sign3A_235 : i1 to i32
      %sign3A_237 = arith.constant 0 : i32
      %sign3A_238 = arith.cmpi slt, %add3A_81, %sign3A_237 : i32
      %sign3A_239 = arith.extui %sign3A_238 : i1 to i32
      %sign3A_240 = arith.subi %sign3A_236, %sign3A_239 : i32
      %sign3A_241 = arith.constant 0 : i32
      %sign3A_242 = arith.cmpi sgt, %jit3A_232, %sign3A_241 : i32
      %sign3A_243 = arith.extui %sign3A_242 : i1 to i32
      %sign3A_244 = arith.constant 0 : i32
      %sign3A_245 = arith.cmpi slt, %jit3A_232, %sign3A_244 : i32
      %sign3A_246 = arith.extui %sign3A_245 : i1 to i32
      %sign3A_247 = arith.subi %sign3A_243, %sign3A_246 : i32
      %ne3A_248 = arith.cmpi ne, %sign3A_240, %sign3A_247 : i32
      %rem3A_249 = arith.remsi %add3A_81, %jit3A_232 : i32
      %ne3A_250 = arith.constant 0 : i32
      %ne3A_251 = arith.cmpi ne, %rem3A_249, %ne3A_250 : i32
      %and3A_252 = arith.andi %ne3A_248, %ne3A_251 : i1
      %sub3A_253 = arith.constant 1 : i32
      %sub3A_254 = arith.subi %div3A_233, %sub3A_253 : i32
      %select_n3A_255 = arith.select %and3A_252, %sub3A_254, %div3A_233 : i32
      %jit3A_256 = arith.constant 3 : i32
      %eq3A_257 = arith.constant 0 : i32
      %eq3A_258 = arith.cmpi eq, %jit3A_256, %eq3A_257 : i32
      %jit3A_259 = arith.constant 1 : i32
      %select_n3A_260 = arith.select %eq3A_258, %jit3A_259, %jit3A_256 : i32
      %rem3A_261 = arith.remsi %select_n3A_255, %select_n3A_260 : i32
      %ne3A_262 = arith.constant 0 : i32
      %ne3A_263 = arith.cmpi ne, %rem3A_261, %ne3A_262 : i32
      %lt3A_264 = arith.constant 0 : i32
      %lt3A_265 = arith.cmpi slt, %rem3A_261, %lt3A_264 : i32
      %lt3A_266 = arith.constant 0 : i32
      %lt3A_267 = arith.cmpi slt, %select_n3A_260, %lt3A_266 : i32
      %ne3A_268 = arith.xori %lt3A_265, %lt3A_267 : i1
      %and3A_269 = arith.andi %ne3A_268, %ne3A_263 : i1
      %add3A_270 = arith.addi %rem3A_261, %select_n3A_260 : i32
      %select_n3A_271 = arith.select %and3A_269, %add3A_270, %rem3A_261 : i32
      %jit3A_272 = arith.constant 16 : i32
      %eq3A_273 = arith.constant 0 : i32
      %eq3A_274 = arith.cmpi eq, %jit3A_272, %eq3A_273 : i32
      %jit3A_275 = arith.constant 1 : i32
      %select_n3A_276 = arith.select %eq3A_274, %jit3A_275, %jit3A_272 : i32
      %rem3A_277 = arith.remsi %add3A_81, %select_n3A_276 : i32
      %ne3A_278 = arith.constant 0 : i32
      %ne3A_279 = arith.cmpi ne, %rem3A_277, %ne3A_278 : i32
      %lt3A_280 = arith.constant 0 : i32
      %lt3A_281 = arith.cmpi slt, %rem3A_277, %lt3A_280 : i32
      %lt3A_282 = arith.constant 0 : i32
      %lt3A_283 = arith.cmpi slt, %select_n3A_276, %lt3A_282 : i32
      %ne3A_284 = arith.xori %lt3A_281, %lt3A_283 : i1
      %and3A_285 = arith.andi %ne3A_284, %ne3A_279 : i1
      %add3A_286 = arith.addi %rem3A_277, %select_n3A_276 : i32
      %select_n3A_287 = arith.select %and3A_285, %add3A_286, %rem3A_277 : i32
      "tpu.region"() ({
        %run_scoped3A_288 = tpu.sem_alloc : memref<!tpu.dma_semaphore, #tpu.memory_space<semaphore_mem>>
        %dma_start3A_289 = arith.constant 0 : i32
        %dma_start3A_290 = tpu.memref_slice %arg7[%select_n3A_271, %select_n3A_287, %dma_start3A_289] : memref<3x16x128xi32, #tpu.memory_space<vmem>> -> memref<1x1x128xi32, #tpu.memory_space<vmem>>
        %dma_start3A_291 = tpu.memref_squeeze %dma_start3A_290 : memref<1x1x128xi32, #tpu.memory_space<vmem>> -> memref<128xi32, #tpu.memory_space<vmem>>
        %dma_start3A_292 = arith.constant 0 : i32
        %dma_start3A_293 = arith.constant 0 : i32
        %dma_start3A_294 = tpu.memref_slice %arg10[%dma_start3A_292, %dma_start3A_293] : memref<10240x128xf32, #tpu.memory_space<vmem_shared>> -> memref<10240x128xf32, #tpu.memory_space<vmem_shared>>
        tpu.enqueue_indirect_dma source(%arg9 : memref<128x128xf32, #tpu.memory_space<vmem>>) target(%dma_start3A_294 : memref<10240x128xf32, #tpu.memory_space<vmem_shared>>) offsets(%dma_start3A_291 : memref<128xi32, #tpu.memory_space<vmem>>) semaphore(%run_scoped3A_288 : memref<!tpu.dma_semaphore, #tpu.memory_space<semaphore_mem>>) {add = true}
        %dma_wait3A_295 = arith.constant 0 : i32
        %dma_wait3A_296 = tpu.memref_slice %arg7[%select_n3A_271, %select_n3A_287, %dma_wait3A_295] : memref<3x16x128xi32, #tpu.memory_space<vmem>> -> memref<1x1x128xi32, #tpu.memory_space<vmem>>
        %dma_wait3A_297 = tpu.memref_squeeze %dma_wait3A_296 : memref<1x1x128xi32, #tpu.memory_space<vmem>> -> memref<128xi32, #tpu.memory_space<vmem>>
        %dma_wait3A_298 = arith.constant 0 : i32
        %dma_wait3A_299 = arith.constant 0 : i32
        %dma_wait3A_300 = tpu.memref_slice %arg10[%dma_wait3A_298, %dma_wait3A_299] : memref<10240x128xf32, #tpu.memory_space<vmem_shared>> -> memref<10240x128xf32, #tpu.memory_space<vmem_shared>>
        tpu.wait_indirect_dma semaphore(%run_scoped3A_288 : memref<!tpu.dma_semaphore, #tpu.memory_space<semaphore_mem>>) src(%arg9 : memref<128x128xf32, #tpu.memory_space<vmem>>) dst(%dma_wait3A_300 : memref<10240x128xf32, #tpu.memory_space<vmem_shared>>)
        tpu.yield
      }) : () -> ()
    }
    %scan3A_71 = arith.constant 40 : i32
    %barrier3A_72 = arith.constant 0 : index
    tpu.barrier barrier_id(%barrier3A_72)
    %mul3A_73 = arith.constant 640 : i32
    %mul3A_74 = arith.muli %arg1, %mul3A_73 : i32
    %mul3A_75 = arith.constant 640 : i32
    %mul3A_76 = arith.muli %arg1, %mul3A_75 : i32
    "tpu.region"() ({
      %run_scoped3A_77 = tpu.sem_alloc : memref<!tpu.dma_semaphore, #tpu.memory_space<semaphore_mem>>
      %dma_start3A_78 = arith.constant 0 : i32
      %dma_start3A_79 = tpu.memref_slice %arg5[%arg0, %mul3A_76, %dma_start3A_78] : memref<2x10240x128xf32, #tpu.memory_space<hbm>> -> memref<1x640x128xf32, #tpu.memory_space<hbm>>
      %dma_start3A_80 = tpu.memref_squeeze %dma_start3A_79 : memref<1x640x128xf32, #tpu.memory_space<hbm>> -> memref<640x128xf32, #tpu.memory_space<hbm>>
      %dma_start3A_81 = arith.constant 0 : i32
      %dma_start3A_82 = tpu.memref_slice %arg10[%mul3A_74, %dma_start3A_81] : memref<10240x128xf32, #tpu.memory_space<vmem_shared>> -> memref<640x128xf32, #tpu.memory_space<vmem_shared>>
      tpu.enqueue_dma source(%dma_start3A_82 : memref<640x128xf32, #tpu.memory_space<vmem_shared>>) target(%dma_start3A_80 : memref<640x128xf32, #tpu.memory_space<hbm>>) target_semaphore(%run_scoped3A_77 : memref<!tpu.dma_semaphore, #tpu.memory_space<semaphore_mem>>)
      %dma_wait3A = arith.constant 0 : i32
      %dma_wait3A_83 = tpu.memref_slice %arg5[%arg0, %mul3A_76, %dma_wait3A] : memref<2x10240x128xf32, #tpu.memory_space<hbm>> -> memref<1x640x128xf32, #tpu.memory_space<hbm>>
      %dma_wait3A_84 = tpu.memref_squeeze %dma_wait3A_83 : memref<1x640x128xf32, #tpu.memory_space<hbm>> -> memref<640x128xf32, #tpu.memory_space<hbm>>
      %dma_wait3A_85 = arith.constant 0 : i32
      %dma_wait3A_86 = tpu.memref_slice %arg10[%mul3A_74, %dma_wait3A_85] : memref<10240x128xf32, #tpu.memory_space<vmem_shared>> -> memref<640x128xf32, #tpu.memory_space<vmem_shared>>
      tpu.wait_dma2 semaphore(%run_scoped3A_77 : memref<!tpu.dma_semaphore, #tpu.memory_space<semaphore_mem>>) src(%dma_wait3A_86 : memref<640x128xf32, #tpu.memory_space<vmem_shared>>) dst(%dma_wait3A_84 : memref<640x128xf32, #tpu.memory_space<hbm>>)
      tpu.yield
    }) : () -> ()
    return
  }
}

#map = affine_map<(d0, d1) -> (0, 0, 0, 0, 0)>
#map1 = affine_map<(d0, d1) -> (0, 0)>
#map2 = affine_map<(d0, d1) -> (0, 0, 0)>
module attributes {stable_mosaic.version = 14 : i64} {
  func.func @k(%arg0: i32, %arg1: i32, %arg2: memref<2x2x16x80x128xi32, #tpu.memory_space<hbm>>, %arg3: memref<128x128xf32, #tpu.memory_space<hbm>>, %arg4: memref<640x128xf32, #tpu.memory_space<hbm>>, %arg5: memref<2x10240x128xf32, #tpu.memory_space<hbm>>, %arg6: memref<80x128xi32, #tpu.memory_space<vmem>>, %arg7: memref<128x128xf32, #tpu.memory_space<vmem>>, %arg8: memref<10240x128xf32, #tpu.memory_space<vmem_shared>>, %arg9: memref<!tpu.dma_semaphore, #tpu.memory_space<semaphore_mem>>) attributes {dimension_semantics = [#tpu.dimension_semantics<core_parallel>, #tpu.dimension_semantics<subcore_parallel>], iteration_bounds = array<i64: 2, 16>, scalar_prefetch = 0 : i64, scratch_operands = 4 : i64, tpu.core_type = #tpu.core_type<sc_vector_subcore>, window_params = [{transform_indices = #map}, {transform_indices = #map1}, {transform_indices = #map1}, {transform_indices = #map2}]} {
    %run_scoped3A = arith.constant 1 : i32
    "tpu.region"() ({
      %run_scoped3A_17 = tpu.sem_alloc : memref<!tpu.dma_semaphore, #tpu.memory_space<semaphore_mem>>
      %dma_start3A = arith.constant 0 : i32
      %dma_start3A_18 = arith.constant 0 : i32
      %dma_start3A_19 = tpu.memref_slice %arg2[%run_scoped3A, %arg0, %arg1, %dma_start3A, %dma_start3A_18] : memref<2x2x16x80x128xi32, #tpu.memory_space<hbm>> -> memref<1x1x1x80x128xi32, #tpu.memory_space<hbm>>
      %dma_start3A_20 = tpu.memref_squeeze %dma_start3A_19 : memref<1x1x1x80x128xi32, #tpu.memory_space<hbm>> -> memref<80x128xi32, #tpu.memory_space<hbm>>
      %dma_start3A_21 = arith.constant 0 : i32
      %dma_start3A_22 = arith.constant 0 : i32
      %dma_start3A_23 = tpu.memref_slice %arg2[%run_scoped3A, %arg0, %arg1, %dma_start3A_21, %dma_start3A_22] : memref<2x2x16x80x128xi32, #tpu.memory_space<hbm>> -> memref<1x1x1x80x128xi32, #tpu.memory_space<hbm>>
      %dma_start3A_24 = tpu.memref_squeeze %dma_start3A_23 : memref<1x1x1x80x128xi32, #tpu.memory_space<hbm>> -> memref<80x128xi32, #tpu.memory_space<hbm>>
      tpu.enqueue_dma source(%dma_start3A_24 : memref<80x128xi32, #tpu.memory_space<hbm>>) target(%arg6 : memref<80x128xi32, #tpu.memory_space<vmem>>) target_semaphore(%run_scoped3A_17 : memref<!tpu.dma_semaphore, #tpu.memory_space<semaphore_mem>>)
      %dma_wait3A = arith.constant 0 : i32
      %dma_wait3A_25 = arith.constant 0 : i32
      %dma_wait3A_26 = tpu.memref_slice %arg2[%run_scoped3A, %arg0, %arg1, %dma_wait3A, %dma_wait3A_25] : memref<2x2x16x80x128xi32, #tpu.memory_space<hbm>> -> memref<1x1x1x80x128xi32, #tpu.memory_space<hbm>>
      %dma_wait3A_27 = tpu.memref_squeeze %dma_wait3A_26 : memref<1x1x1x80x128xi32, #tpu.memory_space<hbm>> -> memref<80x128xi32, #tpu.memory_space<hbm>>
      %dma_wait3A_28 = arith.constant 0 : i32
      %dma_wait3A_29 = arith.constant 0 : i32
      %dma_wait3A_30 = tpu.memref_slice %arg2[%run_scoped3A, %arg0, %arg1, %dma_wait3A_28, %dma_wait3A_29] : memref<2x2x16x80x128xi32, #tpu.memory_space<hbm>> -> memref<1x1x1x80x128xi32, #tpu.memory_space<hbm>>
      %dma_wait3A_31 = tpu.memref_squeeze %dma_wait3A_30 : memref<1x1x1x80x128xi32, #tpu.memory_space<hbm>> -> memref<80x128xi32, #tpu.memory_space<hbm>>
      tpu.wait_dma2 semaphore(%run_scoped3A_17 : memref<!tpu.dma_semaphore, #tpu.memory_space<semaphore_mem>>) src(%dma_wait3A_31 : memref<80x128xi32, #tpu.memory_space<hbm>>) dst(%arg6 : memref<80x128xi32, #tpu.memory_space<vmem>>)
      tpu.yield
    }) : () -> ()
    "tpu.region"() ({
      %run_scoped3A_17 = tpu.sem_alloc : memref<!tpu.dma_semaphore, #tpu.memory_space<semaphore_mem>>
      tpu.enqueue_dma source(%arg3 : memref<128x128xf32, #tpu.memory_space<hbm>>) target(%arg7 : memref<128x128xf32, #tpu.memory_space<vmem>>) target_semaphore(%run_scoped3A_17 : memref<!tpu.dma_semaphore, #tpu.memory_space<semaphore_mem>>)
      tpu.wait_dma2 semaphore(%run_scoped3A_17 : memref<!tpu.dma_semaphore, #tpu.memory_space<semaphore_mem>>) src(%arg3 : memref<128x128xf32, #tpu.memory_space<hbm>>) dst(%arg7 : memref<128x128xf32, #tpu.memory_space<vmem>>)
      tpu.yield
    }) : () -> ()
    %mul3A = arith.constant 640 : i32
    %mul3A_0 = arith.muli %arg1, %mul3A : i32
    "tpu.region"() ({
      %run_scoped3A_17 = tpu.sem_alloc : memref<!tpu.dma_semaphore, #tpu.memory_space<semaphore_mem>>
      %dma_start3A = arith.constant 0 : i32
      %dma_start3A_18 = tpu.memref_slice %arg8[%mul3A_0, %dma_start3A] : memref<10240x128xf32, #tpu.memory_space<vmem_shared>> -> memref<640x128xf32, #tpu.memory_space<vmem_shared>>
      tpu.enqueue_dma source(%arg4 : memref<640x128xf32, #tpu.memory_space<hbm>>) target(%dma_start3A_18 : memref<640x128xf32, #tpu.memory_space<vmem_shared>>) target_semaphore(%run_scoped3A_17 : memref<!tpu.dma_semaphore, #tpu.memory_space<semaphore_mem>>)
      %dma_wait3A = arith.constant 0 : i32
      %dma_wait3A_19 = tpu.memref_slice %arg8[%mul3A_0, %dma_wait3A] : memref<10240x128xf32, #tpu.memory_space<vmem_shared>> -> memref<640x128xf32, #tpu.memory_space<vmem_shared>>
      tpu.wait_dma2 semaphore(%run_scoped3A_17 : memref<!tpu.dma_semaphore, #tpu.memory_space<semaphore_mem>>) src(%arg4 : memref<640x128xf32, #tpu.memory_space<hbm>>) dst(%dma_wait3A_19 : memref<640x128xf32, #tpu.memory_space<vmem_shared>>)
      tpu.yield
    }) : () -> ()
    %barrier3A = arith.constant 0 : index
    tpu.barrier barrier_id(%barrier3A)
    %scan3A = arith.constant 0 : i32
    %scan3A_1 = arith.constant 0 : i32
    %scan3A_2 = arith.constant 80 : i32
    %scan3A_3 = arith.addi %scan3A_1, %scan3A_2 : i32
    %scan3A_4 = arith.constant 1 : i32
    scf.for %scan3A_17 = %scan3A_1 to %scan3A_3 step %scan3A_4  : i32 {
      %dma_start3A = arith.constant 0 : i32
      %dma_start3A_18 = tpu.memref_slice %arg6[%scan3A_17, %dma_start3A] : memref<80x128xi32, #tpu.memory_space<vmem>> -> memref<1x128xi32, #tpu.memory_space<vmem>>
      %dma_start3A_19 = tpu.memref_squeeze %dma_start3A_18 : memref<1x128xi32, #tpu.memory_space<vmem>> -> memref<128xi32, #tpu.memory_space<vmem>>
      %dma_start3A_20 = arith.constant 0 : i32
      %dma_start3A_21 = arith.constant 0 : i32
      %dma_start3A_22 = tpu.memref_slice %arg8[%dma_start3A_20, %dma_start3A_21] : memref<10240x128xf32, #tpu.memory_space<vmem_shared>> -> memref<10240x128xf32, #tpu.memory_space<vmem_shared>>
      tpu.enqueue_indirect_dma source(%arg7 : memref<128x128xf32, #tpu.memory_space<vmem>>) target(%dma_start3A_22 : memref<10240x128xf32, #tpu.memory_space<vmem_shared>>) offsets(%dma_start3A_19 : memref<128xi32, #tpu.memory_space<vmem>>) semaphore(%arg9 : memref<!tpu.dma_semaphore, #tpu.memory_space<semaphore_mem>>) {add = true}
    }
    %scan3A_5 = arith.constant 80 : i32
    %scan3A_6 = arith.constant 0 : i32
    %scan3A_7 = arith.constant 0 : i32
    %scan3A_8 = arith.constant 80 : i32
    %scan3A_9 = arith.addi %scan3A_7, %scan3A_8 : i32
    %scan3A_10 = arith.constant 1 : i32
    scf.for %scan3A_17 = %scan3A_7 to %scan3A_9 step %scan3A_10  : i32 {
      tpu.wait_dma2 semaphore(%arg9 : memref<!tpu.dma_semaphore, #tpu.memory_space<semaphore_mem>>) src(%arg3 : memref<128x128xf32, #tpu.memory_space<hbm>>) dst(%arg7 : memref<128x128xf32, #tpu.memory_space<vmem>>)
    }
    %scan3A_11 = arith.constant 80 : i32
    %barrier3A_12 = arith.constant 0 : index
    tpu.barrier barrier_id(%barrier3A_12)
    %mul3A_13 = arith.constant 640 : i32
    %mul3A_14 = arith.muli %arg1, %mul3A_13 : i32
    %mul3A_15 = arith.constant 640 : i32
    %mul3A_16 = arith.muli %arg1, %mul3A_15 : i32
    "tpu.region"() ({
      %run_scoped3A_17 = tpu.sem_alloc : memref<!tpu.dma_semaphore, #tpu.memory_space<semaphore_mem>>
      %dma_start3A = arith.constant 0 : i32
      %dma_start3A_18 = tpu.memref_slice %arg5[%arg0, %mul3A_16, %dma_start3A] : memref<2x10240x128xf32, #tpu.memory_space<hbm>> -> memref<1x640x128xf32, #tpu.memory_space<hbm>>
      %dma_start3A_19 = tpu.memref_squeeze %dma_start3A_18 : memref<1x640x128xf32, #tpu.memory_space<hbm>> -> memref<640x128xf32, #tpu.memory_space<hbm>>
      %dma_start3A_20 = arith.constant 0 : i32
      %dma_start3A_21 = tpu.memref_slice %arg8[%mul3A_14, %dma_start3A_20] : memref<10240x128xf32, #tpu.memory_space<vmem_shared>> -> memref<640x128xf32, #tpu.memory_space<vmem_shared>>
      tpu.enqueue_dma source(%dma_start3A_21 : memref<640x128xf32, #tpu.memory_space<vmem_shared>>) target(%dma_start3A_19 : memref<640x128xf32, #tpu.memory_space<hbm>>) target_semaphore(%run_scoped3A_17 : memref<!tpu.dma_semaphore, #tpu.memory_space<semaphore_mem>>)
      %dma_wait3A = arith.constant 0 : i32
      %dma_wait3A_22 = tpu.memref_slice %arg5[%arg0, %mul3A_16, %dma_wait3A] : memref<2x10240x128xf32, #tpu.memory_space<hbm>> -> memref<1x640x128xf32, #tpu.memory_space<hbm>>
      %dma_wait3A_23 = tpu.memref_squeeze %dma_wait3A_22 : memref<1x640x128xf32, #tpu.memory_space<hbm>> -> memref<640x128xf32, #tpu.memory_space<hbm>>
      %dma_wait3A_24 = arith.constant 0 : i32
      %dma_wait3A_25 = tpu.memref_slice %arg8[%mul3A_14, %dma_wait3A_24] : memref<10240x128xf32, #tpu.memory_space<vmem_shared>> -> memref<640x128xf32, #tpu.memory_space<vmem_shared>>
      tpu.wait_dma2 semaphore(%run_scoped3A_17 : memref<!tpu.dma_semaphore, #tpu.memory_space<semaphore_mem>>) src(%dma_wait3A_25 : memref<640x128xf32, #tpu.memory_space<vmem_shared>>) dst(%dma_wait3A_23 : memref<640x128xf32, #tpu.memory_space<hbm>>)
      tpu.yield
    }) : () -> ()
    return
  }
}

#map = affine_map<(d0, d1) -> (0, 0)>
#map1 = affine_map<(d0, d1) -> (0, 0, 0, 0, 0)>
#map2 = affine_map<(d0, d1) -> (0, 0, 0)>
module attributes {stable_mosaic.version = 14 : i64} {
  func.func @k(%arg0: i32, %arg1: i32, %arg2: memref<10240x128xf32, #tpu.memory_space<hbm>>, %arg3: memref<2x2x16x80x128xi32, #tpu.memory_space<hbm>>, %arg4: memref<128x128xf32, #tpu.memory_space<hbm>>, %arg5: memref<2x10240x128xf32, #tpu.memory_space<hbm>>, %arg6: memref<3x16x128xi32, #tpu.memory_space<vmem>>, %arg7: memref<3x16x128xi32, #tpu.memory_space<vmem>>, %arg8: memref<128x128xf32, #tpu.memory_space<vmem>>, %arg9: memref<128x128xf32, #tpu.memory_space<vmem>>, %arg10: memref<10240x128xf32, #tpu.memory_space<vmem_shared>>, %arg11: memref<!tpu.dma_semaphore, #tpu.memory_space<semaphore_mem>>, %arg12: memref<!tpu.dma_semaphore, #tpu.memory_space<semaphore_mem>>, %arg13: memref<!tpu.dma_semaphore, #tpu.memory_space<semaphore_mem>>, %arg14: memref<!tpu.dma_semaphore, #tpu.memory_space<semaphore_mem>>, %arg15: memref<!tpu.dma_semaphore, #tpu.memory_space<semaphore_mem>>) attributes {dimension_semantics = [#tpu.dimension_semantics<core_parallel>, #tpu.dimension_semantics<subcore_parallel>], iteration_bounds = array<i64: 2, 16>, scalar_prefetch = 0 : i64, scratch_operands = 10 : i64, tpu.core_type = #tpu.core_type<sc_vector_subcore>, window_params = [{transform_indices = #map}, {transform_indices = #map1}, {transform_indices = #map}, {transform_indices = #map2}]} {
    %run_scoped3A = arith.constant 0 : i32
    %run_scoped3A_0 = arith.constant 0 : i32
    "tpu.region"() ({
      %run_scoped3A_77 = tpu.sem_alloc : memref<!tpu.dma_semaphore, #tpu.memory_space<semaphore_mem>>
      %dma_start3A_78 = arith.constant 0 : i32
      %dma_start3A_79 = arith.constant 0 : i32
      %dma_start3A_80 = tpu.memref_slice %arg6[%run_scoped3A_0, %dma_start3A_78, %dma_start3A_79] : memref<3x16x128xi32, #tpu.memory_space<vmem>> -> memref<1x16x128xi32, #tpu.memory_space<vmem>>
      %dma_start3A_81 = tpu.memref_squeeze %dma_start3A_80 : memref<1x16x128xi32, #tpu.memory_space<vmem>> -> memref<16x128xi32, #tpu.memory_space<vmem>>
      %dma_start3A_82 = arith.constant 0 : i32
      %dma_start3A_83 = arith.constant 0 : i32
      %dma_start3A_84 = tpu.memref_slice %arg3[%run_scoped3A, %arg0, %arg1, %dma_start3A_82, %dma_start3A_83] : memref<2x2x16x80x128xi32, #tpu.memory_space<hbm>> -> memref<1x1x1x16x128xi32, #tpu.memory_space<hbm>>
      %dma_start3A_85 = tpu.memref_squeeze %dma_start3A_84 : memref<1x1x1x16x128xi32, #tpu.memory_space<hbm>> -> memref<16x128xi32, #tpu.memory_space<hbm>>
      %dma_start3A_86 = arith.constant 0 : i32
      %dma_start3A_87 = arith.constant 0 : i32
      %dma_start3A_88 = tpu.memref_slice %arg6[%run_scoped3A_0, %dma_start3A_86, %dma_start3A_87] : memref<3x16x128xi32, #tpu.memory_space<vmem>> -> memref<1x16x128xi32, #tpu.memory_space<vmem>>
      %dma_start3A_89 = tpu.memref_squeeze %dma_start3A_88 : memref<1x16x128xi32, #tpu.memory_space<vmem>> -> memref<16x128xi32, #tpu.memory_space<vmem>>
      %dma_start3A_90 = arith.constant 0 : i32
      %dma_start3A_91 = arith.constant 0 : i32
      %dma_start3A_92 = tpu.memref_slice %arg3[%run_scoped3A, %arg0, %arg1, %dma_start3A_90, %dma_start3A_91] : memref<2x2x16x80x128xi32, #tpu.memory_space<hbm>> -> memref<1x1x1x16x128xi32, #tpu.memory_space<hbm>>
      %dma_start3A_93 = tpu.memref_squeeze %dma_start3A_92 : memref<1x1x1x16x128xi32, #tpu.memory_space<hbm>> -> memref<16x128xi32, #tpu.memory_space<hbm>>
      tpu.enqueue_dma source(%dma_start3A_93 : memref<16x128xi32, #tpu.memory_space<hbm>>) target(%dma_start3A_89 : memref<16x128xi32, #tpu.memory_space<vmem>>) target_semaphore(%run_scoped3A_77 : memref<!tpu.dma_semaphore, #tpu.memory_space<semaphore_mem>>)
      %dma_wait3A = arith.constant 0 : i32
      %dma_wait3A_94 = arith.constant 0 : i32
      %dma_wait3A_95 = tpu.memref_slice %arg6[%run_scoped3A_0, %dma_wait3A, %dma_wait3A_94] : memref<3x16x128xi32, #tpu.memory_space<vmem>> -> memref<1x16x128xi32, #tpu.memory_space<vmem>>
      %dma_wait3A_96 = tpu.memref_squeeze %dma_wait3A_95 : memref<1x16x128xi32, #tpu.memory_space<vmem>> -> memref<16x128xi32, #tpu.memory_space<vmem>>
      %dma_wait3A_97 = arith.constant 0 : i32
      %dma_wait3A_98 = arith.constant 0 : i32
      %dma_wait3A_99 = tpu.memref_slice %arg3[%run_scoped3A, %arg0, %arg1, %dma_wait3A_97, %dma_wait3A_98] : memref<2x2x16x80x128xi32, #tpu.memory_space<hbm>> -> memref<1x1x1x16x128xi32, #tpu.memory_space<hbm>>
      %dma_wait3A_100 = tpu.memref_squeeze %dma_wait3A_99 : memref<1x1x1x16x128xi32, #tpu.memory_space<hbm>> -> memref<16x128xi32, #tpu.memory_space<hbm>>
      %dma_wait3A_101 = arith.constant 0 : i32
      %dma_wait3A_102 = arith.constant 0 : i32
      %dma_wait3A_103 = tpu.memref_slice %arg6[%run_scoped3A_0, %dma_wait3A_101, %dma_wait3A_102] : memref<3x16x128xi32, #tpu.memory_space<vmem>> -> memref<1x16x128xi32, #tpu.memory_space<vmem>>
      %dma_wait3A_104 = tpu.memref_squeeze %dma_wait3A_103 : memref<1x16x128xi32, #tpu.memory_space<vmem>> -> memref<16x128xi32, #tpu.memory_space<vmem>>
      %dma_wait3A_105 = arith.constant 0 : i32
      %dma_wait3A_106 = arith.constant 0 : i32
      %dma_wait3A_107 = tpu.memref_slice %arg3[%run_scoped3A, %arg0, %arg1, %dma_wait3A_105, %dma_wait3A_106] : memref<2x2x16x80x128xi32, #tpu.memory_space<hbm>> -> memref<1x1x1x16x128xi32, #tpu.memory_space<hbm>>
      %dma_wait3A_108 = tpu.memref_squeeze %dma_wait3A_107 : memref<1x1x1x16x128xi32, #tpu.memory_space<hbm>> -> memref<16x128xi32, #tpu.memory_space<hbm>>
      tpu.wait_dma2 semaphore(%run_scoped3A_77 : memref<!tpu.dma_semaphore, #tpu.memory_space<semaphore_mem>>) src(%dma_wait3A_108 : memref<16x128xi32, #tpu.memory_space<hbm>>) dst(%dma_wait3A_104 : memref<16x128xi32, #tpu.memory_space<vmem>>)
      tpu.yield
    }) : () -> ()
    %run_scoped3A_1 = arith.constant 1 : i32
    %run_scoped3A_2 = arith.constant 0 : i32
    "tpu.region"() ({
      %run_scoped3A_77 = tpu.sem_alloc : memref<!tpu.dma_semaphore, #tpu.memory_space<semaphore_mem>>
      %dma_start3A_78 = arith.constant 0 : i32
      %dma_start3A_79 = arith.constant 0 : i32
      %dma_start3A_80 = tpu.memref_slice %arg7[%run_scoped3A_2, %dma_start3A_78, %dma_start3A_79] : memref<3x16x128xi32, #tpu.memory_space<vmem>> -> memref<1x16x128xi32, #tpu.memory_space<vmem>>
      %dma_start3A_81 = tpu.memref_squeeze %dma_start3A_80 : memref<1x16x128xi32, #tpu.memory_space<vmem>> -> memref<16x128xi32, #tpu.memory_space<vmem>>
      %dma_start3A_82 = arith.constant 0 : i32
      %dma_start3A_83 = arith.constant 0 : i32
      %dma_start3A_84 = tpu.memref_slice %arg3[%run_scoped3A_1, %arg0, %arg1, %dma_start3A_82, %dma_start3A_83] : memref<2x2x16x80x128xi32, #tpu.memory_space<hbm>> -> memref<1x1x1x16x128xi32, #tpu.memory_space<hbm>>
      %dma_start3A_85 = tpu.memref_squeeze %dma_start3A_84 : memref<1x1x1x16x128xi32, #tpu.memory_space<hbm>> -> memref<16x128xi32, #tpu.memory_space<hbm>>
      %dma_start3A_86 = arith.constant 0 : i32
      %dma_start3A_87 = arith.constant 0 : i32
      %dma_start3A_88 = tpu.memref_slice %arg7[%run_scoped3A_2, %dma_start3A_86, %dma_start3A_87] : memref<3x16x128xi32, #tpu.memory_space<vmem>> -> memref<1x16x128xi32, #tpu.memory_space<vmem>>
      %dma_start3A_89 = tpu.memref_squeeze %dma_start3A_88 : memref<1x16x128xi32, #tpu.memory_space<vmem>> -> memref<16x128xi32, #tpu.memory_space<vmem>>
      %dma_start3A_90 = arith.constant 0 : i32
      %dma_start3A_91 = arith.constant 0 : i32
      %dma_start3A_92 = tpu.memref_slice %arg3[%run_scoped3A_1, %arg0, %arg1, %dma_start3A_90, %dma_start3A_91] : memref<2x2x16x80x128xi32, #tpu.memory_space<hbm>> -> memref<1x1x1x16x128xi32, #tpu.memory_space<hbm>>
      %dma_start3A_93 = tpu.memref_squeeze %dma_start3A_92 : memref<1x1x1x16x128xi32, #tpu.memory_space<hbm>> -> memref<16x128xi32, #tpu.memory_space<hbm>>
      tpu.enqueue_dma source(%dma_start3A_93 : memref<16x128xi32, #tpu.memory_space<hbm>>) target(%dma_start3A_89 : memref<16x128xi32, #tpu.memory_space<vmem>>) target_semaphore(%run_scoped3A_77 : memref<!tpu.dma_semaphore, #tpu.memory_space<semaphore_mem>>)
      %dma_wait3A = arith.constant 0 : i32
      %dma_wait3A_94 = arith.constant 0 : i32
      %dma_wait3A_95 = tpu.memref_slice %arg7[%run_scoped3A_2, %dma_wait3A, %dma_wait3A_94] : memref<3x16x128xi32, #tpu.memory_space<vmem>> -> memref<1x16x128xi32, #tpu.memory_space<vmem>>
      %dma_wait3A_96 = tpu.memref_squeeze %dma_wait3A_95 : memref<1x16x128xi32, #tpu.memory_space<vmem>> -> memref<16x128xi32, #tpu.memory_space<vmem>>
      %dma_wait3A_97 = arith.constant 0 : i32
      %dma_wait3A_98 = arith.constant 0 : i32
      %dma_wait3A_99 = tpu.memref_slice %arg3[%run_scoped3A_1, %arg0, %arg1, %dma_wait3A_97, %dma_wait3A_98] : memref<2x2x16x80x128xi32, #tpu.memory_space<hbm>> -> memref<1x1x1x16x128xi32, #tpu.memory_space<hbm>>
      %dma_wait3A_100 = tpu.memref_squeeze %dma_wait3A_99 : memref<1x1x1x16x128xi32, #tpu.memory_space<hbm>> -> memref<16x128xi32, #tpu.memory_space<hbm>>
      %dma_wait3A_101 = arith.constant 0 : i32
      %dma_wait3A_102 = arith.constant 0 : i32
      %dma_wait3A_103 = tpu.memref_slice %arg7[%run_scoped3A_2, %dma_wait3A_101, %dma_wait3A_102] : memref<3x16x128xi32, #tpu.memory_space<vmem>> -> memref<1x16x128xi32, #tpu.memory_space<vmem>>
      %dma_wait3A_104 = tpu.memref_squeeze %dma_wait3A_103 : memref<1x16x128xi32, #tpu.memory_space<vmem>> -> memref<16x128xi32, #tpu.memory_space<vmem>>
      %dma_wait3A_105 = arith.constant 0 : i32
      %dma_wait3A_106 = arith.constant 0 : i32
      %dma_wait3A_107 = tpu.memref_slice %arg3[%run_scoped3A_1, %arg0, %arg1, %dma_wait3A_105, %dma_wait3A_106] : memref<2x2x16x80x128xi32, #tpu.memory_space<hbm>> -> memref<1x1x1x16x128xi32, #tpu.memory_space<hbm>>
      %dma_wait3A_108 = tpu.memref_squeeze %dma_wait3A_107 : memref<1x1x1x16x128xi32, #tpu.memory_space<hbm>> -> memref<16x128xi32, #tpu.memory_space<hbm>>
      tpu.wait_dma2 semaphore(%run_scoped3A_77 : memref<!tpu.dma_semaphore, #tpu.memory_space<semaphore_mem>>) src(%dma_wait3A_108 : memref<16x128xi32, #tpu.memory_space<hbm>>) dst(%dma_wait3A_104 : memref<16x128xi32, #tpu.memory_space<vmem>>)
      tpu.yield
    }) : () -> ()
    %dma_start3A = arith.constant 0 : i32
    %dma_start3A_3 = arith.constant 1 : i32
    %dma_start3A_4 = arith.constant 0 : i32
    %dma_start3A_5 = arith.constant 0 : i32
    %dma_start3A_6 = tpu.memref_slice %arg6[%dma_start3A_3, %dma_start3A_4, %dma_start3A_5] : memref<3x16x128xi32, #tpu.memory_space<vmem>> -> memref<1x16x128xi32, #tpu.memory_space<vmem>>
    %dma_start3A_7 = tpu.memref_squeeze %dma_start3A_6 : memref<1x16x128xi32, #tpu.memory_space<vmem>> -> memref<16x128xi32, #tpu.memory_space<vmem>>
    %dma_start3A_8 = arith.constant 16 : i32
    %dma_start3A_9 = arith.constant 0 : i32
    %dma_start3A_10 = tpu.memref_slice %arg3[%dma_start3A, %arg0, %arg1, %dma_start3A_8, %dma_start3A_9] : memref<2x2x16x80x128xi32, #tpu.memory_space<hbm>> -> memref<1x1x1x16x128xi32, #tpu.memory_space<hbm>>
    %dma_start3A_11 = tpu.memref_squeeze %dma_start3A_10 : memref<1x1x1x16x128xi32, #tpu.memory_space<hbm>> -> memref<16x128xi32, #tpu.memory_space<hbm>>
    %dma_start3A_12 = arith.constant 0 : i32
    %dma_start3A_13 = arith.constant 0 : i32
    %dma_start3A_14 = tpu.memref_slice %arg6[%dma_start3A_3, %dma_start3A_12, %dma_start3A_13] : memref<3x16x128xi32, #tpu.memory_space<vmem>> -> memref<1x16x128xi32, #tpu.memory_space<vmem>>
    %dma_start3A_15 = tpu.memref_squeeze %dma_start3A_14 : memref<1x16x128xi32, #tpu.memory_space<vmem>> -> memref<16x128xi32, #tpu.memory_space<vmem>>
    %dma_start3A_16 = arith.constant 16 : i32
    %dma_start3A_17 = arith.constant 0 : i32
    %dma_start3A_18 = tpu.memref_slice %arg3[%dma_start3A, %arg0, %arg1, %dma_start3A_16, %dma_start3A_17] : memref<2x2x16x80x128xi32, #tpu.memory_space<hbm>> -> memref<1x1x1x16x128xi32, #tpu.memory_space<hbm>>
    %dma_start3A_19 = tpu.memref_squeeze %dma_start3A_18 : memref<1x1x1x16x128xi32, #tpu.memory_space<hbm>> -> memref<16x128xi32, #tpu.memory_space<hbm>>
    tpu.enqueue_dma source(%dma_start3A_19 : memref<16x128xi32, #tpu.memory_space<hbm>>) target(%dma_start3A_15 : memref<16x128xi32, #tpu.memory_space<vmem>>) target_semaphore(%arg15 : memref<!tpu.dma_semaphore, #tpu.memory_space<semaphore_mem>>)
    %dma_start3A_20 = arith.constant 1 : i32
    %dma_start3A_21 = arith.constant 1 : i32
    %dma_start3A_22 = arith.constant 0 : i32
    %dma_start3A_23 = arith.constant 0 : i32
    %dma_start3A_24 = tpu.memref_slice %arg7[%dma_start3A_21, %dma_start3A_22, %dma_start3A_23] : memref<3x16x128xi32, #tpu.memory_space<vmem>> -> memref<1x16x128xi32, #tpu.memory_space<vmem>>
    %dma_start3A_25 = tpu.memref_squeeze %dma_start3A_24 : memref<1x16x128xi32, #tpu.memory_space<vmem>> -> memref<16x128xi32, #tpu.memory_space<vmem>>
    %dma_start3A_26 = arith.constant 16 : i32
    %dma_start3A_27 = arith.constant 0 : i32
    %dma_start3A_28 = tpu.memref_slice %arg3[%dma_start3A_20, %arg0, %arg1, %dma_start3A_26, %dma_start3A_27] : memref<2x2x16x80x128xi32, #tpu.memory_space<hbm>> -> memref<1x1x1x16x128xi32, #tpu.memory_space<hbm>>
    %dma_start3A_29 = tpu.memref_squeeze %dma_start3A_28 : memref<1x1x1x16x128xi32, #tpu.memory_space<hbm>> -> memref<16x128xi32, #tpu.memory_space<hbm>>
    %dma_start3A_30 = arith.constant 0 : i32
    %dma_start3A_31 = arith.constant 0 : i32
    %dma_start3A_32 = tpu.memref_slice %arg7[%dma_start3A_21, %dma_start3A_30, %dma_start3A_31] : memref<3x16x128xi32, #tpu.memory_space<vmem>> -> memref<1x16x128xi32, #tpu.memory_space<vmem>>
    %dma_start3A_33 = tpu.memref_squeeze %dma_start3A_32 : memref<1x16x128xi32, #tpu.memory_space<vmem>> -> memref<16x128xi32, #tpu.memory_space<vmem>>
    %dma_start3A_34 = arith.constant 16 : i32
    %dma_start3A_35 = arith.constant 0 : i32
    %dma_start3A_36 = tpu.memref_slice %arg3[%dma_start3A_20, %arg0, %arg1, %dma_start3A_34, %dma_start3A_35] : memref<2x2x16x80x128xi32, #tpu.memory_space<hbm>> -> memref<1x1x1x16x128xi32, #tpu.memory_space<hbm>>
    %dma_start3A_37 = tpu.memref_squeeze %dma_start3A_36 : memref<1x1x1x16x128xi32, #tpu.memory_space<hbm>> -> memref<16x128xi32, #tpu.memory_space<hbm>>
    tpu.enqueue_dma source(%dma_start3A_37 : memref<16x128xi32, #tpu.memory_space<hbm>>) target(%dma_start3A_33 : memref<16x128xi32, #tpu.memory_space<vmem>>) target_semaphore(%arg15 : memref<!tpu.dma_semaphore, #tpu.memory_space<semaphore_mem>>)
    "tpu.region"() ({
      %run_scoped3A_77 = tpu.sem_alloc : memref<!tpu.dma_semaphore, #tpu.memory_space<semaphore_mem>>
      tpu.enqueue_dma source(%arg4 : memref<128x128xf32, #tpu.memory_space<hbm>>) target(%arg8 : memref<128x128xf32, #tpu.memory_space<vmem>>) target_semaphore(%run_scoped3A_77 : memref<!tpu.dma_semaphore, #tpu.memory_space<semaphore_mem>>)
      tpu.wait_dma2 semaphore(%run_scoped3A_77 : memref<!tpu.dma_semaphore, #tpu.memory_space<semaphore_mem>>) src(%arg4 : memref<128x128xf32, #tpu.memory_space<hbm>>) dst(%arg8 : memref<128x128xf32, #tpu.memory_space<vmem>>)
      tpu.yield
    }) : () -> ()
    %mul3A = arith.constant 640 : i32
    %mul3A_38 = arith.muli %arg1, %mul3A : i32
    %add3A = arith.constant 0 : i32
    %add3A_39 = arith.addi %mul3A_38, %add3A : i32
    "tpu.region"() ({
      %run_scoped3A_77 = tpu.sem_alloc : memref<!tpu.dma_semaphore, #tpu.memory_space<semaphore_mem>>
      %dma_start3A_78 = arith.constant 0 : i32
      %dma_start3A_79 = tpu.memref_slice %arg10[%add3A_39, %dma_start3A_78] : memref<10240x128xf32, #tpu.memory_space<vmem_shared>> -> memref<128x128xf32, #tpu.memory_space<vmem_shared>>
      %dma_start3A_80 = arith.constant 0 : i32
      %dma_start3A_81 = tpu.memref_slice %arg10[%add3A_39, %dma_start3A_80] : memref<10240x128xf32, #tpu.memory_space<vmem_shared>> -> memref<128x128xf32, #tpu.memory_space<vmem_shared>>
      tpu.enqueue_dma source(%arg8 : memref<128x128xf32, #tpu.memory_space<vmem>>) target(%dma_start3A_81 : memref<128x128xf32, #tpu.memory_space<vmem_shared>>) target_semaphore(%run_scoped3A_77 : memref<!tpu.dma_semaphore, #tpu.memory_space<semaphore_mem>>)
      %dma_wait3A = arith.constant 0 : i32
      %dma_wait3A_82 = tpu.memref_slice %arg10[%add3A_39, %dma_wait3A] : memref<10240x128xf32, #tpu.memory_space<vmem_shared>> -> memref<128x128xf32, #tpu.memory_space<vmem_shared>>
      %dma_wait3A_83 = arith.constant 0 : i32
      %dma_wait3A_84 = tpu.memref_slice %arg10[%add3A_39, %dma_wait3A_83] : memref<10240x128xf32, #tpu.memory_space<vmem_shared>> -> memref<128x128xf32, #tpu.memory_space<vmem_shared>>
      tpu.wait_dma2 semaphore(%run_scoped3A_77 : memref<!tpu.dma_semaphore, #tpu.memory_space<semaphore_mem>>) src(%arg8 : memref<128x128xf32, #tpu.memory_space<vmem>>) dst(%dma_wait3A_84 : memref<128x128xf32, #tpu.memory_space<vmem_shared>>)
      tpu.yield
    }) : () -> ()
    %mul3A_40 = arith.constant 640 : i32
    %mul3A_41 = arith.muli %arg1, %mul3A_40 : i32
    %add3A_42 = arith.constant 128 : i32
    %add3A_43 = arith.addi %mul3A_41, %add3A_42 : i32
    "tpu.region"() ({
      %run_scoped3A_77 = tpu.sem_alloc : memref<!tpu.dma_semaphore, #tpu.memory_space<semaphore_mem>>
      %dma_start3A_78 = arith.constant 0 : i32
      %dma_start3A_79 = tpu.memref_slice %arg10[%add3A_43, %dma_start3A_78] : memref<10240x128xf32, #tpu.memory_space<vmem_shared>> -> memref<128x128xf32, #tpu.memory_space<vmem_shared>>
      %dma_start3A_80 = arith.constant 0 : i32
      %dma_start3A_81 = tpu.memref_slice %arg10[%add3A_43, %dma_start3A_80] : memref<10240x128xf32, #tpu.memory_space<vmem_shared>> -> memref<128x128xf32, #tpu.memory_space<vmem_shared>>
      tpu.enqueue_dma source(%arg8 : memref<128x128xf32, #tpu.memory_space<vmem>>) target(%dma_start3A_81 : memref<128x128xf32, #tpu.memory_space<vmem_shared>>) target_semaphore(%run_scoped3A_77 : memref<!tpu.dma_semaphore, #tpu.memory_space<semaphore_mem>>)
      %dma_wait3A = arith.constant 0 : i32
      %dma_wait3A_82 = tpu.memref_slice %arg10[%add3A_43, %dma_wait3A] : memref<10240x128xf32, #tpu.memory_space<vmem_shared>> -> memref<128x128xf32, #tpu.memory_space<vmem_shared>>
      %dma_wait3A_83 = arith.constant 0 : i32
      %dma_wait3A_84 = tpu.memref_slice %arg10[%add3A_43, %dma_wait3A_83] : memref<10240x128xf32, #tpu.memory_space<vmem_shared>> -> memref<128x128xf32, #tpu.memory_space<vmem_shared>>
      tpu.wait_dma2 semaphore(%run_scoped3A_77 : memref<!tpu.dma_semaphore, #tpu.memory_space<semaphore_mem>>) src(%arg8 : memref<128x128xf32, #tpu.memory_space<vmem>>) dst(%dma_wait3A_84 : memref<128x128xf32, #tpu.memory_space<vmem_shared>>)
      tpu.yield
    }) : () -> ()
    %mul3A_44 = arith.constant 640 : i32
    %mul3A_45 = arith.muli %arg1, %mul3A_44 : i32
    %add3A_46 = arith.constant 256 : i32
    %add3A_47 = arith.addi %mul3A_45, %add3A_46 : i32
    "tpu.region"() ({
      %run_scoped3A_77 = tpu.sem_alloc : memref<!tpu.dma_semaphore, #tpu.memory_space<semaphore_mem>>
      %dma_start3A_78 = arith.constant 0 : i32
      %dma_start3A_79 = tpu.memref_slice %arg10[%add3A_47, %dma_start3A_78] : memref<10240x128xf32, #tpu.memory_space<vmem_shared>> -> memref<128x128xf32, #tpu.memory_space<vmem_shared>>
      %dma_start3A_80 = arith.constant 0 : i32
      %dma_start3A_81 = tpu.memref_slice %arg10[%add3A_47, %dma_start3A_80] : memref<10240x128xf32, #tpu.memory_space<vmem_shared>> -> memref<128x128xf32, #tpu.memory_space<vmem_shared>>
      tpu.enqueue_dma source(%arg8 : memref<128x128xf32, #tpu.memory_space<vmem>>) target(%dma_start3A_81 : memref<128x128xf32, #tpu.memory_space<vmem_shared>>) target_semaphore(%run_scoped3A_77 : memref<!tpu.dma_semaphore, #tpu.memory_space<semaphore_mem>>)
      %dma_wait3A = arith.constant 0 : i32
      %dma_wait3A_82 = tpu.memref_slice %arg10[%add3A_47, %dma_wait3A] : memref<10240x128xf32, #tpu.memory_space<vmem_shared>> -> memref<128x128xf32, #tpu.memory_space<vmem_shared>>
      %dma_wait3A_83 = arith.constant 0 : i32
      %dma_wait3A_84 = tpu.memref_slice %arg10[%add3A_47, %dma_wait3A_83] : memref<10240x128xf32, #tpu.memory_space<vmem_shared>> -> memref<128x128xf32, #tpu.memory_space<vmem_shared>>
      tpu.wait_dma2 semaphore(%run_scoped3A_77 : memref<!tpu.dma_semaphore, #tpu.memory_space<semaphore_mem>>) src(%arg8 : memref<128x128xf32, #tpu.memory_space<vmem>>) dst(%dma_wait3A_84 : memref<128x128xf32, #tpu.memory_space<vmem_shared>>)
      tpu.yield
    }) : () -> ()
    %mul3A_48 = arith.constant 640 : i32
    %mul3A_49 = arith.muli %arg1, %mul3A_48 : i32
    %add3A_50 = arith.constant 384 : i32
    %add3A_51 = arith.addi %mul3A_49, %add3A_50 : i32
    "tpu.region"() ({
      %run_scoped3A_77 = tpu.sem_alloc : memref<!tpu.dma_semaphore, #tpu.memory_space<semaphore_mem>>
      %dma_start3A_78 = arith.constant 0 : i32
      %dma_start3A_79 = tpu.memref_slice %arg10[%add3A_51, %dma_start3A_78] : memref<10240x128xf32, #tpu.memory_space<vmem_shared>> -> memref<128x128xf32, #tpu.memory_space<vmem_shared>>
      %dma_start3A_80 = arith.constant 0 : i32
      %dma_start3A_81 = tpu.memref_slice %arg10[%add3A_51, %dma_start3A_80] : memref<10240x128xf32, #tpu.memory_space<vmem_shared>> -> memref<128x128xf32, #tpu.memory_space<vmem_shared>>
      tpu.enqueue_dma source(%arg8 : memref<128x128xf32, #tpu.memory_space<vmem>>) target(%dma_start3A_81 : memref<128x128xf32, #tpu.memory_space<vmem_shared>>) target_semaphore(%run_scoped3A_77 : memref<!tpu.dma_semaphore, #tpu.memory_space<semaphore_mem>>)
      %dma_wait3A = arith.constant 0 : i32
      %dma_wait3A_82 = tpu.memref_slice %arg10[%add3A_51, %dma_wait3A] : memref<10240x128xf32, #tpu.memory_space<vmem_shared>> -> memref<128x128xf32, #tpu.memory_space<vmem_shared>>
      %dma_wait3A_83 = arith.constant 0 : i32
      %dma_wait3A_84 = tpu.memref_slice %arg10[%add3A_51, %dma_wait3A_83] : memref<10240x128xf32, #tpu.memory_space<vmem_shared>> -> memref<128x128xf32, #tpu.memory_space<vmem_shared>>
      tpu.wait_dma2 semaphore(%run_scoped3A_77 : memref<!tpu.dma_semaphore, #tpu.memory_space<semaphore_mem>>) src(%arg8 : memref<128x128xf32, #tpu.memory_space<vmem>>) dst(%dma_wait3A_84 : memref<128x128xf32, #tpu.memory_space<vmem_shared>>)
      tpu.yield
    }) : () -> ()
    %mul3A_52 = arith.constant 640 : i32
    %mul3A_53 = arith.muli %arg1, %mul3A_52 : i32
    %add3A_54 = arith.constant 512 : i32
    %add3A_55 = arith.addi %mul3A_53, %add3A_54 : i32
    "tpu.region"() ({
      %run_scoped3A_77 = tpu.sem_alloc : memref<!tpu.dma_semaphore, #tpu.memory_space<semaphore_mem>>
      %dma_start3A_78 = arith.constant 0 : i32
      %dma_start3A_79 = tpu.memref_slice %arg10[%add3A_55, %dma_start3A_78] : memref<10240x128xf32, #tpu.memory_space<vmem_shared>> -> memref<128x128xf32, #tpu.memory_space<vmem_shared>>
      %dma_start3A_80 = arith.constant 0 : i32
      %dma_start3A_81 = tpu.memref_slice %arg10[%add3A_55, %dma_start3A_80] : memref<10240x128xf32, #tpu.memory_space<vmem_shared>> -> memref<128x128xf32, #tpu.memory_space<vmem_shared>>
      tpu.enqueue_dma source(%arg8 : memref<128x128xf32, #tpu.memory_space<vmem>>) target(%dma_start3A_81 : memref<128x128xf32, #tpu.memory_space<vmem_shared>>) target_semaphore(%run_scoped3A_77 : memref<!tpu.dma_semaphore, #tpu.memory_space<semaphore_mem>>)
      %dma_wait3A = arith.constant 0 : i32
      %dma_wait3A_82 = tpu.memref_slice %arg10[%add3A_55, %dma_wait3A] : memref<10240x128xf32, #tpu.memory_space<vmem_shared>> -> memref<128x128xf32, #tpu.memory_space<vmem_shared>>
      %dma_wait3A_83 = arith.constant 0 : i32
      %dma_wait3A_84 = tpu.memref_slice %arg10[%add3A_55, %dma_wait3A_83] : memref<10240x128xf32, #tpu.memory_space<vmem_shared>> -> memref<128x128xf32, #tpu.memory_space<vmem_shared>>
      tpu.wait_dma2 semaphore(%run_scoped3A_77 : memref<!tpu.dma_semaphore, #tpu.memory_space<semaphore_mem>>) src(%arg8 : memref<128x128xf32, #tpu.memory_space<vmem>>) dst(%dma_wait3A_84 : memref<128x128xf32, #tpu.memory_space<vmem_shared>>)
      tpu.yield
    }) : () -> ()
    %barrier3A = arith.constant 0 : index
    tpu.barrier barrier_id(%barrier3A)
    %and3A = arith.constant true
    %and3A_56 = arith.constant false
    %and3A_57 = arith.andi %and3A, %and3A_56 : i1
    %convert_element_type3A = arith.extui %and3A_57 : i1 to i32
    %cond3A = arith.constant 0 : i32
    %cond3A_58 = arith.cmpi ne, %convert_element_type3A, %cond3A : i32
    scf.if %cond3A_58 {
      %dma_wait3A = arith.constant 0 : i32
      %dma_wait3A_77 = arith.constant 0 : i32
      %dma_wait3A_78 = arith.constant 0 : i32
      %dma_wait3A_79 = arith.constant 0 : i32
      %dma_wait3A_80 = arith.constant 0 : i32
      %dma_wait3A_81 = arith.constant 0 : i32
      %dma_wait3A_82 = tpu.memref_slice %arg6[%dma_wait3A_79, %dma_wait3A_80, %dma_wait3A_81] : memref<3x16x128xi32, #tpu.memory_space<vmem>> -> memref<1x16x128xi32, #tpu.memory_space<vmem>>
      %dma_wait3A_83 = tpu.memref_squeeze %dma_wait3A_82 : memref<1x16x128xi32, #tpu.memory_space<vmem>> -> memref<16x128xi32, #tpu.memory_space<vmem>>
      %dma_wait3A_84 = arith.constant 0 : i32
      %dma_wait3A_85 = arith.constant 0 : i32
      %dma_wait3A_86 = tpu.memref_slice %arg3[%dma_wait3A, %dma_wait3A_77, %dma_wait3A_78, %dma_wait3A_84, %dma_wait3A_85] : memref<2x2x16x80x128xi32, #tpu.memory_space<hbm>> -> memref<1x1x1x16x128xi32, #tpu.memory_space<hbm>>
      %dma_wait3A_87 = tpu.memref_squeeze %dma_wait3A_86 : memref<1x1x1x16x128xi32, #tpu.memory_space<hbm>> -> memref<16x128xi32, #tpu.memory_space<hbm>>
      %dma_wait3A_88 = arith.constant 0 : i32
      %dma_wait3A_89 = arith.constant 0 : i32
      %dma_wait3A_90 = tpu.memref_slice %arg6[%dma_wait3A_79, %dma_wait3A_88, %dma_wait3A_89] : memref<3x16x128xi32, #tpu.memory_space<vmem>> -> memref<1x16x128xi32, #tpu.memory_space<vmem>>
      %dma_wait3A_91 = tpu.memref_squeeze %dma_wait3A_90 : memref<1x16x128xi32, #tpu.memory_space<vmem>> -> memref<16x128xi32, #tpu.memory_space<vmem>>
      %dma_wait3A_92 = arith.constant 0 : i32
      %dma_wait3A_93 = arith.constant 0 : i32
      %dma_wait3A_94 = tpu.memref_slice %arg3[%dma_wait3A, %dma_wait3A_77, %dma_wait3A_78, %dma_wait3A_92, %dma_wait3A_93] : memref<2x2x16x80x128xi32, #tpu.memory_space<hbm>> -> memref<1x1x1x16x128xi32, #tpu.memory_space<hbm>>
      %dma_wait3A_95 = tpu.memref_squeeze %dma_wait3A_94 : memref<1x1x1x16x128xi32, #tpu.memory_space<hbm>> -> memref<16x128xi32, #tpu.memory_space<hbm>>
      tpu.wait_dma2 semaphore(%arg15 : memref<!tpu.dma_semaphore, #tpu.memory_space<semaphore_mem>>) src(%dma_wait3A_95 : memref<16x128xi32, #tpu.memory_space<hbm>>) dst(%dma_wait3A_91 : memref<16x128xi32, #tpu.memory_space<vmem>>)
      %dma_wait3A_96 = arith.constant 1 : i32
      %dma_wait3A_97 = arith.constant 0 : i32
      %dma_wait3A_98 = arith.constant 0 : i32
      %dma_wait3A_99 = arith.constant 0 : i32
      %dma_wait3A_100 = arith.constant 0 : i32
      %dma_wait3A_101 = arith.constant 0 : i32
      %dma_wait3A_102 = tpu.memref_slice %arg7[%dma_wait3A_99, %dma_wait3A_100, %dma_wait3A_101] : memref<3x16x128xi32, #tpu.memory_space<vmem>> -> memref<1x16x128xi32, #tpu.memory_space<vmem>>
      %dma_wait3A_103 = tpu.memref_squeeze %dma_wait3A_102 : memref<1x16x128xi32, #tpu.memory_space<vmem>> -> memref<16x128xi32, #tpu.memory_space<vmem>>
      %dma_wait3A_104 = arith.constant 0 : i32
      %dma_wait3A_105 = arith.constant 0 : i32
      %dma_wait3A_106 = tpu.memref_slice %arg3[%dma_wait3A_96, %dma_wait3A_97, %dma_wait3A_98, %dma_wait3A_104, %dma_wait3A_105] : memref<2x2x16x80x128xi32, #tpu.memory_space<hbm>> -> memref<1x1x1x16x128xi32, #tpu.memory_space<hbm>>
      %dma_wait3A_107 = tpu.memref_squeeze %dma_wait3A_106 : memref<1x1x1x16x128xi32, #tpu.memory_space<hbm>> -> memref<16x128xi32, #tpu.memory_space<hbm>>
      %dma_wait3A_108 = arith.constant 0 : i32
      %dma_wait3A_109 = arith.constant 0 : i32
      %dma_wait3A_110 = tpu.memref_slice %arg7[%dma_wait3A_99, %dma_wait3A_108, %dma_wait3A_109] : memref<3x16x128xi32, #tpu.memory_space<vmem>> -> memref<1x16x128xi32, #tpu.memory_space<vmem>>
      %dma_wait3A_111 = tpu.memref_squeeze %dma_wait3A_110 : memref<1x16x128xi32, #tpu.memory_space<vmem>> -> memref<16x128xi32, #tpu.memory_space<vmem>>
      %dma_wait3A_112 = arith.constant 0 : i32
      %dma_wait3A_113 = arith.constant 0 : i32
      %dma_wait3A_114 = tpu.memref_slice %arg3[%dma_wait3A_96, %dma_wait3A_97, %dma_wait3A_98, %dma_wait3A_112, %dma_wait3A_113] : memref<2x2x16x80x128xi32, #tpu.memory_space<hbm>> -> memref<1x1x1x16x128xi32, #tpu.memory_space<hbm>>
      %dma_wait3A_115 = tpu.memref_squeeze %dma_wait3A_114 : memref<1x1x1x16x128xi32, #tpu.memory_space<hbm>> -> memref<16x128xi32, #tpu.memory_space<hbm>>
      tpu.wait_dma2 semaphore(%arg15 : memref<!tpu.dma_semaphore, #tpu.memory_space<semaphore_mem>>) src(%dma_wait3A_115 : memref<16x128xi32, #tpu.memory_space<hbm>>) dst(%dma_wait3A_111 : memref<16x128xi32, #tpu.memory_space<vmem>>)
      %dma_start3A_116 = arith.constant 0 : i32
      %dma_start3A_117 = arith.constant 1 : i32
      %dma_start3A_118 = arith.constant 0 : i32
      %dma_start3A_119 = arith.constant 0 : i32
      %dma_start3A_120 = tpu.memref_slice %arg6[%dma_start3A_117, %dma_start3A_118, %dma_start3A_119] : memref<3x16x128xi32, #tpu.memory_space<vmem>> -> memref<1x16x128xi32, #tpu.memory_space<vmem>>
      %dma_start3A_121 = tpu.memref_squeeze %dma_start3A_120 : memref<1x16x128xi32, #tpu.memory_space<vmem>> -> memref<16x128xi32, #tpu.memory_space<vmem>>
      %dma_start3A_122 = arith.constant 16 : i32
      %dma_start3A_123 = arith.constant 0 : i32
      %dma_start3A_124 = tpu.memref_slice %arg3[%dma_start3A_116, %arg0, %arg1, %dma_start3A_122, %dma_start3A_123] : memref<2x2x16x80x128xi32, #tpu.memory_space<hbm>> -> memref<1x1x1x16x128xi32, #tpu.memory_space<hbm>>
      %dma_start3A_125 = tpu.memref_squeeze %dma_start3A_124 : memref<1x1x1x16x128xi32, #tpu.memory_space<hbm>> -> memref<16x128xi32, #tpu.memory_space<hbm>>
      %dma_start3A_126 = arith.constant 0 : i32
      %dma_start3A_127 = arith.constant 0 : i32
      %dma_start3A_128 = tpu.memref_slice %arg6[%dma_start3A_117, %dma_start3A_126, %dma_start3A_127] : memref<3x16x128xi32, #tpu.memory_space<vmem>> -> memref<1x16x128xi32, #tpu.memory_space<vmem>>
      %dma_start3A_129 = tpu.memref_squeeze %dma_start3A_128 : memref<1x16x128xi32, #tpu.memory_space<vmem>> -> memref<16x128xi32, #tpu.memory_space<vmem>>
      %dma_start3A_130 = arith.constant 16 : i32
      %dma_start3A_131 = arith.constant 0 : i32
      %dma_start3A_132 = tpu.memref_slice %arg3[%dma_start3A_116, %arg0, %arg1, %dma_start3A_130, %dma_start3A_131] : memref<2x2x16x80x128xi32, #tpu.memory_space<hbm>> -> memref<1x1x1x16x128xi32, #tpu.memory_space<hbm>>
      %dma_start3A_133 = tpu.memref_squeeze %dma_start3A_132 : memref<1x1x1x16x128xi32, #tpu.memory_space<hbm>> -> memref<16x128xi32, #tpu.memory_space<hbm>>
      tpu.enqueue_dma source(%dma_start3A_133 : memref<16x128xi32, #tpu.memory_space<hbm>>) target(%dma_start3A_129 : memref<16x128xi32, #tpu.memory_space<vmem>>) target_semaphore(%arg15 : memref<!tpu.dma_semaphore, #tpu.memory_space<semaphore_mem>>)
      %dma_start3A_134 = arith.constant 1 : i32
      %dma_start3A_135 = arith.constant 1 : i32
      %dma_start3A_136 = arith.constant 0 : i32
      %dma_start3A_137 = arith.constant 0 : i32
      %dma_start3A_138 = tpu.memref_slice %arg7[%dma_start3A_135, %dma_start3A_136, %dma_start3A_137] : memref<3x16x128xi32, #tpu.memory_space<vmem>> -> memref<1x16x128xi32, #tpu.memory_space<vmem>>
      %dma_start3A_139 = tpu.memref_squeeze %dma_start3A_138 : memref<1x16x128xi32, #tpu.memory_space<vmem>> -> memref<16x128xi32, #tpu.memory_space<vmem>>
      %dma_start3A_140 = arith.constant 16 : i32
      %dma_start3A_141 = arith.constant 0 : i32
      %dma_start3A_142 = tpu.memref_slice %arg3[%dma_start3A_134, %arg0, %arg1, %dma_start3A_140, %dma_start3A_141] : memref<2x2x16x80x128xi32, #tpu.memory_space<hbm>> -> memref<1x1x1x16x128xi32, #tpu.memory_space<hbm>>
      %dma_start3A_143 = tpu.memref_squeeze %dma_start3A_142 : memref<1x1x1x16x128xi32, #tpu.memory_space<hbm>> -> memref<16x128xi32, #tpu.memory_space<hbm>>
      %dma_start3A_144 = arith.constant 0 : i32
      %dma_start3A_145 = arith.constant 0 : i32
      %dma_start3A_146 = tpu.memref_slice %arg7[%dma_start3A_135, %dma_start3A_144, %dma_start3A_145] : memref<3x16x128xi32, #tpu.memory_space<vmem>> -> memref<1x16x128xi32, #tpu.memory_space<vmem>>
      %dma_start3A_147 = tpu.memref_squeeze %dma_start3A_146 : memref<1x16x128xi32, #tpu.memory_space<vmem>> -> memref<16x128xi32, #tpu.memory_space<vmem>>
      %dma_start3A_148 = arith.constant 16 : i32
      %dma_start3A_149 = arith.constant 0 : i32
      %dma_start3A_150 = tpu.memref_slice %arg3[%dma_start3A_134, %arg0, %arg1, %dma_start3A_148, %dma_start3A_149] : memref<2x2x16x80x128xi32, #tpu.memory_space<hbm>> -> memref<1x1x1x16x128xi32, #tpu.memory_space<hbm>>
      %dma_start3A_151 = tpu.memref_squeeze %dma_start3A_150 : memref<1x1x1x16x128xi32, #tpu.memory_space<hbm>> -> memref<16x128xi32, #tpu.memory_space<hbm>>
      tpu.enqueue_dma source(%dma_start3A_151 : memref<16x128xi32, #tpu.memory_space<hbm>>) target(%dma_start3A_147 : memref<16x128xi32, #tpu.memory_space<vmem>>) target_semaphore(%arg15 : memref<!tpu.dma_semaphore, #tpu.memory_space<semaphore_mem>>)
    } else {
    }
    %dma_start3A_59 = arith.constant 0 : i32
    %dma_start3A_60 = arith.constant 0 : i32
    %dma_start3A_61 = arith.constant 0 : i32
    %dma_start3A_62 = tpu.memref_slice %arg6[%dma_start3A_59, %dma_start3A_60, %dma_start3A_61] : memref<3x16x128xi32, #tpu.memory_space<vmem>> -> memref<1x1x128xi32, #tpu.memory_space<vmem>>
    %dma_start3A_63 = tpu.memref_squeeze %dma_start3A_62 : memref<1x1x128xi32, #tpu.memory_space<vmem>> -> memref<128xi32, #tpu.memory_space<vmem>>
    %dma_start3A_64 = arith.constant 0 : i32
    %dma_start3A_65 = arith.constant 0 : i32
    %dma_start3A_66 = tpu.memref_slice %arg2[%dma_start3A_64, %dma_start3A_65] : memref<10240x128xf32, #tpu.memory_space<hbm>> -> memref<10240x128xf32, #tpu.memory_space<hbm>>
    tpu.enqueue_indirect_dma source(%dma_start3A_66 : memref<10240x128xf32, #tpu.memory_space<hbm>>) target(%arg8 : memref<128x128xf32, #tpu.memory_space<vmem>>) offsets(%dma_start3A_63 : memref<128xi32, #tpu.memory_space<vmem>>) semaphore(%arg11 : memref<!tpu.dma_semaphore, #tpu.memory_space<semaphore_mem>>)
    %scan3A = arith.constant 0 : i32
    %scan3A_67 = arith.constant 0 : i32
    %scan3A_68 = arith.constant 40 : i32
    %scan3A_69 = arith.addi %scan3A_67, %scan3A_68 : i32
    %scan3A_70 = arith.constant 1 : i32
    scf.for %scan3A_77 = %scan3A_67 to %scan3A_69 step %scan3A_70  : i32 {
      %mul3A_78 = arith.constant 2 : i32
      %mul3A_79 = arith.muli %mul3A_78, %scan3A_77 : i32
      %add3A_80 = arith.constant 1 : i32
      %add3A_81 = arith.addi %mul3A_79, %add3A_80 : i32
      %add3A_82 = arith.constant 2 : i32
      %add3A_83 = arith.addi %mul3A_79, %add3A_82 : i32
      %dma_wait3A = arith.constant 0 : i32
      %dma_wait3A_84 = arith.constant 0 : i32
      %dma_wait3A_85 = tpu.memref_slice %arg2[%dma_wait3A, %dma_wait3A_84] : memref<10240x128xf32, #tpu.memory_space<hbm>> -> memref<128x128xf32, #tpu.memory_space<hbm>>
      %dma_wait3A_86 = arith.constant 0 : i32
      %dma_wait3A_87 = arith.constant 0 : i32
      %dma_wait3A_88 = tpu.memref_slice %arg2[%dma_wait3A_86, %dma_wait3A_87] : memref<10240x128xf32, #tpu.memory_space<hbm>> -> memref<128x128xf32, #tpu.memory_space<hbm>>
      tpu.wait_dma2 semaphore(%arg11 : memref<!tpu.dma_semaphore, #tpu.memory_space<semaphore_mem>>) src(%dma_wait3A_88 : memref<128x128xf32, #tpu.memory_space<hbm>>) dst(%arg8 : memref<128x128xf32, #tpu.memory_space<vmem>>)
      %jit3A = arith.constant 16 : i32
      %eq3A = arith.constant 0 : i32
      %eq3A_89 = arith.cmpi eq, %jit3A, %eq3A : i32
      %jit3A_90 = arith.constant 1 : i32
      %select_n3A = arith.select %eq3A_89, %jit3A_90, %jit3A : i32
      %rem3A = arith.remsi %add3A_81, %select_n3A : i32
      %ne3A = arith.constant 0 : i32
      %ne3A_91 = arith.cmpi ne, %rem3A, %ne3A : i32
      %lt3A = arith.constant 0 : i32
      %lt3A_92 = arith.cmpi slt, %rem3A, %lt3A : i32
      %lt3A_93 = arith.constant 0 : i32
      %lt3A_94 = arith.cmpi slt, %select_n3A, %lt3A_93 : i32
      %ne3A_95 = arith.xori %lt3A_92, %lt3A_94 : i1
      %and3A_96 = arith.andi %ne3A_95, %ne3A_91 : i1
      %add3A_97 = arith.addi %rem3A, %select_n3A : i32
      %select_n3A_98 = arith.select %and3A_96, %add3A_97, %rem3A : i32
      %eq3A_99 = arith.constant 0 : i32
      %eq3A_100 = arith.cmpi eq, %select_n3A_98, %eq3A_99 : i32
      %gt3A = arith.constant 0 : i32
      %gt3A_101 = arith.cmpi sgt, %add3A_81, %gt3A : i32
      %and3A_102 = arith.andi %eq3A_100, %gt3A_101 : i1
      %convert_element_type3A_103 = arith.extui %and3A_102 : i1 to i32
      %cond3A_104 = arith.constant 0 : i32
      %cond3A_105 = arith.cmpi ne, %convert_element_type3A_103, %cond3A_104 : i32
      scf.if %cond3A_105 {
        %dma_wait3A_288 = arith.constant 0 : i32
        %dma_wait3A_289 = arith.constant 0 : i32
        %dma_wait3A_290 = arith.constant 0 : i32
        %dma_wait3A_291 = arith.constant 0 : i32
        %dma_wait3A_292 = arith.constant 0 : i32
        %dma_wait3A_293 = arith.constant 0 : i32
        %dma_wait3A_294 = tpu.memref_slice %arg6[%dma_wait3A_291, %dma_wait3A_292, %dma_wait3A_293] : memref<3x16x128xi32, #tpu.memory_space<vmem>> -> memref<1x16x128xi32, #tpu.memory_space<vmem>>
        %dma_wait3A_295 = tpu.memref_squeeze %dma_wait3A_294 : memref<1x16x128xi32, #tpu.memory_space<vmem>> -> memref<16x128xi32, #tpu.memory_space<vmem>>
        %dma_wait3A_296 = arith.constant 0 : i32
        %dma_wait3A_297 = arith.constant 0 : i32
        %dma_wait3A_298 = tpu.memref_slice %arg3[%dma_wait3A_288, %dma_wait3A_289, %dma_wait3A_290, %dma_wait3A_296, %dma_wait3A_297] : memref<2x2x16x80x128xi32, #tpu.memory_space<hbm>> -> memref<1x1x1x16x128xi32, #tpu.memory_space<hbm>>
        %dma_wait3A_299 = tpu.memref_squeeze %dma_wait3A_298 : memref<1x1x1x16x128xi32, #tpu.memory_space<hbm>> -> memref<16x128xi32, #tpu.memory_space<hbm>>
        %dma_wait3A_300 = arith.constant 0 : i32
        %dma_wait3A_301 = arith.constant 0 : i32
        %dma_wait3A_302 = tpu.memref_slice %arg6[%dma_wait3A_291, %dma_wait3A_300, %dma_wait3A_301] : memref<3x16x128xi32, #tpu.memory_space<vmem>> -> memref<1x16x128xi32, #tpu.memory_space<vmem>>
        %dma_wait3A_303 = tpu.memref_squeeze %dma_wait3A_302 : memref<1x16x128xi32, #tpu.memory_space<vmem>> -> memref<16x128xi32, #tpu.memory_space<vmem>>
        %dma_wait3A_304 = arith.constant 0 : i32
        %dma_wait3A_305 = arith.constant 0 : i32
        %dma_wait3A_306 = tpu.memref_slice %arg3[%dma_wait3A_288, %dma_wait3A_289, %dma_wait3A_290, %dma_wait3A_304, %dma_wait3A_305] : memref<2x2x16x80x128xi32, #tpu.memory_space<hbm>> -> memref<1x1x1x16x128xi32, #tpu.memory_space<hbm>>
        %dma_wait3A_307 = tpu.memref_squeeze %dma_wait3A_306 : memref<1x1x1x16x128xi32, #tpu.memory_space<hbm>> -> memref<16x128xi32, #tpu.memory_space<hbm>>
        tpu.wait_dma2 semaphore(%arg15 : memref<!tpu.dma_semaphore, #tpu.memory_space<semaphore_mem>>) src(%dma_wait3A_307 : memref<16x128xi32, #tpu.memory_space<hbm>>) dst(%dma_wait3A_303 : memref<16x128xi32, #tpu.memory_space<vmem>>)
        %dma_wait3A_308 = arith.constant 1 : i32
        %dma_wait3A_309 = arith.constant 0 : i32
        %dma_wait3A_310 = arith.constant 0 : i32
        %dma_wait3A_311 = arith.constant 0 : i32
        %dma_wait3A_312 = arith.constant 0 : i32
        %dma_wait3A_313 = arith.constant 0 : i32
        %dma_wait3A_314 = tpu.memref_slice %arg7[%dma_wait3A_311, %dma_wait3A_312, %dma_wait3A_313] : memref<3x16x128xi32, #tpu.memory_space<vmem>> -> memref<1x16x128xi32, #tpu.memory_space<vmem>>
        %dma_wait3A_315 = tpu.memref_squeeze %dma_wait3A_314 : memref<1x16x128xi32, #tpu.memory_space<vmem>> -> memref<16x128xi32, #tpu.memory_space<vmem>>
        %dma_wait3A_316 = arith.constant 0 : i32
        %dma_wait3A_317 = arith.constant 0 : i32
        %dma_wait3A_318 = tpu.memref_slice %arg3[%dma_wait3A_308, %dma_wait3A_309, %dma_wait3A_310, %dma_wait3A_316, %dma_wait3A_317] : memref<2x2x16x80x128xi32, #tpu.memory_space<hbm>> -> memref<1x1x1x16x128xi32, #tpu.memory_space<hbm>>
        %dma_wait3A_319 = tpu.memref_squeeze %dma_wait3A_318 : memref<1x1x1x16x128xi32, #tpu.memory_space<hbm>> -> memref<16x128xi32, #tpu.memory_space<hbm>>
        %dma_wait3A_320 = arith.constant 0 : i32
        %dma_wait3A_321 = arith.constant 0 : i32
        %dma_wait3A_322 = tpu.memref_slice %arg7[%dma_wait3A_311, %dma_wait3A_320, %dma_wait3A_321] : memref<3x16x128xi32, #tpu.memory_space<vmem>> -> memref<1x16x128xi32, #tpu.memory_space<vmem>>
        %dma_wait3A_323 = tpu.memref_squeeze %dma_wait3A_322 : memref<1x16x128xi32, #tpu.memory_space<vmem>> -> memref<16x128xi32, #tpu.memory_space<vmem>>
        %dma_wait3A_324 = arith.constant 0 : i32
        %dma_wait3A_325 = arith.constant 0 : i32
        %dma_wait3A_326 = tpu.memref_slice %arg3[%dma_wait3A_308, %dma_wait3A_309, %dma_wait3A_310, %dma_wait3A_324, %dma_wait3A_325] : memref<2x2x16x80x128xi32, #tpu.memory_space<hbm>> -> memref<1x1x1x16x128xi32, #tpu.memory_space<hbm>>
        %dma_wait3A_327 = tpu.memref_squeeze %dma_wait3A_326 : memref<1x1x1x16x128xi32, #tpu.memory_space<hbm>> -> memref<16x128xi32, #tpu.memory_space<hbm>>
        tpu.wait_dma2 semaphore(%arg15 : memref<!tpu.dma_semaphore, #tpu.memory_space<semaphore_mem>>) src(%dma_wait3A_327 : memref<16x128xi32, #tpu.memory_space<hbm>>) dst(%dma_wait3A_323 : memref<16x128xi32, #tpu.memory_space<vmem>>)
        %jit3A_328 = arith.constant 16 : i32
        %div3A_329 = arith.divsi %add3A_81, %jit3A_328 : i32
        %sign3A_330 = arith.constant 0 : i32
        %sign3A_331 = arith.cmpi sgt, %add3A_81, %sign3A_330 : i32
        %sign3A_332 = arith.extui %sign3A_331 : i1 to i32
        %sign3A_333 = arith.constant 0 : i32
        %sign3A_334 = arith.cmpi slt, %add3A_81, %sign3A_333 : i32
        %sign3A_335 = arith.extui %sign3A_334 : i1 to i32
        %sign3A_336 = arith.subi %sign3A_332, %sign3A_335 : i32
        %sign3A_337 = arith.constant 0 : i32
        %sign3A_338 = arith.cmpi sgt, %jit3A_328, %sign3A_337 : i32
        %sign3A_339 = arith.extui %sign3A_338 : i1 to i32
        %sign3A_340 = arith.constant 0 : i32
        %sign3A_341 = arith.cmpi slt, %jit3A_328, %sign3A_340 : i32
        %sign3A_342 = arith.extui %sign3A_341 : i1 to i32
        %sign3A_343 = arith.subi %sign3A_339, %sign3A_342 : i32
        %ne3A_344 = arith.cmpi ne, %sign3A_336, %sign3A_343 : i32
        %rem3A_345 = arith.remsi %add3A_81, %jit3A_328 : i32
        %ne3A_346 = arith.constant 0 : i32
        %ne3A_347 = arith.cmpi ne, %rem3A_345, %ne3A_346 : i32
        %and3A_348 = arith.andi %ne3A_344, %ne3A_347 : i1
        %sub3A_349 = arith.constant 1 : i32
        %sub3A_350 = arith.subi %div3A_329, %sub3A_349 : i32
        %select_n3A_351 = arith.select %and3A_348, %sub3A_350, %div3A_329 : i32
        %add3A_352 = arith.constant 1 : i32
        %add3A_353 = arith.addi %select_n3A_351, %add3A_352 : i32
        %lt3A_354 = arith.constant 5 : i32
        %lt3A_355 = arith.cmpi slt, %add3A_353, %lt3A_354 : i32
        %convert_element_type3A_356 = arith.extui %lt3A_355 : i1 to i32
        %cond3A_357 = arith.constant 0 : i32
        %cond3A_358 = arith.cmpi ne, %convert_element_type3A_356, %cond3A_357 : i32
        scf.if %cond3A_358 {
          %mul3A_359 = arith.constant 16 : i32
          %mul3A_360 = arith.muli %add3A_353, %mul3A_359 : i32
          %jit3A_361 = arith.constant 3 : i32
          %eq3A_362 = arith.constant 0 : i32
          %eq3A_363 = arith.cmpi eq, %jit3A_361, %eq3A_362 : i32
          %jit3A_364 = arith.constant 1 : i32
          %select_n3A_365 = arith.select %eq3A_363, %jit3A_364, %jit3A_361 : i32
          %rem3A_366 = arith.remsi %add3A_353, %select_n3A_365 : i32
          %ne3A_367 = arith.constant 0 : i32
          %ne3A_368 = arith.cmpi ne, %rem3A_366, %ne3A_367 : i32
          %lt3A_369 = arith.constant 0 : i32
          %lt3A_370 = arith.cmpi slt, %rem3A_366, %lt3A_369 : i32
          %lt3A_371 = arith.constant 0 : i32
          %lt3A_372 = arith.cmpi slt, %select_n3A_365, %lt3A_371 : i32
          %ne3A_373 = arith.xori %lt3A_370, %lt3A_372 : i1
          %and3A_374 = arith.andi %ne3A_373, %ne3A_368 : i1
          %add3A_375 = arith.addi %rem3A_366, %select_n3A_365 : i32
          %select_n3A_376 = arith.select %and3A_374, %add3A_375, %rem3A_366 : i32
          %dma_start3A_377 = arith.constant 0 : i32
          %dma_start3A_378 = arith.constant 0 : i32
          %dma_start3A_379 = arith.constant 0 : i32
          %dma_start3A_380 = tpu.memref_slice %arg6[%select_n3A_376, %dma_start3A_378, %dma_start3A_379] : memref<3x16x128xi32, #tpu.memory_space<vmem>> -> memref<1x16x128xi32, #tpu.memory_space<vmem>>
          %dma_start3A_381 = tpu.memref_squeeze %dma_start3A_380 : memref<1x16x128xi32, #tpu.memory_space<vmem>> -> memref<16x128xi32, #tpu.memory_space<vmem>>
          %dma_start3A_382 = arith.constant 0 : i32
          %dma_start3A_383 = tpu.memref_slice %arg3[%dma_start3A_377, %arg0, %arg1, %mul3A_360, %dma_start3A_382] : memref<2x2x16x80x128xi32, #tpu.memory_space<hbm>> -> memref<1x1x1x16x128xi32, #tpu.memory_space<hbm>>
          %dma_start3A_384 = tpu.memref_squeeze %dma_start3A_383 : memref<1x1x1x16x128xi32, #tpu.memory_space<hbm>> -> memref<16x128xi32, #tpu.memory_space<hbm>>
          %dma_start3A_385 = arith.constant 0 : i32
          %dma_start3A_386 = arith.constant 0 : i32
          %dma_start3A_387 = tpu.memref_slice %arg6[%select_n3A_376, %dma_start3A_385, %dma_start3A_386] : memref<3x16x128xi32, #tpu.memory_space<vmem>> -> memref<1x16x128xi32, #tpu.memory_space<vmem>>
          %dma_start3A_388 = tpu.memref_squeeze %dma_start3A_387 : memref<1x16x128xi32, #tpu.memory_space<vmem>> -> memref<16x128xi32, #tpu.memory_space<vmem>>
          %dma_start3A_389 = arith.constant 0 : i32
          %dma_start3A_390 = tpu.memref_slice %arg3[%dma_start3A_377, %arg0, %arg1, %mul3A_360, %dma_start3A_389] : memref<2x2x16x80x128xi32, #tpu.memory_space<hbm>> -> memref<1x1x1x16x128xi32, #tpu.memory_space<hbm>>
          %dma_start3A_391 = tpu.memref_squeeze %dma_start3A_390 : memref<1x1x1x16x128xi32, #tpu.memory_space<hbm>> -> memref<16x128xi32, #tpu.memory_space<hbm>>
          tpu.enqueue_dma source(%dma_start3A_391 : memref<16x128xi32, #tpu.memory_space<hbm>>) target(%dma_start3A_388 : memref<16x128xi32, #tpu.memory_space<vmem>>) target_semaphore(%arg15 : memref<!tpu.dma_semaphore, #tpu.memory_space<semaphore_mem>>)
          %mul3A_392 = arith.constant 16 : i32
          %mul3A_393 = arith.muli %add3A_353, %mul3A_392 : i32
          %jit3A_394 = arith.constant 3 : i32
          %eq3A_395 = arith.constant 0 : i32
          %eq3A_396 = arith.cmpi eq, %jit3A_394, %eq3A_395 : i32
          %jit3A_397 = arith.constant 1 : i32
          %select_n3A_398 = arith.select %eq3A_396, %jit3A_397, %jit3A_394 : i32
          %rem3A_399 = arith.remsi %add3A_353, %select_n3A_398 : i32
          %ne3A_400 = arith.constant 0 : i32
          %ne3A_401 = arith.cmpi ne, %rem3A_399, %ne3A_400 : i32
          %lt3A_402 = arith.constant 0 : i32
          %lt3A_403 = arith.cmpi slt, %rem3A_399, %lt3A_402 : i32
          %lt3A_404 = arith.constant 0 : i32
          %lt3A_405 = arith.cmpi slt, %select_n3A_398, %lt3A_404 : i32
          %ne3A_406 = arith.xori %lt3A_403, %lt3A_405 : i1
          %and3A_407 = arith.andi %ne3A_406, %ne3A_401 : i1
          %add3A_408 = arith.addi %rem3A_399, %select_n3A_398 : i32
          %select_n3A_409 = arith.select %and3A_407, %add3A_408, %rem3A_399 : i32
          %dma_start3A_410 = arith.constant 1 : i32
          %dma_start3A_411 = arith.constant 0 : i32
          %dma_start3A_412 = arith.constant 0 : i32
          %dma_start3A_413 = tpu.memref_slice %arg7[%select_n3A_409, %dma_start3A_411, %dma_start3A_412] : memref<3x16x128xi32, #tpu.memory_space<vmem>> -> memref<1x16x128xi32, #tpu.memory_space<vmem>>
          %dma_start3A_414 = tpu.memref_squeeze %dma_start3A_413 : memref<1x16x128xi32, #tpu.memory_space<vmem>> -> memref<16x128xi32, #tpu.memory_space<vmem>>
          %dma_start3A_415 = arith.constant 0 : i32
          %dma_start3A_416 = tpu.memref_slice %arg3[%dma_start3A_410, %arg0, %arg1, %mul3A_393, %dma_start3A_415] : memref<2x2x16x80x128xi32, #tpu.memory_space<hbm>> -> memref<1x1x1x16x128xi32, #tpu.memory_space<hbm>>
          %dma_start3A_417 = tpu.memref_squeeze %dma_start3A_416 : memref<1x1x1x16x128xi32, #tpu.memory_space<hbm>> -> memref<16x128xi32, #tpu.memory_space<hbm>>
          %dma_start3A_418 = arith.constant 0 : i32
          %dma_start3A_419 = arith.constant 0 : i32
          %dma_start3A_420 = tpu.memref_slice %arg7[%select_n3A_409, %dma_start3A_418, %dma_start3A_419] : memref<3x16x128xi32, #tpu.memory_space<vmem>> -> memref<1x16x128xi32, #tpu.memory_space<vmem>>
          %dma_start3A_421 = tpu.memref_squeeze %dma_start3A_420 : memref<1x16x128xi32, #tpu.memory_space<vmem>> -> memref<16x128xi32, #tpu.memory_space<vmem>>
          %dma_start3A_422 = arith.constant 0 : i32
          %dma_start3A_423 = tpu.memref_slice %arg3[%dma_start3A_410, %arg0, %arg1, %mul3A_393, %dma_start3A_422] : memref<2x2x16x80x128xi32, #tpu.memory_space<hbm>> -> memref<1x1x1x16x128xi32, #tpu.memory_space<hbm>>
          %dma_start3A_424 = tpu.memref_squeeze %dma_start3A_423 : memref<1x1x1x16x128xi32, #tpu.memory_space<hbm>> -> memref<16x128xi32, #tpu.memory_space<hbm>>
          tpu.enqueue_dma source(%dma_start3A_424 : memref<16x128xi32, #tpu.memory_space<hbm>>) target(%dma_start3A_421 : memref<16x128xi32, #tpu.memory_space<vmem>>) target_semaphore(%arg15 : memref<!tpu.dma_semaphore, #tpu.memory_space<semaphore_mem>>)
        } else {
        }
      } else {
      }
      %jit3A_106 = arith.constant 16 : i32
      %div3A = arith.divsi %add3A_81, %jit3A_106 : i32
      %sign3A = arith.constant 0 : i32
      %sign3A_107 = arith.cmpi sgt, %add3A_81, %sign3A : i32
      %sign3A_108 = arith.extui %sign3A_107 : i1 to i32
      %sign3A_109 = arith.constant 0 : i32
      %sign3A_110 = arith.cmpi slt, %add3A_81, %sign3A_109 : i32
      %sign3A_111 = arith.extui %sign3A_110 : i1 to i32
      %sign3A_112 = arith.subi %sign3A_108, %sign3A_111 : i32
      %sign3A_113 = arith.constant 0 : i32
      %sign3A_114 = arith.cmpi sgt, %jit3A_106, %sign3A_113 : i32
      %sign3A_115 = arith.extui %sign3A_114 : i1 to i32
      %sign3A_116 = arith.constant 0 : i32
      %sign3A_117 = arith.cmpi slt, %jit3A_106, %sign3A_116 : i32
      %sign3A_118 = arith.extui %sign3A_117 : i1 to i32
      %sign3A_119 = arith.subi %sign3A_115, %sign3A_118 : i32
      %ne3A_120 = arith.cmpi ne, %sign3A_112, %sign3A_119 : i32
      %rem3A_121 = arith.remsi %add3A_81, %jit3A_106 : i32
      %ne3A_122 = arith.constant 0 : i32
      %ne3A_123 = arith.cmpi ne, %rem3A_121, %ne3A_122 : i32
      %and3A_124 = arith.andi %ne3A_120, %ne3A_123 : i1
      %sub3A = arith.constant 1 : i32
      %sub3A_125 = arith.subi %div3A, %sub3A : i32
      %select_n3A_126 = arith.select %and3A_124, %sub3A_125, %div3A : i32
      %jit3A_127 = arith.constant 3 : i32
      %eq3A_128 = arith.constant 0 : i32
      %eq3A_129 = arith.cmpi eq, %jit3A_127, %eq3A_128 : i32
      %jit3A_130 = arith.constant 1 : i32
      %select_n3A_131 = arith.select %eq3A_129, %jit3A_130, %jit3A_127 : i32
      %rem3A_132 = arith.remsi %select_n3A_126, %select_n3A_131 : i32
      %ne3A_133 = arith.constant 0 : i32
      %ne3A_134 = arith.cmpi ne, %rem3A_132, %ne3A_133 : i32
      %lt3A_135 = arith.constant 0 : i32
      %lt3A_136 = arith.cmpi slt, %rem3A_132, %lt3A_135 : i32
      %lt3A_137 = arith.constant 0 : i32
      %lt3A_138 = arith.cmpi slt, %select_n3A_131, %lt3A_137 : i32
      %ne3A_139 = arith.xori %lt3A_136, %lt3A_138 : i1
      %and3A_140 = arith.andi %ne3A_139, %ne3A_134 : i1
      %add3A_141 = arith.addi %rem3A_132, %select_n3A_131 : i32
      %select_n3A_142 = arith.select %and3A_140, %add3A_141, %rem3A_132 : i32
      %jit3A_143 = arith.constant 16 : i32
      %eq3A_144 = arith.constant 0 : i32
      %eq3A_145 = arith.cmpi eq, %jit3A_143, %eq3A_144 : i32
      %jit3A_146 = arith.constant 1 : i32
      %select_n3A_147 = arith.select %eq3A_145, %jit3A_146, %jit3A_143 : i32
      %rem3A_148 = arith.remsi %add3A_81, %select_n3A_147 : i32
      %ne3A_149 = arith.constant 0 : i32
      %ne3A_150 = arith.cmpi ne, %rem3A_148, %ne3A_149 : i32
      %lt3A_151 = arith.constant 0 : i32
      %lt3A_152 = arith.cmpi slt, %rem3A_148, %lt3A_151 : i32
      %lt3A_153 = arith.constant 0 : i32
      %lt3A_154 = arith.cmpi slt, %select_n3A_147, %lt3A_153 : i32
      %ne3A_155 = arith.xori %lt3A_152, %lt3A_154 : i1
      %and3A_156 = arith.andi %ne3A_155, %ne3A_150 : i1
      %add3A_157 = arith.addi %rem3A_148, %select_n3A_147 : i32
      %select_n3A_158 = arith.select %and3A_156, %add3A_157, %rem3A_148 : i32
      %dma_start3A_159 = arith.constant 0 : i32
      %dma_start3A_160 = tpu.memref_slice %arg6[%select_n3A_142, %select_n3A_158, %dma_start3A_159] : memref<3x16x128xi32, #tpu.memory_space<vmem>> -> memref<1x1x128xi32, #tpu.memory_space<vmem>>
      %dma_start3A_161 = tpu.memref_squeeze %dma_start3A_160 : memref<1x1x128xi32, #tpu.memory_space<vmem>> -> memref<128xi32, #tpu.memory_space<vmem>>
      %dma_start3A_162 = arith.constant 0 : i32
      %dma_start3A_163 = arith.constant 0 : i32
      %dma_start3A_164 = tpu.memref_slice %arg2[%dma_start3A_162, %dma_start3A_163] : memref<10240x128xf32, #tpu.memory_space<hbm>> -> memref<10240x128xf32, #tpu.memory_space<hbm>>
      tpu.enqueue_indirect_dma source(%dma_start3A_164 : memref<10240x128xf32, #tpu.memory_space<hbm>>) target(%arg9 : memref<128x128xf32, #tpu.memory_space<vmem>>) offsets(%dma_start3A_161 : memref<128xi32, #tpu.memory_space<vmem>>) semaphore(%arg12 : memref<!tpu.dma_semaphore, #tpu.memory_space<semaphore_mem>>)
      %jit3A_165 = arith.constant 16 : i32
      %div3A_166 = arith.divsi %mul3A_79, %jit3A_165 : i32
      %sign3A_167 = arith.constant 0 : i32
      %sign3A_168 = arith.cmpi sgt, %mul3A_79, %sign3A_167 : i32
      %sign3A_169 = arith.extui %sign3A_168 : i1 to i32
      %sign3A_170 = arith.constant 0 : i32
      %sign3A_171 = arith.cmpi slt, %mul3A_79, %sign3A_170 : i32
      %sign3A_172 = arith.extui %sign3A_171 : i1 to i32
      %sign3A_173 = arith.subi %sign3A_169, %sign3A_172 : i32
      %sign3A_174 = arith.constant 0 : i32
      %sign3A_175 = arith.cmpi sgt, %jit3A_165, %sign3A_174 : i32
      %sign3A_176 = arith.extui %sign3A_175 : i1 to i32
      %sign3A_177 = arith.constant 0 : i32
      %sign3A_178 = arith.cmpi slt, %jit3A_165, %sign3A_177 : i32
      %sign3A_179 = arith.extui %sign3A_178 : i1 to i32
      %sign3A_180 = arith.subi %sign3A_176, %sign3A_179 : i32
      %ne3A_181 = arith.cmpi ne, %sign3A_173, %sign3A_180 : i32
      %rem3A_182 = arith.remsi %mul3A_79, %jit3A_165 : i32
      %ne3A_183 = arith.constant 0 : i32
      %ne3A_184 = arith.cmpi ne, %rem3A_182, %ne3A_183 : i32
      %and3A_185 = arith.andi %ne3A_181, %ne3A_184 : i1
      %sub3A_186 = arith.constant 1 : i32
      %sub3A_187 = arith.subi %div3A_166, %sub3A_186 : i32
      %select_n3A_188 = arith.select %and3A_185, %sub3A_187, %div3A_166 : i32
      %jit3A_189 = arith.constant 3 : i32
      %eq3A_190 = arith.constant 0 : i32
      %eq3A_191 = arith.cmpi eq, %jit3A_189, %eq3A_190 : i32
      %jit3A_192 = arith.constant 1 : i32
      %select_n3A_193 = arith.select %eq3A_191, %jit3A_192, %jit3A_189 : i32
      %rem3A_194 = arith.remsi %select_n3A_188, %select_n3A_193 : i32
      %ne3A_195 = arith.constant 0 : i32
      %ne3A_196 = arith.cmpi ne, %rem3A_194, %ne3A_195 : i32
      %lt3A_197 = arith.constant 0 : i32
      %lt3A_198 = arith.cmpi slt, %rem3A_194, %lt3A_197 : i32
      %lt3A_199 = arith.constant 0 : i32
      %lt3A_200 = arith.cmpi slt, %select_n3A_193, %lt3A_199 : i32
      %ne3A_201 = arith.xori %lt3A_198, %lt3A_200 : i1
      %and3A_202 = arith.andi %ne3A_201, %ne3A_196 : i1
      %add3A_203 = arith.addi %rem3A_194, %select_n3A_193 : i32
      %select_n3A_204 = arith.select %and3A_202, %add3A_203, %rem3A_194 : i32
      %jit3A_205 = arith.constant 16 : i32
      %eq3A_206 = arith.constant 0 : i32
      %eq3A_207 = arith.cmpi eq, %jit3A_205, %eq3A_206 : i32
      %jit3A_208 = arith.constant 1 : i32
      %select_n3A_209 = arith.select %eq3A_207, %jit3A_208, %jit3A_205 : i32
      %rem3A_210 = arith.remsi %mul3A_79, %select_n3A_209 : i32
      %ne3A_211 = arith.constant 0 : i32
      %ne3A_212 = arith.cmpi ne, %rem3A_210, %ne3A_211 : i32
      %lt3A_213 = arith.constant 0 : i32
      %lt3A_214 = arith.cmpi slt, %rem3A_210, %lt3A_213 : i32
      %lt3A_215 = arith.constant 0 : i32
      %lt3A_216 = arith.cmpi slt, %select_n3A_209, %lt3A_215 : i32
      %ne3A_217 = arith.xori %lt3A_214, %lt3A_216 : i1
      %and3A_218 = arith.andi %ne3A_217, %ne3A_212 : i1
      %add3A_219 = arith.addi %rem3A_210, %select_n3A_209 : i32
      %select_n3A_220 = arith.select %and3A_218, %add3A_219, %rem3A_210 : i32
      "tpu.region"() ({
        %run_scoped3A_288 = tpu.sem_alloc : memref<!tpu.dma_semaphore, #tpu.memory_space<semaphore_mem>>
        %dma_start3A_289 = arith.constant 0 : i32
        %dma_start3A_290 = tpu.memref_slice %arg7[%select_n3A_204, %select_n3A_220, %dma_start3A_289] : memref<3x16x128xi32, #tpu.memory_space<vmem>> -> memref<1x1x128xi32, #tpu.memory_space<vmem>>
        %dma_start3A_291 = tpu.memref_squeeze %dma_start3A_290 : memref<1x1x128xi32, #tpu.memory_space<vmem>> -> memref<128xi32, #tpu.memory_space<vmem>>
        %dma_start3A_292 = arith.constant 0 : i32
        %dma_start3A_293 = arith.constant 0 : i32
        %dma_start3A_294 = tpu.memref_slice %arg10[%dma_start3A_292, %dma_start3A_293] : memref<10240x128xf32, #tpu.memory_space<vmem_shared>> -> memref<10240x128xf32, #tpu.memory_space<vmem_shared>>
        tpu.enqueue_indirect_dma source(%arg8 : memref<128x128xf32, #tpu.memory_space<vmem>>) target(%dma_start3A_294 : memref<10240x128xf32, #tpu.memory_space<vmem_shared>>) offsets(%dma_start3A_291 : memref<128xi32, #tpu.memory_space<vmem>>) semaphore(%run_scoped3A_288 : memref<!tpu.dma_semaphore, #tpu.memory_space<semaphore_mem>>) {add = true}
        %dma_wait3A_295 = arith.constant 0 : i32
        %dma_wait3A_296 = tpu.memref_slice %arg7[%select_n3A_204, %select_n3A_220, %dma_wait3A_295] : memref<3x16x128xi32, #tpu.memory_space<vmem>> -> memref<1x1x128xi32, #tpu.memory_space<vmem>>
        %dma_wait3A_297 = tpu.memref_squeeze %dma_wait3A_296 : memref<1x1x128xi32, #tpu.memory_space<vmem>> -> memref<128xi32, #tpu.memory_space<vmem>>
        %dma_wait3A_298 = arith.constant 0 : i32
        %dma_wait3A_299 = arith.constant 0 : i32
        %dma_wait3A_300 = tpu.memref_slice %arg10[%dma_wait3A_298, %dma_wait3A_299] : memref<10240x128xf32, #tpu.memory_space<vmem_shared>> -> memref<10240x128xf32, #tpu.memory_space<vmem_shared>>
        tpu.wait_indirect_dma semaphore(%run_scoped3A_288 : memref<!tpu.dma_semaphore, #tpu.memory_space<semaphore_mem>>) src(%arg8 : memref<128x128xf32, #tpu.memory_space<vmem>>) dst(%dma_wait3A_300 : memref<10240x128xf32, #tpu.memory_space<vmem_shared>>)
        tpu.yield
      }) : () -> ()
      %lt3A_221 = arith.constant 80 : i32
      %lt3A_222 = arith.cmpi slt, %add3A_83, %lt3A_221 : i32
      %convert_element_type3A_223 = arith.extui %lt3A_222 : i1 to i32
      %cond3A_224 = arith.constant 0 : i32
      %cond3A_225 = arith.cmpi ne, %convert_element_type3A_223, %cond3A_224 : i32
      scf.if %cond3A_225 {
        %jit3A_288 = arith.constant 16 : i32
        %eq3A_289 = arith.constant 0 : i32
        %eq3A_290 = arith.cmpi eq, %jit3A_288, %eq3A_289 : i32
        %jit3A_291 = arith.constant 1 : i32
        %select_n3A_292 = arith.select %eq3A_290, %jit3A_291, %jit3A_288 : i32
        %rem3A_293 = arith.remsi %add3A_83, %select_n3A_292 : i32
        %ne3A_294 = arith.constant 0 : i32
        %ne3A_295 = arith.cmpi ne, %rem3A_293, %ne3A_294 : i32
        %lt3A_296 = arith.constant 0 : i32
        %lt3A_297 = arith.cmpi slt, %rem3A_293, %lt3A_296 : i32
        %lt3A_298 = arith.constant 0 : i32
        %lt3A_299 = arith.cmpi slt, %select_n3A_292, %lt3A_298 : i32
        %ne3A_300 = arith.xori %lt3A_297, %lt3A_299 : i1
        %and3A_301 = arith.andi %ne3A_300, %ne3A_295 : i1
        %add3A_302 = arith.addi %rem3A_293, %select_n3A_292 : i32
        %select_n3A_303 = arith.select %and3A_301, %add3A_302, %rem3A_293 : i32
        %eq3A_304 = arith.constant 0 : i32
        %eq3A_305 = arith.cmpi eq, %select_n3A_303, %eq3A_304 : i32
        %gt3A_306 = arith.constant 0 : i32
        %gt3A_307 = arith.cmpi sgt, %add3A_83, %gt3A_306 : i32
        %and3A_308 = arith.andi %eq3A_305, %gt3A_307 : i1
        %convert_element_type3A_309 = arith.extui %and3A_308 : i1 to i32
        %cond3A_310 = arith.constant 0 : i32
        %cond3A_311 = arith.cmpi ne, %convert_element_type3A_309, %cond3A_310 : i32
        scf.if %cond3A_311 {
          %dma_wait3A_374 = arith.constant 0 : i32
          %dma_wait3A_375 = arith.constant 0 : i32
          %dma_wait3A_376 = arith.constant 0 : i32
          %dma_wait3A_377 = arith.constant 0 : i32
          %dma_wait3A_378 = arith.constant 0 : i32
          %dma_wait3A_379 = arith.constant 0 : i32
          %dma_wait3A_380 = tpu.memref_slice %arg6[%dma_wait3A_377, %dma_wait3A_378, %dma_wait3A_379] : memref<3x16x128xi32, #tpu.memory_space<vmem>> -> memref<1x16x128xi32, #tpu.memory_space<vmem>>
          %dma_wait3A_381 = tpu.memref_squeeze %dma_wait3A_380 : memref<1x16x128xi32, #tpu.memory_space<vmem>> -> memref<16x128xi32, #tpu.memory_space<vmem>>
          %dma_wait3A_382 = arith.constant 0 : i32
          %dma_wait3A_383 = arith.constant 0 : i32
          %dma_wait3A_384 = tpu.memref_slice %arg3[%dma_wait3A_374, %dma_wait3A_375, %dma_wait3A_376, %dma_wait3A_382, %dma_wait3A_383] : memref<2x2x16x80x128xi32, #tpu.memory_space<hbm>> -> memref<1x1x1x16x128xi32, #tpu.memory_space<hbm>>
          %dma_wait3A_385 = tpu.memref_squeeze %dma_wait3A_384 : memref<1x1x1x16x128xi32, #tpu.memory_space<hbm>> -> memref<16x128xi32, #tpu.memory_space<hbm>>
          %dma_wait3A_386 = arith.constant 0 : i32
          %dma_wait3A_387 = arith.constant 0 : i32
          %dma_wait3A_388 = tpu.memref_slice %arg6[%dma_wait3A_377, %dma_wait3A_386, %dma_wait3A_387] : memref<3x16x128xi32, #tpu.memory_space<vmem>> -> memref<1x16x128xi32, #tpu.memory_space<vmem>>
          %dma_wait3A_389 = tpu.memref_squeeze %dma_wait3A_388 : memref<1x16x128xi32, #tpu.memory_space<vmem>> -> memref<16x128xi32, #tpu.memory_space<vmem>>
          %dma_wait3A_390 = arith.constant 0 : i32
          %dma_wait3A_391 = arith.constant 0 : i32
          %dma_wait3A_392 = tpu.memref_slice %arg3[%dma_wait3A_374, %dma_wait3A_375, %dma_wait3A_376, %dma_wait3A_390, %dma_wait3A_391] : memref<2x2x16x80x128xi32, #tpu.memory_space<hbm>> -> memref<1x1x1x16x128xi32, #tpu.memory_space<hbm>>
          %dma_wait3A_393 = tpu.memref_squeeze %dma_wait3A_392 : memref<1x1x1x16x128xi32, #tpu.memory_space<hbm>> -> memref<16x128xi32, #tpu.memory_space<hbm>>
          tpu.wait_dma2 semaphore(%arg15 : memref<!tpu.dma_semaphore, #tpu.memory_space<semaphore_mem>>) src(%dma_wait3A_393 : memref<16x128xi32, #tpu.memory_space<hbm>>) dst(%dma_wait3A_389 : memref<16x128xi32, #tpu.memory_space<vmem>>)
          %dma_wait3A_394 = arith.constant 1 : i32
          %dma_wait3A_395 = arith.constant 0 : i32
          %dma_wait3A_396 = arith.constant 0 : i32
          %dma_wait3A_397 = arith.constant 0 : i32
          %dma_wait3A_398 = arith.constant 0 : i32
          %dma_wait3A_399 = arith.constant 0 : i32
          %dma_wait3A_400 = tpu.memref_slice %arg7[%dma_wait3A_397, %dma_wait3A_398, %dma_wait3A_399] : memref<3x16x128xi32, #tpu.memory_space<vmem>> -> memref<1x16x128xi32, #tpu.memory_space<vmem>>
          %dma_wait3A_401 = tpu.memref_squeeze %dma_wait3A_400 : memref<1x16x128xi32, #tpu.memory_space<vmem>> -> memref<16x128xi32, #tpu.memory_space<vmem>>
          %dma_wait3A_402 = arith.constant 0 : i32
          %dma_wait3A_403 = arith.constant 0 : i32
          %dma_wait3A_404 = tpu.memref_slice %arg3[%dma_wait3A_394, %dma_wait3A_395, %dma_wait3A_396, %dma_wait3A_402, %dma_wait3A_403] : memref<2x2x16x80x128xi32, #tpu.memory_space<hbm>> -> memref<1x1x1x16x128xi32, #tpu.memory_space<hbm>>
          %dma_wait3A_405 = tpu.memref_squeeze %dma_wait3A_404 : memref<1x1x1x16x128xi32, #tpu.memory_space<hbm>> -> memref<16x128xi32, #tpu.memory_space<hbm>>
          %dma_wait3A_406 = arith.constant 0 : i32
          %dma_wait3A_407 = arith.constant 0 : i32
          %dma_wait3A_408 = tpu.memref_slice %arg7[%dma_wait3A_397, %dma_wait3A_406, %dma_wait3A_407] : memref<3x16x128xi32, #tpu.memory_space<vmem>> -> memref<1x16x128xi32, #tpu.memory_space<vmem>>
          %dma_wait3A_409 = tpu.memref_squeeze %dma_wait3A_408 : memref<1x16x128xi32, #tpu.memory_space<vmem>> -> memref<16x128xi32, #tpu.memory_space<vmem>>
          %dma_wait3A_410 = arith.constant 0 : i32
          %dma_wait3A_411 = arith.constant 0 : i32
          %dma_wait3A_412 = tpu.memref_slice %arg3[%dma_wait3A_394, %dma_wait3A_395, %dma_wait3A_396, %dma_wait3A_410, %dma_wait3A_411] : memref<2x2x16x80x128xi32, #tpu.memory_space<hbm>> -> memref<1x1x1x16x128xi32, #tpu.memory_space<hbm>>
          %dma_wait3A_413 = tpu.memref_squeeze %dma_wait3A_412 : memref<1x1x1x16x128xi32, #tpu.memory_space<hbm>> -> memref<16x128xi32, #tpu.memory_space<hbm>>
          tpu.wait_dma2 semaphore(%arg15 : memref<!tpu.dma_semaphore, #tpu.memory_space<semaphore_mem>>) src(%dma_wait3A_413 : memref<16x128xi32, #tpu.memory_space<hbm>>) dst(%dma_wait3A_409 : memref<16x128xi32, #tpu.memory_space<vmem>>)
          %jit3A_414 = arith.constant 16 : i32
          %div3A_415 = arith.divsi %add3A_83, %jit3A_414 : i32
          %sign3A_416 = arith.constant 0 : i32
          %sign3A_417 = arith.cmpi sgt, %add3A_83, %sign3A_416 : i32
          %sign3A_418 = arith.extui %sign3A_417 : i1 to i32
          %sign3A_419 = arith.constant 0 : i32
          %sign3A_420 = arith.cmpi slt, %add3A_83, %sign3A_419 : i32
          %sign3A_421 = arith.extui %sign3A_420 : i1 to i32
          %sign3A_422 = arith.subi %sign3A_418, %sign3A_421 : i32
          %sign3A_423 = arith.constant 0 : i32
          %sign3A_424 = arith.cmpi sgt, %jit3A_414, %sign3A_423 : i32
          %sign3A_425 = arith.extui %sign3A_424 : i1 to i32
          %sign3A_426 = arith.constant 0 : i32
          %sign3A_427 = arith.cmpi slt, %jit3A_414, %sign3A_426 : i32
          %sign3A_428 = arith.extui %sign3A_427 : i1 to i32
          %sign3A_429 = arith.subi %sign3A_425, %sign3A_428 : i32
          %ne3A_430 = arith.cmpi ne, %sign3A_422, %sign3A_429 : i32
          %rem3A_431 = arith.remsi %add3A_83, %jit3A_414 : i32
          %ne3A_432 = arith.constant 0 : i32
          %ne3A_433 = arith.cmpi ne, %rem3A_431, %ne3A_432 : i32
          %and3A_434 = arith.andi %ne3A_430, %ne3A_433 : i1
          %sub3A_435 = arith.constant 1 : i32
          %sub3A_436 = arith.subi %div3A_415, %sub3A_435 : i32
          %select_n3A_437 = arith.select %and3A_434, %sub3A_436, %div3A_415 : i32
          %add3A_438 = arith.constant 1 : i32
          %add3A_439 = arith.addi %select_n3A_437, %add3A_438 : i32
          %lt3A_440 = arith.constant 5 : i32
          %lt3A_441 = arith.cmpi slt, %add3A_439, %lt3A_440 : i32
          %convert_element_type3A_442 = arith.extui %lt3A_441 : i1 to i32
          %cond3A_443 = arith.constant 0 : i32
          %cond3A_444 = arith.cmpi ne, %convert_element_type3A_442, %cond3A_443 : i32
          scf.if %cond3A_444 {
            %mul3A_445 = arith.constant 16 : i32
            %mul3A_446 = arith.muli %add3A_439, %mul3A_445 : i32
            %jit3A_447 = arith.constant 3 : i32
            %eq3A_448 = arith.constant 0 : i32
            %eq3A_449 = arith.cmpi eq, %jit3A_447, %eq3A_448 : i32
            %jit3A_450 = arith.constant 1 : i32
            %select_n3A_451 = arith.select %eq3A_449, %jit3A_450, %jit3A_447 : i32
            %rem3A_452 = arith.remsi %add3A_439, %select_n3A_451 : i32
            %ne3A_453 = arith.constant 0 : i32
            %ne3A_454 = arith.cmpi ne, %rem3A_452, %ne3A_453 : i32
            %lt3A_455 = arith.constant 0 : i32
            %lt3A_456 = arith.cmpi slt, %rem3A_452, %lt3A_455 : i32
            %lt3A_457 = arith.constant 0 : i32
            %lt3A_458 = arith.cmpi slt, %select_n3A_451, %lt3A_457 : i32
            %ne3A_459 = arith.xori %lt3A_456, %lt3A_458 : i1
            %and3A_460 = arith.andi %ne3A_459, %ne3A_454 : i1
            %add3A_461 = arith.addi %rem3A_452, %select_n3A_451 : i32
            %select_n3A_462 = arith.select %and3A_460, %add3A_461, %rem3A_452 : i32
            %dma_start3A_463 = arith.constant 0 : i32
            %dma_start3A_464 = arith.constant 0 : i32
            %dma_start3A_465 = arith.constant 0 : i32
            %dma_start3A_466 = tpu.memref_slice %arg6[%select_n3A_462, %dma_start3A_464, %dma_start3A_465] : memref<3x16x128xi32, #tpu.memory_space<vmem>> -> memref<1x16x128xi32, #tpu.memory_space<vmem>>
            %dma_start3A_467 = tpu.memref_squeeze %dma_start3A_466 : memref<1x16x128xi32, #tpu.memory_space<vmem>> -> memref<16x128xi32, #tpu.memory_space<vmem>>
            %dma_start3A_468 = arith.constant 0 : i32
            %dma_start3A_469 = tpu.memref_slice %arg3[%dma_start3A_463, %arg0, %arg1, %mul3A_446, %dma_start3A_468] : memref<2x2x16x80x128xi32, #tpu.memory_space<hbm>> -> memref<1x1x1x16x128xi32, #tpu.memory_space<hbm>>
            %dma_start3A_470 = tpu.memref_squeeze %dma_start3A_469 : memref<1x1x1x16x128xi32, #tpu.memory_space<hbm>> -> memref<16x128xi32, #tpu.memory_space<hbm>>
            %dma_start3A_471 = arith.constant 0 : i32
            %dma_start3A_472 = arith.constant 0 : i32
            %dma_start3A_473 = tpu.memref_slice %arg6[%select_n3A_462, %dma_start3A_471, %dma_start3A_472] : memref<3x16x128xi32, #tpu.memory_space<vmem>> -> memref<1x16x128xi32, #tpu.memory_space<vmem>>
            %dma_start3A_474 = tpu.memref_squeeze %dma_start3A_473 : memref<1x16x128xi32, #tpu.memory_space<vmem>> -> memref<16x128xi32, #tpu.memory_space<vmem>>
            %dma_start3A_475 = arith.constant 0 : i32
            %dma_start3A_476 = tpu.memref_slice %arg3[%dma_start3A_463, %arg0, %arg1, %mul3A_446, %dma_start3A_475] : memref<2x2x16x80x128xi32, #tpu.memory_space<hbm>> -> memref<1x1x1x16x128xi32, #tpu.memory_space<hbm>>
            %dma_start3A_477 = tpu.memref_squeeze %dma_start3A_476 : memref<1x1x1x16x128xi32, #tpu.memory_space<hbm>> -> memref<16x128xi32, #tpu.memory_space<hbm>>
            tpu.enqueue_dma source(%dma_start3A_477 : memref<16x128xi32, #tpu.memory_space<hbm>>) target(%dma_start3A_474 : memref<16x128xi32, #tpu.memory_space<vmem>>) target_semaphore(%arg15 : memref<!tpu.dma_semaphore, #tpu.memory_space<semaphore_mem>>)
            %mul3A_478 = arith.constant 16 : i32
            %mul3A_479 = arith.muli %add3A_439, %mul3A_478 : i32
            %jit3A_480 = arith.constant 3 : i32
            %eq3A_481 = arith.constant 0 : i32
            %eq3A_482 = arith.cmpi eq, %jit3A_480, %eq3A_481 : i32
            %jit3A_483 = arith.constant 1 : i32
            %select_n3A_484 = arith.select %eq3A_482, %jit3A_483, %jit3A_480 : i32
            %rem3A_485 = arith.remsi %add3A_439, %select_n3A_484 : i32
            %ne3A_486 = arith.constant 0 : i32
            %ne3A_487 = arith.cmpi ne, %rem3A_485, %ne3A_486 : i32
            %lt3A_488 = arith.constant 0 : i32
            %lt3A_489 = arith.cmpi slt, %rem3A_485, %lt3A_488 : i32
            %lt3A_490 = arith.constant 0 : i32
            %lt3A_491 = arith.cmpi slt, %select_n3A_484, %lt3A_490 : i32
            %ne3A_492 = arith.xori %lt3A_489, %lt3A_491 : i1
            %and3A_493 = arith.andi %ne3A_492, %ne3A_487 : i1
            %add3A_494 = arith.addi %rem3A_485, %select_n3A_484 : i32
            %select_n3A_495 = arith.select %and3A_493, %add3A_494, %rem3A_485 : i32
            %dma_start3A_496 = arith.constant 1 : i32
            %dma_start3A_497 = arith.constant 0 : i32
            %dma_start3A_498 = arith.constant 0 : i32
            %dma_start3A_499 = tpu.memref_slice %arg7[%select_n3A_495, %dma_start3A_497, %dma_start3A_498] : memref<3x16x128xi32, #tpu.memory_space<vmem>> -> memref<1x16x128xi32, #tpu.memory_space<vmem>>
            %dma_start3A_500 = tpu.memref_squeeze %dma_start3A_499 : memref<1x16x128xi32, #tpu.memory_space<vmem>> -> memref<16x128xi32, #tpu.memory_space<vmem>>
            %dma_start3A_501 = arith.constant 0 : i32
            %dma_start3A_502 = tpu.memref_slice %arg3[%dma_start3A_496, %arg0, %arg1, %mul3A_479, %dma_start3A_501] : memref<2x2x16x80x128xi32, #tpu.memory_space<hbm>> -> memref<1x1x1x16x128xi32, #tpu.memory_space<hbm>>
            %dma_start3A_503 = tpu.memref_squeeze %dma_start3A_502 : memref<1x1x1x16x128xi32, #tpu.memory_space<hbm>> -> memref<16x128xi32, #tpu.memory_space<hbm>>
            %dma_start3A_504 = arith.constant 0 : i32
            %dma_start3A_505 = arith.constant 0 : i32
            %dma_start3A_506 = tpu.memref_slice %arg7[%select_n3A_495, %dma_start3A_504, %dma_start3A_505] : memref<3x16x128xi32, #tpu.memory_space<vmem>> -> memref<1x16x128xi32, #tpu.memory_space<vmem>>
            %dma_start3A_507 = tpu.memref_squeeze %dma_start3A_506 : memref<1x16x128xi32, #tpu.memory_space<vmem>> -> memref<16x128xi32, #tpu.memory_space<vmem>>
            %dma_start3A_508 = arith.constant 0 : i32
            %dma_start3A_509 = tpu.memref_slice %arg3[%dma_start3A_496, %arg0, %arg1, %mul3A_479, %dma_start3A_508] : memref<2x2x16x80x128xi32, #tpu.memory_space<hbm>> -> memref<1x1x1x16x128xi32, #tpu.memory_space<hbm>>
            %dma_start3A_510 = tpu.memref_squeeze %dma_start3A_509 : memref<1x1x1x16x128xi32, #tpu.memory_space<hbm>> -> memref<16x128xi32, #tpu.memory_space<hbm>>
            tpu.enqueue_dma source(%dma_start3A_510 : memref<16x128xi32, #tpu.memory_space<hbm>>) target(%dma_start3A_507 : memref<16x128xi32, #tpu.memory_space<vmem>>) target_semaphore(%arg15 : memref<!tpu.dma_semaphore, #tpu.memory_space<semaphore_mem>>)
          } else {
          }
        } else {
        }
        %jit3A_312 = arith.constant 16 : i32
        %div3A_313 = arith.divsi %add3A_83, %jit3A_312 : i32
        %sign3A_314 = arith.constant 0 : i32
        %sign3A_315 = arith.cmpi sgt, %add3A_83, %sign3A_314 : i32
        %sign3A_316 = arith.extui %sign3A_315 : i1 to i32
        %sign3A_317 = arith.constant 0 : i32
        %sign3A_318 = arith.cmpi slt, %add3A_83, %sign3A_317 : i32
        %sign3A_319 = arith.extui %sign3A_318 : i1 to i32
        %sign3A_320 = arith.subi %sign3A_316, %sign3A_319 : i32
        %sign3A_321 = arith.constant 0 : i32
        %sign3A_322 = arith.cmpi sgt, %jit3A_312, %sign3A_321 : i32
        %sign3A_323 = arith.extui %sign3A_322 : i1 to i32
        %sign3A_324 = arith.constant 0 : i32
        %sign3A_325 = arith.cmpi slt, %jit3A_312, %sign3A_324 : i32
        %sign3A_326 = arith.extui %sign3A_325 : i1 to i32
        %sign3A_327 = arith.subi %sign3A_323, %sign3A_326 : i32
        %ne3A_328 = arith.cmpi ne, %sign3A_320, %sign3A_327 : i32
        %rem3A_329 = arith.remsi %add3A_83, %jit3A_312 : i32
        %ne3A_330 = arith.constant 0 : i32
        %ne3A_331 = arith.cmpi ne, %rem3A_329, %ne3A_330 : i32
        %and3A_332 = arith.andi %ne3A_328, %ne3A_331 : i1
        %sub3A_333 = arith.constant 1 : i32
        %sub3A_334 = arith.subi %div3A_313, %sub3A_333 : i32
        %select_n3A_335 = arith.select %and3A_332, %sub3A_334, %div3A_313 : i32
        %jit3A_336 = arith.constant 3 : i32
        %eq3A_337 = arith.constant 0 : i32
        %eq3A_338 = arith.cmpi eq, %jit3A_336, %eq3A_337 : i32
        %jit3A_339 = arith.constant 1 : i32
        %select_n3A_340 = arith.select %eq3A_338, %jit3A_339, %jit3A_336 : i32
        %rem3A_341 = arith.remsi %select_n3A_335, %select_n3A_340 : i32
        %ne3A_342 = arith.constant 0 : i32
        %ne3A_343 = arith.cmpi ne, %rem3A_341, %ne3A_342 : i32
        %lt3A_344 = arith.constant 0 : i32
        %lt3A_345 = arith.cmpi slt, %rem3A_341, %lt3A_344 : i32
        %lt3A_346 = arith.constant 0 : i32
        %lt3A_347 = arith.cmpi slt, %select_n3A_340, %lt3A_346 : i32
        %ne3A_348 = arith.xori %lt3A_345, %lt3A_347 : i1
        %and3A_349 = arith.andi %ne3A_348, %ne3A_343 : i1
        %add3A_350 = arith.addi %rem3A_341, %select_n3A_340 : i32
        %select_n3A_351 = arith.select %and3A_349, %add3A_350, %rem3A_341 : i32
        %jit3A_352 = arith.constant 16 : i32
        %eq3A_353 = arith.constant 0 : i32
        %eq3A_354 = arith.cmpi eq, %jit3A_352, %eq3A_353 : i32
        %jit3A_355 = arith.constant 1 : i32
        %select_n3A_356 = arith.select %eq3A_354, %jit3A_355, %jit3A_352 : i32
        %rem3A_357 = arith.remsi %add3A_83, %select_n3A_356 : i32
        %ne3A_358 = arith.constant 0 : i32
        %ne3A_359 = arith.cmpi ne, %rem3A_357, %ne3A_358 : i32
        %lt3A_360 = arith.constant 0 : i32
        %lt3A_361 = arith.cmpi slt, %rem3A_357, %lt3A_360 : i32
        %lt3A_362 = arith.constant 0 : i32
        %lt3A_363 = arith.cmpi slt, %select_n3A_356, %lt3A_362 : i32
        %ne3A_364 = arith.xori %lt3A_361, %lt3A_363 : i1
        %and3A_365 = arith.andi %ne3A_364, %ne3A_359 : i1
        %add3A_366 = arith.addi %rem3A_357, %select_n3A_356 : i32
        %select_n3A_367 = arith.select %and3A_365, %add3A_366, %rem3A_357 : i32
        %dma_start3A_368 = arith.constant 0 : i32
        %dma_start3A_369 = tpu.memref_slice %arg6[%select_n3A_351, %select_n3A_367, %dma_start3A_368] : memref<3x16x128xi32, #tpu.memory_space<vmem>> -> memref<1x1x128xi32, #tpu.memory_space<vmem>>
        %dma_start3A_370 = tpu.memref_squeeze %dma_start3A_369 : memref<1x1x128xi32, #tpu.memory_space<vmem>> -> memref<128xi32, #tpu.memory_space<vmem>>
        %dma_start3A_371 = arith.constant 0 : i32
        %dma_start3A_372 = arith.constant 0 : i32
        %dma_start3A_373 = tpu.memref_slice %arg2[%dma_start3A_371, %dma_start3A_372] : memref<10240x128xf32, #tpu.memory_space<hbm>> -> memref<10240x128xf32, #tpu.memory_space<hbm>>
        tpu.enqueue_indirect_dma source(%dma_start3A_373 : memref<10240x128xf32, #tpu.memory_space<hbm>>) target(%arg8 : memref<128x128xf32, #tpu.memory_space<vmem>>) offsets(%dma_start3A_370 : memref<128xi32, #tpu.memory_space<vmem>>) semaphore(%arg11 : memref<!tpu.dma_semaphore, #tpu.memory_space<semaphore_mem>>)
      } else {
      }
      %dma_wait3A_226 = arith.constant 0 : i32
      %dma_wait3A_227 = arith.constant 0 : i32
      %dma_wait3A_228 = tpu.memref_slice %arg2[%dma_wait3A_226, %dma_wait3A_227] : memref<10240x128xf32, #tpu.memory_space<hbm>> -> memref<128x128xf32, #tpu.memory_space<hbm>>
      %dma_wait3A_229 = arith.constant 0 : i32
      %dma_wait3A_230 = arith.constant 0 : i32
      %dma_wait3A_231 = tpu.memref_slice %arg2[%dma_wait3A_229, %dma_wait3A_230] : memref<10240x128xf32, #tpu.memory_space<hbm>> -> memref<128x128xf32, #tpu.memory_space<hbm>>
      tpu.wait_dma2 semaphore(%arg12 : memref<!tpu.dma_semaphore, #tpu.memory_space<semaphore_mem>>) src(%dma_wait3A_231 : memref<128x128xf32, #tpu.memory_space<hbm>>) dst(%arg9 : memref<128x128xf32, #tpu.memory_space<vmem>>)
      %jit3A_232 = arith.constant 16 : i32
      %div3A_233 = arith.divsi %add3A_81, %jit3A_232 : i32
      %sign3A_234 = arith.constant 0 : i32
      %sign3A_235 = arith.cmpi sgt, %add3A_81, %sign3A_234 : i32
      %sign3A_236 = arith.extui %sign3A_235 : i1 to i32
      %sign3A_237 = arith.constant 0 : i32
      %sign3A_238 = arith.cmpi slt, %add3A_81, %sign3A_237 : i32
      %sign3A_239 = arith.extui %sign3A_238 : i1 to i32
      %sign3A_240 = arith.subi %sign3A_236, %sign3A_239 : i32
      %sign3A_241 = arith.constant 0 : i32
      %sign3A_242 = arith.cmpi sgt, %jit3A_232, %sign3A_241 : i32
      %sign3A_243 = arith.extui %sign3A_242 : i1 to i32
      %sign3A_244 = arith.constant 0 : i32
      %sign3A_245 = arith.cmpi slt, %jit3A_232, %sign3A_244 : i32
      %sign3A_246 = arith.extui %sign3A_245 : i1 to i32
      %sign3A_247 = arith.subi %sign3A_243, %sign3A_246 : i32
      %ne3A_248 = arith.cmpi ne, %sign3A_240, %sign3A_247 : i32
      %rem3A_249 = arith.remsi %add3A_81, %jit3A_232 : i32
      %ne3A_250 = arith.constant 0 : i32
      %ne3A_251 = arith.cmpi ne, %rem3A_249, %ne3A_250 : i32
      %and3A_252 = arith.andi %ne3A_248, %ne3A_251 : i1
      %sub3A_253 = arith.constant 1 : i32
      %sub3A_254 = arith.subi %div3A_233, %sub3A_253 : i32
      %select_n3A_255 = arith.select %and3A_252, %sub3A_254, %div3A_233 : i32
      %jit3A_256 = arith.constant 3 : i32
      %eq3A_257 = arith.constant 0 : i32
      %eq3A_258 = arith.cmpi eq, %jit3A_256, %eq3A_257 : i32
      %jit3A_259 = arith.constant 1 : i32
      %select_n3A_260 = arith.select %eq3A_258, %jit3A_259, %jit3A_256 : i32
      %rem3A_261 = arith.remsi %select_n3A_255, %select_n3A_260 : i32
      %ne3A_262 = arith.constant 0 : i32
      %ne3A_263 = arith.cmpi ne, %rem3A_261, %ne3A_262 : i32
      %lt3A_264 = arith.constant 0 : i32
      %lt3A_265 = arith.cmpi slt, %rem3A_261, %lt3A_264 : i32
      %lt3A_266 = arith.constant 0 : i32
      %lt3A_267 = arith.cmpi slt, %select_n3A_260, %lt3A_266 : i32
      %ne3A_268 = arith.xori %lt3A_265, %lt3A_267 : i1
      %and3A_269 = arith.andi %ne3A_268, %ne3A_263 : i1
      %add3A_270 = arith.addi %rem3A_261, %select_n3A_260 : i32
      %select_n3A_271 = arith.select %and3A_269, %add3A_270, %rem3A_261 : i32
      %jit3A_272 = arith.constant 16 : i32
      %eq3A_273 = arith.constant 0 : i32
      %eq3A_274 = arith.cmpi eq, %jit3A_272, %eq3A_273 : i32
      %jit3A_275 = arith.constant 1 : i32
      %select_n3A_276 = arith.select %eq3A_274, %jit3A_275, %jit3A_272 : i32
      %rem3A_277 = arith.remsi %add3A_81, %select_n3A_276 : i32
      %ne3A_278 = arith.constant 0 : i32
      %ne3A_279 = arith.cmpi ne, %rem3A_277, %ne3A_278 : i32
      %lt3A_280 = arith.constant 0 : i32
      %lt3A_281 = arith.cmpi slt, %rem3A_277, %lt3A_280 : i32
      %lt3A_282 = arith.constant 0 : i32
      %lt3A_283 = arith.cmpi slt, %select_n3A_276, %lt3A_282 : i32
      %ne3A_284 = arith.xori %lt3A_281, %lt3A_283 : i1
      %and3A_285 = arith.andi %ne3A_284, %ne3A_279 : i1
      %add3A_286 = arith.addi %rem3A_277, %select_n3A_276 : i32
      %select_n3A_287 = arith.select %and3A_285, %add3A_286, %rem3A_277 : i32
      "tpu.region"() ({
        %run_scoped3A_288 = tpu.sem_alloc : memref<!tpu.dma_semaphore, #tpu.memory_space<semaphore_mem>>
        %dma_start3A_289 = arith.constant 0 : i32
        %dma_start3A_290 = tpu.memref_slice %arg7[%select_n3A_271, %select_n3A_287, %dma_start3A_289] : memref<3x16x128xi32, #tpu.memory_space<vmem>> -> memref<1x1x128xi32, #tpu.memory_space<vmem>>
        %dma_start3A_291 = tpu.memref_squeeze %dma_start3A_290 : memref<1x1x128xi32, #tpu.memory_space<vmem>> -> memref<128xi32, #tpu.memory_space<vmem>>
        %dma_start3A_292 = arith.constant 0 : i32
        %dma_start3A_293 = arith.constant 0 : i32
        %dma_start3A_294 = tpu.memref_slice %arg10[%dma_start3A_292, %dma_start3A_293] : memref<10240x128xf32, #tpu.memory_space<vmem_shared>> -> memref<10240x128xf32, #tpu.memory_space<vmem_shared>>
        tpu.enqueue_indirect_dma source(%arg9 : memref<128x128xf32, #tpu.memory_space<vmem>>) target(%dma_start3A_294 : memref<10240x128xf32, #tpu.memory_space<vmem_shared>>) offsets(%dma_start3A_291 : memref<128xi32, #tpu.memory_space<vmem>>) semaphore(%run_scoped3A_288 : memref<!tpu.dma_semaphore, #tpu.memory_space<semaphore_mem>>) {add = true}
        %dma_wait3A_295 = arith.constant 0 : i32
        %dma_wait3A_296 = tpu.memref_slice %arg7[%select_n3A_271, %select_n3A_287, %dma_wait3A_295] : memref<3x16x128xi32, #tpu.memory_space<vmem>> -> memref<1x1x128xi32, #tpu.memory_space<vmem>>
        %dma_wait3A_297 = tpu.memref_squeeze %dma_wait3A_296 : memref<1x1x128xi32, #tpu.memory_space<vmem>> -> memref<128xi32, #tpu.memory_space<vmem>>
        %dma_wait3A_298 = arith.constant 0 : i32
        %dma_wait3A_299 = arith.constant 0 : i32
        %dma_wait3A_300 = tpu.memref_slice %arg10[%dma_wait3A_298, %dma_wait3A_299] : memref<10240x128xf32, #tpu.memory_space<vmem_shared>> -> memref<10240x128xf32, #tpu.memory_space<vmem_shared>>
        tpu.wait_indirect_dma semaphore(%run_scoped3A_288 : memref<!tpu.dma_semaphore, #tpu.memory_space<semaphore_mem>>) src(%arg9 : memref<128x128xf32, #tpu.memory_space<vmem>>) dst(%dma_wait3A_300 : memref<10240x128xf32, #tpu.memory_space<vmem_shared>>)
        tpu.yield
      }) : () -> ()
    }
    %scan3A_71 = arith.constant 40 : i32
    %barrier3A_72 = arith.constant 0 : index
    tpu.barrier barrier_id(%barrier3A_72)
    %mul3A_73 = arith.constant 640 : i32
    %mul3A_74 = arith.muli %arg1, %mul3A_73 : i32
    %mul3A_75 = arith.constant 640 : i32
    %mul3A_76 = arith.muli %arg1, %mul3A_75 : i32
    "tpu.region"() ({
      %run_scoped3A_77 = tpu.sem_alloc : memref<!tpu.dma_semaphore, #tpu.memory_space<semaphore_mem>>
      %dma_start3A_78 = arith.constant 0 : i32
      %dma_start3A_79 = tpu.memref_slice %arg5[%arg0, %mul3A_76, %dma_start3A_78] : memref<2x10240x128xf32, #tpu.memory_space<hbm>> -> memref<1x640x128xf32, #tpu.memory_space<hbm>>
      %dma_start3A_80 = tpu.memref_squeeze %dma_start3A_79 : memref<1x640x128xf32, #tpu.memory_space<hbm>> -> memref<640x128xf32, #tpu.memory_space<hbm>>
      %dma_start3A_81 = arith.constant 0 : i32
      %dma_start3A_82 = tpu.memref_slice %arg10[%mul3A_74, %dma_start3A_81] : memref<10240x128xf32, #tpu.memory_space<vmem_shared>> -> memref<640x128xf32, #tpu.memory_space<vmem_shared>>
      tpu.enqueue_dma source(%dma_start3A_82 : memref<640x128xf32, #tpu.memory_space<vmem_shared>>) target(%dma_start3A_80 : memref<640x128xf32, #tpu.memory_space<hbm>>) target_semaphore(%run_scoped3A_77 : memref<!tpu.dma_semaphore, #tpu.memory_space<semaphore_mem>>)
      %dma_wait3A = arith.constant 0 : i32
      %dma_wait3A_83 = tpu.memref_slice %arg5[%arg0, %mul3A_76, %dma_wait3A] : memref<2x10240x128xf32, #tpu.memory_space<hbm>> -> memref<1x640x128xf32, #tpu.memory_space<hbm>>
      %dma_wait3A_84 = tpu.memref_squeeze %dma_wait3A_83 : memref<1x640x128xf32, #tpu.memory_space<hbm>> -> memref<640x128xf32, #tpu.memory_space<hbm>>
      %dma_wait3A_85 = arith.constant 0 : i32
      %dma_wait3A_86 = tpu.memref_slice %arg10[%mul3A_74, %dma_wait3A_85] : memref<10240x128xf32, #tpu.memory_space<vmem_shared>> -> memref<640x128xf32, #tpu.memory_space<vmem_shared>>
      tpu.wait_dma2 semaphore(%run_scoped3A_77 : memref<!tpu.dma_semaphore, #tpu.memory_space<semaphore_mem>>) src(%dma_wait3A_86 : memref<640x128xf32, #tpu.memory_space<vmem_shared>>) dst(%dma_wait3A_84 : memref<640x128xf32, #tpu.memory_space<hbm>>)
      tpu.yield
    }) : () -> ()
    return
  }
}

#map = affine_map<(d0, d1) -> (0, 0)>
#map1 = affine_map<(d0, d1) -> (0, 0, 0, 0, 0)>
#map2 = affine_map<(d0, d1) -> (0, 0, 0)>
module attributes {stable_mosaic.version = 14 : i64} {
  func.func @k(%arg0: i32, %arg1: i32, %arg2: memref<10240x128xf32, #tpu.memory_space<hbm>>, %arg3: memref<2x2x16x80x128xi32, #tpu.memory_space<hbm>>, %arg4: memref<128x128xf32, #tpu.memory_space<hbm>>, %arg5: memref<2x10240x128xf32, #tpu.memory_space<hbm>>, %arg6: memref<3x16x128xi32, #tpu.memory_space<vmem>>, %arg7: memref<3x16x128xi32, #tpu.memory_space<vmem>>, %arg8: memref<128x128xf32, #tpu.memory_space<vmem>>, %arg9: memref<128x128xf32, #tpu.memory_space<vmem>>, %arg10: memref<10240x128xf32, #tpu.memory_space<vmem_shared>>, %arg11: memref<!tpu.dma_semaphore, #tpu.memory_space<semaphore_mem>>, %arg12: memref<!tpu.dma_semaphore, #tpu.memory_space<semaphore_mem>>, %arg13: memref<!tpu.dma_semaphore, #tpu.memory_space<semaphore_mem>>, %arg14: memref<!tpu.dma_semaphore, #tpu.memory_space<semaphore_mem>>, %arg15: memref<!tpu.dma_semaphore, #tpu.memory_space<semaphore_mem>>) attributes {dimension_semantics = [#tpu.dimension_semantics<core_parallel>, #tpu.dimension_semantics<subcore_parallel>], iteration_bounds = array<i64: 2, 16>, scalar_prefetch = 0 : i64, scratch_operands = 10 : i64, tpu.core_type = #tpu.core_type<sc_vector_subcore>, window_params = [{transform_indices = #map}, {transform_indices = #map1}, {transform_indices = #map}, {transform_indices = #map2}]} {
    %run_scoped3A = arith.constant 0 : i32
    %run_scoped3A_0 = arith.constant 0 : i32
    "tpu.region"() ({
      %run_scoped3A_77 = tpu.sem_alloc : memref<!tpu.dma_semaphore, #tpu.memory_space<semaphore_mem>>
      %dma_start3A_78 = arith.constant 0 : i32
      %dma_start3A_79 = arith.constant 0 : i32
      %dma_start3A_80 = tpu.memref_slice %arg6[%run_scoped3A_0, %dma_start3A_78, %dma_start3A_79] : memref<3x16x128xi32, #tpu.memory_space<vmem>> -> memref<1x16x128xi32, #tpu.memory_space<vmem>>
      %dma_start3A_81 = tpu.memref_squeeze %dma_start3A_80 : memref<1x16x128xi32, #tpu.memory_space<vmem>> -> memref<16x128xi32, #tpu.memory_space<vmem>>
      %dma_start3A_82 = arith.constant 0 : i32
      %dma_start3A_83 = arith.constant 0 : i32
      %dma_start3A_84 = tpu.memref_slice %arg3[%run_scoped3A, %arg0, %arg1, %dma_start3A_82, %dma_start3A_83] : memref<2x2x16x80x128xi32, #tpu.memory_space<hbm>> -> memref<1x1x1x16x128xi32, #tpu.memory_space<hbm>>
      %dma_start3A_85 = tpu.memref_squeeze %dma_start3A_84 : memref<1x1x1x16x128xi32, #tpu.memory_space<hbm>> -> memref<16x128xi32, #tpu.memory_space<hbm>>
      %dma_start3A_86 = arith.constant 0 : i32
      %dma_start3A_87 = arith.constant 0 : i32
      %dma_start3A_88 = tpu.memref_slice %arg6[%run_scoped3A_0, %dma_start3A_86, %dma_start3A_87] : memref<3x16x128xi32, #tpu.memory_space<vmem>> -> memref<1x16x128xi32, #tpu.memory_space<vmem>>
      %dma_start3A_89 = tpu.memref_squeeze %dma_start3A_88 : memref<1x16x128xi32, #tpu.memory_space<vmem>> -> memref<16x128xi32, #tpu.memory_space<vmem>>
      %dma_start3A_90 = arith.constant 0 : i32
      %dma_start3A_91 = arith.constant 0 : i32
      %dma_start3A_92 = tpu.memref_slice %arg3[%run_scoped3A, %arg0, %arg1, %dma_start3A_90, %dma_start3A_91] : memref<2x2x16x80x128xi32, #tpu.memory_space<hbm>> -> memref<1x1x1x16x128xi32, #tpu.memory_space<hbm>>
      %dma_start3A_93 = tpu.memref_squeeze %dma_start3A_92 : memref<1x1x1x16x128xi32, #tpu.memory_space<hbm>> -> memref<16x128xi32, #tpu.memory_space<hbm>>
      tpu.enqueue_dma source(%dma_start3A_93 : memref<16x128xi32, #tpu.memory_space<hbm>>) target(%dma_start3A_89 : memref<16x128xi32, #tpu.memory_space<vmem>>) target_semaphore(%run_scoped3A_77 : memref<!tpu.dma_semaphore, #tpu.memory_space<semaphore_mem>>)
      %dma_wait3A = arith.constant 0 : i32
      %dma_wait3A_94 = arith.constant 0 : i32
      %dma_wait3A_95 = tpu.memref_slice %arg6[%run_scoped3A_0, %dma_wait3A, %dma_wait3A_94] : memref<3x16x128xi32, #tpu.memory_space<vmem>> -> memref<1x16x128xi32, #tpu.memory_space<vmem>>
      %dma_wait3A_96 = tpu.memref_squeeze %dma_wait3A_95 : memref<1x16x128xi32, #tpu.memory_space<vmem>> -> memref<16x128xi32, #tpu.memory_space<vmem>>
      %dma_wait3A_97 = arith.constant 0 : i32
      %dma_wait3A_98 = arith.constant 0 : i32
      %dma_wait3A_99 = tpu.memref_slice %arg3[%run_scoped3A, %arg0, %arg1, %dma_wait3A_97, %dma_wait3A_98] : memref<2x2x16x80x128xi32, #tpu.memory_space<hbm>> -> memref<1x1x1x16x128xi32, #tpu.memory_space<hbm>>
      %dma_wait3A_100 = tpu.memref_squeeze %dma_wait3A_99 : memref<1x1x1x16x128xi32, #tpu.memory_space<hbm>> -> memref<16x128xi32, #tpu.memory_space<hbm>>
      %dma_wait3A_101 = arith.constant 0 : i32
      %dma_wait3A_102 = arith.constant 0 : i32
      %dma_wait3A_103 = tpu.memref_slice %arg6[%run_scoped3A_0, %dma_wait3A_101, %dma_wait3A_102] : memref<3x16x128xi32, #tpu.memory_space<vmem>> -> memref<1x16x128xi32, #tpu.memory_space<vmem>>
      %dma_wait3A_104 = tpu.memref_squeeze %dma_wait3A_103 : memref<1x16x128xi32, #tpu.memory_space<vmem>> -> memref<16x128xi32, #tpu.memory_space<vmem>>
      %dma_wait3A_105 = arith.constant 0 : i32
      %dma_wait3A_106 = arith.constant 0 : i32
      %dma_wait3A_107 = tpu.memref_slice %arg3[%run_scoped3A, %arg0, %arg1, %dma_wait3A_105, %dma_wait3A_106] : memref<2x2x16x80x128xi32, #tpu.memory_space<hbm>> -> memref<1x1x1x16x128xi32, #tpu.memory_space<hbm>>
      %dma_wait3A_108 = tpu.memref_squeeze %dma_wait3A_107 : memref<1x1x1x16x128xi32, #tpu.memory_space<hbm>> -> memref<16x128xi32, #tpu.memory_space<hbm>>
      tpu.wait_dma2 semaphore(%run_scoped3A_77 : memref<!tpu.dma_semaphore, #tpu.memory_space<semaphore_mem>>) src(%dma_wait3A_108 : memref<16x128xi32, #tpu.memory_space<hbm>>) dst(%dma_wait3A_104 : memref<16x128xi32, #tpu.memory_space<vmem>>)
      tpu.yield
    }) : () -> ()
    %run_scoped3A_1 = arith.constant 1 : i32
    %run_scoped3A_2 = arith.constant 0 : i32
    "tpu.region"() ({
      %run_scoped3A_77 = tpu.sem_alloc : memref<!tpu.dma_semaphore, #tpu.memory_space<semaphore_mem>>
      %dma_start3A_78 = arith.constant 0 : i32
      %dma_start3A_79 = arith.constant 0 : i32
      %dma_start3A_80 = tpu.memref_slice %arg7[%run_scoped3A_2, %dma_start3A_78, %dma_start3A_79] : memref<3x16x128xi32, #tpu.memory_space<vmem>> -> memref<1x16x128xi32, #tpu.memory_space<vmem>>
      %dma_start3A_81 = tpu.memref_squeeze %dma_start3A_80 : memref<1x16x128xi32, #tpu.memory_space<vmem>> -> memref<16x128xi32, #tpu.memory_space<vmem>>
      %dma_start3A_82 = arith.constant 0 : i32
      %dma_start3A_83 = arith.constant 0 : i32
      %dma_start3A_84 = tpu.memref_slice %arg3[%run_scoped3A_1, %arg0, %arg1, %dma_start3A_82, %dma_start3A_83] : memref<2x2x16x80x128xi32, #tpu.memory_space<hbm>> -> memref<1x1x1x16x128xi32, #tpu.memory_space<hbm>>
      %dma_start3A_85 = tpu.memref_squeeze %dma_start3A_84 : memref<1x1x1x16x128xi32, #tpu.memory_space<hbm>> -> memref<16x128xi32, #tpu.memory_space<hbm>>
      %dma_start3A_86 = arith.constant 0 : i32
      %dma_start3A_87 = arith.constant 0 : i32
      %dma_start3A_88 = tpu.memref_slice %arg7[%run_scoped3A_2, %dma_start3A_86, %dma_start3A_87] : memref<3x16x128xi32, #tpu.memory_space<vmem>> -> memref<1x16x128xi32, #tpu.memory_space<vmem>>
      %dma_start3A_89 = tpu.memref_squeeze %dma_start3A_88 : memref<1x16x128xi32, #tpu.memory_space<vmem>> -> memref<16x128xi32, #tpu.memory_space<vmem>>
      %dma_start3A_90 = arith.constant 0 : i32
      %dma_start3A_91 = arith.constant 0 : i32
      %dma_start3A_92 = tpu.memref_slice %arg3[%run_scoped3A_1, %arg0, %arg1, %dma_start3A_90, %dma_start3A_91] : memref<2x2x16x80x128xi32, #tpu.memory_space<hbm>> -> memref<1x1x1x16x128xi32, #tpu.memory_space<hbm>>
      %dma_start3A_93 = tpu.memref_squeeze %dma_start3A_92 : memref<1x1x1x16x128xi32, #tpu.memory_space<hbm>> -> memref<16x128xi32, #tpu.memory_space<hbm>>
      tpu.enqueue_dma source(%dma_start3A_93 : memref<16x128xi32, #tpu.memory_space<hbm>>) target(%dma_start3A_89 : memref<16x128xi32, #tpu.memory_space<vmem>>) target_semaphore(%run_scoped3A_77 : memref<!tpu.dma_semaphore, #tpu.memory_space<semaphore_mem>>)
      %dma_wait3A = arith.constant 0 : i32
      %dma_wait3A_94 = arith.constant 0 : i32
      %dma_wait3A_95 = tpu.memref_slice %arg7[%run_scoped3A_2, %dma_wait3A, %dma_wait3A_94] : memref<3x16x128xi32, #tpu.memory_space<vmem>> -> memref<1x16x128xi32, #tpu.memory_space<vmem>>
      %dma_wait3A_96 = tpu.memref_squeeze %dma_wait3A_95 : memref<1x16x128xi32, #tpu.memory_space<vmem>> -> memref<16x128xi32, #tpu.memory_space<vmem>>
      %dma_wait3A_97 = arith.constant 0 : i32
      %dma_wait3A_98 = arith.constant 0 : i32
      %dma_wait3A_99 = tpu.memref_slice %arg3[%run_scoped3A_1, %arg0, %arg1, %dma_wait3A_97, %dma_wait3A_98] : memref<2x2x16x80x128xi32, #tpu.memory_space<hbm>> -> memref<1x1x1x16x128xi32, #tpu.memory_space<hbm>>
      %dma_wait3A_100 = tpu.memref_squeeze %dma_wait3A_99 : memref<1x1x1x16x128xi32, #tpu.memory_space<hbm>> -> memref<16x128xi32, #tpu.memory_space<hbm>>
      %dma_wait3A_101 = arith.constant 0 : i32
      %dma_wait3A_102 = arith.constant 0 : i32
      %dma_wait3A_103 = tpu.memref_slice %arg7[%run_scoped3A_2, %dma_wait3A_101, %dma_wait3A_102] : memref<3x16x128xi32, #tpu.memory_space<vmem>> -> memref<1x16x128xi32, #tpu.memory_space<vmem>>
      %dma_wait3A_104 = tpu.memref_squeeze %dma_wait3A_103 : memref<1x16x128xi32, #tpu.memory_space<vmem>> -> memref<16x128xi32, #tpu.memory_space<vmem>>
      %dma_wait3A_105 = arith.constant 0 : i32
      %dma_wait3A_106 = arith.constant 0 : i32
      %dma_wait3A_107 = tpu.memref_slice %arg3[%run_scoped3A_1, %arg0, %arg1, %dma_wait3A_105, %dma_wait3A_106] : memref<2x2x16x80x128xi32, #tpu.memory_space<hbm>> -> memref<1x1x1x16x128xi32, #tpu.memory_space<hbm>>
      %dma_wait3A_108 = tpu.memref_squeeze %dma_wait3A_107 : memref<1x1x1x16x128xi32, #tpu.memory_space<hbm>> -> memref<16x128xi32, #tpu.memory_space<hbm>>
      tpu.wait_dma2 semaphore(%run_scoped3A_77 : memref<!tpu.dma_semaphore, #tpu.memory_space<semaphore_mem>>) src(%dma_wait3A_108 : memref<16x128xi32, #tpu.memory_space<hbm>>) dst(%dma_wait3A_104 : memref<16x128xi32, #tpu.memory_space<vmem>>)
      tpu.yield
    }) : () -> ()
    %dma_start3A = arith.constant 0 : i32
    %dma_start3A_3 = arith.constant 1 : i32
    %dma_start3A_4 = arith.constant 0 : i32
    %dma_start3A_5 = arith.constant 0 : i32
    %dma_start3A_6 = tpu.memref_slice %arg6[%dma_start3A_3, %dma_start3A_4, %dma_start3A_5] : memref<3x16x128xi32, #tpu.memory_space<vmem>> -> memref<1x16x128xi32, #tpu.memory_space<vmem>>
    %dma_start3A_7 = tpu.memref_squeeze %dma_start3A_6 : memref<1x16x128xi32, #tpu.memory_space<vmem>> -> memref<16x128xi32, #tpu.memory_space<vmem>>
    %dma_start3A_8 = arith.constant 16 : i32
    %dma_start3A_9 = arith.constant 0 : i32
    %dma_start3A_10 = tpu.memref_slice %arg3[%dma_start3A, %arg0, %arg1, %dma_start3A_8, %dma_start3A_9] : memref<2x2x16x80x128xi32, #tpu.memory_space<hbm>> -> memref<1x1x1x16x128xi32, #tpu.memory_space<hbm>>
    %dma_start3A_11 = tpu.memref_squeeze %dma_start3A_10 : memref<1x1x1x16x128xi32, #tpu.memory_space<hbm>> -> memref<16x128xi32, #tpu.memory_space<hbm>>
    %dma_start3A_12 = arith.constant 0 : i32
    %dma_start3A_13 = arith.constant 0 : i32
    %dma_start3A_14 = tpu.memref_slice %arg6[%dma_start3A_3, %dma_start3A_12, %dma_start3A_13] : memref<3x16x128xi32, #tpu.memory_space<vmem>> -> memref<1x16x128xi32, #tpu.memory_space<vmem>>
    %dma_start3A_15 = tpu.memref_squeeze %dma_start3A_14 : memref<1x16x128xi32, #tpu.memory_space<vmem>> -> memref<16x128xi32, #tpu.memory_space<vmem>>
    %dma_start3A_16 = arith.constant 16 : i32
    %dma_start3A_17 = arith.constant 0 : i32
    %dma_start3A_18 = tpu.memref_slice %arg3[%dma_start3A, %arg0, %arg1, %dma_start3A_16, %dma_start3A_17] : memref<2x2x16x80x128xi32, #tpu.memory_space<hbm>> -> memref<1x1x1x16x128xi32, #tpu.memory_space<hbm>>
    %dma_start3A_19 = tpu.memref_squeeze %dma_start3A_18 : memref<1x1x1x16x128xi32, #tpu.memory_space<hbm>> -> memref<16x128xi32, #tpu.memory_space<hbm>>
    tpu.enqueue_dma source(%dma_start3A_19 : memref<16x128xi32, #tpu.memory_space<hbm>>) target(%dma_start3A_15 : memref<16x128xi32, #tpu.memory_space<vmem>>) target_semaphore(%arg15 : memref<!tpu.dma_semaphore, #tpu.memory_space<semaphore_mem>>)
    %dma_start3A_20 = arith.constant 1 : i32
    %dma_start3A_21 = arith.constant 1 : i32
    %dma_start3A_22 = arith.constant 0 : i32
    %dma_start3A_23 = arith.constant 0 : i32
    %dma_start3A_24 = tpu.memref_slice %arg7[%dma_start3A_21, %dma_start3A_22, %dma_start3A_23] : memref<3x16x128xi32, #tpu.memory_space<vmem>> -> memref<1x16x128xi32, #tpu.memory_space<vmem>>
    %dma_start3A_25 = tpu.memref_squeeze %dma_start3A_24 : memref<1x16x128xi32, #tpu.memory_space<vmem>> -> memref<16x128xi32, #tpu.memory_space<vmem>>
    %dma_start3A_26 = arith.constant 16 : i32
    %dma_start3A_27 = arith.constant 0 : i32
    %dma_start3A_28 = tpu.memref_slice %arg3[%dma_start3A_20, %arg0, %arg1, %dma_start3A_26, %dma_start3A_27] : memref<2x2x16x80x128xi32, #tpu.memory_space<hbm>> -> memref<1x1x1x16x128xi32, #tpu.memory_space<hbm>>
    %dma_start3A_29 = tpu.memref_squeeze %dma_start3A_28 : memref<1x1x1x16x128xi32, #tpu.memory_space<hbm>> -> memref<16x128xi32, #tpu.memory_space<hbm>>
    %dma_start3A_30 = arith.constant 0 : i32
    %dma_start3A_31 = arith.constant 0 : i32
    %dma_start3A_32 = tpu.memref_slice %arg7[%dma_start3A_21, %dma_start3A_30, %dma_start3A_31] : memref<3x16x128xi32, #tpu.memory_space<vmem>> -> memref<1x16x128xi32, #tpu.memory_space<vmem>>
    %dma_start3A_33 = tpu.memref_squeeze %dma_start3A_32 : memref<1x16x128xi32, #tpu.memory_space<vmem>> -> memref<16x128xi32, #tpu.memory_space<vmem>>
    %dma_start3A_34 = arith.constant 16 : i32
    %dma_start3A_35 = arith.constant 0 : i32
    %dma_start3A_36 = tpu.memref_slice %arg3[%dma_start3A_20, %arg0, %arg1, %dma_start3A_34, %dma_start3A_35] : memref<2x2x16x80x128xi32, #tpu.memory_space<hbm>> -> memref<1x1x1x16x128xi32, #tpu.memory_space<hbm>>
    %dma_start3A_37 = tpu.memref_squeeze %dma_start3A_36 : memref<1x1x1x16x128xi32, #tpu.memory_space<hbm>> -> memref<16x128xi32, #tpu.memory_space<hbm>>
    tpu.enqueue_dma source(%dma_start3A_37 : memref<16x128xi32, #tpu.memory_space<hbm>>) target(%dma_start3A_33 : memref<16x128xi32, #tpu.memory_space<vmem>>) target_semaphore(%arg15 : memref<!tpu.dma_semaphore, #tpu.memory_space<semaphore_mem>>)
    "tpu.region"() ({
      %run_scoped3A_77 = tpu.sem_alloc : memref<!tpu.dma_semaphore, #tpu.memory_space<semaphore_mem>>
      tpu.enqueue_dma source(%arg4 : memref<128x128xf32, #tpu.memory_space<hbm>>) target(%arg8 : memref<128x128xf32, #tpu.memory_space<vmem>>) target_semaphore(%run_scoped3A_77 : memref<!tpu.dma_semaphore, #tpu.memory_space<semaphore_mem>>)
      tpu.wait_dma2 semaphore(%run_scoped3A_77 : memref<!tpu.dma_semaphore, #tpu.memory_space<semaphore_mem>>) src(%arg4 : memref<128x128xf32, #tpu.memory_space<hbm>>) dst(%arg8 : memref<128x128xf32, #tpu.memory_space<vmem>>)
      tpu.yield
    }) : () -> ()
    %mul3A = arith.constant 640 : i32
    %mul3A_38 = arith.muli %arg1, %mul3A : i32
    %add3A = arith.constant 0 : i32
    %add3A_39 = arith.addi %mul3A_38, %add3A : i32
    "tpu.region"() ({
      %run_scoped3A_77 = tpu.sem_alloc : memref<!tpu.dma_semaphore, #tpu.memory_space<semaphore_mem>>
      %dma_start3A_78 = arith.constant 0 : i32
      %dma_start3A_79 = tpu.memref_slice %arg10[%add3A_39, %dma_start3A_78] : memref<10240x128xf32, #tpu.memory_space<vmem_shared>> -> memref<128x128xf32, #tpu.memory_space<vmem_shared>>
      %dma_start3A_80 = arith.constant 0 : i32
      %dma_start3A_81 = tpu.memref_slice %arg10[%add3A_39, %dma_start3A_80] : memref<10240x128xf32, #tpu.memory_space<vmem_shared>> -> memref<128x128xf32, #tpu.memory_space<vmem_shared>>
      tpu.enqueue_dma source(%arg8 : memref<128x128xf32, #tpu.memory_space<vmem>>) target(%dma_start3A_81 : memref<128x128xf32, #tpu.memory_space<vmem_shared>>) target_semaphore(%run_scoped3A_77 : memref<!tpu.dma_semaphore, #tpu.memory_space<semaphore_mem>>)
      %dma_wait3A = arith.constant 0 : i32
      %dma_wait3A_82 = tpu.memref_slice %arg10[%add3A_39, %dma_wait3A] : memref<10240x128xf32, #tpu.memory_space<vmem_shared>> -> memref<128x128xf32, #tpu.memory_space<vmem_shared>>
      %dma_wait3A_83 = arith.constant 0 : i32
      %dma_wait3A_84 = tpu.memref_slice %arg10[%add3A_39, %dma_wait3A_83] : memref<10240x128xf32, #tpu.memory_space<vmem_shared>> -> memref<128x128xf32, #tpu.memory_space<vmem_shared>>
      tpu.wait_dma2 semaphore(%run_scoped3A_77 : memref<!tpu.dma_semaphore, #tpu.memory_space<semaphore_mem>>) src(%arg8 : memref<128x128xf32, #tpu.memory_space<vmem>>) dst(%dma_wait3A_84 : memref<128x128xf32, #tpu.memory_space<vmem_shared>>)
      tpu.yield
    }) : () -> ()
    %mul3A_40 = arith.constant 640 : i32
    %mul3A_41 = arith.muli %arg1, %mul3A_40 : i32
    %add3A_42 = arith.constant 128 : i32
    %add3A_43 = arith.addi %mul3A_41, %add3A_42 : i32
    "tpu.region"() ({
      %run_scoped3A_77 = tpu.sem_alloc : memref<!tpu.dma_semaphore, #tpu.memory_space<semaphore_mem>>
      %dma_start3A_78 = arith.constant 0 : i32
      %dma_start3A_79 = tpu.memref_slice %arg10[%add3A_43, %dma_start3A_78] : memref<10240x128xf32, #tpu.memory_space<vmem_shared>> -> memref<128x128xf32, #tpu.memory_space<vmem_shared>>
      %dma_start3A_80 = arith.constant 0 : i32
      %dma_start3A_81 = tpu.memref_slice %arg10[%add3A_43, %dma_start3A_80] : memref<10240x128xf32, #tpu.memory_space<vmem_shared>> -> memref<128x128xf32, #tpu.memory_space<vmem_shared>>
      tpu.enqueue_dma source(%arg8 : memref<128x128xf32, #tpu.memory_space<vmem>>) target(%dma_start3A_81 : memref<128x128xf32, #tpu.memory_space<vmem_shared>>) target_semaphore(%run_scoped3A_77 : memref<!tpu.dma_semaphore, #tpu.memory_space<semaphore_mem>>)
      %dma_wait3A = arith.constant 0 : i32
      %dma_wait3A_82 = tpu.memref_slice %arg10[%add3A_43, %dma_wait3A] : memref<10240x128xf32, #tpu.memory_space<vmem_shared>> -> memref<128x128xf32, #tpu.memory_space<vmem_shared>>
      %dma_wait3A_83 = arith.constant 0 : i32
      %dma_wait3A_84 = tpu.memref_slice %arg10[%add3A_43, %dma_wait3A_83] : memref<10240x128xf32, #tpu.memory_space<vmem_shared>> -> memref<128x128xf32, #tpu.memory_space<vmem_shared>>
      tpu.wait_dma2 semaphore(%run_scoped3A_77 : memref<!tpu.dma_semaphore, #tpu.memory_space<semaphore_mem>>) src(%arg8 : memref<128x128xf32, #tpu.memory_space<vmem>>) dst(%dma_wait3A_84 : memref<128x128xf32, #tpu.memory_space<vmem_shared>>)
      tpu.yield
    }) : () -> ()
    %mul3A_44 = arith.constant 640 : i32
    %mul3A_45 = arith.muli %arg1, %mul3A_44 : i32
    %add3A_46 = arith.constant 256 : i32
    %add3A_47 = arith.addi %mul3A_45, %add3A_46 : i32
    "tpu.region"() ({
      %run_scoped3A_77 = tpu.sem_alloc : memref<!tpu.dma_semaphore, #tpu.memory_space<semaphore_mem>>
      %dma_start3A_78 = arith.constant 0 : i32
      %dma_start3A_79 = tpu.memref_slice %arg10[%add3A_47, %dma_start3A_78] : memref<10240x128xf32, #tpu.memory_space<vmem_shared>> -> memref<128x128xf32, #tpu.memory_space<vmem_shared>>
      %dma_start3A_80 = arith.constant 0 : i32
      %dma_start3A_81 = tpu.memref_slice %arg10[%add3A_47, %dma_start3A_80] : memref<10240x128xf32, #tpu.memory_space<vmem_shared>> -> memref<128x128xf32, #tpu.memory_space<vmem_shared>>
      tpu.enqueue_dma source(%arg8 : memref<128x128xf32, #tpu.memory_space<vmem>>) target(%dma_start3A_81 : memref<128x128xf32, #tpu.memory_space<vmem_shared>>) target_semaphore(%run_scoped3A_77 : memref<!tpu.dma_semaphore, #tpu.memory_space<semaphore_mem>>)
      %dma_wait3A = arith.constant 0 : i32
      %dma_wait3A_82 = tpu.memref_slice %arg10[%add3A_47, %dma_wait3A] : memref<10240x128xf32, #tpu.memory_space<vmem_shared>> -> memref<128x128xf32, #tpu.memory_space<vmem_shared>>
      %dma_wait3A_83 = arith.constant 0 : i32
      %dma_wait3A_84 = tpu.memref_slice %arg10[%add3A_47, %dma_wait3A_83] : memref<10240x128xf32, #tpu.memory_space<vmem_shared>> -> memref<128x128xf32, #tpu.memory_space<vmem_shared>>
      tpu.wait_dma2 semaphore(%run_scoped3A_77 : memref<!tpu.dma_semaphore, #tpu.memory_space<semaphore_mem>>) src(%arg8 : memref<128x128xf32, #tpu.memory_space<vmem>>) dst(%dma_wait3A_84 : memref<128x128xf32, #tpu.memory_space<vmem_shared>>)
      tpu.yield
    }) : () -> ()
    %mul3A_48 = arith.constant 640 : i32
    %mul3A_49 = arith.muli %arg1, %mul3A_48 : i32
    %add3A_50 = arith.constant 384 : i32
    %add3A_51 = arith.addi %mul3A_49, %add3A_50 : i32
    "tpu.region"() ({
      %run_scoped3A_77 = tpu.sem_alloc : memref<!tpu.dma_semaphore, #tpu.memory_space<semaphore_mem>>
      %dma_start3A_78 = arith.constant 0 : i32
      %dma_start3A_79 = tpu.memref_slice %arg10[%add3A_51, %dma_start3A_78] : memref<10240x128xf32, #tpu.memory_space<vmem_shared>> -> memref<128x128xf32, #tpu.memory_space<vmem_shared>>
      %dma_start3A_80 = arith.constant 0 : i32
      %dma_start3A_81 = tpu.memref_slice %arg10[%add3A_51, %dma_start3A_80] : memref<10240x128xf32, #tpu.memory_space<vmem_shared>> -> memref<128x128xf32, #tpu.memory_space<vmem_shared>>
      tpu.enqueue_dma source(%arg8 : memref<128x128xf32, #tpu.memory_space<vmem>>) target(%dma_start3A_81 : memref<128x128xf32, #tpu.memory_space<vmem_shared>>) target_semaphore(%run_scoped3A_77 : memref<!tpu.dma_semaphore, #tpu.memory_space<semaphore_mem>>)
      %dma_wait3A = arith.constant 0 : i32
      %dma_wait3A_82 = tpu.memref_slice %arg10[%add3A_51, %dma_wait3A] : memref<10240x128xf32, #tpu.memory_space<vmem_shared>> -> memref<128x128xf32, #tpu.memory_space<vmem_shared>>
      %dma_wait3A_83 = arith.constant 0 : i32
      %dma_wait3A_84 = tpu.memref_slice %arg10[%add3A_51, %dma_wait3A_83] : memref<10240x128xf32, #tpu.memory_space<vmem_shared>> -> memref<128x128xf32, #tpu.memory_space<vmem_shared>>
      tpu.wait_dma2 semaphore(%run_scoped3A_77 : memref<!tpu.dma_semaphore, #tpu.memory_space<semaphore_mem>>) src(%arg8 : memref<128x128xf32, #tpu.memory_space<vmem>>) dst(%dma_wait3A_84 : memref<128x128xf32, #tpu.memory_space<vmem_shared>>)
      tpu.yield
    }) : () -> ()
    %mul3A_52 = arith.constant 640 : i32
    %mul3A_53 = arith.muli %arg1, %mul3A_52 : i32
    %add3A_54 = arith.constant 512 : i32
    %add3A_55 = arith.addi %mul3A_53, %add3A_54 : i32
    "tpu.region"() ({
      %run_scoped3A_77 = tpu.sem_alloc : memref<!tpu.dma_semaphore, #tpu.memory_space<semaphore_mem>>
      %dma_start3A_78 = arith.constant 0 : i32
      %dma_start3A_79 = tpu.memref_slice %arg10[%add3A_55, %dma_start3A_78] : memref<10240x128xf32, #tpu.memory_space<vmem_shared>> -> memref<128x128xf32, #tpu.memory_space<vmem_shared>>
      %dma_start3A_80 = arith.constant 0 : i32
      %dma_start3A_81 = tpu.memref_slice %arg10[%add3A_55, %dma_start3A_80] : memref<10240x128xf32, #tpu.memory_space<vmem_shared>> -> memref<128x128xf32, #tpu.memory_space<vmem_shared>>
      tpu.enqueue_dma source(%arg8 : memref<128x128xf32, #tpu.memory_space<vmem>>) target(%dma_start3A_81 : memref<128x128xf32, #tpu.memory_space<vmem_shared>>) target_semaphore(%run_scoped3A_77 : memref<!tpu.dma_semaphore, #tpu.memory_space<semaphore_mem>>)
      %dma_wait3A = arith.constant 0 : i32
      %dma_wait3A_82 = tpu.memref_slice %arg10[%add3A_55, %dma_wait3A] : memref<10240x128xf32, #tpu.memory_space<vmem_shared>> -> memref<128x128xf32, #tpu.memory_space<vmem_shared>>
      %dma_wait3A_83 = arith.constant 0 : i32
      %dma_wait3A_84 = tpu.memref_slice %arg10[%add3A_55, %dma_wait3A_83] : memref<10240x128xf32, #tpu.memory_space<vmem_shared>> -> memref<128x128xf32, #tpu.memory_space<vmem_shared>>
      tpu.wait_dma2 semaphore(%run_scoped3A_77 : memref<!tpu.dma_semaphore, #tpu.memory_space<semaphore_mem>>) src(%arg8 : memref<128x128xf32, #tpu.memory_space<vmem>>) dst(%dma_wait3A_84 : memref<128x128xf32, #tpu.memory_space<vmem_shared>>)
      tpu.yield
    }) : () -> ()
    %barrier3A = arith.constant 0 : index
    tpu.barrier barrier_id(%barrier3A)
    %and3A = arith.constant true
    %and3A_56 = arith.constant false
    %and3A_57 = arith.andi %and3A, %and3A_56 : i1
    %convert_element_type3A = arith.extui %and3A_57 : i1 to i32
    %cond3A = arith.constant 0 : i32
    %cond3A_58 = arith.cmpi ne, %convert_element_type3A, %cond3A : i32
    scf.if %cond3A_58 {
      %dma_wait3A = arith.constant 0 : i32
      %dma_wait3A_77 = arith.constant 0 : i32
      %dma_wait3A_78 = arith.constant 0 : i32
      %dma_wait3A_79 = arith.constant 0 : i32
      %dma_wait3A_80 = arith.constant 0 : i32
      %dma_wait3A_81 = arith.constant 0 : i32
      %dma_wait3A_82 = tpu.memref_slice %arg6[%dma_wait3A_79, %dma_wait3A_80, %dma_wait3A_81] : memref<3x16x128xi32, #tpu.memory_space<vmem>> -> memref<1x16x128xi32, #tpu.memory_space<vmem>>
      %dma_wait3A_83 = tpu.memref_squeeze %dma_wait3A_82 : memref<1x16x128xi32, #tpu.memory_space<vmem>> -> memref<16x128xi32, #tpu.memory_space<vmem>>
      %dma_wait3A_84 = arith.constant 0 : i32
      %dma_wait3A_85 = arith.constant 0 : i32
      %dma_wait3A_86 = tpu.memref_slice %arg3[%dma_wait3A, %dma_wait3A_77, %dma_wait3A_78, %dma_wait3A_84, %dma_wait3A_85] : memref<2x2x16x80x128xi32, #tpu.memory_space<hbm>> -> memref<1x1x1x16x128xi32, #tpu.memory_space<hbm>>
      %dma_wait3A_87 = tpu.memref_squeeze %dma_wait3A_86 : memref<1x1x1x16x128xi32, #tpu.memory_space<hbm>> -> memref<16x128xi32, #tpu.memory_space<hbm>>
      %dma_wait3A_88 = arith.constant 0 : i32
      %dma_wait3A_89 = arith.constant 0 : i32
      %dma_wait3A_90 = tpu.memref_slice %arg6[%dma_wait3A_79, %dma_wait3A_88, %dma_wait3A_89] : memref<3x16x128xi32, #tpu.memory_space<vmem>> -> memref<1x16x128xi32, #tpu.memory_space<vmem>>
      %dma_wait3A_91 = tpu.memref_squeeze %dma_wait3A_90 : memref<1x16x128xi32, #tpu.memory_space<vmem>> -> memref<16x128xi32, #tpu.memory_space<vmem>>
      %dma_wait3A_92 = arith.constant 0 : i32
      %dma_wait3A_93 = arith.constant 0 : i32
      %dma_wait3A_94 = tpu.memref_slice %arg3[%dma_wait3A, %dma_wait3A_77, %dma_wait3A_78, %dma_wait3A_92, %dma_wait3A_93] : memref<2x2x16x80x128xi32, #tpu.memory_space<hbm>> -> memref<1x1x1x16x128xi32, #tpu.memory_space<hbm>>
      %dma_wait3A_95 = tpu.memref_squeeze %dma_wait3A_94 : memref<1x1x1x16x128xi32, #tpu.memory_space<hbm>> -> memref<16x128xi32, #tpu.memory_space<hbm>>
      tpu.wait_dma2 semaphore(%arg15 : memref<!tpu.dma_semaphore, #tpu.memory_space<semaphore_mem>>) src(%dma_wait3A_95 : memref<16x128xi32, #tpu.memory_space<hbm>>) dst(%dma_wait3A_91 : memref<16x128xi32, #tpu.memory_space<vmem>>)
      %dma_wait3A_96 = arith.constant 1 : i32
      %dma_wait3A_97 = arith.constant 0 : i32
      %dma_wait3A_98 = arith.constant 0 : i32
      %dma_wait3A_99 = arith.constant 0 : i32
      %dma_wait3A_100 = arith.constant 0 : i32
      %dma_wait3A_101 = arith.constant 0 : i32
      %dma_wait3A_102 = tpu.memref_slice %arg7[%dma_wait3A_99, %dma_wait3A_100, %dma_wait3A_101] : memref<3x16x128xi32, #tpu.memory_space<vmem>> -> memref<1x16x128xi32, #tpu.memory_space<vmem>>
      %dma_wait3A_103 = tpu.memref_squeeze %dma_wait3A_102 : memref<1x16x128xi32, #tpu.memory_space<vmem>> -> memref<16x128xi32, #tpu.memory_space<vmem>>
      %dma_wait3A_104 = arith.constant 0 : i32
      %dma_wait3A_105 = arith.constant 0 : i32
      %dma_wait3A_106 = tpu.memref_slice %arg3[%dma_wait3A_96, %dma_wait3A_97, %dma_wait3A_98, %dma_wait3A_104, %dma_wait3A_105] : memref<2x2x16x80x128xi32, #tpu.memory_space<hbm>> -> memref<1x1x1x16x128xi32, #tpu.memory_space<hbm>>
      %dma_wait3A_107 = tpu.memref_squeeze %dma_wait3A_106 : memref<1x1x1x16x128xi32, #tpu.memory_space<hbm>> -> memref<16x128xi32, #tpu.memory_space<hbm>>
      %dma_wait3A_108 = arith.constant 0 : i32
      %dma_wait3A_109 = arith.constant 0 : i32
      %dma_wait3A_110 = tpu.memref_slice %arg7[%dma_wait3A_99, %dma_wait3A_108, %dma_wait3A_109] : memref<3x16x128xi32, #tpu.memory_space<vmem>> -> memref<1x16x128xi32, #tpu.memory_space<vmem>>
      %dma_wait3A_111 = tpu.memref_squeeze %dma_wait3A_110 : memref<1x16x128xi32, #tpu.memory_space<vmem>> -> memref<16x128xi32, #tpu.memory_space<vmem>>
      %dma_wait3A_112 = arith.constant 0 : i32
      %dma_wait3A_113 = arith.constant 0 : i32
      %dma_wait3A_114 = tpu.memref_slice %arg3[%dma_wait3A_96, %dma_wait3A_97, %dma_wait3A_98, %dma_wait3A_112, %dma_wait3A_113] : memref<2x2x16x80x128xi32, #tpu.memory_space<hbm>> -> memref<1x1x1x16x128xi32, #tpu.memory_space<hbm>>
      %dma_wait3A_115 = tpu.memref_squeeze %dma_wait3A_114 : memref<1x1x1x16x128xi32, #tpu.memory_space<hbm>> -> memref<16x128xi32, #tpu.memory_space<hbm>>
      tpu.wait_dma2 semaphore(%arg15 : memref<!tpu.dma_semaphore, #tpu.memory_space<semaphore_mem>>) src(%dma_wait3A_115 : memref<16x128xi32, #tpu.memory_space<hbm>>) dst(%dma_wait3A_111 : memref<16x128xi32, #tpu.memory_space<vmem>>)
      %dma_start3A_116 = arith.constant 0 : i32
      %dma_start3A_117 = arith.constant 1 : i32
      %dma_start3A_118 = arith.constant 0 : i32
      %dma_start3A_119 = arith.constant 0 : i32
      %dma_start3A_120 = tpu.memref_slice %arg6[%dma_start3A_117, %dma_start3A_118, %dma_start3A_119] : memref<3x16x128xi32, #tpu.memory_space<vmem>> -> memref<1x16x128xi32, #tpu.memory_space<vmem>>
      %dma_start3A_121 = tpu.memref_squeeze %dma_start3A_120 : memref<1x16x128xi32, #tpu.memory_space<vmem>> -> memref<16x128xi32, #tpu.memory_space<vmem>>
      %dma_start3A_122 = arith.constant 16 : i32
      %dma_start3A_123 = arith.constant 0 : i32
      %dma_start3A_124 = tpu.memref_slice %arg3[%dma_start3A_116, %arg0, %arg1, %dma_start3A_122, %dma_start3A_123] : memref<2x2x16x80x128xi32, #tpu.memory_space<hbm>> -> memref<1x1x1x16x128xi32, #tpu.memory_space<hbm>>
      %dma_start3A_125 = tpu.memref_squeeze %dma_start3A_124 : memref<1x1x1x16x128xi32, #tpu.memory_space<hbm>> -> memref<16x128xi32, #tpu.memory_space<hbm>>
      %dma_start3A_126 = arith.constant 0 : i32
      %dma_start3A_127 = arith.constant 0 : i32
      %dma_start3A_128 = tpu.memref_slice %arg6[%dma_start3A_117, %dma_start3A_126, %dma_start3A_127] : memref<3x16x128xi32, #tpu.memory_space<vmem>> -> memref<1x16x128xi32, #tpu.memory_space<vmem>>
      %dma_start3A_129 = tpu.memref_squeeze %dma_start3A_128 : memref<1x16x128xi32, #tpu.memory_space<vmem>> -> memref<16x128xi32, #tpu.memory_space<vmem>>
      %dma_start3A_130 = arith.constant 16 : i32
      %dma_start3A_131 = arith.constant 0 : i32
      %dma_start3A_132 = tpu.memref_slice %arg3[%dma_start3A_116, %arg0, %arg1, %dma_start3A_130, %dma_start3A_131] : memref<2x2x16x80x128xi32, #tpu.memory_space<hbm>> -> memref<1x1x1x16x128xi32, #tpu.memory_space<hbm>>
      %dma_start3A_133 = tpu.memref_squeeze %dma_start3A_132 : memref<1x1x1x16x128xi32, #tpu.memory_space<hbm>> -> memref<16x128xi32, #tpu.memory_space<hbm>>
      tpu.enqueue_dma source(%dma_start3A_133 : memref<16x128xi32, #tpu.memory_space<hbm>>) target(%dma_start3A_129 : memref<16x128xi32, #tpu.memory_space<vmem>>) target_semaphore(%arg15 : memref<!tpu.dma_semaphore, #tpu.memory_space<semaphore_mem>>)
      %dma_start3A_134 = arith.constant 1 : i32
      %dma_start3A_135 = arith.constant 1 : i32
      %dma_start3A_136 = arith.constant 0 : i32
      %dma_start3A_137 = arith.constant 0 : i32
      %dma_start3A_138 = tpu.memref_slice %arg7[%dma_start3A_135, %dma_start3A_136, %dma_start3A_137] : memref<3x16x128xi32, #tpu.memory_space<vmem>> -> memref<1x16x128xi32, #tpu.memory_space<vmem>>
      %dma_start3A_139 = tpu.memref_squeeze %dma_start3A_138 : memref<1x16x128xi32, #tpu.memory_space<vmem>> -> memref<16x128xi32, #tpu.memory_space<vmem>>
      %dma_start3A_140 = arith.constant 16 : i32
      %dma_start3A_141 = arith.constant 0 : i32
      %dma_start3A_142 = tpu.memref_slice %arg3[%dma_start3A_134, %arg0, %arg1, %dma_start3A_140, %dma_start3A_141] : memref<2x2x16x80x128xi32, #tpu.memory_space<hbm>> -> memref<1x1x1x16x128xi32, #tpu.memory_space<hbm>>
      %dma_start3A_143 = tpu.memref_squeeze %dma_start3A_142 : memref<1x1x1x16x128xi32, #tpu.memory_space<hbm>> -> memref<16x128xi32, #tpu.memory_space<hbm>>
      %dma_start3A_144 = arith.constant 0 : i32
      %dma_start3A_145 = arith.constant 0 : i32
      %dma_start3A_146 = tpu.memref_slice %arg7[%dma_start3A_135, %dma_start3A_144, %dma_start3A_145] : memref<3x16x128xi32, #tpu.memory_space<vmem>> -> memref<1x16x128xi32, #tpu.memory_space<vmem>>
      %dma_start3A_147 = tpu.memref_squeeze %dma_start3A_146 : memref<1x16x128xi32, #tpu.memory_space<vmem>> -> memref<16x128xi32, #tpu.memory_space<vmem>>
      %dma_start3A_148 = arith.constant 16 : i32
      %dma_start3A_149 = arith.constant 0 : i32
      %dma_start3A_150 = tpu.memref_slice %arg3[%dma_start3A_134, %arg0, %arg1, %dma_start3A_148, %dma_start3A_149] : memref<2x2x16x80x128xi32, #tpu.memory_space<hbm>> -> memref<1x1x1x16x128xi32, #tpu.memory_space<hbm>>
      %dma_start3A_151 = tpu.memref_squeeze %dma_start3A_150 : memref<1x1x1x16x128xi32, #tpu.memory_space<hbm>> -> memref<16x128xi32, #tpu.memory_space<hbm>>
      tpu.enqueue_dma source(%dma_start3A_151 : memref<16x128xi32, #tpu.memory_space<hbm>>) target(%dma_start3A_147 : memref<16x128xi32, #tpu.memory_space<vmem>>) target_semaphore(%arg15 : memref<!tpu.dma_semaphore, #tpu.memory_space<semaphore_mem>>)
    } else {
    }
    %dma_start3A_59 = arith.constant 0 : i32
    %dma_start3A_60 = arith.constant 0 : i32
    %dma_start3A_61 = arith.constant 0 : i32
    %dma_start3A_62 = tpu.memref_slice %arg6[%dma_start3A_59, %dma_start3A_60, %dma_start3A_61] : memref<3x16x128xi32, #tpu.memory_space<vmem>> -> memref<1x1x128xi32, #tpu.memory_space<vmem>>
    %dma_start3A_63 = tpu.memref_squeeze %dma_start3A_62 : memref<1x1x128xi32, #tpu.memory_space<vmem>> -> memref<128xi32, #tpu.memory_space<vmem>>
    %dma_start3A_64 = arith.constant 0 : i32
    %dma_start3A_65 = arith.constant 0 : i32
    %dma_start3A_66 = tpu.memref_slice %arg2[%dma_start3A_64, %dma_start3A_65] : memref<10240x128xf32, #tpu.memory_space<hbm>> -> memref<10240x128xf32, #tpu.memory_space<hbm>>
    tpu.enqueue_indirect_dma source(%dma_start3A_66 : memref<10240x128xf32, #tpu.memory_space<hbm>>) target(%arg8 : memref<128x128xf32, #tpu.memory_space<vmem>>) offsets(%dma_start3A_63 : memref<128xi32, #tpu.memory_space<vmem>>) semaphore(%arg11 : memref<!tpu.dma_semaphore, #tpu.memory_space<semaphore_mem>>)
    %scan3A = arith.constant 0 : i32
    %scan3A_67 = arith.constant 0 : i32
    %scan3A_68 = arith.constant 40 : i32
    %scan3A_69 = arith.addi %scan3A_67, %scan3A_68 : i32
    %scan3A_70 = arith.constant 1 : i32
    scf.for %scan3A_77 = %scan3A_67 to %scan3A_69 step %scan3A_70  : i32 {
      %mul3A_78 = arith.constant 2 : i32
      %mul3A_79 = arith.muli %mul3A_78, %scan3A_77 : i32
      %add3A_80 = arith.constant 1 : i32
      %add3A_81 = arith.addi %mul3A_79, %add3A_80 : i32
      %add3A_82 = arith.constant 2 : i32
      %add3A_83 = arith.addi %mul3A_79, %add3A_82 : i32
      %dma_wait3A = arith.constant 0 : i32
      %dma_wait3A_84 = arith.constant 0 : i32
      %dma_wait3A_85 = tpu.memref_slice %arg2[%dma_wait3A, %dma_wait3A_84] : memref<10240x128xf32, #tpu.memory_space<hbm>> -> memref<128x128xf32, #tpu.memory_space<hbm>>
      %dma_wait3A_86 = arith.constant 0 : i32
      %dma_wait3A_87 = arith.constant 0 : i32
      %dma_wait3A_88 = tpu.memref_slice %arg2[%dma_wait3A_86, %dma_wait3A_87] : memref<10240x128xf32, #tpu.memory_space<hbm>> -> memref<128x128xf32, #tpu.memory_space<hbm>>
      tpu.wait_dma2 semaphore(%arg11 : memref<!tpu.dma_semaphore, #tpu.memory_space<semaphore_mem>>) src(%dma_wait3A_88 : memref<128x128xf32, #tpu.memory_space<hbm>>) dst(%arg8 : memref<128x128xf32, #tpu.memory_space<vmem>>)
      %jit3A = arith.constant 16 : i32
      %eq3A = arith.constant 0 : i32
      %eq3A_89 = arith.cmpi eq, %jit3A, %eq3A : i32
      %jit3A_90 = arith.constant 1 : i32
      %select_n3A = arith.select %eq3A_89, %jit3A_90, %jit3A : i32
      %rem3A = arith.remsi %add3A_81, %select_n3A : i32
      %ne3A = arith.constant 0 : i32
      %ne3A_91 = arith.cmpi ne, %rem3A, %ne3A : i32
      %lt3A = arith.constant 0 : i32
      %lt3A_92 = arith.cmpi slt, %rem3A, %lt3A : i32
      %lt3A_93 = arith.constant 0 : i32
      %lt3A_94 = arith.cmpi slt, %select_n3A, %lt3A_93 : i32
      %ne3A_95 = arith.xori %lt3A_92, %lt3A_94 : i1
      %and3A_96 = arith.andi %ne3A_95, %ne3A_91 : i1
      %add3A_97 = arith.addi %rem3A, %select_n3A : i32
      %select_n3A_98 = arith.select %and3A_96, %add3A_97, %rem3A : i32
      %eq3A_99 = arith.constant 0 : i32
      %eq3A_100 = arith.cmpi eq, %select_n3A_98, %eq3A_99 : i32
      %gt3A = arith.constant 0 : i32
      %gt3A_101 = arith.cmpi sgt, %add3A_81, %gt3A : i32
      %and3A_102 = arith.andi %eq3A_100, %gt3A_101 : i1
      %convert_element_type3A_103 = arith.extui %and3A_102 : i1 to i32
      %cond3A_104 = arith.constant 0 : i32
      %cond3A_105 = arith.cmpi ne, %convert_element_type3A_103, %cond3A_104 : i32
      scf.if %cond3A_105 {
        %dma_wait3A_288 = arith.constant 0 : i32
        %dma_wait3A_289 = arith.constant 0 : i32
        %dma_wait3A_290 = arith.constant 0 : i32
        %dma_wait3A_291 = arith.constant 0 : i32
        %dma_wait3A_292 = arith.constant 0 : i32
        %dma_wait3A_293 = arith.constant 0 : i32
        %dma_wait3A_294 = tpu.memref_slice %arg6[%dma_wait3A_291, %dma_wait3A_292, %dma_wait3A_293] : memref<3x16x128xi32, #tpu.memory_space<vmem>> -> memref<1x16x128xi32, #tpu.memory_space<vmem>>
        %dma_wait3A_295 = tpu.memref_squeeze %dma_wait3A_294 : memref<1x16x128xi32, #tpu.memory_space<vmem>> -> memref<16x128xi32, #tpu.memory_space<vmem>>
        %dma_wait3A_296 = arith.constant 0 : i32
        %dma_wait3A_297 = arith.constant 0 : i32
        %dma_wait3A_298 = tpu.memref_slice %arg3[%dma_wait3A_288, %dma_wait3A_289, %dma_wait3A_290, %dma_wait3A_296, %dma_wait3A_297] : memref<2x2x16x80x128xi32, #tpu.memory_space<hbm>> -> memref<1x1x1x16x128xi32, #tpu.memory_space<hbm>>
        %dma_wait3A_299 = tpu.memref_squeeze %dma_wait3A_298 : memref<1x1x1x16x128xi32, #tpu.memory_space<hbm>> -> memref<16x128xi32, #tpu.memory_space<hbm>>
        %dma_wait3A_300 = arith.constant 0 : i32
        %dma_wait3A_301 = arith.constant 0 : i32
        %dma_wait3A_302 = tpu.memref_slice %arg6[%dma_wait3A_291, %dma_wait3A_300, %dma_wait3A_301] : memref<3x16x128xi32, #tpu.memory_space<vmem>> -> memref<1x16x128xi32, #tpu.memory_space<vmem>>
        %dma_wait3A_303 = tpu.memref_squeeze %dma_wait3A_302 : memref<1x16x128xi32, #tpu.memory_space<vmem>> -> memref<16x128xi32, #tpu.memory_space<vmem>>
        %dma_wait3A_304 = arith.constant 0 : i32
        %dma_wait3A_305 = arith.constant 0 : i32
        %dma_wait3A_306 = tpu.memref_slice %arg3[%dma_wait3A_288, %dma_wait3A_289, %dma_wait3A_290, %dma_wait3A_304, %dma_wait3A_305] : memref<2x2x16x80x128xi32, #tpu.memory_space<hbm>> -> memref<1x1x1x16x128xi32, #tpu.memory_space<hbm>>
        %dma_wait3A_307 = tpu.memref_squeeze %dma_wait3A_306 : memref<1x1x1x16x128xi32, #tpu.memory_space<hbm>> -> memref<16x128xi32, #tpu.memory_space<hbm>>
        tpu.wait_dma2 semaphore(%arg15 : memref<!tpu.dma_semaphore, #tpu.memory_space<semaphore_mem>>) src(%dma_wait3A_307 : memref<16x128xi32, #tpu.memory_space<hbm>>) dst(%dma_wait3A_303 : memref<16x128xi32, #tpu.memory_space<vmem>>)
        %dma_wait3A_308 = arith.constant 1 : i32
        %dma_wait3A_309 = arith.constant 0 : i32
        %dma_wait3A_310 = arith.constant 0 : i32
        %dma_wait3A_311 = arith.constant 0 : i32
        %dma_wait3A_312 = arith.constant 0 : i32
        %dma_wait3A_313 = arith.constant 0 : i32
        %dma_wait3A_314 = tpu.memref_slice %arg7[%dma_wait3A_311, %dma_wait3A_312, %dma_wait3A_313] : memref<3x16x128xi32, #tpu.memory_space<vmem>> -> memref<1x16x128xi32, #tpu.memory_space<vmem>>
        %dma_wait3A_315 = tpu.memref_squeeze %dma_wait3A_314 : memref<1x16x128xi32, #tpu.memory_space<vmem>> -> memref<16x128xi32, #tpu.memory_space<vmem>>
        %dma_wait3A_316 = arith.constant 0 : i32
        %dma_wait3A_317 = arith.constant 0 : i32
        %dma_wait3A_318 = tpu.memref_slice %arg3[%dma_wait3A_308, %dma_wait3A_309, %dma_wait3A_310, %dma_wait3A_316, %dma_wait3A_317] : memref<2x2x16x80x128xi32, #tpu.memory_space<hbm>> -> memref<1x1x1x16x128xi32, #tpu.memory_space<hbm>>
        %dma_wait3A_319 = tpu.memref_squeeze %dma_wait3A_318 : memref<1x1x1x16x128xi32, #tpu.memory_space<hbm>> -> memref<16x128xi32, #tpu.memory_space<hbm>>
        %dma_wait3A_320 = arith.constant 0 : i32
        %dma_wait3A_321 = arith.constant 0 : i32
        %dma_wait3A_322 = tpu.memref_slice %arg7[%dma_wait3A_311, %dma_wait3A_320, %dma_wait3A_321] : memref<3x16x128xi32, #tpu.memory_space<vmem>> -> memref<1x16x128xi32, #tpu.memory_space<vmem>>
        %dma_wait3A_323 = tpu.memref_squeeze %dma_wait3A_322 : memref<1x16x128xi32, #tpu.memory_space<vmem>> -> memref<16x128xi32, #tpu.memory_space<vmem>>
        %dma_wait3A_324 = arith.constant 0 : i32
        %dma_wait3A_325 = arith.constant 0 : i32
        %dma_wait3A_326 = tpu.memref_slice %arg3[%dma_wait3A_308, %dma_wait3A_309, %dma_wait3A_310, %dma_wait3A_324, %dma_wait3A_325] : memref<2x2x16x80x128xi32, #tpu.memory_space<hbm>> -> memref<1x1x1x16x128xi32, #tpu.memory_space<hbm>>
        %dma_wait3A_327 = tpu.memref_squeeze %dma_wait3A_326 : memref<1x1x1x16x128xi32, #tpu.memory_space<hbm>> -> memref<16x128xi32, #tpu.memory_space<hbm>>
        tpu.wait_dma2 semaphore(%arg15 : memref<!tpu.dma_semaphore, #tpu.memory_space<semaphore_mem>>) src(%dma_wait3A_327 : memref<16x128xi32, #tpu.memory_space<hbm>>) dst(%dma_wait3A_323 : memref<16x128xi32, #tpu.memory_space<vmem>>)
        %jit3A_328 = arith.constant 16 : i32
        %div3A_329 = arith.divsi %add3A_81, %jit3A_328 : i32
        %sign3A_330 = arith.constant 0 : i32
        %sign3A_331 = arith.cmpi sgt, %add3A_81, %sign3A_330 : i32
        %sign3A_332 = arith.extui %sign3A_331 : i1 to i32
        %sign3A_333 = arith.constant 0 : i32
        %sign3A_334 = arith.cmpi slt, %add3A_81, %sign3A_333 : i32
        %sign3A_335 = arith.extui %sign3A_334 : i1 to i32
        %sign3A_336 = arith.subi %sign3A_332, %sign3A_335 : i32
        %sign3A_337 = arith.constant 0 : i32
        %sign3A_338 = arith.cmpi sgt, %jit3A_328, %sign3A_337 : i32
        %sign3A_339 = arith.extui %sign3A_338 : i1 to i32
        %sign3A_340 = arith.constant 0 : i32
        %sign3A_341 = arith.cmpi slt, %jit3A_328, %sign3A_340 : i32
        %sign3A_342 = arith.extui %sign3A_341 : i1 to i32
        %sign3A_343 = arith.subi %sign3A_339, %sign3A_342 : i32
        %ne3A_344 = arith.cmpi ne, %sign3A_336, %sign3A_343 : i32
        %rem3A_345 = arith.remsi %add3A_81, %jit3A_328 : i32
        %ne3A_346 = arith.constant 0 : i32
        %ne3A_347 = arith.cmpi ne, %rem3A_345, %ne3A_346 : i32
        %and3A_348 = arith.andi %ne3A_344, %ne3A_347 : i1
        %sub3A_349 = arith.constant 1 : i32
        %sub3A_350 = arith.subi %div3A_329, %sub3A_349 : i32
        %select_n3A_351 = arith.select %and3A_348, %sub3A_350, %div3A_329 : i32
        %add3A_352 = arith.constant 1 : i32
        %add3A_353 = arith.addi %select_n3A_351, %add3A_352 : i32
        %lt3A_354 = arith.constant 5 : i32
        %lt3A_355 = arith.cmpi slt, %add3A_353, %lt3A_354 : i32
        %convert_element_type3A_356 = arith.extui %lt3A_355 : i1 to i32
        %cond3A_357 = arith.constant 0 : i32
        %cond3A_358 = arith.cmpi ne, %convert_element_type3A_356, %cond3A_357 : i32
        scf.if %cond3A_358 {
          %mul3A_359 = arith.constant 16 : i32
          %mul3A_360 = arith.muli %add3A_353, %mul3A_359 : i32
          %jit3A_361 = arith.constant 3 : i32
          %eq3A_362 = arith.constant 0 : i32
          %eq3A_363 = arith.cmpi eq, %jit3A_361, %eq3A_362 : i32
          %jit3A_364 = arith.constant 1 : i32
          %select_n3A_365 = arith.select %eq3A_363, %jit3A_364, %jit3A_361 : i32
          %rem3A_366 = arith.remsi %add3A_353, %select_n3A_365 : i32
          %ne3A_367 = arith.constant 0 : i32
          %ne3A_368 = arith.cmpi ne, %rem3A_366, %ne3A_367 : i32
          %lt3A_369 = arith.constant 0 : i32
          %lt3A_370 = arith.cmpi slt, %rem3A_366, %lt3A_369 : i32
          %lt3A_371 = arith.constant 0 : i32
          %lt3A_372 = arith.cmpi slt, %select_n3A_365, %lt3A_371 : i32
          %ne3A_373 = arith.xori %lt3A_370, %lt3A_372 : i1
          %and3A_374 = arith.andi %ne3A_373, %ne3A_368 : i1
          %add3A_375 = arith.addi %rem3A_366, %select_n3A_365 : i32
          %select_n3A_376 = arith.select %and3A_374, %add3A_375, %rem3A_366 : i32
          %dma_start3A_377 = arith.constant 0 : i32
          %dma_start3A_378 = arith.constant 0 : i32
          %dma_start3A_379 = arith.constant 0 : i32
          %dma_start3A_380 = tpu.memref_slice %arg6[%select_n3A_376, %dma_start3A_378, %dma_start3A_379] : memref<3x16x128xi32, #tpu.memory_space<vmem>> -> memref<1x16x128xi32, #tpu.memory_space<vmem>>
          %dma_start3A_381 = tpu.memref_squeeze %dma_start3A_380 : memref<1x16x128xi32, #tpu.memory_space<vmem>> -> memref<16x128xi32, #tpu.memory_space<vmem>>
          %dma_start3A_382 = arith.constant 0 : i32
          %dma_start3A_383 = tpu.memref_slice %arg3[%dma_start3A_377, %arg0, %arg1, %mul3A_360, %dma_start3A_382] : memref<2x2x16x80x128xi32, #tpu.memory_space<hbm>> -> memref<1x1x1x16x128xi32, #tpu.memory_space<hbm>>
          %dma_start3A_384 = tpu.memref_squeeze %dma_start3A_383 : memref<1x1x1x16x128xi32, #tpu.memory_space<hbm>> -> memref<16x128xi32, #tpu.memory_space<hbm>>
          %dma_start3A_385 = arith.constant 0 : i32
          %dma_start3A_386 = arith.constant 0 : i32
          %dma_start3A_387 = tpu.memref_slice %arg6[%select_n3A_376, %dma_start3A_385, %dma_start3A_386] : memref<3x16x128xi32, #tpu.memory_space<vmem>> -> memref<1x16x128xi32, #tpu.memory_space<vmem>>
          %dma_start3A_388 = tpu.memref_squeeze %dma_start3A_387 : memref<1x16x128xi32, #tpu.memory_space<vmem>> -> memref<16x128xi32, #tpu.memory_space<vmem>>
          %dma_start3A_389 = arith.constant 0 : i32
          %dma_start3A_390 = tpu.memref_slice %arg3[%dma_start3A_377, %arg0, %arg1, %mul3A_360, %dma_start3A_389] : memref<2x2x16x80x128xi32, #tpu.memory_space<hbm>> -> memref<1x1x1x16x128xi32, #tpu.memory_space<hbm>>
          %dma_start3A_391 = tpu.memref_squeeze %dma_start3A_390 : memref<1x1x1x16x128xi32, #tpu.memory_space<hbm>> -> memref<16x128xi32, #tpu.memory_space<hbm>>
          tpu.enqueue_dma source(%dma_start3A_391 : memref<16x128xi32, #tpu.memory_space<hbm>>) target(%dma_start3A_388 : memref<16x128xi32, #tpu.memory_space<vmem>>) target_semaphore(%arg15 : memref<!tpu.dma_semaphore, #tpu.memory_space<semaphore_mem>>)
          %mul3A_392 = arith.constant 16 : i32
          %mul3A_393 = arith.muli %add3A_353, %mul3A_392 : i32
          %jit3A_394 = arith.constant 3 : i32
          %eq3A_395 = arith.constant 0 : i32
          %eq3A_396 = arith.cmpi eq, %jit3A_394, %eq3A_395 : i32
          %jit3A_397 = arith.constant 1 : i32
          %select_n3A_398 = arith.select %eq3A_396, %jit3A_397, %jit3A_394 : i32
          %rem3A_399 = arith.remsi %add3A_353, %select_n3A_398 : i32
          %ne3A_400 = arith.constant 0 : i32
          %ne3A_401 = arith.cmpi ne, %rem3A_399, %ne3A_400 : i32
          %lt3A_402 = arith.constant 0 : i32
          %lt3A_403 = arith.cmpi slt, %rem3A_399, %lt3A_402 : i32
          %lt3A_404 = arith.constant 0 : i32
          %lt3A_405 = arith.cmpi slt, %select_n3A_398, %lt3A_404 : i32
          %ne3A_406 = arith.xori %lt3A_403, %lt3A_405 : i1
          %and3A_407 = arith.andi %ne3A_406, %ne3A_401 : i1
          %add3A_408 = arith.addi %rem3A_399, %select_n3A_398 : i32
          %select_n3A_409 = arith.select %and3A_407, %add3A_408, %rem3A_399 : i32
          %dma_start3A_410 = arith.constant 1 : i32
          %dma_start3A_411 = arith.constant 0 : i32
          %dma_start3A_412 = arith.constant 0 : i32
          %dma_start3A_413 = tpu.memref_slice %arg7[%select_n3A_409, %dma_start3A_411, %dma_start3A_412] : memref<3x16x128xi32, #tpu.memory_space<vmem>> -> memref<1x16x128xi32, #tpu.memory_space<vmem>>
          %dma_start3A_414 = tpu.memref_squeeze %dma_start3A_413 : memref<1x16x128xi32, #tpu.memory_space<vmem>> -> memref<16x128xi32, #tpu.memory_space<vmem>>
          %dma_start3A_415 = arith.constant 0 : i32
          %dma_start3A_416 = tpu.memref_slice %arg3[%dma_start3A_410, %arg0, %arg1, %mul3A_393, %dma_start3A_415] : memref<2x2x16x80x128xi32, #tpu.memory_space<hbm>> -> memref<1x1x1x16x128xi32, #tpu.memory_space<hbm>>
          %dma_start3A_417 = tpu.memref_squeeze %dma_start3A_416 : memref<1x1x1x16x128xi32, #tpu.memory_space<hbm>> -> memref<16x128xi32, #tpu.memory_space<hbm>>
          %dma_start3A_418 = arith.constant 0 : i32
          %dma_start3A_419 = arith.constant 0 : i32
          %dma_start3A_420 = tpu.memref_slice %arg7[%select_n3A_409, %dma_start3A_418, %dma_start3A_419] : memref<3x16x128xi32, #tpu.memory_space<vmem>> -> memref<1x16x128xi32, #tpu.memory_space<vmem>>
          %dma_start3A_421 = tpu.memref_squeeze %dma_start3A_420 : memref<1x16x128xi32, #tpu.memory_space<vmem>> -> memref<16x128xi32, #tpu.memory_space<vmem>>
          %dma_start3A_422 = arith.constant 0 : i32
          %dma_start3A_423 = tpu.memref_slice %arg3[%dma_start3A_410, %arg0, %arg1, %mul3A_393, %dma_start3A_422] : memref<2x2x16x80x128xi32, #tpu.memory_space<hbm>> -> memref<1x1x1x16x128xi32, #tpu.memory_space<hbm>>
          %dma_start3A_424 = tpu.memref_squeeze %dma_start3A_423 : memref<1x1x1x16x128xi32, #tpu.memory_space<hbm>> -> memref<16x128xi32, #tpu.memory_space<hbm>>
          tpu.enqueue_dma source(%dma_start3A_424 : memref<16x128xi32, #tpu.memory_space<hbm>>) target(%dma_start3A_421 : memref<16x128xi32, #tpu.memory_space<vmem>>) target_semaphore(%arg15 : memref<!tpu.dma_semaphore, #tpu.memory_space<semaphore_mem>>)
        } else {
        }
      } else {
      }
      %jit3A_106 = arith.constant 16 : i32
      %div3A = arith.divsi %add3A_81, %jit3A_106 : i32
      %sign3A = arith.constant 0 : i32
      %sign3A_107 = arith.cmpi sgt, %add3A_81, %sign3A : i32
      %sign3A_108 = arith.extui %sign3A_107 : i1 to i32
      %sign3A_109 = arith.constant 0 : i32
      %sign3A_110 = arith.cmpi slt, %add3A_81, %sign3A_109 : i32
      %sign3A_111 = arith.extui %sign3A_110 : i1 to i32
      %sign3A_112 = arith.subi %sign3A_108, %sign3A_111 : i32
      %sign3A_113 = arith.constant 0 : i32
      %sign3A_114 = arith.cmpi sgt, %jit3A_106, %sign3A_113 : i32
      %sign3A_115 = arith.extui %sign3A_114 : i1 to i32
      %sign3A_116 = arith.constant 0 : i32
      %sign3A_117 = arith.cmpi slt, %jit3A_106, %sign3A_116 : i32
      %sign3A_118 = arith.extui %sign3A_117 : i1 to i32
      %sign3A_119 = arith.subi %sign3A_115, %sign3A_118 : i32
      %ne3A_120 = arith.cmpi ne, %sign3A_112, %sign3A_119 : i32
      %rem3A_121 = arith.remsi %add3A_81, %jit3A_106 : i32
      %ne3A_122 = arith.constant 0 : i32
      %ne3A_123 = arith.cmpi ne, %rem3A_121, %ne3A_122 : i32
      %and3A_124 = arith.andi %ne3A_120, %ne3A_123 : i1
      %sub3A = arith.constant 1 : i32
      %sub3A_125 = arith.subi %div3A, %sub3A : i32
      %select_n3A_126 = arith.select %and3A_124, %sub3A_125, %div3A : i32
      %jit3A_127 = arith.constant 3 : i32
      %eq3A_128 = arith.constant 0 : i32
      %eq3A_129 = arith.cmpi eq, %jit3A_127, %eq3A_128 : i32
      %jit3A_130 = arith.constant 1 : i32
      %select_n3A_131 = arith.select %eq3A_129, %jit3A_130, %jit3A_127 : i32
      %rem3A_132 = arith.remsi %select_n3A_126, %select_n3A_131 : i32
      %ne3A_133 = arith.constant 0 : i32
      %ne3A_134 = arith.cmpi ne, %rem3A_132, %ne3A_133 : i32
      %lt3A_135 = arith.constant 0 : i32
      %lt3A_136 = arith.cmpi slt, %rem3A_132, %lt3A_135 : i32
      %lt3A_137 = arith.constant 0 : i32
      %lt3A_138 = arith.cmpi slt, %select_n3A_131, %lt3A_137 : i32
      %ne3A_139 = arith.xori %lt3A_136, %lt3A_138 : i1
      %and3A_140 = arith.andi %ne3A_139, %ne3A_134 : i1
      %add3A_141 = arith.addi %rem3A_132, %select_n3A_131 : i32
      %select_n3A_142 = arith.select %and3A_140, %add3A_141, %rem3A_132 : i32
      %jit3A_143 = arith.constant 16 : i32
      %eq3A_144 = arith.constant 0 : i32
      %eq3A_145 = arith.cmpi eq, %jit3A_143, %eq3A_144 : i32
      %jit3A_146 = arith.constant 1 : i32
      %select_n3A_147 = arith.select %eq3A_145, %jit3A_146, %jit3A_143 : i32
      %rem3A_148 = arith.remsi %add3A_81, %select_n3A_147 : i32
      %ne3A_149 = arith.constant 0 : i32
      %ne3A_150 = arith.cmpi ne, %rem3A_148, %ne3A_149 : i32
      %lt3A_151 = arith.constant 0 : i32
      %lt3A_152 = arith.cmpi slt, %rem3A_148, %lt3A_151 : i32
      %lt3A_153 = arith.constant 0 : i32
      %lt3A_154 = arith.cmpi slt, %select_n3A_147, %lt3A_153 : i32
      %ne3A_155 = arith.xori %lt3A_152, %lt3A_154 : i1
      %and3A_156 = arith.andi %ne3A_155, %ne3A_150 : i1
      %add3A_157 = arith.addi %rem3A_148, %select_n3A_147 : i32
      %select_n3A_158 = arith.select %and3A_156, %add3A_157, %rem3A_148 : i32
      %dma_start3A_159 = arith.constant 0 : i32
      %dma_start3A_160 = tpu.memref_slice %arg6[%select_n3A_142, %select_n3A_158, %dma_start3A_159] : memref<3x16x128xi32, #tpu.memory_space<vmem>> -> memref<1x1x128xi32, #tpu.memory_space<vmem>>
      %dma_start3A_161 = tpu.memref_squeeze %dma_start3A_160 : memref<1x1x128xi32, #tpu.memory_space<vmem>> -> memref<128xi32, #tpu.memory_space<vmem>>
      %dma_start3A_162 = arith.constant 0 : i32
      %dma_start3A_163 = arith.constant 0 : i32
      %dma_start3A_164 = tpu.memref_slice %arg2[%dma_start3A_162, %dma_start3A_163] : memref<10240x128xf32, #tpu.memory_space<hbm>> -> memref<10240x128xf32, #tpu.memory_space<hbm>>
      tpu.enqueue_indirect_dma source(%dma_start3A_164 : memref<10240x128xf32, #tpu.memory_space<hbm>>) target(%arg9 : memref<128x128xf32, #tpu.memory_space<vmem>>) offsets(%dma_start3A_161 : memref<128xi32, #tpu.memory_space<vmem>>) semaphore(%arg12 : memref<!tpu.dma_semaphore, #tpu.memory_space<semaphore_mem>>)
      %jit3A_165 = arith.constant 16 : i32
      %div3A_166 = arith.divsi %mul3A_79, %jit3A_165 : i32
      %sign3A_167 = arith.constant 0 : i32
      %sign3A_168 = arith.cmpi sgt, %mul3A_79, %sign3A_167 : i32
      %sign3A_169 = arith.extui %sign3A_168 : i1 to i32
      %sign3A_170 = arith.constant 0 : i32
      %sign3A_171 = arith.cmpi slt, %mul3A_79, %sign3A_170 : i32
      %sign3A_172 = arith.extui %sign3A_171 : i1 to i32
      %sign3A_173 = arith.subi %sign3A_169, %sign3A_172 : i32
      %sign3A_174 = arith.constant 0 : i32
      %sign3A_175 = arith.cmpi sgt, %jit3A_165, %sign3A_174 : i32
      %sign3A_176 = arith.extui %sign3A_175 : i1 to i32
      %sign3A_177 = arith.constant 0 : i32
      %sign3A_178 = arith.cmpi slt, %jit3A_165, %sign3A_177 : i32
      %sign3A_179 = arith.extui %sign3A_178 : i1 to i32
      %sign3A_180 = arith.subi %sign3A_176, %sign3A_179 : i32
      %ne3A_181 = arith.cmpi ne, %sign3A_173, %sign3A_180 : i32
      %rem3A_182 = arith.remsi %mul3A_79, %jit3A_165 : i32
      %ne3A_183 = arith.constant 0 : i32
      %ne3A_184 = arith.cmpi ne, %rem3A_182, %ne3A_183 : i32
      %and3A_185 = arith.andi %ne3A_181, %ne3A_184 : i1
      %sub3A_186 = arith.constant 1 : i32
      %sub3A_187 = arith.subi %div3A_166, %sub3A_186 : i32
      %select_n3A_188 = arith.select %and3A_185, %sub3A_187, %div3A_166 : i32
      %jit3A_189 = arith.constant 3 : i32
      %eq3A_190 = arith.constant 0 : i32
      %eq3A_191 = arith.cmpi eq, %jit3A_189, %eq3A_190 : i32
      %jit3A_192 = arith.constant 1 : i32
      %select_n3A_193 = arith.select %eq3A_191, %jit3A_192, %jit3A_189 : i32
      %rem3A_194 = arith.remsi %select_n3A_188, %select_n3A_193 : i32
      %ne3A_195 = arith.constant 0 : i32
      %ne3A_196 = arith.cmpi ne, %rem3A_194, %ne3A_195 : i32
      %lt3A_197 = arith.constant 0 : i32
      %lt3A_198 = arith.cmpi slt, %rem3A_194, %lt3A_197 : i32
      %lt3A_199 = arith.constant 0 : i32
      %lt3A_200 = arith.cmpi slt, %select_n3A_193, %lt3A_199 : i32
      %ne3A_201 = arith.xori %lt3A_198, %lt3A_200 : i1
      %and3A_202 = arith.andi %ne3A_201, %ne3A_196 : i1
      %add3A_203 = arith.addi %rem3A_194, %select_n3A_193 : i32
      %select_n3A_204 = arith.select %and3A_202, %add3A_203, %rem3A_194 : i32
      %jit3A_205 = arith.constant 16 : i32
      %eq3A_206 = arith.constant 0 : i32
      %eq3A_207 = arith.cmpi eq, %jit3A_205, %eq3A_206 : i32
      %jit3A_208 = arith.constant 1 : i32
      %select_n3A_209 = arith.select %eq3A_207, %jit3A_208, %jit3A_205 : i32
      %rem3A_210 = arith.remsi %mul3A_79, %select_n3A_209 : i32
      %ne3A_211 = arith.constant 0 : i32
      %ne3A_212 = arith.cmpi ne, %rem3A_210, %ne3A_211 : i32
      %lt3A_213 = arith.constant 0 : i32
      %lt3A_214 = arith.cmpi slt, %rem3A_210, %lt3A_213 : i32
      %lt3A_215 = arith.constant 0 : i32
      %lt3A_216 = arith.cmpi slt, %select_n3A_209, %lt3A_215 : i32
      %ne3A_217 = arith.xori %lt3A_214, %lt3A_216 : i1
      %and3A_218 = arith.andi %ne3A_217, %ne3A_212 : i1
      %add3A_219 = arith.addi %rem3A_210, %select_n3A_209 : i32
      %select_n3A_220 = arith.select %and3A_218, %add3A_219, %rem3A_210 : i32
      "tpu.region"() ({
        %run_scoped3A_288 = tpu.sem_alloc : memref<!tpu.dma_semaphore, #tpu.memory_space<semaphore_mem>>
        %dma_start3A_289 = arith.constant 0 : i32
        %dma_start3A_290 = tpu.memref_slice %arg7[%select_n3A_204, %select_n3A_220, %dma_start3A_289] : memref<3x16x128xi32, #tpu.memory_space<vmem>> -> memref<1x1x128xi32, #tpu.memory_space<vmem>>
        %dma_start3A_291 = tpu.memref_squeeze %dma_start3A_290 : memref<1x1x128xi32, #tpu.memory_space<vmem>> -> memref<128xi32, #tpu.memory_space<vmem>>
        %dma_start3A_292 = arith.constant 0 : i32
        %dma_start3A_293 = arith.constant 0 : i32
        %dma_start3A_294 = tpu.memref_slice %arg10[%dma_start3A_292, %dma_start3A_293] : memref<10240x128xf32, #tpu.memory_space<vmem_shared>> -> memref<10240x128xf32, #tpu.memory_space<vmem_shared>>
        tpu.enqueue_indirect_dma source(%arg8 : memref<128x128xf32, #tpu.memory_space<vmem>>) target(%dma_start3A_294 : memref<10240x128xf32, #tpu.memory_space<vmem_shared>>) offsets(%dma_start3A_291 : memref<128xi32, #tpu.memory_space<vmem>>) semaphore(%run_scoped3A_288 : memref<!tpu.dma_semaphore, #tpu.memory_space<semaphore_mem>>) {add = true}
        %dma_wait3A_295 = arith.constant 0 : i32
        %dma_wait3A_296 = tpu.memref_slice %arg7[%select_n3A_204, %select_n3A_220, %dma_wait3A_295] : memref<3x16x128xi32, #tpu.memory_space<vmem>> -> memref<1x1x128xi32, #tpu.memory_space<vmem>>
        %dma_wait3A_297 = tpu.memref_squeeze %dma_wait3A_296 : memref<1x1x128xi32, #tpu.memory_space<vmem>> -> memref<128xi32, #tpu.memory_space<vmem>>
        %dma_wait3A_298 = arith.constant 0 : i32
        %dma_wait3A_299 = arith.constant 0 : i32
        %dma_wait3A_300 = tpu.memref_slice %arg10[%dma_wait3A_298, %dma_wait3A_299] : memref<10240x128xf32, #tpu.memory_space<vmem_shared>> -> memref<10240x128xf32, #tpu.memory_space<vmem_shared>>
        tpu.wait_indirect_dma semaphore(%run_scoped3A_288 : memref<!tpu.dma_semaphore, #tpu.memory_space<semaphore_mem>>) src(%arg8 : memref<128x128xf32, #tpu.memory_space<vmem>>) dst(%dma_wait3A_300 : memref<10240x128xf32, #tpu.memory_space<vmem_shared>>)
        tpu.yield
      }) : () -> ()
      %lt3A_221 = arith.constant 80 : i32
      %lt3A_222 = arith.cmpi slt, %add3A_83, %lt3A_221 : i32
      %convert_element_type3A_223 = arith.extui %lt3A_222 : i1 to i32
      %cond3A_224 = arith.constant 0 : i32
      %cond3A_225 = arith.cmpi ne, %convert_element_type3A_223, %cond3A_224 : i32
      scf.if %cond3A_225 {
        %jit3A_288 = arith.constant 16 : i32
        %eq3A_289 = arith.constant 0 : i32
        %eq3A_290 = arith.cmpi eq, %jit3A_288, %eq3A_289 : i32
        %jit3A_291 = arith.constant 1 : i32
        %select_n3A_292 = arith.select %eq3A_290, %jit3A_291, %jit3A_288 : i32
        %rem3A_293 = arith.remsi %add3A_83, %select_n3A_292 : i32
        %ne3A_294 = arith.constant 0 : i32
        %ne3A_295 = arith.cmpi ne, %rem3A_293, %ne3A_294 : i32
        %lt3A_296 = arith.constant 0 : i32
        %lt3A_297 = arith.cmpi slt, %rem3A_293, %lt3A_296 : i32
        %lt3A_298 = arith.constant 0 : i32
        %lt3A_299 = arith.cmpi slt, %select_n3A_292, %lt3A_298 : i32
        %ne3A_300 = arith.xori %lt3A_297, %lt3A_299 : i1
        %and3A_301 = arith.andi %ne3A_300, %ne3A_295 : i1
        %add3A_302 = arith.addi %rem3A_293, %select_n3A_292 : i32
        %select_n3A_303 = arith.select %and3A_301, %add3A_302, %rem3A_293 : i32
        %eq3A_304 = arith.constant 0 : i32
        %eq3A_305 = arith.cmpi eq, %select_n3A_303, %eq3A_304 : i32
        %gt3A_306 = arith.constant 0 : i32
        %gt3A_307 = arith.cmpi sgt, %add3A_83, %gt3A_306 : i32
        %and3A_308 = arith.andi %eq3A_305, %gt3A_307 : i1
        %convert_element_type3A_309 = arith.extui %and3A_308 : i1 to i32
        %cond3A_310 = arith.constant 0 : i32
        %cond3A_311 = arith.cmpi ne, %convert_element_type3A_309, %cond3A_310 : i32
        scf.if %cond3A_311 {
          %dma_wait3A_374 = arith.constant 0 : i32
          %dma_wait3A_375 = arith.constant 0 : i32
          %dma_wait3A_376 = arith.constant 0 : i32
          %dma_wait3A_377 = arith.constant 0 : i32
          %dma_wait3A_378 = arith.constant 0 : i32
          %dma_wait3A_379 = arith.constant 0 : i32
          %dma_wait3A_380 = tpu.memref_slice %arg6[%dma_wait3A_377, %dma_wait3A_378, %dma_wait3A_379] : memref<3x16x128xi32, #tpu.memory_space<vmem>> -> memref<1x16x128xi32, #tpu.memory_space<vmem>>
          %dma_wait3A_381 = tpu.memref_squeeze %dma_wait3A_380 : memref<1x16x128xi32, #tpu.memory_space<vmem>> -> memref<16x128xi32, #tpu.memory_space<vmem>>
          %dma_wait3A_382 = arith.constant 0 : i32
          %dma_wait3A_383 = arith.constant 0 : i32
          %dma_wait3A_384 = tpu.memref_slice %arg3[%dma_wait3A_374, %dma_wait3A_375, %dma_wait3A_376, %dma_wait3A_382, %dma_wait3A_383] : memref<2x2x16x80x128xi32, #tpu.memory_space<hbm>> -> memref<1x1x1x16x128xi32, #tpu.memory_space<hbm>>
          %dma_wait3A_385 = tpu.memref_squeeze %dma_wait3A_384 : memref<1x1x1x16x128xi32, #tpu.memory_space<hbm>> -> memref<16x128xi32, #tpu.memory_space<hbm>>
          %dma_wait3A_386 = arith.constant 0 : i32
          %dma_wait3A_387 = arith.constant 0 : i32
          %dma_wait3A_388 = tpu.memref_slice %arg6[%dma_wait3A_377, %dma_wait3A_386, %dma_wait3A_387] : memref<3x16x128xi32, #tpu.memory_space<vmem>> -> memref<1x16x128xi32, #tpu.memory_space<vmem>>
          %dma_wait3A_389 = tpu.memref_squeeze %dma_wait3A_388 : memref<1x16x128xi32, #tpu.memory_space<vmem>> -> memref<16x128xi32, #tpu.memory_space<vmem>>
          %dma_wait3A_390 = arith.constant 0 : i32
          %dma_wait3A_391 = arith.constant 0 : i32
          %dma_wait3A_392 = tpu.memref_slice %arg3[%dma_wait3A_374, %dma_wait3A_375, %dma_wait3A_376, %dma_wait3A_390, %dma_wait3A_391] : memref<2x2x16x80x128xi32, #tpu.memory_space<hbm>> -> memref<1x1x1x16x128xi32, #tpu.memory_space<hbm>>
          %dma_wait3A_393 = tpu.memref_squeeze %dma_wait3A_392 : memref<1x1x1x16x128xi32, #tpu.memory_space<hbm>> -> memref<16x128xi32, #tpu.memory_space<hbm>>
          tpu.wait_dma2 semaphore(%arg15 : memref<!tpu.dma_semaphore, #tpu.memory_space<semaphore_mem>>) src(%dma_wait3A_393 : memref<16x128xi32, #tpu.memory_space<hbm>>) dst(%dma_wait3A_389 : memref<16x128xi32, #tpu.memory_space<vmem>>)
          %dma_wait3A_394 = arith.constant 1 : i32
          %dma_wait3A_395 = arith.constant 0 : i32
          %dma_wait3A_396 = arith.constant 0 : i32
          %dma_wait3A_397 = arith.constant 0 : i32
          %dma_wait3A_398 = arith.constant 0 : i32
          %dma_wait3A_399 = arith.constant 0 : i32
          %dma_wait3A_400 = tpu.memref_slice %arg7[%dma_wait3A_397, %dma_wait3A_398, %dma_wait3A_399] : memref<3x16x128xi32, #tpu.memory_space<vmem>> -> memref<1x16x128xi32, #tpu.memory_space<vmem>>
          %dma_wait3A_401 = tpu.memref_squeeze %dma_wait3A_400 : memref<1x16x128xi32, #tpu.memory_space<vmem>> -> memref<16x128xi32, #tpu.memory_space<vmem>>
          %dma_wait3A_402 = arith.constant 0 : i32
          %dma_wait3A_403 = arith.constant 0 : i32
          %dma_wait3A_404 = tpu.memref_slice %arg3[%dma_wait3A_394, %dma_wait3A_395, %dma_wait3A_396, %dma_wait3A_402, %dma_wait3A_403] : memref<2x2x16x80x128xi32, #tpu.memory_space<hbm>> -> memref<1x1x1x16x128xi32, #tpu.memory_space<hbm>>
          %dma_wait3A_405 = tpu.memref_squeeze %dma_wait3A_404 : memref<1x1x1x16x128xi32, #tpu.memory_space<hbm>> -> memref<16x128xi32, #tpu.memory_space<hbm>>
          %dma_wait3A_406 = arith.constant 0 : i32
          %dma_wait3A_407 = arith.constant 0 : i32
          %dma_wait3A_408 = tpu.memref_slice %arg7[%dma_wait3A_397, %dma_wait3A_406, %dma_wait3A_407] : memref<3x16x128xi32, #tpu.memory_space<vmem>> -> memref<1x16x128xi32, #tpu.memory_space<vmem>>
          %dma_wait3A_409 = tpu.memref_squeeze %dma_wait3A_408 : memref<1x16x128xi32, #tpu.memory_space<vmem>> -> memref<16x128xi32, #tpu.memory_space<vmem>>
          %dma_wait3A_410 = arith.constant 0 : i32
          %dma_wait3A_411 = arith.constant 0 : i32
          %dma_wait3A_412 = tpu.memref_slice %arg3[%dma_wait3A_394, %dma_wait3A_395, %dma_wait3A_396, %dma_wait3A_410, %dma_wait3A_411] : memref<2x2x16x80x128xi32, #tpu.memory_space<hbm>> -> memref<1x1x1x16x128xi32, #tpu.memory_space<hbm>>
          %dma_wait3A_413 = tpu.memref_squeeze %dma_wait3A_412 : memref<1x1x1x16x128xi32, #tpu.memory_space<hbm>> -> memref<16x128xi32, #tpu.memory_space<hbm>>
          tpu.wait_dma2 semaphore(%arg15 : memref<!tpu.dma_semaphore, #tpu.memory_space<semaphore_mem>>) src(%dma_wait3A_413 : memref<16x128xi32, #tpu.memory_space<hbm>>) dst(%dma_wait3A_409 : memref<16x128xi32, #tpu.memory_space<vmem>>)
          %jit3A_414 = arith.constant 16 : i32
          %div3A_415 = arith.divsi %add3A_83, %jit3A_414 : i32
          %sign3A_416 = arith.constant 0 : i32
          %sign3A_417 = arith.cmpi sgt, %add3A_83, %sign3A_416 : i32
          %sign3A_418 = arith.extui %sign3A_417 : i1 to i32
          %sign3A_419 = arith.constant 0 : i32
          %sign3A_420 = arith.cmpi slt, %add3A_83, %sign3A_419 : i32
          %sign3A_421 = arith.extui %sign3A_420 : i1 to i32
          %sign3A_422 = arith.subi %sign3A_418, %sign3A_421 : i32
          %sign3A_423 = arith.constant 0 : i32
          %sign3A_424 = arith.cmpi sgt, %jit3A_414, %sign3A_423 : i32
          %sign3A_425 = arith.extui %sign3A_424 : i1 to i32
          %sign3A_426 = arith.constant 0 : i32
          %sign3A_427 = arith.cmpi slt, %jit3A_414, %sign3A_426 : i32
          %sign3A_428 = arith.extui %sign3A_427 : i1 to i32
          %sign3A_429 = arith.subi %sign3A_425, %sign3A_428 : i32
          %ne3A_430 = arith.cmpi ne, %sign3A_422, %sign3A_429 : i32
          %rem3A_431 = arith.remsi %add3A_83, %jit3A_414 : i32
          %ne3A_432 = arith.constant 0 : i32
          %ne3A_433 = arith.cmpi ne, %rem3A_431, %ne3A_432 : i32
          %and3A_434 = arith.andi %ne3A_430, %ne3A_433 : i1
          %sub3A_435 = arith.constant 1 : i32
          %sub3A_436 = arith.subi %div3A_415, %sub3A_435 : i32
          %select_n3A_437 = arith.select %and3A_434, %sub3A_436, %div3A_415 : i32
          %add3A_438 = arith.constant 1 : i32
          %add3A_439 = arith.addi %select_n3A_437, %add3A_438 : i32
          %lt3A_440 = arith.constant 5 : i32
          %lt3A_441 = arith.cmpi slt, %add3A_439, %lt3A_440 : i32
          %convert_element_type3A_442 = arith.extui %lt3A_441 : i1 to i32
          %cond3A_443 = arith.constant 0 : i32
          %cond3A_444 = arith.cmpi ne, %convert_element_type3A_442, %cond3A_443 : i32
          scf.if %cond3A_444 {
            %mul3A_445 = arith.constant 16 : i32
            %mul3A_446 = arith.muli %add3A_439, %mul3A_445 : i32
            %jit3A_447 = arith.constant 3 : i32
            %eq3A_448 = arith.constant 0 : i32
            %eq3A_449 = arith.cmpi eq, %jit3A_447, %eq3A_448 : i32
            %jit3A_450 = arith.constant 1 : i32
            %select_n3A_451 = arith.select %eq3A_449, %jit3A_450, %jit3A_447 : i32
            %rem3A_452 = arith.remsi %add3A_439, %select_n3A_451 : i32
            %ne3A_453 = arith.constant 0 : i32
            %ne3A_454 = arith.cmpi ne, %rem3A_452, %ne3A_453 : i32
            %lt3A_455 = arith.constant 0 : i32
            %lt3A_456 = arith.cmpi slt, %rem3A_452, %lt3A_455 : i32
            %lt3A_457 = arith.constant 0 : i32
            %lt3A_458 = arith.cmpi slt, %select_n3A_451, %lt3A_457 : i32
            %ne3A_459 = arith.xori %lt3A_456, %lt3A_458 : i1
            %and3A_460 = arith.andi %ne3A_459, %ne3A_454 : i1
            %add3A_461 = arith.addi %rem3A_452, %select_n3A_451 : i32
            %select_n3A_462 = arith.select %and3A_460, %add3A_461, %rem3A_452 : i32
            %dma_start3A_463 = arith.constant 0 : i32
            %dma_start3A_464 = arith.constant 0 : i32
            %dma_start3A_465 = arith.constant 0 : i32
            %dma_start3A_466 = tpu.memref_slice %arg6[%select_n3A_462, %dma_start3A_464, %dma_start3A_465] : memref<3x16x128xi32, #tpu.memory_space<vmem>> -> memref<1x16x128xi32, #tpu.memory_space<vmem>>
            %dma_start3A_467 = tpu.memref_squeeze %dma_start3A_466 : memref<1x16x128xi32, #tpu.memory_space<vmem>> -> memref<16x128xi32, #tpu.memory_space<vmem>>
            %dma_start3A_468 = arith.constant 0 : i32
            %dma_start3A_469 = tpu.memref_slice %arg3[%dma_start3A_463, %arg0, %arg1, %mul3A_446, %dma_start3A_468] : memref<2x2x16x80x128xi32, #tpu.memory_space<hbm>> -> memref<1x1x1x16x128xi32, #tpu.memory_space<hbm>>
            %dma_start3A_470 = tpu.memref_squeeze %dma_start3A_469 : memref<1x1x1x16x128xi32, #tpu.memory_space<hbm>> -> memref<16x128xi32, #tpu.memory_space<hbm>>
            %dma_start3A_471 = arith.constant 0 : i32
            %dma_start3A_472 = arith.constant 0 : i32
            %dma_start3A_473 = tpu.memref_slice %arg6[%select_n3A_462, %dma_start3A_471, %dma_start3A_472] : memref<3x16x128xi32, #tpu.memory_space<vmem>> -> memref<1x16x128xi32, #tpu.memory_space<vmem>>
            %dma_start3A_474 = tpu.memref_squeeze %dma_start3A_473 : memref<1x16x128xi32, #tpu.memory_space<vmem>> -> memref<16x128xi32, #tpu.memory_space<vmem>>
            %dma_start3A_475 = arith.constant 0 : i32
            %dma_start3A_476 = tpu.memref_slice %arg3[%dma_start3A_463, %arg0, %arg1, %mul3A_446, %dma_start3A_475] : memref<2x2x16x80x128xi32, #tpu.memory_space<hbm>> -> memref<1x1x1x16x128xi32, #tpu.memory_space<hbm>>
            %dma_start3A_477 = tpu.memref_squeeze %dma_start3A_476 : memref<1x1x1x16x128xi32, #tpu.memory_space<hbm>> -> memref<16x128xi32, #tpu.memory_space<hbm>>
            tpu.enqueue_dma source(%dma_start3A_477 : memref<16x128xi32, #tpu.memory_space<hbm>>) target(%dma_start3A_474 : memref<16x128xi32, #tpu.memory_space<vmem>>) target_semaphore(%arg15 : memref<!tpu.dma_semaphore, #tpu.memory_space<semaphore_mem>>)
            %mul3A_478 = arith.constant 16 : i32
            %mul3A_479 = arith.muli %add3A_439, %mul3A_478 : i32
            %jit3A_480 = arith.constant 3 : i32
            %eq3A_481 = arith.constant 0 : i32
            %eq3A_482 = arith.cmpi eq, %jit3A_480, %eq3A_481 : i32
            %jit3A_483 = arith.constant 1 : i32
            %select_n3A_484 = arith.select %eq3A_482, %jit3A_483, %jit3A_480 : i32
            %rem3A_485 = arith.remsi %add3A_439, %select_n3A_484 : i32
            %ne3A_486 = arith.constant 0 : i32
            %ne3A_487 = arith.cmpi ne, %rem3A_485, %ne3A_486 : i32
            %lt3A_488 = arith.constant 0 : i32
            %lt3A_489 = arith.cmpi slt, %rem3A_485, %lt3A_488 : i32
            %lt3A_490 = arith.constant 0 : i32
            %lt3A_491 = arith.cmpi slt, %select_n3A_484, %lt3A_490 : i32
            %ne3A_492 = arith.xori %lt3A_489, %lt3A_491 : i1
            %and3A_493 = arith.andi %ne3A_492, %ne3A_487 : i1
            %add3A_494 = arith.addi %rem3A_485, %select_n3A_484 : i32
            %select_n3A_495 = arith.select %and3A_493, %add3A_494, %rem3A_485 : i32
            %dma_start3A_496 = arith.constant 1 : i32
            %dma_start3A_497 = arith.constant 0 : i32
            %dma_start3A_498 = arith.constant 0 : i32
            %dma_start3A_499 = tpu.memref_slice %arg7[%select_n3A_495, %dma_start3A_497, %dma_start3A_498] : memref<3x16x128xi32, #tpu.memory_space<vmem>> -> memref<1x16x128xi32, #tpu.memory_space<vmem>>
            %dma_start3A_500 = tpu.memref_squeeze %dma_start3A_499 : memref<1x16x128xi32, #tpu.memory_space<vmem>> -> memref<16x128xi32, #tpu.memory_space<vmem>>
            %dma_start3A_501 = arith.constant 0 : i32
            %dma_start3A_502 = tpu.memref_slice %arg3[%dma_start3A_496, %arg0, %arg1, %mul3A_479, %dma_start3A_501] : memref<2x2x16x80x128xi32, #tpu.memory_space<hbm>> -> memref<1x1x1x16x128xi32, #tpu.memory_space<hbm>>
            %dma_start3A_503 = tpu.memref_squeeze %dma_start3A_502 : memref<1x1x1x16x128xi32, #tpu.memory_space<hbm>> -> memref<16x128xi32, #tpu.memory_space<hbm>>
            %dma_start3A_504 = arith.constant 0 : i32
            %dma_start3A_505 = arith.constant 0 : i32
            %dma_start3A_506 = tpu.memref_slice %arg7[%select_n3A_495, %dma_start3A_504, %dma_start3A_505] : memref<3x16x128xi32, #tpu.memory_space<vmem>> -> memref<1x16x128xi32, #tpu.memory_space<vmem>>
            %dma_start3A_507 = tpu.memref_squeeze %dma_start3A_506 : memref<1x16x128xi32, #tpu.memory_space<vmem>> -> memref<16x128xi32, #tpu.memory_space<vmem>>
            %dma_start3A_508 = arith.constant 0 : i32
            %dma_start3A_509 = tpu.memref_slice %arg3[%dma_start3A_496, %arg0, %arg1, %mul3A_479, %dma_start3A_508] : memref<2x2x16x80x128xi32, #tpu.memory_space<hbm>> -> memref<1x1x1x16x128xi32, #tpu.memory_space<hbm>>
            %dma_start3A_510 = tpu.memref_squeeze %dma_start3A_509 : memref<1x1x1x16x128xi32, #tpu.memory_space<hbm>> -> memref<16x128xi32, #tpu.memory_space<hbm>>
            tpu.enqueue_dma source(%dma_start3A_510 : memref<16x128xi32, #tpu.memory_space<hbm>>) target(%dma_start3A_507 : memref<16x128xi32, #tpu.memory_space<vmem>>) target_semaphore(%arg15 : memref<!tpu.dma_semaphore, #tpu.memory_space<semaphore_mem>>)
          } else {
          }
        } else {
        }
        %jit3A_312 = arith.constant 16 : i32
        %div3A_313 = arith.divsi %add3A_83, %jit3A_312 : i32
        %sign3A_314 = arith.constant 0 : i32
        %sign3A_315 = arith.cmpi sgt, %add3A_83, %sign3A_314 : i32
        %sign3A_316 = arith.extui %sign3A_315 : i1 to i32
        %sign3A_317 = arith.constant 0 : i32
        %sign3A_318 = arith.cmpi slt, %add3A_83, %sign3A_317 : i32
        %sign3A_319 = arith.extui %sign3A_318 : i1 to i32
        %sign3A_320 = arith.subi %sign3A_316, %sign3A_319 : i32
        %sign3A_321 = arith.constant 0 : i32
        %sign3A_322 = arith.cmpi sgt, %jit3A_312, %sign3A_321 : i32
        %sign3A_323 = arith.extui %sign3A_322 : i1 to i32
        %sign3A_324 = arith.constant 0 : i32
        %sign3A_325 = arith.cmpi slt, %jit3A_312, %sign3A_324 : i32
        %sign3A_326 = arith.extui %sign3A_325 : i1 to i32
        %sign3A_327 = arith.subi %sign3A_323, %sign3A_326 : i32
        %ne3A_328 = arith.cmpi ne, %sign3A_320, %sign3A_327 : i32
        %rem3A_329 = arith.remsi %add3A_83, %jit3A_312 : i32
        %ne3A_330 = arith.constant 0 : i32
        %ne3A_331 = arith.cmpi ne, %rem3A_329, %ne3A_330 : i32
        %and3A_332 = arith.andi %ne3A_328, %ne3A_331 : i1
        %sub3A_333 = arith.constant 1 : i32
        %sub3A_334 = arith.subi %div3A_313, %sub3A_333 : i32
        %select_n3A_335 = arith.select %and3A_332, %sub3A_334, %div3A_313 : i32
        %jit3A_336 = arith.constant 3 : i32
        %eq3A_337 = arith.constant 0 : i32
        %eq3A_338 = arith.cmpi eq, %jit3A_336, %eq3A_337 : i32
        %jit3A_339 = arith.constant 1 : i32
        %select_n3A_340 = arith.select %eq3A_338, %jit3A_339, %jit3A_336 : i32
        %rem3A_341 = arith.remsi %select_n3A_335, %select_n3A_340 : i32
        %ne3A_342 = arith.constant 0 : i32
        %ne3A_343 = arith.cmpi ne, %rem3A_341, %ne3A_342 : i32
        %lt3A_344 = arith.constant 0 : i32
        %lt3A_345 = arith.cmpi slt, %rem3A_341, %lt3A_344 : i32
        %lt3A_346 = arith.constant 0 : i32
        %lt3A_347 = arith.cmpi slt, %select_n3A_340, %lt3A_346 : i32
        %ne3A_348 = arith.xori %lt3A_345, %lt3A_347 : i1
        %and3A_349 = arith.andi %ne3A_348, %ne3A_343 : i1
        %add3A_350 = arith.addi %rem3A_341, %select_n3A_340 : i32
        %select_n3A_351 = arith.select %and3A_349, %add3A_350, %rem3A_341 : i32
        %jit3A_352 = arith.constant 16 : i32
        %eq3A_353 = arith.constant 0 : i32
        %eq3A_354 = arith.cmpi eq, %jit3A_352, %eq3A_353 : i32
        %jit3A_355 = arith.constant 1 : i32
        %select_n3A_356 = arith.select %eq3A_354, %jit3A_355, %jit3A_352 : i32
        %rem3A_357 = arith.remsi %add3A_83, %select_n3A_356 : i32
        %ne3A_358 = arith.constant 0 : i32
        %ne3A_359 = arith.cmpi ne, %rem3A_357, %ne3A_358 : i32
        %lt3A_360 = arith.constant 0 : i32
        %lt3A_361 = arith.cmpi slt, %rem3A_357, %lt3A_360 : i32
        %lt3A_362 = arith.constant 0 : i32
        %lt3A_363 = arith.cmpi slt, %select_n3A_356, %lt3A_362 : i32
        %ne3A_364 = arith.xori %lt3A_361, %lt3A_363 : i1
        %and3A_365 = arith.andi %ne3A_364, %ne3A_359 : i1
        %add3A_366 = arith.addi %rem3A_357, %select_n3A_356 : i32
        %select_n3A_367 = arith.select %and3A_365, %add3A_366, %rem3A_357 : i32
        %dma_start3A_368 = arith.constant 0 : i32
        %dma_start3A_369 = tpu.memref_slice %arg6[%select_n3A_351, %select_n3A_367, %dma_start3A_368] : memref<3x16x128xi32, #tpu.memory_space<vmem>> -> memref<1x1x128xi32, #tpu.memory_space<vmem>>
        %dma_start3A_370 = tpu.memref_squeeze %dma_start3A_369 : memref<1x1x128xi32, #tpu.memory_space<vmem>> -> memref<128xi32, #tpu.memory_space<vmem>>
        %dma_start3A_371 = arith.constant 0 : i32
        %dma_start3A_372 = arith.constant 0 : i32
        %dma_start3A_373 = tpu.memref_slice %arg2[%dma_start3A_371, %dma_start3A_372] : memref<10240x128xf32, #tpu.memory_space<hbm>> -> memref<10240x128xf32, #tpu.memory_space<hbm>>
        tpu.enqueue_indirect_dma source(%dma_start3A_373 : memref<10240x128xf32, #tpu.memory_space<hbm>>) target(%arg8 : memref<128x128xf32, #tpu.memory_space<vmem>>) offsets(%dma_start3A_370 : memref<128xi32, #tpu.memory_space<vmem>>) semaphore(%arg11 : memref<!tpu.dma_semaphore, #tpu.memory_space<semaphore_mem>>)
      } else {
      }
      %dma_wait3A_226 = arith.constant 0 : i32
      %dma_wait3A_227 = arith.constant 0 : i32
      %dma_wait3A_228 = tpu.memref_slice %arg2[%dma_wait3A_226, %dma_wait3A_227] : memref<10240x128xf32, #tpu.memory_space<hbm>> -> memref<128x128xf32, #tpu.memory_space<hbm>>
      %dma_wait3A_229 = arith.constant 0 : i32
      %dma_wait3A_230 = arith.constant 0 : i32
      %dma_wait3A_231 = tpu.memref_slice %arg2[%dma_wait3A_229, %dma_wait3A_230] : memref<10240x128xf32, #tpu.memory_space<hbm>> -> memref<128x128xf32, #tpu.memory_space<hbm>>
      tpu.wait_dma2 semaphore(%arg12 : memref<!tpu.dma_semaphore, #tpu.memory_space<semaphore_mem>>) src(%dma_wait3A_231 : memref<128x128xf32, #tpu.memory_space<hbm>>) dst(%arg9 : memref<128x128xf32, #tpu.memory_space<vmem>>)
      %jit3A_232 = arith.constant 16 : i32
      %div3A_233 = arith.divsi %add3A_81, %jit3A_232 : i32
      %sign3A_234 = arith.constant 0 : i32
      %sign3A_235 = arith.cmpi sgt, %add3A_81, %sign3A_234 : i32
      %sign3A_236 = arith.extui %sign3A_235 : i1 to i32
      %sign3A_237 = arith.constant 0 : i32
      %sign3A_238 = arith.cmpi slt, %add3A_81, %sign3A_237 : i32
      %sign3A_239 = arith.extui %sign3A_238 : i1 to i32
      %sign3A_240 = arith.subi %sign3A_236, %sign3A_239 : i32
      %sign3A_241 = arith.constant 0 : i32
      %sign3A_242 = arith.cmpi sgt, %jit3A_232, %sign3A_241 : i32
      %sign3A_243 = arith.extui %sign3A_242 : i1 to i32
      %sign3A_244 = arith.constant 0 : i32
      %sign3A_245 = arith.cmpi slt, %jit3A_232, %sign3A_244 : i32
      %sign3A_246 = arith.extui %sign3A_245 : i1 to i32
      %sign3A_247 = arith.subi %sign3A_243, %sign3A_246 : i32
      %ne3A_248 = arith.cmpi ne, %sign3A_240, %sign3A_247 : i32
      %rem3A_249 = arith.remsi %add3A_81, %jit3A_232 : i32
      %ne3A_250 = arith.constant 0 : i32
      %ne3A_251 = arith.cmpi ne, %rem3A_249, %ne3A_250 : i32
      %and3A_252 = arith.andi %ne3A_248, %ne3A_251 : i1
      %sub3A_253 = arith.constant 1 : i32
      %sub3A_254 = arith.subi %div3A_233, %sub3A_253 : i32
      %select_n3A_255 = arith.select %and3A_252, %sub3A_254, %div3A_233 : i32
      %jit3A_256 = arith.constant 3 : i32
      %eq3A_257 = arith.constant 0 : i32
      %eq3A_258 = arith.cmpi eq, %jit3A_256, %eq3A_257 : i32
      %jit3A_259 = arith.constant 1 : i32
      %select_n3A_260 = arith.select %eq3A_258, %jit3A_259, %jit3A_256 : i32
      %rem3A_261 = arith.remsi %select_n3A_255, %select_n3A_260 : i32
      %ne3A_262 = arith.constant 0 : i32
      %ne3A_263 = arith.cmpi ne, %rem3A_261, %ne3A_262 : i32
      %lt3A_264 = arith.constant 0 : i32
      %lt3A_265 = arith.cmpi slt, %rem3A_261, %lt3A_264 : i32
      %lt3A_266 = arith.constant 0 : i32
      %lt3A_267 = arith.cmpi slt, %select_n3A_260, %lt3A_266 : i32
      %ne3A_268 = arith.xori %lt3A_265, %lt3A_267 : i1
      %and3A_269 = arith.andi %ne3A_268, %ne3A_263 : i1
      %add3A_270 = arith.addi %rem3A_261, %select_n3A_260 : i32
      %select_n3A_271 = arith.select %and3A_269, %add3A_270, %rem3A_261 : i32
      %jit3A_272 = arith.constant 16 : i32
      %eq3A_273 = arith.constant 0 : i32
      %eq3A_274 = arith.cmpi eq, %jit3A_272, %eq3A_273 : i32
      %jit3A_275 = arith.constant 1 : i32
      %select_n3A_276 = arith.select %eq3A_274, %jit3A_275, %jit3A_272 : i32
      %rem3A_277 = arith.remsi %add3A_81, %select_n3A_276 : i32
      %ne3A_278 = arith.constant 0 : i32
      %ne3A_279 = arith.cmpi ne, %rem3A_277, %ne3A_278 : i32
      %lt3A_280 = arith.constant 0 : i32
      %lt3A_281 = arith.cmpi slt, %rem3A_277, %lt3A_280 : i32
      %lt3A_282 = arith.constant 0 : i32
      %lt3A_283 = arith.cmpi slt, %select_n3A_276, %lt3A_282 : i32
      %ne3A_284 = arith.xori %lt3A_281, %lt3A_283 : i1
      %and3A_285 = arith.andi %ne3A_284, %ne3A_279 : i1
      %add3A_286 = arith.addi %rem3A_277, %select_n3A_276 : i32
      %select_n3A_287 = arith.select %and3A_285, %add3A_286, %rem3A_277 : i32
      "tpu.region"() ({
        %run_scoped3A_288 = tpu.sem_alloc : memref<!tpu.dma_semaphore, #tpu.memory_space<semaphore_mem>>
        %dma_start3A_289 = arith.constant 0 : i32
        %dma_start3A_290 = tpu.memref_slice %arg7[%select_n3A_271, %select_n3A_287, %dma_start3A_289] : memref<3x16x128xi32, #tpu.memory_space<vmem>> -> memref<1x1x128xi32, #tpu.memory_space<vmem>>
        %dma_start3A_291 = tpu.memref_squeeze %dma_start3A_290 : memref<1x1x128xi32, #tpu.memory_space<vmem>> -> memref<128xi32, #tpu.memory_space<vmem>>
        %dma_start3A_292 = arith.constant 0 : i32
        %dma_start3A_293 = arith.constant 0 : i32
        %dma_start3A_294 = tpu.memref_slice %arg10[%dma_start3A_292, %dma_start3A_293] : memref<10240x128xf32, #tpu.memory_space<vmem_shared>> -> memref<10240x128xf32, #tpu.memory_space<vmem_shared>>
        tpu.enqueue_indirect_dma source(%arg9 : memref<128x128xf32, #tpu.memory_space<vmem>>) target(%dma_start3A_294 : memref<10240x128xf32, #tpu.memory_space<vmem_shared>>) offsets(%dma_start3A_291 : memref<128xi32, #tpu.memory_space<vmem>>) semaphore(%run_scoped3A_288 : memref<!tpu.dma_semaphore, #tpu.memory_space<semaphore_mem>>) {add = true}
        %dma_wait3A_295 = arith.constant 0 : i32
        %dma_wait3A_296 = tpu.memref_slice %arg7[%select_n3A_271, %select_n3A_287, %dma_wait3A_295] : memref<3x16x128xi32, #tpu.memory_space<vmem>> -> memref<1x1x128xi32, #tpu.memory_space<vmem>>
        %dma_wait3A_297 = tpu.memref_squeeze %dma_wait3A_296 : memref<1x1x128xi32, #tpu.memory_space<vmem>> -> memref<128xi32, #tpu.memory_space<vmem>>
        %dma_wait3A_298 = arith.constant 0 : i32
        %dma_wait3A_299 = arith.constant 0 : i32
        %dma_wait3A_300 = tpu.memref_slice %arg10[%dma_wait3A_298, %dma_wait3A_299] : memref<10240x128xf32, #tpu.memory_space<vmem_shared>> -> memref<10240x128xf32, #tpu.memory_space<vmem_shared>>
        tpu.wait_indirect_dma semaphore(%run_scoped3A_288 : memref<!tpu.dma_semaphore, #tpu.memory_space<semaphore_mem>>) src(%arg9 : memref<128x128xf32, #tpu.memory_space<vmem>>) dst(%dma_wait3A_300 : memref<10240x128xf32, #tpu.memory_space<vmem_shared>>)
        tpu.yield
      }) : () -> ()
    }
    %scan3A_71 = arith.constant 40 : i32
    %barrier3A_72 = arith.constant 0 : index
    tpu.barrier barrier_id(%barrier3A_72)
    %mul3A_73 = arith.constant 640 : i32
    %mul3A_74 = arith.muli %arg1, %mul3A_73 : i32
    %mul3A_75 = arith.constant 640 : i32
    %mul3A_76 = arith.muli %arg1, %mul3A_75 : i32
    "tpu.region"() ({
      %run_scoped3A_77 = tpu.sem_alloc : memref<!tpu.dma_semaphore, #tpu.memory_space<semaphore_mem>>
      %dma_start3A_78 = arith.constant 0 : i32
      %dma_start3A_79 = tpu.memref_slice %arg5[%arg0, %mul3A_76, %dma_start3A_78] : memref<2x10240x128xf32, #tpu.memory_space<hbm>> -> memref<1x640x128xf32, #tpu.memory_space<hbm>>
      %dma_start3A_80 = tpu.memref_squeeze %dma_start3A_79 : memref<1x640x128xf32, #tpu.memory_space<hbm>> -> memref<640x128xf32, #tpu.memory_space<hbm>>
      %dma_start3A_81 = arith.constant 0 : i32
      %dma_start3A_82 = tpu.memref_slice %arg10[%mul3A_74, %dma_start3A_81] : memref<10240x128xf32, #tpu.memory_space<vmem_shared>> -> memref<640x128xf32, #tpu.memory_space<vmem_shared>>
      tpu.enqueue_dma source(%dma_start3A_82 : memref<640x128xf32, #tpu.memory_space<vmem_shared>>) target(%dma_start3A_80 : memref<640x128xf32, #tpu.memory_space<hbm>>) target_semaphore(%run_scoped3A_77 : memref<!tpu.dma_semaphore, #tpu.memory_space<semaphore_mem>>)
      %dma_wait3A = arith.constant 0 : i32
      %dma_wait3A_83 = tpu.memref_slice %arg5[%arg0, %mul3A_76, %dma_wait3A] : memref<2x10240x128xf32, #tpu.memory_space<hbm>> -> memref<1x640x128xf32, #tpu.memory_space<hbm>>
      %dma_wait3A_84 = tpu.memref_squeeze %dma_wait3A_83 : memref<1x640x128xf32, #tpu.memory_space<hbm>> -> memref<640x128xf32, #tpu.memory_space<hbm>>
      %dma_wait3A_85 = arith.constant 0 : i32
      %dma_wait3A_86 = tpu.memref_slice %arg10[%mul3A_74, %dma_wait3A_85] : memref<10240x128xf32, #tpu.memory_space<vmem_shared>> -> memref<640x128xf32, #tpu.memory_space<vmem_shared>>
      tpu.wait_dma2 semaphore(%run_scoped3A_77 : memref<!tpu.dma_semaphore, #tpu.memory_space<semaphore_mem>>) src(%dma_wait3A_86 : memref<640x128xf32, #tpu.memory_space<vmem_shared>>) dst(%dma_wait3A_84 : memref<640x128xf32, #tpu.memory_space<hbm>>)
      tpu.yield
    }) : () -> ()
    return
  }
}

#map = affine_map<(d0, d1) -> (0, 0)>
#map1 = affine_map<(d0, d1) -> (0, 0, 0, 0, 0)>
#map2 = affine_map<(d0, d1) -> (0, 0, 0)>
module attributes {stable_mosaic.version = 14 : i64} {
  func.func @k(%arg0: i32, %arg1: i32, %arg2: memref<10240x128xf32, #tpu.memory_space<hbm>>, %arg3: memref<2x2x16x80x128xi32, #tpu.memory_space<hbm>>, %arg4: memref<128x128xf32, #tpu.memory_space<hbm>>, %arg5: memref<2x10240x128xf32, #tpu.memory_space<hbm>>, %arg6: memref<3x16x128xi32, #tpu.memory_space<vmem>>, %arg7: memref<3x16x128xi32, #tpu.memory_space<vmem>>, %arg8: memref<128x128xf32, #tpu.memory_space<vmem>>, %arg9: memref<128x128xf32, #tpu.memory_space<vmem>>, %arg10: memref<10240x128xf32, #tpu.memory_space<vmem_shared>>, %arg11: memref<!tpu.dma_semaphore, #tpu.memory_space<semaphore_mem>>, %arg12: memref<!tpu.dma_semaphore, #tpu.memory_space<semaphore_mem>>, %arg13: memref<!tpu.dma_semaphore, #tpu.memory_space<semaphore_mem>>, %arg14: memref<!tpu.dma_semaphore, #tpu.memory_space<semaphore_mem>>, %arg15: memref<!tpu.dma_semaphore, #tpu.memory_space<semaphore_mem>>) attributes {dimension_semantics = [#tpu.dimension_semantics<core_parallel>, #tpu.dimension_semantics<subcore_parallel>], iteration_bounds = array<i64: 2, 16>, scalar_prefetch = 0 : i64, scratch_operands = 10 : i64, tpu.core_type = #tpu.core_type<sc_vector_subcore>, window_params = [{transform_indices = #map}, {transform_indices = #map1}, {transform_indices = #map}, {transform_indices = #map2}]} {
    %run_scoped3A = arith.constant 0 : i32
    %run_scoped3A_0 = arith.constant 0 : i32
    "tpu.region"() ({
      %run_scoped3A_77 = tpu.sem_alloc : memref<!tpu.dma_semaphore, #tpu.memory_space<semaphore_mem>>
      %dma_start3A_78 = arith.constant 0 : i32
      %dma_start3A_79 = arith.constant 0 : i32
      %dma_start3A_80 = tpu.memref_slice %arg6[%run_scoped3A_0, %dma_start3A_78, %dma_start3A_79] : memref<3x16x128xi32, #tpu.memory_space<vmem>> -> memref<1x16x128xi32, #tpu.memory_space<vmem>>
      %dma_start3A_81 = tpu.memref_squeeze %dma_start3A_80 : memref<1x16x128xi32, #tpu.memory_space<vmem>> -> memref<16x128xi32, #tpu.memory_space<vmem>>
      %dma_start3A_82 = arith.constant 0 : i32
      %dma_start3A_83 = arith.constant 0 : i32
      %dma_start3A_84 = tpu.memref_slice %arg3[%run_scoped3A, %arg0, %arg1, %dma_start3A_82, %dma_start3A_83] : memref<2x2x16x80x128xi32, #tpu.memory_space<hbm>> -> memref<1x1x1x16x128xi32, #tpu.memory_space<hbm>>
      %dma_start3A_85 = tpu.memref_squeeze %dma_start3A_84 : memref<1x1x1x16x128xi32, #tpu.memory_space<hbm>> -> memref<16x128xi32, #tpu.memory_space<hbm>>
      %dma_start3A_86 = arith.constant 0 : i32
      %dma_start3A_87 = arith.constant 0 : i32
      %dma_start3A_88 = tpu.memref_slice %arg6[%run_scoped3A_0, %dma_start3A_86, %dma_start3A_87] : memref<3x16x128xi32, #tpu.memory_space<vmem>> -> memref<1x16x128xi32, #tpu.memory_space<vmem>>
      %dma_start3A_89 = tpu.memref_squeeze %dma_start3A_88 : memref<1x16x128xi32, #tpu.memory_space<vmem>> -> memref<16x128xi32, #tpu.memory_space<vmem>>
      %dma_start3A_90 = arith.constant 0 : i32
      %dma_start3A_91 = arith.constant 0 : i32
      %dma_start3A_92 = tpu.memref_slice %arg3[%run_scoped3A, %arg0, %arg1, %dma_start3A_90, %dma_start3A_91] : memref<2x2x16x80x128xi32, #tpu.memory_space<hbm>> -> memref<1x1x1x16x128xi32, #tpu.memory_space<hbm>>
      %dma_start3A_93 = tpu.memref_squeeze %dma_start3A_92 : memref<1x1x1x16x128xi32, #tpu.memory_space<hbm>> -> memref<16x128xi32, #tpu.memory_space<hbm>>
      tpu.enqueue_dma source(%dma_start3A_93 : memref<16x128xi32, #tpu.memory_space<hbm>>) target(%dma_start3A_89 : memref<16x128xi32, #tpu.memory_space<vmem>>) target_semaphore(%run_scoped3A_77 : memref<!tpu.dma_semaphore, #tpu.memory_space<semaphore_mem>>)
      %dma_wait3A = arith.constant 0 : i32
      %dma_wait3A_94 = arith.constant 0 : i32
      %dma_wait3A_95 = tpu.memref_slice %arg6[%run_scoped3A_0, %dma_wait3A, %dma_wait3A_94] : memref<3x16x128xi32, #tpu.memory_space<vmem>> -> memref<1x16x128xi32, #tpu.memory_space<vmem>>
      %dma_wait3A_96 = tpu.memref_squeeze %dma_wait3A_95 : memref<1x16x128xi32, #tpu.memory_space<vmem>> -> memref<16x128xi32, #tpu.memory_space<vmem>>
      %dma_wait3A_97 = arith.constant 0 : i32
      %dma_wait3A_98 = arith.constant 0 : i32
      %dma_wait3A_99 = tpu.memref_slice %arg3[%run_scoped3A, %arg0, %arg1, %dma_wait3A_97, %dma_wait3A_98] : memref<2x2x16x80x128xi32, #tpu.memory_space<hbm>> -> memref<1x1x1x16x128xi32, #tpu.memory_space<hbm>>
      %dma_wait3A_100 = tpu.memref_squeeze %dma_wait3A_99 : memref<1x1x1x16x128xi32, #tpu.memory_space<hbm>> -> memref<16x128xi32, #tpu.memory_space<hbm>>
      %dma_wait3A_101 = arith.constant 0 : i32
      %dma_wait3A_102 = arith.constant 0 : i32
      %dma_wait3A_103 = tpu.memref_slice %arg6[%run_scoped3A_0, %dma_wait3A_101, %dma_wait3A_102] : memref<3x16x128xi32, #tpu.memory_space<vmem>> -> memref<1x16x128xi32, #tpu.memory_space<vmem>>
      %dma_wait3A_104 = tpu.memref_squeeze %dma_wait3A_103 : memref<1x16x128xi32, #tpu.memory_space<vmem>> -> memref<16x128xi32, #tpu.memory_space<vmem>>
      %dma_wait3A_105 = arith.constant 0 : i32
      %dma_wait3A_106 = arith.constant 0 : i32
      %dma_wait3A_107 = tpu.memref_slice %arg3[%run_scoped3A, %arg0, %arg1, %dma_wait3A_105, %dma_wait3A_106] : memref<2x2x16x80x128xi32, #tpu.memory_space<hbm>> -> memref<1x1x1x16x128xi32, #tpu.memory_space<hbm>>
      %dma_wait3A_108 = tpu.memref_squeeze %dma_wait3A_107 : memref<1x1x1x16x128xi32, #tpu.memory_space<hbm>> -> memref<16x128xi32, #tpu.memory_space<hbm>>
      tpu.wait_dma2 semaphore(%run_scoped3A_77 : memref<!tpu.dma_semaphore, #tpu.memory_space<semaphore_mem>>) src(%dma_wait3A_108 : memref<16x128xi32, #tpu.memory_space<hbm>>) dst(%dma_wait3A_104 : memref<16x128xi32, #tpu.memory_space<vmem>>)
      tpu.yield
    }) : () -> ()
    %run_scoped3A_1 = arith.constant 1 : i32
    %run_scoped3A_2 = arith.constant 0 : i32
    "tpu.region"() ({
      %run_scoped3A_77 = tpu.sem_alloc : memref<!tpu.dma_semaphore, #tpu.memory_space<semaphore_mem>>
      %dma_start3A_78 = arith.constant 0 : i32
      %dma_start3A_79 = arith.constant 0 : i32
      %dma_start3A_80 = tpu.memref_slice %arg7[%run_scoped3A_2, %dma_start3A_78, %dma_start3A_79] : memref<3x16x128xi32, #tpu.memory_space<vmem>> -> memref<1x16x128xi32, #tpu.memory_space<vmem>>
      %dma_start3A_81 = tpu.memref_squeeze %dma_start3A_80 : memref<1x16x128xi32, #tpu.memory_space<vmem>> -> memref<16x128xi32, #tpu.memory_space<vmem>>
      %dma_start3A_82 = arith.constant 0 : i32
      %dma_start3A_83 = arith.constant 0 : i32
      %dma_start3A_84 = tpu.memref_slice %arg3[%run_scoped3A_1, %arg0, %arg1, %dma_start3A_82, %dma_start3A_83] : memref<2x2x16x80x128xi32, #tpu.memory_space<hbm>> -> memref<1x1x1x16x128xi32, #tpu.memory_space<hbm>>
      %dma_start3A_85 = tpu.memref_squeeze %dma_start3A_84 : memref<1x1x1x16x128xi32, #tpu.memory_space<hbm>> -> memref<16x128xi32, #tpu.memory_space<hbm>>
      %dma_start3A_86 = arith.constant 0 : i32
      %dma_start3A_87 = arith.constant 0 : i32
      %dma_start3A_88 = tpu.memref_slice %arg7[%run_scoped3A_2, %dma_start3A_86, %dma_start3A_87] : memref<3x16x128xi32, #tpu.memory_space<vmem>> -> memref<1x16x128xi32, #tpu.memory_space<vmem>>
      %dma_start3A_89 = tpu.memref_squeeze %dma_start3A_88 : memref<1x16x128xi32, #tpu.memory_space<vmem>> -> memref<16x128xi32, #tpu.memory_space<vmem>>
      %dma_start3A_90 = arith.constant 0 : i32
      %dma_start3A_91 = arith.constant 0 : i32
      %dma_start3A_92 = tpu.memref_slice %arg3[%run_scoped3A_1, %arg0, %arg1, %dma_start3A_90, %dma_start3A_91] : memref<2x2x16x80x128xi32, #tpu.memory_space<hbm>> -> memref<1x1x1x16x128xi32, #tpu.memory_space<hbm>>
      %dma_start3A_93 = tpu.memref_squeeze %dma_start3A_92 : memref<1x1x1x16x128xi32, #tpu.memory_space<hbm>> -> memref<16x128xi32, #tpu.memory_space<hbm>>
      tpu.enqueue_dma source(%dma_start3A_93 : memref<16x128xi32, #tpu.memory_space<hbm>>) target(%dma_start3A_89 : memref<16x128xi32, #tpu.memory_space<vmem>>) target_semaphore(%run_scoped3A_77 : memref<!tpu.dma_semaphore, #tpu.memory_space<semaphore_mem>>)
      %dma_wait3A = arith.constant 0 : i32
      %dma_wait3A_94 = arith.constant 0 : i32
      %dma_wait3A_95 = tpu.memref_slice %arg7[%run_scoped3A_2, %dma_wait3A, %dma_wait3A_94] : memref<3x16x128xi32, #tpu.memory_space<vmem>> -> memref<1x16x128xi32, #tpu.memory_space<vmem>>
      %dma_wait3A_96 = tpu.memref_squeeze %dma_wait3A_95 : memref<1x16x128xi32, #tpu.memory_space<vmem>> -> memref<16x128xi32, #tpu.memory_space<vmem>>
      %dma_wait3A_97 = arith.constant 0 : i32
      %dma_wait3A_98 = arith.constant 0 : i32
      %dma_wait3A_99 = tpu.memref_slice %arg3[%run_scoped3A_1, %arg0, %arg1, %dma_wait3A_97, %dma_wait3A_98] : memref<2x2x16x80x128xi32, #tpu.memory_space<hbm>> -> memref<1x1x1x16x128xi32, #tpu.memory_space<hbm>>
      %dma_wait3A_100 = tpu.memref_squeeze %dma_wait3A_99 : memref<1x1x1x16x128xi32, #tpu.memory_space<hbm>> -> memref<16x128xi32, #tpu.memory_space<hbm>>
      %dma_wait3A_101 = arith.constant 0 : i32
      %dma_wait3A_102 = arith.constant 0 : i32
      %dma_wait3A_103 = tpu.memref_slice %arg7[%run_scoped3A_2, %dma_wait3A_101, %dma_wait3A_102] : memref<3x16x128xi32, #tpu.memory_space<vmem>> -> memref<1x16x128xi32, #tpu.memory_space<vmem>>
      %dma_wait3A_104 = tpu.memref_squeeze %dma_wait3A_103 : memref<1x16x128xi32, #tpu.memory_space<vmem>> -> memref<16x128xi32, #tpu.memory_space<vmem>>
      %dma_wait3A_105 = arith.constant 0 : i32
      %dma_wait3A_106 = arith.constant 0 : i32
      %dma_wait3A_107 = tpu.memref_slice %arg3[%run_scoped3A_1, %arg0, %arg1, %dma_wait3A_105, %dma_wait3A_106] : memref<2x2x16x80x128xi32, #tpu.memory_space<hbm>> -> memref<1x1x1x16x128xi32, #tpu.memory_space<hbm>>
      %dma_wait3A_108 = tpu.memref_squeeze %dma_wait3A_107 : memref<1x1x1x16x128xi32, #tpu.memory_space<hbm>> -> memref<16x128xi32, #tpu.memory_space<hbm>>
      tpu.wait_dma2 semaphore(%run_scoped3A_77 : memref<!tpu.dma_semaphore, #tpu.memory_space<semaphore_mem>>) src(%dma_wait3A_108 : memref<16x128xi32, #tpu.memory_space<hbm>>) dst(%dma_wait3A_104 : memref<16x128xi32, #tpu.memory_space<vmem>>)
      tpu.yield
    }) : () -> ()
    %dma_start3A = arith.constant 0 : i32
    %dma_start3A_3 = arith.constant 1 : i32
    %dma_start3A_4 = arith.constant 0 : i32
    %dma_start3A_5 = arith.constant 0 : i32
    %dma_start3A_6 = tpu.memref_slice %arg6[%dma_start3A_3, %dma_start3A_4, %dma_start3A_5] : memref<3x16x128xi32, #tpu.memory_space<vmem>> -> memref<1x16x128xi32, #tpu.memory_space<vmem>>
    %dma_start3A_7 = tpu.memref_squeeze %dma_start3A_6 : memref<1x16x128xi32, #tpu.memory_space<vmem>> -> memref<16x128xi32, #tpu.memory_space<vmem>>
    %dma_start3A_8 = arith.constant 16 : i32
    %dma_start3A_9 = arith.constant 0 : i32
    %dma_start3A_10 = tpu.memref_slice %arg3[%dma_start3A, %arg0, %arg1, %dma_start3A_8, %dma_start3A_9] : memref<2x2x16x80x128xi32, #tpu.memory_space<hbm>> -> memref<1x1x1x16x128xi32, #tpu.memory_space<hbm>>
    %dma_start3A_11 = tpu.memref_squeeze %dma_start3A_10 : memref<1x1x1x16x128xi32, #tpu.memory_space<hbm>> -> memref<16x128xi32, #tpu.memory_space<hbm>>
    %dma_start3A_12 = arith.constant 0 : i32
    %dma_start3A_13 = arith.constant 0 : i32
    %dma_start3A_14 = tpu.memref_slice %arg6[%dma_start3A_3, %dma_start3A_12, %dma_start3A_13] : memref<3x16x128xi32, #tpu.memory_space<vmem>> -> memref<1x16x128xi32, #tpu.memory_space<vmem>>
    %dma_start3A_15 = tpu.memref_squeeze %dma_start3A_14 : memref<1x16x128xi32, #tpu.memory_space<vmem>> -> memref<16x128xi32, #tpu.memory_space<vmem>>
    %dma_start3A_16 = arith.constant 16 : i32
    %dma_start3A_17 = arith.constant 0 : i32
    %dma_start3A_18 = tpu.memref_slice %arg3[%dma_start3A, %arg0, %arg1, %dma_start3A_16, %dma_start3A_17] : memref<2x2x16x80x128xi32, #tpu.memory_space<hbm>> -> memref<1x1x1x16x128xi32, #tpu.memory_space<hbm>>
    %dma_start3A_19 = tpu.memref_squeeze %dma_start3A_18 : memref<1x1x1x16x128xi32, #tpu.memory_space<hbm>> -> memref<16x128xi32, #tpu.memory_space<hbm>>
    tpu.enqueue_dma source(%dma_start3A_19 : memref<16x128xi32, #tpu.memory_space<hbm>>) target(%dma_start3A_15 : memref<16x128xi32, #tpu.memory_space<vmem>>) target_semaphore(%arg15 : memref<!tpu.dma_semaphore, #tpu.memory_space<semaphore_mem>>)
    %dma_start3A_20 = arith.constant 1 : i32
    %dma_start3A_21 = arith.constant 1 : i32
    %dma_start3A_22 = arith.constant 0 : i32
    %dma_start3A_23 = arith.constant 0 : i32
    %dma_start3A_24 = tpu.memref_slice %arg7[%dma_start3A_21, %dma_start3A_22, %dma_start3A_23] : memref<3x16x128xi32, #tpu.memory_space<vmem>> -> memref<1x16x128xi32, #tpu.memory_space<vmem>>
    %dma_start3A_25 = tpu.memref_squeeze %dma_start3A_24 : memref<1x16x128xi32, #tpu.memory_space<vmem>> -> memref<16x128xi32, #tpu.memory_space<vmem>>
    %dma_start3A_26 = arith.constant 16 : i32
    %dma_start3A_27 = arith.constant 0 : i32
    %dma_start3A_28 = tpu.memref_slice %arg3[%dma_start3A_20, %arg0, %arg1, %dma_start3A_26, %dma_start3A_27] : memref<2x2x16x80x128xi32, #tpu.memory_space<hbm>> -> memref<1x1x1x16x128xi32, #tpu.memory_space<hbm>>
    %dma_start3A_29 = tpu.memref_squeeze %dma_start3A_28 : memref<1x1x1x16x128xi32, #tpu.memory_space<hbm>> -> memref<16x128xi32, #tpu.memory_space<hbm>>
    %dma_start3A_30 = arith.constant 0 : i32
    %dma_start3A_31 = arith.constant 0 : i32
    %dma_start3A_32 = tpu.memref_slice %arg7[%dma_start3A_21, %dma_start3A_30, %dma_start3A_31] : memref<3x16x128xi32, #tpu.memory_space<vmem>> -> memref<1x16x128xi32, #tpu.memory_space<vmem>>
    %dma_start3A_33 = tpu.memref_squeeze %dma_start3A_32 : memref<1x16x128xi32, #tpu.memory_space<vmem>> -> memref<16x128xi32, #tpu.memory_space<vmem>>
    %dma_start3A_34 = arith.constant 16 : i32
    %dma_start3A_35 = arith.constant 0 : i32
    %dma_start3A_36 = tpu.memref_slice %arg3[%dma_start3A_20, %arg0, %arg1, %dma_start3A_34, %dma_start3A_35] : memref<2x2x16x80x128xi32, #tpu.memory_space<hbm>> -> memref<1x1x1x16x128xi32, #tpu.memory_space<hbm>>
    %dma_start3A_37 = tpu.memref_squeeze %dma_start3A_36 : memref<1x1x1x16x128xi32, #tpu.memory_space<hbm>> -> memref<16x128xi32, #tpu.memory_space<hbm>>
    tpu.enqueue_dma source(%dma_start3A_37 : memref<16x128xi32, #tpu.memory_space<hbm>>) target(%dma_start3A_33 : memref<16x128xi32, #tpu.memory_space<vmem>>) target_semaphore(%arg15 : memref<!tpu.dma_semaphore, #tpu.memory_space<semaphore_mem>>)
    "tpu.region"() ({
      %run_scoped3A_77 = tpu.sem_alloc : memref<!tpu.dma_semaphore, #tpu.memory_space<semaphore_mem>>
      tpu.enqueue_dma source(%arg4 : memref<128x128xf32, #tpu.memory_space<hbm>>) target(%arg8 : memref<128x128xf32, #tpu.memory_space<vmem>>) target_semaphore(%run_scoped3A_77 : memref<!tpu.dma_semaphore, #tpu.memory_space<semaphore_mem>>)
      tpu.wait_dma2 semaphore(%run_scoped3A_77 : memref<!tpu.dma_semaphore, #tpu.memory_space<semaphore_mem>>) src(%arg4 : memref<128x128xf32, #tpu.memory_space<hbm>>) dst(%arg8 : memref<128x128xf32, #tpu.memory_space<vmem>>)
      tpu.yield
    }) : () -> ()
    %mul3A = arith.constant 640 : i32
    %mul3A_38 = arith.muli %arg1, %mul3A : i32
    %add3A = arith.constant 0 : i32
    %add3A_39 = arith.addi %mul3A_38, %add3A : i32
    "tpu.region"() ({
      %run_scoped3A_77 = tpu.sem_alloc : memref<!tpu.dma_semaphore, #tpu.memory_space<semaphore_mem>>
      %dma_start3A_78 = arith.constant 0 : i32
      %dma_start3A_79 = tpu.memref_slice %arg10[%add3A_39, %dma_start3A_78] : memref<10240x128xf32, #tpu.memory_space<vmem_shared>> -> memref<128x128xf32, #tpu.memory_space<vmem_shared>>
      %dma_start3A_80 = arith.constant 0 : i32
      %dma_start3A_81 = tpu.memref_slice %arg10[%add3A_39, %dma_start3A_80] : memref<10240x128xf32, #tpu.memory_space<vmem_shared>> -> memref<128x128xf32, #tpu.memory_space<vmem_shared>>
      tpu.enqueue_dma source(%arg8 : memref<128x128xf32, #tpu.memory_space<vmem>>) target(%dma_start3A_81 : memref<128x128xf32, #tpu.memory_space<vmem_shared>>) target_semaphore(%run_scoped3A_77 : memref<!tpu.dma_semaphore, #tpu.memory_space<semaphore_mem>>)
      %dma_wait3A = arith.constant 0 : i32
      %dma_wait3A_82 = tpu.memref_slice %arg10[%add3A_39, %dma_wait3A] : memref<10240x128xf32, #tpu.memory_space<vmem_shared>> -> memref<128x128xf32, #tpu.memory_space<vmem_shared>>
      %dma_wait3A_83 = arith.constant 0 : i32
      %dma_wait3A_84 = tpu.memref_slice %arg10[%add3A_39, %dma_wait3A_83] : memref<10240x128xf32, #tpu.memory_space<vmem_shared>> -> memref<128x128xf32, #tpu.memory_space<vmem_shared>>
      tpu.wait_dma2 semaphore(%run_scoped3A_77 : memref<!tpu.dma_semaphore, #tpu.memory_space<semaphore_mem>>) src(%arg8 : memref<128x128xf32, #tpu.memory_space<vmem>>) dst(%dma_wait3A_84 : memref<128x128xf32, #tpu.memory_space<vmem_shared>>)
      tpu.yield
    }) : () -> ()
    %mul3A_40 = arith.constant 640 : i32
    %mul3A_41 = arith.muli %arg1, %mul3A_40 : i32
    %add3A_42 = arith.constant 128 : i32
    %add3A_43 = arith.addi %mul3A_41, %add3A_42 : i32
    "tpu.region"() ({
      %run_scoped3A_77 = tpu.sem_alloc : memref<!tpu.dma_semaphore, #tpu.memory_space<semaphore_mem>>
      %dma_start3A_78 = arith.constant 0 : i32
      %dma_start3A_79 = tpu.memref_slice %arg10[%add3A_43, %dma_start3A_78] : memref<10240x128xf32, #tpu.memory_space<vmem_shared>> -> memref<128x128xf32, #tpu.memory_space<vmem_shared>>
      %dma_start3A_80 = arith.constant 0 : i32
      %dma_start3A_81 = tpu.memref_slice %arg10[%add3A_43, %dma_start3A_80] : memref<10240x128xf32, #tpu.memory_space<vmem_shared>> -> memref<128x128xf32, #tpu.memory_space<vmem_shared>>
      tpu.enqueue_dma source(%arg8 : memref<128x128xf32, #tpu.memory_space<vmem>>) target(%dma_start3A_81 : memref<128x128xf32, #tpu.memory_space<vmem_shared>>) target_semaphore(%run_scoped3A_77 : memref<!tpu.dma_semaphore, #tpu.memory_space<semaphore_mem>>)
      %dma_wait3A = arith.constant 0 : i32
      %dma_wait3A_82 = tpu.memref_slice %arg10[%add3A_43, %dma_wait3A] : memref<10240x128xf32, #tpu.memory_space<vmem_shared>> -> memref<128x128xf32, #tpu.memory_space<vmem_shared>>
      %dma_wait3A_83 = arith.constant 0 : i32
      %dma_wait3A_84 = tpu.memref_slice %arg10[%add3A_43, %dma_wait3A_83] : memref<10240x128xf32, #tpu.memory_space<vmem_shared>> -> memref<128x128xf32, #tpu.memory_space<vmem_shared>>
      tpu.wait_dma2 semaphore(%run_scoped3A_77 : memref<!tpu.dma_semaphore, #tpu.memory_space<semaphore_mem>>) src(%arg8 : memref<128x128xf32, #tpu.memory_space<vmem>>) dst(%dma_wait3A_84 : memref<128x128xf32, #tpu.memory_space<vmem_shared>>)
      tpu.yield
    }) : () -> ()
    %mul3A_44 = arith.constant 640 : i32
    %mul3A_45 = arith.muli %arg1, %mul3A_44 : i32
    %add3A_46 = arith.constant 256 : i32
    %add3A_47 = arith.addi %mul3A_45, %add3A_46 : i32
    "tpu.region"() ({
      %run_scoped3A_77 = tpu.sem_alloc : memref<!tpu.dma_semaphore, #tpu.memory_space<semaphore_mem>>
      %dma_start3A_78 = arith.constant 0 : i32
      %dma_start3A_79 = tpu.memref_slice %arg10[%add3A_47, %dma_start3A_78] : memref<10240x128xf32, #tpu.memory_space<vmem_shared>> -> memref<128x128xf32, #tpu.memory_space<vmem_shared>>
      %dma_start3A_80 = arith.constant 0 : i32
      %dma_start3A_81 = tpu.memref_slice %arg10[%add3A_47, %dma_start3A_80] : memref<10240x128xf32, #tpu.memory_space<vmem_shared>> -> memref<128x128xf32, #tpu.memory_space<vmem_shared>>
      tpu.enqueue_dma source(%arg8 : memref<128x128xf32, #tpu.memory_space<vmem>>) target(%dma_start3A_81 : memref<128x128xf32, #tpu.memory_space<vmem_shared>>) target_semaphore(%run_scoped3A_77 : memref<!tpu.dma_semaphore, #tpu.memory_space<semaphore_mem>>)
      %dma_wait3A = arith.constant 0 : i32
      %dma_wait3A_82 = tpu.memref_slice %arg10[%add3A_47, %dma_wait3A] : memref<10240x128xf32, #tpu.memory_space<vmem_shared>> -> memref<128x128xf32, #tpu.memory_space<vmem_shared>>
      %dma_wait3A_83 = arith.constant 0 : i32
      %dma_wait3A_84 = tpu.memref_slice %arg10[%add3A_47, %dma_wait3A_83] : memref<10240x128xf32, #tpu.memory_space<vmem_shared>> -> memref<128x128xf32, #tpu.memory_space<vmem_shared>>
      tpu.wait_dma2 semaphore(%run_scoped3A_77 : memref<!tpu.dma_semaphore, #tpu.memory_space<semaphore_mem>>) src(%arg8 : memref<128x128xf32, #tpu.memory_space<vmem>>) dst(%dma_wait3A_84 : memref<128x128xf32, #tpu.memory_space<vmem_shared>>)
      tpu.yield
    }) : () -> ()
    %mul3A_48 = arith.constant 640 : i32
    %mul3A_49 = arith.muli %arg1, %mul3A_48 : i32
    %add3A_50 = arith.constant 384 : i32
    %add3A_51 = arith.addi %mul3A_49, %add3A_50 : i32
    "tpu.region"() ({
      %run_scoped3A_77 = tpu.sem_alloc : memref<!tpu.dma_semaphore, #tpu.memory_space<semaphore_mem>>
      %dma_start3A_78 = arith.constant 0 : i32
      %dma_start3A_79 = tpu.memref_slice %arg10[%add3A_51, %dma_start3A_78] : memref<10240x128xf32, #tpu.memory_space<vmem_shared>> -> memref<128x128xf32, #tpu.memory_space<vmem_shared>>
      %dma_start3A_80 = arith.constant 0 : i32
      %dma_start3A_81 = tpu.memref_slice %arg10[%add3A_51, %dma_start3A_80] : memref<10240x128xf32, #tpu.memory_space<vmem_shared>> -> memref<128x128xf32, #tpu.memory_space<vmem_shared>>
      tpu.enqueue_dma source(%arg8 : memref<128x128xf32, #tpu.memory_space<vmem>>) target(%dma_start3A_81 : memref<128x128xf32, #tpu.memory_space<vmem_shared>>) target_semaphore(%run_scoped3A_77 : memref<!tpu.dma_semaphore, #tpu.memory_space<semaphore_mem>>)
      %dma_wait3A = arith.constant 0 : i32
      %dma_wait3A_82 = tpu.memref_slice %arg10[%add3A_51, %dma_wait3A] : memref<10240x128xf32, #tpu.memory_space<vmem_shared>> -> memref<128x128xf32, #tpu.memory_space<vmem_shared>>
      %dma_wait3A_83 = arith.constant 0 : i32
      %dma_wait3A_84 = tpu.memref_slice %arg10[%add3A_51, %dma_wait3A_83] : memref<10240x128xf32, #tpu.memory_space<vmem_shared>> -> memref<128x128xf32, #tpu.memory_space<vmem_shared>>
      tpu.wait_dma2 semaphore(%run_scoped3A_77 : memref<!tpu.dma_semaphore, #tpu.memory_space<semaphore_mem>>) src(%arg8 : memref<128x128xf32, #tpu.memory_space<vmem>>) dst(%dma_wait3A_84 : memref<128x128xf32, #tpu.memory_space<vmem_shared>>)
      tpu.yield
    }) : () -> ()
    %mul3A_52 = arith.constant 640 : i32
    %mul3A_53 = arith.muli %arg1, %mul3A_52 : i32
    %add3A_54 = arith.constant 512 : i32
    %add3A_55 = arith.addi %mul3A_53, %add3A_54 : i32
    "tpu.region"() ({
      %run_scoped3A_77 = tpu.sem_alloc : memref<!tpu.dma_semaphore, #tpu.memory_space<semaphore_mem>>
      %dma_start3A_78 = arith.constant 0 : i32
      %dma_start3A_79 = tpu.memref_slice %arg10[%add3A_55, %dma_start3A_78] : memref<10240x128xf32, #tpu.memory_space<vmem_shared>> -> memref<128x128xf32, #tpu.memory_space<vmem_shared>>
      %dma_start3A_80 = arith.constant 0 : i32
      %dma_start3A_81 = tpu.memref_slice %arg10[%add3A_55, %dma_start3A_80] : memref<10240x128xf32, #tpu.memory_space<vmem_shared>> -> memref<128x128xf32, #tpu.memory_space<vmem_shared>>
      tpu.enqueue_dma source(%arg8 : memref<128x128xf32, #tpu.memory_space<vmem>>) target(%dma_start3A_81 : memref<128x128xf32, #tpu.memory_space<vmem_shared>>) target_semaphore(%run_scoped3A_77 : memref<!tpu.dma_semaphore, #tpu.memory_space<semaphore_mem>>)
      %dma_wait3A = arith.constant 0 : i32
      %dma_wait3A_82 = tpu.memref_slice %arg10[%add3A_55, %dma_wait3A] : memref<10240x128xf32, #tpu.memory_space<vmem_shared>> -> memref<128x128xf32, #tpu.memory_space<vmem_shared>>
      %dma_wait3A_83 = arith.constant 0 : i32
      %dma_wait3A_84 = tpu.memref_slice %arg10[%add3A_55, %dma_wait3A_83] : memref<10240x128xf32, #tpu.memory_space<vmem_shared>> -> memref<128x128xf32, #tpu.memory_space<vmem_shared>>
      tpu.wait_dma2 semaphore(%run_scoped3A_77 : memref<!tpu.dma_semaphore, #tpu.memory_space<semaphore_mem>>) src(%arg8 : memref<128x128xf32, #tpu.memory_space<vmem>>) dst(%dma_wait3A_84 : memref<128x128xf32, #tpu.memory_space<vmem_shared>>)
      tpu.yield
    }) : () -> ()
    %barrier3A = arith.constant 0 : index
    tpu.barrier barrier_id(%barrier3A)
    %and3A = arith.constant true
    %and3A_56 = arith.constant false
    %and3A_57 = arith.andi %and3A, %and3A_56 : i1
    %convert_element_type3A = arith.extui %and3A_57 : i1 to i32
    %cond3A = arith.constant 0 : i32
    %cond3A_58 = arith.cmpi ne, %convert_element_type3A, %cond3A : i32
    scf.if %cond3A_58 {
      %dma_wait3A = arith.constant 0 : i32
      %dma_wait3A_77 = arith.constant 0 : i32
      %dma_wait3A_78 = arith.constant 0 : i32
      %dma_wait3A_79 = arith.constant 0 : i32
      %dma_wait3A_80 = arith.constant 0 : i32
      %dma_wait3A_81 = arith.constant 0 : i32
      %dma_wait3A_82 = tpu.memref_slice %arg6[%dma_wait3A_79, %dma_wait3A_80, %dma_wait3A_81] : memref<3x16x128xi32, #tpu.memory_space<vmem>> -> memref<1x16x128xi32, #tpu.memory_space<vmem>>
      %dma_wait3A_83 = tpu.memref_squeeze %dma_wait3A_82 : memref<1x16x128xi32, #tpu.memory_space<vmem>> -> memref<16x128xi32, #tpu.memory_space<vmem>>
      %dma_wait3A_84 = arith.constant 0 : i32
      %dma_wait3A_85 = arith.constant 0 : i32
      %dma_wait3A_86 = tpu.memref_slice %arg3[%dma_wait3A, %dma_wait3A_77, %dma_wait3A_78, %dma_wait3A_84, %dma_wait3A_85] : memref<2x2x16x80x128xi32, #tpu.memory_space<hbm>> -> memref<1x1x1x16x128xi32, #tpu.memory_space<hbm>>
      %dma_wait3A_87 = tpu.memref_squeeze %dma_wait3A_86 : memref<1x1x1x16x128xi32, #tpu.memory_space<hbm>> -> memref<16x128xi32, #tpu.memory_space<hbm>>
      %dma_wait3A_88 = arith.constant 0 : i32
      %dma_wait3A_89 = arith.constant 0 : i32
      %dma_wait3A_90 = tpu.memref_slice %arg6[%dma_wait3A_79, %dma_wait3A_88, %dma_wait3A_89] : memref<3x16x128xi32, #tpu.memory_space<vmem>> -> memref<1x16x128xi32, #tpu.memory_space<vmem>>
      %dma_wait3A_91 = tpu.memref_squeeze %dma_wait3A_90 : memref<1x16x128xi32, #tpu.memory_space<vmem>> -> memref<16x128xi32, #tpu.memory_space<vmem>>
      %dma_wait3A_92 = arith.constant 0 : i32
      %dma_wait3A_93 = arith.constant 0 : i32
      %dma_wait3A_94 = tpu.memref_slice %arg3[%dma_wait3A, %dma_wait3A_77, %dma_wait3A_78, %dma_wait3A_92, %dma_wait3A_93] : memref<2x2x16x80x128xi32, #tpu.memory_space<hbm>> -> memref<1x1x1x16x128xi32, #tpu.memory_space<hbm>>
      %dma_wait3A_95 = tpu.memref_squeeze %dma_wait3A_94 : memref<1x1x1x16x128xi32, #tpu.memory_space<hbm>> -> memref<16x128xi32, #tpu.memory_space<hbm>>
      tpu.wait_dma2 semaphore(%arg15 : memref<!tpu.dma_semaphore, #tpu.memory_space<semaphore_mem>>) src(%dma_wait3A_95 : memref<16x128xi32, #tpu.memory_space<hbm>>) dst(%dma_wait3A_91 : memref<16x128xi32, #tpu.memory_space<vmem>>)
      %dma_wait3A_96 = arith.constant 1 : i32
      %dma_wait3A_97 = arith.constant 0 : i32
      %dma_wait3A_98 = arith.constant 0 : i32
      %dma_wait3A_99 = arith.constant 0 : i32
      %dma_wait3A_100 = arith.constant 0 : i32
      %dma_wait3A_101 = arith.constant 0 : i32
      %dma_wait3A_102 = tpu.memref_slice %arg7[%dma_wait3A_99, %dma_wait3A_100, %dma_wait3A_101] : memref<3x16x128xi32, #tpu.memory_space<vmem>> -> memref<1x16x128xi32, #tpu.memory_space<vmem>>
      %dma_wait3A_103 = tpu.memref_squeeze %dma_wait3A_102 : memref<1x16x128xi32, #tpu.memory_space<vmem>> -> memref<16x128xi32, #tpu.memory_space<vmem>>
      %dma_wait3A_104 = arith.constant 0 : i32
      %dma_wait3A_105 = arith.constant 0 : i32
      %dma_wait3A_106 = tpu.memref_slice %arg3[%dma_wait3A_96, %dma_wait3A_97, %dma_wait3A_98, %dma_wait3A_104, %dma_wait3A_105] : memref<2x2x16x80x128xi32, #tpu.memory_space<hbm>> -> memref<1x1x1x16x128xi32, #tpu.memory_space<hbm>>
      %dma_wait3A_107 = tpu.memref_squeeze %dma_wait3A_106 : memref<1x1x1x16x128xi32, #tpu.memory_space<hbm>> -> memref<16x128xi32, #tpu.memory_space<hbm>>
      %dma_wait3A_108 = arith.constant 0 : i32
      %dma_wait3A_109 = arith.constant 0 : i32
      %dma_wait3A_110 = tpu.memref_slice %arg7[%dma_wait3A_99, %dma_wait3A_108, %dma_wait3A_109] : memref<3x16x128xi32, #tpu.memory_space<vmem>> -> memref<1x16x128xi32, #tpu.memory_space<vmem>>
      %dma_wait3A_111 = tpu.memref_squeeze %dma_wait3A_110 : memref<1x16x128xi32, #tpu.memory_space<vmem>> -> memref<16x128xi32, #tpu.memory_space<vmem>>
      %dma_wait3A_112 = arith.constant 0 : i32
      %dma_wait3A_113 = arith.constant 0 : i32
      %dma_wait3A_114 = tpu.memref_slice %arg3[%dma_wait3A_96, %dma_wait3A_97, %dma_wait3A_98, %dma_wait3A_112, %dma_wait3A_113] : memref<2x2x16x80x128xi32, #tpu.memory_space<hbm>> -> memref<1x1x1x16x128xi32, #tpu.memory_space<hbm>>
      %dma_wait3A_115 = tpu.memref_squeeze %dma_wait3A_114 : memref<1x1x1x16x128xi32, #tpu.memory_space<hbm>> -> memref<16x128xi32, #tpu.memory_space<hbm>>
      tpu.wait_dma2 semaphore(%arg15 : memref<!tpu.dma_semaphore, #tpu.memory_space<semaphore_mem>>) src(%dma_wait3A_115 : memref<16x128xi32, #tpu.memory_space<hbm>>) dst(%dma_wait3A_111 : memref<16x128xi32, #tpu.memory_space<vmem>>)
      %dma_start3A_116 = arith.constant 0 : i32
      %dma_start3A_117 = arith.constant 1 : i32
      %dma_start3A_118 = arith.constant 0 : i32
      %dma_start3A_119 = arith.constant 0 : i32
      %dma_start3A_120 = tpu.memref_slice %arg6[%dma_start3A_117, %dma_start3A_118, %dma_start3A_119] : memref<3x16x128xi32, #tpu.memory_space<vmem>> -> memref<1x16x128xi32, #tpu.memory_space<vmem>>
      %dma_start3A_121 = tpu.memref_squeeze %dma_start3A_120 : memref<1x16x128xi32, #tpu.memory_space<vmem>> -> memref<16x128xi32, #tpu.memory_space<vmem>>
      %dma_start3A_122 = arith.constant 16 : i32
      %dma_start3A_123 = arith.constant 0 : i32
      %dma_start3A_124 = tpu.memref_slice %arg3[%dma_start3A_116, %arg0, %arg1, %dma_start3A_122, %dma_start3A_123] : memref<2x2x16x80x128xi32, #tpu.memory_space<hbm>> -> memref<1x1x1x16x128xi32, #tpu.memory_space<hbm>>
      %dma_start3A_125 = tpu.memref_squeeze %dma_start3A_124 : memref<1x1x1x16x128xi32, #tpu.memory_space<hbm>> -> memref<16x128xi32, #tpu.memory_space<hbm>>
      %dma_start3A_126 = arith.constant 0 : i32
      %dma_start3A_127 = arith.constant 0 : i32
      %dma_start3A_128 = tpu.memref_slice %arg6[%dma_start3A_117, %dma_start3A_126, %dma_start3A_127] : memref<3x16x128xi32, #tpu.memory_space<vmem>> -> memref<1x16x128xi32, #tpu.memory_space<vmem>>
      %dma_start3A_129 = tpu.memref_squeeze %dma_start3A_128 : memref<1x16x128xi32, #tpu.memory_space<vmem>> -> memref<16x128xi32, #tpu.memory_space<vmem>>
      %dma_start3A_130 = arith.constant 16 : i32
      %dma_start3A_131 = arith.constant 0 : i32
      %dma_start3A_132 = tpu.memref_slice %arg3[%dma_start3A_116, %arg0, %arg1, %dma_start3A_130, %dma_start3A_131] : memref<2x2x16x80x128xi32, #tpu.memory_space<hbm>> -> memref<1x1x1x16x128xi32, #tpu.memory_space<hbm>>
      %dma_start3A_133 = tpu.memref_squeeze %dma_start3A_132 : memref<1x1x1x16x128xi32, #tpu.memory_space<hbm>> -> memref<16x128xi32, #tpu.memory_space<hbm>>
      tpu.enqueue_dma source(%dma_start3A_133 : memref<16x128xi32, #tpu.memory_space<hbm>>) target(%dma_start3A_129 : memref<16x128xi32, #tpu.memory_space<vmem>>) target_semaphore(%arg15 : memref<!tpu.dma_semaphore, #tpu.memory_space<semaphore_mem>>)
      %dma_start3A_134 = arith.constant 1 : i32
      %dma_start3A_135 = arith.constant 1 : i32
      %dma_start3A_136 = arith.constant 0 : i32
      %dma_start3A_137 = arith.constant 0 : i32
      %dma_start3A_138 = tpu.memref_slice %arg7[%dma_start3A_135, %dma_start3A_136, %dma_start3A_137] : memref<3x16x128xi32, #tpu.memory_space<vmem>> -> memref<1x16x128xi32, #tpu.memory_space<vmem>>
      %dma_start3A_139 = tpu.memref_squeeze %dma_start3A_138 : memref<1x16x128xi32, #tpu.memory_space<vmem>> -> memref<16x128xi32, #tpu.memory_space<vmem>>
      %dma_start3A_140 = arith.constant 16 : i32
      %dma_start3A_141 = arith.constant 0 : i32
      %dma_start3A_142 = tpu.memref_slice %arg3[%dma_start3A_134, %arg0, %arg1, %dma_start3A_140, %dma_start3A_141] : memref<2x2x16x80x128xi32, #tpu.memory_space<hbm>> -> memref<1x1x1x16x128xi32, #tpu.memory_space<hbm>>
      %dma_start3A_143 = tpu.memref_squeeze %dma_start3A_142 : memref<1x1x1x16x128xi32, #tpu.memory_space<hbm>> -> memref<16x128xi32, #tpu.memory_space<hbm>>
      %dma_start3A_144 = arith.constant 0 : i32
      %dma_start3A_145 = arith.constant 0 : i32
      %dma_start3A_146 = tpu.memref_slice %arg7[%dma_start3A_135, %dma_start3A_144, %dma_start3A_145] : memref<3x16x128xi32, #tpu.memory_space<vmem>> -> memref<1x16x128xi32, #tpu.memory_space<vmem>>
      %dma_start3A_147 = tpu.memref_squeeze %dma_start3A_146 : memref<1x16x128xi32, #tpu.memory_space<vmem>> -> memref<16x128xi32, #tpu.memory_space<vmem>>
      %dma_start3A_148 = arith.constant 16 : i32
      %dma_start3A_149 = arith.constant 0 : i32
      %dma_start3A_150 = tpu.memref_slice %arg3[%dma_start3A_134, %arg0, %arg1, %dma_start3A_148, %dma_start3A_149] : memref<2x2x16x80x128xi32, #tpu.memory_space<hbm>> -> memref<1x1x1x16x128xi32, #tpu.memory_space<hbm>>
      %dma_start3A_151 = tpu.memref_squeeze %dma_start3A_150 : memref<1x1x1x16x128xi32, #tpu.memory_space<hbm>> -> memref<16x128xi32, #tpu.memory_space<hbm>>
      tpu.enqueue_dma source(%dma_start3A_151 : memref<16x128xi32, #tpu.memory_space<hbm>>) target(%dma_start3A_147 : memref<16x128xi32, #tpu.memory_space<vmem>>) target_semaphore(%arg15 : memref<!tpu.dma_semaphore, #tpu.memory_space<semaphore_mem>>)
    } else {
    }
    %dma_start3A_59 = arith.constant 0 : i32
    %dma_start3A_60 = arith.constant 0 : i32
    %dma_start3A_61 = arith.constant 0 : i32
    %dma_start3A_62 = tpu.memref_slice %arg6[%dma_start3A_59, %dma_start3A_60, %dma_start3A_61] : memref<3x16x128xi32, #tpu.memory_space<vmem>> -> memref<1x1x128xi32, #tpu.memory_space<vmem>>
    %dma_start3A_63 = tpu.memref_squeeze %dma_start3A_62 : memref<1x1x128xi32, #tpu.memory_space<vmem>> -> memref<128xi32, #tpu.memory_space<vmem>>
    %dma_start3A_64 = arith.constant 0 : i32
    %dma_start3A_65 = arith.constant 0 : i32
    %dma_start3A_66 = tpu.memref_slice %arg2[%dma_start3A_64, %dma_start3A_65] : memref<10240x128xf32, #tpu.memory_space<hbm>> -> memref<10240x128xf32, #tpu.memory_space<hbm>>
    tpu.enqueue_indirect_dma source(%dma_start3A_66 : memref<10240x128xf32, #tpu.memory_space<hbm>>) target(%arg8 : memref<128x128xf32, #tpu.memory_space<vmem>>) offsets(%dma_start3A_63 : memref<128xi32, #tpu.memory_space<vmem>>) semaphore(%arg11 : memref<!tpu.dma_semaphore, #tpu.memory_space<semaphore_mem>>)
    %scan3A = arith.constant 0 : i32
    %scan3A_67 = arith.constant 0 : i32
    %scan3A_68 = arith.constant 40 : i32
    %scan3A_69 = arith.addi %scan3A_67, %scan3A_68 : i32
    %scan3A_70 = arith.constant 1 : i32
    scf.for %scan3A_77 = %scan3A_67 to %scan3A_69 step %scan3A_70  : i32 {
      %mul3A_78 = arith.constant 2 : i32
      %mul3A_79 = arith.muli %mul3A_78, %scan3A_77 : i32
      %add3A_80 = arith.constant 1 : i32
      %add3A_81 = arith.addi %mul3A_79, %add3A_80 : i32
      %add3A_82 = arith.constant 2 : i32
      %add3A_83 = arith.addi %mul3A_79, %add3A_82 : i32
      %dma_wait3A = arith.constant 0 : i32
      %dma_wait3A_84 = arith.constant 0 : i32
      %dma_wait3A_85 = tpu.memref_slice %arg2[%dma_wait3A, %dma_wait3A_84] : memref<10240x128xf32, #tpu.memory_space<hbm>> -> memref<128x128xf32, #tpu.memory_space<hbm>>
      %dma_wait3A_86 = arith.constant 0 : i32
      %dma_wait3A_87 = arith.constant 0 : i32
      %dma_wait3A_88 = tpu.memref_slice %arg2[%dma_wait3A_86, %dma_wait3A_87] : memref<10240x128xf32, #tpu.memory_space<hbm>> -> memref<128x128xf32, #tpu.memory_space<hbm>>
      tpu.wait_dma2 semaphore(%arg11 : memref<!tpu.dma_semaphore, #tpu.memory_space<semaphore_mem>>) src(%dma_wait3A_88 : memref<128x128xf32, #tpu.memory_space<hbm>>) dst(%arg8 : memref<128x128xf32, #tpu.memory_space<vmem>>)
      %jit3A = arith.constant 16 : i32
      %eq3A = arith.constant 0 : i32
      %eq3A_89 = arith.cmpi eq, %jit3A, %eq3A : i32
      %jit3A_90 = arith.constant 1 : i32
      %select_n3A = arith.select %eq3A_89, %jit3A_90, %jit3A : i32
      %rem3A = arith.remsi %add3A_81, %select_n3A : i32
      %ne3A = arith.constant 0 : i32
      %ne3A_91 = arith.cmpi ne, %rem3A, %ne3A : i32
      %lt3A = arith.constant 0 : i32
      %lt3A_92 = arith.cmpi slt, %rem3A, %lt3A : i32
      %lt3A_93 = arith.constant 0 : i32
      %lt3A_94 = arith.cmpi slt, %select_n3A, %lt3A_93 : i32
      %ne3A_95 = arith.xori %lt3A_92, %lt3A_94 : i1
      %and3A_96 = arith.andi %ne3A_95, %ne3A_91 : i1
      %add3A_97 = arith.addi %rem3A, %select_n3A : i32
      %select_n3A_98 = arith.select %and3A_96, %add3A_97, %rem3A : i32
      %eq3A_99 = arith.constant 0 : i32
      %eq3A_100 = arith.cmpi eq, %select_n3A_98, %eq3A_99 : i32
      %gt3A = arith.constant 0 : i32
      %gt3A_101 = arith.cmpi sgt, %add3A_81, %gt3A : i32
      %and3A_102 = arith.andi %eq3A_100, %gt3A_101 : i1
      %convert_element_type3A_103 = arith.extui %and3A_102 : i1 to i32
      %cond3A_104 = arith.constant 0 : i32
      %cond3A_105 = arith.cmpi ne, %convert_element_type3A_103, %cond3A_104 : i32
      scf.if %cond3A_105 {
        %dma_wait3A_288 = arith.constant 0 : i32
        %dma_wait3A_289 = arith.constant 0 : i32
        %dma_wait3A_290 = arith.constant 0 : i32
        %dma_wait3A_291 = arith.constant 0 : i32
        %dma_wait3A_292 = arith.constant 0 : i32
        %dma_wait3A_293 = arith.constant 0 : i32
        %dma_wait3A_294 = tpu.memref_slice %arg6[%dma_wait3A_291, %dma_wait3A_292, %dma_wait3A_293] : memref<3x16x128xi32, #tpu.memory_space<vmem>> -> memref<1x16x128xi32, #tpu.memory_space<vmem>>
        %dma_wait3A_295 = tpu.memref_squeeze %dma_wait3A_294 : memref<1x16x128xi32, #tpu.memory_space<vmem>> -> memref<16x128xi32, #tpu.memory_space<vmem>>
        %dma_wait3A_296 = arith.constant 0 : i32
        %dma_wait3A_297 = arith.constant 0 : i32
        %dma_wait3A_298 = tpu.memref_slice %arg3[%dma_wait3A_288, %dma_wait3A_289, %dma_wait3A_290, %dma_wait3A_296, %dma_wait3A_297] : memref<2x2x16x80x128xi32, #tpu.memory_space<hbm>> -> memref<1x1x1x16x128xi32, #tpu.memory_space<hbm>>
        %dma_wait3A_299 = tpu.memref_squeeze %dma_wait3A_298 : memref<1x1x1x16x128xi32, #tpu.memory_space<hbm>> -> memref<16x128xi32, #tpu.memory_space<hbm>>
        %dma_wait3A_300 = arith.constant 0 : i32
        %dma_wait3A_301 = arith.constant 0 : i32
        %dma_wait3A_302 = tpu.memref_slice %arg6[%dma_wait3A_291, %dma_wait3A_300, %dma_wait3A_301] : memref<3x16x128xi32, #tpu.memory_space<vmem>> -> memref<1x16x128xi32, #tpu.memory_space<vmem>>
        %dma_wait3A_303 = tpu.memref_squeeze %dma_wait3A_302 : memref<1x16x128xi32, #tpu.memory_space<vmem>> -> memref<16x128xi32, #tpu.memory_space<vmem>>
        %dma_wait3A_304 = arith.constant 0 : i32
        %dma_wait3A_305 = arith.constant 0 : i32
        %dma_wait3A_306 = tpu.memref_slice %arg3[%dma_wait3A_288, %dma_wait3A_289, %dma_wait3A_290, %dma_wait3A_304, %dma_wait3A_305] : memref<2x2x16x80x128xi32, #tpu.memory_space<hbm>> -> memref<1x1x1x16x128xi32, #tpu.memory_space<hbm>>
        %dma_wait3A_307 = tpu.memref_squeeze %dma_wait3A_306 : memref<1x1x1x16x128xi32, #tpu.memory_space<hbm>> -> memref<16x128xi32, #tpu.memory_space<hbm>>
        tpu.wait_dma2 semaphore(%arg15 : memref<!tpu.dma_semaphore, #tpu.memory_space<semaphore_mem>>) src(%dma_wait3A_307 : memref<16x128xi32, #tpu.memory_space<hbm>>) dst(%dma_wait3A_303 : memref<16x128xi32, #tpu.memory_space<vmem>>)
        %dma_wait3A_308 = arith.constant 1 : i32
        %dma_wait3A_309 = arith.constant 0 : i32
        %dma_wait3A_310 = arith.constant 0 : i32
        %dma_wait3A_311 = arith.constant 0 : i32
        %dma_wait3A_312 = arith.constant 0 : i32
        %dma_wait3A_313 = arith.constant 0 : i32
        %dma_wait3A_314 = tpu.memref_slice %arg7[%dma_wait3A_311, %dma_wait3A_312, %dma_wait3A_313] : memref<3x16x128xi32, #tpu.memory_space<vmem>> -> memref<1x16x128xi32, #tpu.memory_space<vmem>>
        %dma_wait3A_315 = tpu.memref_squeeze %dma_wait3A_314 : memref<1x16x128xi32, #tpu.memory_space<vmem>> -> memref<16x128xi32, #tpu.memory_space<vmem>>
        %dma_wait3A_316 = arith.constant 0 : i32
        %dma_wait3A_317 = arith.constant 0 : i32
        %dma_wait3A_318 = tpu.memref_slice %arg3[%dma_wait3A_308, %dma_wait3A_309, %dma_wait3A_310, %dma_wait3A_316, %dma_wait3A_317] : memref<2x2x16x80x128xi32, #tpu.memory_space<hbm>> -> memref<1x1x1x16x128xi32, #tpu.memory_space<hbm>>
        %dma_wait3A_319 = tpu.memref_squeeze %dma_wait3A_318 : memref<1x1x1x16x128xi32, #tpu.memory_space<hbm>> -> memref<16x128xi32, #tpu.memory_space<hbm>>
        %dma_wait3A_320 = arith.constant 0 : i32
        %dma_wait3A_321 = arith.constant 0 : i32
        %dma_wait3A_322 = tpu.memref_slice %arg7[%dma_wait3A_311, %dma_wait3A_320, %dma_wait3A_321] : memref<3x16x128xi32, #tpu.memory_space<vmem>> -> memref<1x16x128xi32, #tpu.memory_space<vmem>>
        %dma_wait3A_323 = tpu.memref_squeeze %dma_wait3A_322 : memref<1x16x128xi32, #tpu.memory_space<vmem>> -> memref<16x128xi32, #tpu.memory_space<vmem>>
        %dma_wait3A_324 = arith.constant 0 : i32
        %dma_wait3A_325 = arith.constant 0 : i32
        %dma_wait3A_326 = tpu.memref_slice %arg3[%dma_wait3A_308, %dma_wait3A_309, %dma_wait3A_310, %dma_wait3A_324, %dma_wait3A_325] : memref<2x2x16x80x128xi32, #tpu.memory_space<hbm>> -> memref<1x1x1x16x128xi32, #tpu.memory_space<hbm>>
        %dma_wait3A_327 = tpu.memref_squeeze %dma_wait3A_326 : memref<1x1x1x16x128xi32, #tpu.memory_space<hbm>> -> memref<16x128xi32, #tpu.memory_space<hbm>>
        tpu.wait_dma2 semaphore(%arg15 : memref<!tpu.dma_semaphore, #tpu.memory_space<semaphore_mem>>) src(%dma_wait3A_327 : memref<16x128xi32, #tpu.memory_space<hbm>>) dst(%dma_wait3A_323 : memref<16x128xi32, #tpu.memory_space<vmem>>)
        %jit3A_328 = arith.constant 16 : i32
        %div3A_329 = arith.divsi %add3A_81, %jit3A_328 : i32
        %sign3A_330 = arith.constant 0 : i32
        %sign3A_331 = arith.cmpi sgt, %add3A_81, %sign3A_330 : i32
        %sign3A_332 = arith.extui %sign3A_331 : i1 to i32
        %sign3A_333 = arith.constant 0 : i32
        %sign3A_334 = arith.cmpi slt, %add3A_81, %sign3A_333 : i32
        %sign3A_335 = arith.extui %sign3A_334 : i1 to i32
        %sign3A_336 = arith.subi %sign3A_332, %sign3A_335 : i32
        %sign3A_337 = arith.constant 0 : i32
        %sign3A_338 = arith.cmpi sgt, %jit3A_328, %sign3A_337 : i32
        %sign3A_339 = arith.extui %sign3A_338 : i1 to i32
        %sign3A_340 = arith.constant 0 : i32
        %sign3A_341 = arith.cmpi slt, %jit3A_328, %sign3A_340 : i32
        %sign3A_342 = arith.extui %sign3A_341 : i1 to i32
        %sign3A_343 = arith.subi %sign3A_339, %sign3A_342 : i32
        %ne3A_344 = arith.cmpi ne, %sign3A_336, %sign3A_343 : i32
        %rem3A_345 = arith.remsi %add3A_81, %jit3A_328 : i32
        %ne3A_346 = arith.constant 0 : i32
        %ne3A_347 = arith.cmpi ne, %rem3A_345, %ne3A_346 : i32
        %and3A_348 = arith.andi %ne3A_344, %ne3A_347 : i1
        %sub3A_349 = arith.constant 1 : i32
        %sub3A_350 = arith.subi %div3A_329, %sub3A_349 : i32
        %select_n3A_351 = arith.select %and3A_348, %sub3A_350, %div3A_329 : i32
        %add3A_352 = arith.constant 1 : i32
        %add3A_353 = arith.addi %select_n3A_351, %add3A_352 : i32
        %lt3A_354 = arith.constant 5 : i32
        %lt3A_355 = arith.cmpi slt, %add3A_353, %lt3A_354 : i32
        %convert_element_type3A_356 = arith.extui %lt3A_355 : i1 to i32
        %cond3A_357 = arith.constant 0 : i32
        %cond3A_358 = arith.cmpi ne, %convert_element_type3A_356, %cond3A_357 : i32
        scf.if %cond3A_358 {
          %mul3A_359 = arith.constant 16 : i32
          %mul3A_360 = arith.muli %add3A_353, %mul3A_359 : i32
          %jit3A_361 = arith.constant 3 : i32
          %eq3A_362 = arith.constant 0 : i32
          %eq3A_363 = arith.cmpi eq, %jit3A_361, %eq3A_362 : i32
          %jit3A_364 = arith.constant 1 : i32
          %select_n3A_365 = arith.select %eq3A_363, %jit3A_364, %jit3A_361 : i32
          %rem3A_366 = arith.remsi %add3A_353, %select_n3A_365 : i32
          %ne3A_367 = arith.constant 0 : i32
          %ne3A_368 = arith.cmpi ne, %rem3A_366, %ne3A_367 : i32
          %lt3A_369 = arith.constant 0 : i32
          %lt3A_370 = arith.cmpi slt, %rem3A_366, %lt3A_369 : i32
          %lt3A_371 = arith.constant 0 : i32
          %lt3A_372 = arith.cmpi slt, %select_n3A_365, %lt3A_371 : i32
          %ne3A_373 = arith.xori %lt3A_370, %lt3A_372 : i1
          %and3A_374 = arith.andi %ne3A_373, %ne3A_368 : i1
          %add3A_375 = arith.addi %rem3A_366, %select_n3A_365 : i32
          %select_n3A_376 = arith.select %and3A_374, %add3A_375, %rem3A_366 : i32
          %dma_start3A_377 = arith.constant 0 : i32
          %dma_start3A_378 = arith.constant 0 : i32
          %dma_start3A_379 = arith.constant 0 : i32
          %dma_start3A_380 = tpu.memref_slice %arg6[%select_n3A_376, %dma_start3A_378, %dma_start3A_379] : memref<3x16x128xi32, #tpu.memory_space<vmem>> -> memref<1x16x128xi32, #tpu.memory_space<vmem>>
          %dma_start3A_381 = tpu.memref_squeeze %dma_start3A_380 : memref<1x16x128xi32, #tpu.memory_space<vmem>> -> memref<16x128xi32, #tpu.memory_space<vmem>>
          %dma_start3A_382 = arith.constant 0 : i32
          %dma_start3A_383 = tpu.memref_slice %arg3[%dma_start3A_377, %arg0, %arg1, %mul3A_360, %dma_start3A_382] : memref<2x2x16x80x128xi32, #tpu.memory_space<hbm>> -> memref<1x1x1x16x128xi32, #tpu.memory_space<hbm>>
          %dma_start3A_384 = tpu.memref_squeeze %dma_start3A_383 : memref<1x1x1x16x128xi32, #tpu.memory_space<hbm>> -> memref<16x128xi32, #tpu.memory_space<hbm>>
          %dma_start3A_385 = arith.constant 0 : i32
          %dma_start3A_386 = arith.constant 0 : i32
          %dma_start3A_387 = tpu.memref_slice %arg6[%select_n3A_376, %dma_start3A_385, %dma_start3A_386] : memref<3x16x128xi32, #tpu.memory_space<vmem>> -> memref<1x16x128xi32, #tpu.memory_space<vmem>>
          %dma_start3A_388 = tpu.memref_squeeze %dma_start3A_387 : memref<1x16x128xi32, #tpu.memory_space<vmem>> -> memref<16x128xi32, #tpu.memory_space<vmem>>
          %dma_start3A_389 = arith.constant 0 : i32
          %dma_start3A_390 = tpu.memref_slice %arg3[%dma_start3A_377, %arg0, %arg1, %mul3A_360, %dma_start3A_389] : memref<2x2x16x80x128xi32, #tpu.memory_space<hbm>> -> memref<1x1x1x16x128xi32, #tpu.memory_space<hbm>>
          %dma_start3A_391 = tpu.memref_squeeze %dma_start3A_390 : memref<1x1x1x16x128xi32, #tpu.memory_space<hbm>> -> memref<16x128xi32, #tpu.memory_space<hbm>>
          tpu.enqueue_dma source(%dma_start3A_391 : memref<16x128xi32, #tpu.memory_space<hbm>>) target(%dma_start3A_388 : memref<16x128xi32, #tpu.memory_space<vmem>>) target_semaphore(%arg15 : memref<!tpu.dma_semaphore, #tpu.memory_space<semaphore_mem>>)
          %mul3A_392 = arith.constant 16 : i32
          %mul3A_393 = arith.muli %add3A_353, %mul3A_392 : i32
          %jit3A_394 = arith.constant 3 : i32
          %eq3A_395 = arith.constant 0 : i32
          %eq3A_396 = arith.cmpi eq, %jit3A_394, %eq3A_395 : i32
          %jit3A_397 = arith.constant 1 : i32
          %select_n3A_398 = arith.select %eq3A_396, %jit3A_397, %jit3A_394 : i32
          %rem3A_399 = arith.remsi %add3A_353, %select_n3A_398 : i32
          %ne3A_400 = arith.constant 0 : i32
          %ne3A_401 = arith.cmpi ne, %rem3A_399, %ne3A_400 : i32
          %lt3A_402 = arith.constant 0 : i32
          %lt3A_403 = arith.cmpi slt, %rem3A_399, %lt3A_402 : i32
          %lt3A_404 = arith.constant 0 : i32
          %lt3A_405 = arith.cmpi slt, %select_n3A_398, %lt3A_404 : i32
          %ne3A_406 = arith.xori %lt3A_403, %lt3A_405 : i1
          %and3A_407 = arith.andi %ne3A_406, %ne3A_401 : i1
          %add3A_408 = arith.addi %rem3A_399, %select_n3A_398 : i32
          %select_n3A_409 = arith.select %and3A_407, %add3A_408, %rem3A_399 : i32
          %dma_start3A_410 = arith.constant 1 : i32
          %dma_start3A_411 = arith.constant 0 : i32
          %dma_start3A_412 = arith.constant 0 : i32
          %dma_start3A_413 = tpu.memref_slice %arg7[%select_n3A_409, %dma_start3A_411, %dma_start3A_412] : memref<3x16x128xi32, #tpu.memory_space<vmem>> -> memref<1x16x128xi32, #tpu.memory_space<vmem>>
          %dma_start3A_414 = tpu.memref_squeeze %dma_start3A_413 : memref<1x16x128xi32, #tpu.memory_space<vmem>> -> memref<16x128xi32, #tpu.memory_space<vmem>>
          %dma_start3A_415 = arith.constant 0 : i32
          %dma_start3A_416 = tpu.memref_slice %arg3[%dma_start3A_410, %arg0, %arg1, %mul3A_393, %dma_start3A_415] : memref<2x2x16x80x128xi32, #tpu.memory_space<hbm>> -> memref<1x1x1x16x128xi32, #tpu.memory_space<hbm>>
          %dma_start3A_417 = tpu.memref_squeeze %dma_start3A_416 : memref<1x1x1x16x128xi32, #tpu.memory_space<hbm>> -> memref<16x128xi32, #tpu.memory_space<hbm>>
          %dma_start3A_418 = arith.constant 0 : i32
          %dma_start3A_419 = arith.constant 0 : i32
          %dma_start3A_420 = tpu.memref_slice %arg7[%select_n3A_409, %dma_start3A_418, %dma_start3A_419] : memref<3x16x128xi32, #tpu.memory_space<vmem>> -> memref<1x16x128xi32, #tpu.memory_space<vmem>>
          %dma_start3A_421 = tpu.memref_squeeze %dma_start3A_420 : memref<1x16x128xi32, #tpu.memory_space<vmem>> -> memref<16x128xi32, #tpu.memory_space<vmem>>
          %dma_start3A_422 = arith.constant 0 : i32
          %dma_start3A_423 = tpu.memref_slice %arg3[%dma_start3A_410, %arg0, %arg1, %mul3A_393, %dma_start3A_422] : memref<2x2x16x80x128xi32, #tpu.memory_space<hbm>> -> memref<1x1x1x16x128xi32, #tpu.memory_space<hbm>>
          %dma_start3A_424 = tpu.memref_squeeze %dma_start3A_423 : memref<1x1x1x16x128xi32, #tpu.memory_space<hbm>> -> memref<16x128xi32, #tpu.memory_space<hbm>>
          tpu.enqueue_dma source(%dma_start3A_424 : memref<16x128xi32, #tpu.memory_space<hbm>>) target(%dma_start3A_421 : memref<16x128xi32, #tpu.memory_space<vmem>>) target_semaphore(%arg15 : memref<!tpu.dma_semaphore, #tpu.memory_space<semaphore_mem>>)
        } else {
        }
      } else {
      }
      %jit3A_106 = arith.constant 16 : i32
      %div3A = arith.divsi %add3A_81, %jit3A_106 : i32
      %sign3A = arith.constant 0 : i32
      %sign3A_107 = arith.cmpi sgt, %add3A_81, %sign3A : i32
      %sign3A_108 = arith.extui %sign3A_107 : i1 to i32
      %sign3A_109 = arith.constant 0 : i32
      %sign3A_110 = arith.cmpi slt, %add3A_81, %sign3A_109 : i32
      %sign3A_111 = arith.extui %sign3A_110 : i1 to i32
      %sign3A_112 = arith.subi %sign3A_108, %sign3A_111 : i32
      %sign3A_113 = arith.constant 0 : i32
      %sign3A_114 = arith.cmpi sgt, %jit3A_106, %sign3A_113 : i32
      %sign3A_115 = arith.extui %sign3A_114 : i1 to i32
      %sign3A_116 = arith.constant 0 : i32
      %sign3A_117 = arith.cmpi slt, %jit3A_106, %sign3A_116 : i32
      %sign3A_118 = arith.extui %sign3A_117 : i1 to i32
      %sign3A_119 = arith.subi %sign3A_115, %sign3A_118 : i32
      %ne3A_120 = arith.cmpi ne, %sign3A_112, %sign3A_119 : i32
      %rem3A_121 = arith.remsi %add3A_81, %jit3A_106 : i32
      %ne3A_122 = arith.constant 0 : i32
      %ne3A_123 = arith.cmpi ne, %rem3A_121, %ne3A_122 : i32
      %and3A_124 = arith.andi %ne3A_120, %ne3A_123 : i1
      %sub3A = arith.constant 1 : i32
      %sub3A_125 = arith.subi %div3A, %sub3A : i32
      %select_n3A_126 = arith.select %and3A_124, %sub3A_125, %div3A : i32
      %jit3A_127 = arith.constant 3 : i32
      %eq3A_128 = arith.constant 0 : i32
      %eq3A_129 = arith.cmpi eq, %jit3A_127, %eq3A_128 : i32
      %jit3A_130 = arith.constant 1 : i32
      %select_n3A_131 = arith.select %eq3A_129, %jit3A_130, %jit3A_127 : i32
      %rem3A_132 = arith.remsi %select_n3A_126, %select_n3A_131 : i32
      %ne3A_133 = arith.constant 0 : i32
      %ne3A_134 = arith.cmpi ne, %rem3A_132, %ne3A_133 : i32
      %lt3A_135 = arith.constant 0 : i32
      %lt3A_136 = arith.cmpi slt, %rem3A_132, %lt3A_135 : i32
      %lt3A_137 = arith.constant 0 : i32
      %lt3A_138 = arith.cmpi slt, %select_n3A_131, %lt3A_137 : i32
      %ne3A_139 = arith.xori %lt3A_136, %lt3A_138 : i1
      %and3A_140 = arith.andi %ne3A_139, %ne3A_134 : i1
      %add3A_141 = arith.addi %rem3A_132, %select_n3A_131 : i32
      %select_n3A_142 = arith.select %and3A_140, %add3A_141, %rem3A_132 : i32
      %jit3A_143 = arith.constant 16 : i32
      %eq3A_144 = arith.constant 0 : i32
      %eq3A_145 = arith.cmpi eq, %jit3A_143, %eq3A_144 : i32
      %jit3A_146 = arith.constant 1 : i32
      %select_n3A_147 = arith.select %eq3A_145, %jit3A_146, %jit3A_143 : i32
      %rem3A_148 = arith.remsi %add3A_81, %select_n3A_147 : i32
      %ne3A_149 = arith.constant 0 : i32
      %ne3A_150 = arith.cmpi ne, %rem3A_148, %ne3A_149 : i32
      %lt3A_151 = arith.constant 0 : i32
      %lt3A_152 = arith.cmpi slt, %rem3A_148, %lt3A_151 : i32
      %lt3A_153 = arith.constant 0 : i32
      %lt3A_154 = arith.cmpi slt, %select_n3A_147, %lt3A_153 : i32
      %ne3A_155 = arith.xori %lt3A_152, %lt3A_154 : i1
      %and3A_156 = arith.andi %ne3A_155, %ne3A_150 : i1
      %add3A_157 = arith.addi %rem3A_148, %select_n3A_147 : i32
      %select_n3A_158 = arith.select %and3A_156, %add3A_157, %rem3A_148 : i32
      %dma_start3A_159 = arith.constant 0 : i32
      %dma_start3A_160 = tpu.memref_slice %arg6[%select_n3A_142, %select_n3A_158, %dma_start3A_159] : memref<3x16x128xi32, #tpu.memory_space<vmem>> -> memref<1x1x128xi32, #tpu.memory_space<vmem>>
      %dma_start3A_161 = tpu.memref_squeeze %dma_start3A_160 : memref<1x1x128xi32, #tpu.memory_space<vmem>> -> memref<128xi32, #tpu.memory_space<vmem>>
      %dma_start3A_162 = arith.constant 0 : i32
      %dma_start3A_163 = arith.constant 0 : i32
      %dma_start3A_164 = tpu.memref_slice %arg2[%dma_start3A_162, %dma_start3A_163] : memref<10240x128xf32, #tpu.memory_space<hbm>> -> memref<10240x128xf32, #tpu.memory_space<hbm>>
      tpu.enqueue_indirect_dma source(%dma_start3A_164 : memref<10240x128xf32, #tpu.memory_space<hbm>>) target(%arg9 : memref<128x128xf32, #tpu.memory_space<vmem>>) offsets(%dma_start3A_161 : memref<128xi32, #tpu.memory_space<vmem>>) semaphore(%arg12 : memref<!tpu.dma_semaphore, #tpu.memory_space<semaphore_mem>>)
      %jit3A_165 = arith.constant 16 : i32
      %div3A_166 = arith.divsi %mul3A_79, %jit3A_165 : i32
      %sign3A_167 = arith.constant 0 : i32
      %sign3A_168 = arith.cmpi sgt, %mul3A_79, %sign3A_167 : i32
      %sign3A_169 = arith.extui %sign3A_168 : i1 to i32
      %sign3A_170 = arith.constant 0 : i32
      %sign3A_171 = arith.cmpi slt, %mul3A_79, %sign3A_170 : i32
      %sign3A_172 = arith.extui %sign3A_171 : i1 to i32
      %sign3A_173 = arith.subi %sign3A_169, %sign3A_172 : i32
      %sign3A_174 = arith.constant 0 : i32
      %sign3A_175 = arith.cmpi sgt, %jit3A_165, %sign3A_174 : i32
      %sign3A_176 = arith.extui %sign3A_175 : i1 to i32
      %sign3A_177 = arith.constant 0 : i32
      %sign3A_178 = arith.cmpi slt, %jit3A_165, %sign3A_177 : i32
      %sign3A_179 = arith.extui %sign3A_178 : i1 to i32
      %sign3A_180 = arith.subi %sign3A_176, %sign3A_179 : i32
      %ne3A_181 = arith.cmpi ne, %sign3A_173, %sign3A_180 : i32
      %rem3A_182 = arith.remsi %mul3A_79, %jit3A_165 : i32
      %ne3A_183 = arith.constant 0 : i32
      %ne3A_184 = arith.cmpi ne, %rem3A_182, %ne3A_183 : i32
      %and3A_185 = arith.andi %ne3A_181, %ne3A_184 : i1
      %sub3A_186 = arith.constant 1 : i32
      %sub3A_187 = arith.subi %div3A_166, %sub3A_186 : i32
      %select_n3A_188 = arith.select %and3A_185, %sub3A_187, %div3A_166 : i32
      %jit3A_189 = arith.constant 3 : i32
      %eq3A_190 = arith.constant 0 : i32
      %eq3A_191 = arith.cmpi eq, %jit3A_189, %eq3A_190 : i32
      %jit3A_192 = arith.constant 1 : i32
      %select_n3A_193 = arith.select %eq3A_191, %jit3A_192, %jit3A_189 : i32
      %rem3A_194 = arith.remsi %select_n3A_188, %select_n3A_193 : i32
      %ne3A_195 = arith.constant 0 : i32
      %ne3A_196 = arith.cmpi ne, %rem3A_194, %ne3A_195 : i32
      %lt3A_197 = arith.constant 0 : i32
      %lt3A_198 = arith.cmpi slt, %rem3A_194, %lt3A_197 : i32
      %lt3A_199 = arith.constant 0 : i32
      %lt3A_200 = arith.cmpi slt, %select_n3A_193, %lt3A_199 : i32
      %ne3A_201 = arith.xori %lt3A_198, %lt3A_200 : i1
      %and3A_202 = arith.andi %ne3A_201, %ne3A_196 : i1
      %add3A_203 = arith.addi %rem3A_194, %select_n3A_193 : i32
      %select_n3A_204 = arith.select %and3A_202, %add3A_203, %rem3A_194 : i32
      %jit3A_205 = arith.constant 16 : i32
      %eq3A_206 = arith.constant 0 : i32
      %eq3A_207 = arith.cmpi eq, %jit3A_205, %eq3A_206 : i32
      %jit3A_208 = arith.constant 1 : i32
      %select_n3A_209 = arith.select %eq3A_207, %jit3A_208, %jit3A_205 : i32
      %rem3A_210 = arith.remsi %mul3A_79, %select_n3A_209 : i32
      %ne3A_211 = arith.constant 0 : i32
      %ne3A_212 = arith.cmpi ne, %rem3A_210, %ne3A_211 : i32
      %lt3A_213 = arith.constant 0 : i32
      %lt3A_214 = arith.cmpi slt, %rem3A_210, %lt3A_213 : i32
      %lt3A_215 = arith.constant 0 : i32
      %lt3A_216 = arith.cmpi slt, %select_n3A_209, %lt3A_215 : i32
      %ne3A_217 = arith.xori %lt3A_214, %lt3A_216 : i1
      %and3A_218 = arith.andi %ne3A_217, %ne3A_212 : i1
      %add3A_219 = arith.addi %rem3A_210, %select_n3A_209 : i32
      %select_n3A_220 = arith.select %and3A_218, %add3A_219, %rem3A_210 : i32
      "tpu.region"() ({
        %run_scoped3A_288 = tpu.sem_alloc : memref<!tpu.dma_semaphore, #tpu.memory_space<semaphore_mem>>
        %dma_start3A_289 = arith.constant 0 : i32
        %dma_start3A_290 = tpu.memref_slice %arg7[%select_n3A_204, %select_n3A_220, %dma_start3A_289] : memref<3x16x128xi32, #tpu.memory_space<vmem>> -> memref<1x1x128xi32, #tpu.memory_space<vmem>>
        %dma_start3A_291 = tpu.memref_squeeze %dma_start3A_290 : memref<1x1x128xi32, #tpu.memory_space<vmem>> -> memref<128xi32, #tpu.memory_space<vmem>>
        %dma_start3A_292 = arith.constant 0 : i32
        %dma_start3A_293 = arith.constant 0 : i32
        %dma_start3A_294 = tpu.memref_slice %arg10[%dma_start3A_292, %dma_start3A_293] : memref<10240x128xf32, #tpu.memory_space<vmem_shared>> -> memref<10240x128xf32, #tpu.memory_space<vmem_shared>>
        tpu.enqueue_indirect_dma source(%arg8 : memref<128x128xf32, #tpu.memory_space<vmem>>) target(%dma_start3A_294 : memref<10240x128xf32, #tpu.memory_space<vmem_shared>>) offsets(%dma_start3A_291 : memref<128xi32, #tpu.memory_space<vmem>>) semaphore(%run_scoped3A_288 : memref<!tpu.dma_semaphore, #tpu.memory_space<semaphore_mem>>) {add = true}
        %dma_wait3A_295 = arith.constant 0 : i32
        %dma_wait3A_296 = tpu.memref_slice %arg7[%select_n3A_204, %select_n3A_220, %dma_wait3A_295] : memref<3x16x128xi32, #tpu.memory_space<vmem>> -> memref<1x1x128xi32, #tpu.memory_space<vmem>>
        %dma_wait3A_297 = tpu.memref_squeeze %dma_wait3A_296 : memref<1x1x128xi32, #tpu.memory_space<vmem>> -> memref<128xi32, #tpu.memory_space<vmem>>
        %dma_wait3A_298 = arith.constant 0 : i32
        %dma_wait3A_299 = arith.constant 0 : i32
        %dma_wait3A_300 = tpu.memref_slice %arg10[%dma_wait3A_298, %dma_wait3A_299] : memref<10240x128xf32, #tpu.memory_space<vmem_shared>> -> memref<10240x128xf32, #tpu.memory_space<vmem_shared>>
        tpu.wait_indirect_dma semaphore(%run_scoped3A_288 : memref<!tpu.dma_semaphore, #tpu.memory_space<semaphore_mem>>) src(%arg8 : memref<128x128xf32, #tpu.memory_space<vmem>>) dst(%dma_wait3A_300 : memref<10240x128xf32, #tpu.memory_space<vmem_shared>>)
        tpu.yield
      }) : () -> ()
      %lt3A_221 = arith.constant 80 : i32
      %lt3A_222 = arith.cmpi slt, %add3A_83, %lt3A_221 : i32
      %convert_element_type3A_223 = arith.extui %lt3A_222 : i1 to i32
      %cond3A_224 = arith.constant 0 : i32
      %cond3A_225 = arith.cmpi ne, %convert_element_type3A_223, %cond3A_224 : i32
      scf.if %cond3A_225 {
        %jit3A_288 = arith.constant 16 : i32
        %eq3A_289 = arith.constant 0 : i32
        %eq3A_290 = arith.cmpi eq, %jit3A_288, %eq3A_289 : i32
        %jit3A_291 = arith.constant 1 : i32
        %select_n3A_292 = arith.select %eq3A_290, %jit3A_291, %jit3A_288 : i32
        %rem3A_293 = arith.remsi %add3A_83, %select_n3A_292 : i32
        %ne3A_294 = arith.constant 0 : i32
        %ne3A_295 = arith.cmpi ne, %rem3A_293, %ne3A_294 : i32
        %lt3A_296 = arith.constant 0 : i32
        %lt3A_297 = arith.cmpi slt, %rem3A_293, %lt3A_296 : i32
        %lt3A_298 = arith.constant 0 : i32
        %lt3A_299 = arith.cmpi slt, %select_n3A_292, %lt3A_298 : i32
        %ne3A_300 = arith.xori %lt3A_297, %lt3A_299 : i1
        %and3A_301 = arith.andi %ne3A_300, %ne3A_295 : i1
        %add3A_302 = arith.addi %rem3A_293, %select_n3A_292 : i32
        %select_n3A_303 = arith.select %and3A_301, %add3A_302, %rem3A_293 : i32
        %eq3A_304 = arith.constant 0 : i32
        %eq3A_305 = arith.cmpi eq, %select_n3A_303, %eq3A_304 : i32
        %gt3A_306 = arith.constant 0 : i32
        %gt3A_307 = arith.cmpi sgt, %add3A_83, %gt3A_306 : i32
        %and3A_308 = arith.andi %eq3A_305, %gt3A_307 : i1
        %convert_element_type3A_309 = arith.extui %and3A_308 : i1 to i32
        %cond3A_310 = arith.constant 0 : i32
        %cond3A_311 = arith.cmpi ne, %convert_element_type3A_309, %cond3A_310 : i32
        scf.if %cond3A_311 {
          %dma_wait3A_374 = arith.constant 0 : i32
          %dma_wait3A_375 = arith.constant 0 : i32
          %dma_wait3A_376 = arith.constant 0 : i32
          %dma_wait3A_377 = arith.constant 0 : i32
          %dma_wait3A_378 = arith.constant 0 : i32
          %dma_wait3A_379 = arith.constant 0 : i32
          %dma_wait3A_380 = tpu.memref_slice %arg6[%dma_wait3A_377, %dma_wait3A_378, %dma_wait3A_379] : memref<3x16x128xi32, #tpu.memory_space<vmem>> -> memref<1x16x128xi32, #tpu.memory_space<vmem>>
          %dma_wait3A_381 = tpu.memref_squeeze %dma_wait3A_380 : memref<1x16x128xi32, #tpu.memory_space<vmem>> -> memref<16x128xi32, #tpu.memory_space<vmem>>
          %dma_wait3A_382 = arith.constant 0 : i32
          %dma_wait3A_383 = arith.constant 0 : i32
          %dma_wait3A_384 = tpu.memref_slice %arg3[%dma_wait3A_374, %dma_wait3A_375, %dma_wait3A_376, %dma_wait3A_382, %dma_wait3A_383] : memref<2x2x16x80x128xi32, #tpu.memory_space<hbm>> -> memref<1x1x1x16x128xi32, #tpu.memory_space<hbm>>
          %dma_wait3A_385 = tpu.memref_squeeze %dma_wait3A_384 : memref<1x1x1x16x128xi32, #tpu.memory_space<hbm>> -> memref<16x128xi32, #tpu.memory_space<hbm>>
          %dma_wait3A_386 = arith.constant 0 : i32
          %dma_wait3A_387 = arith.constant 0 : i32
          %dma_wait3A_388 = tpu.memref_slice %arg6[%dma_wait3A_377, %dma_wait3A_386, %dma_wait3A_387] : memref<3x16x128xi32, #tpu.memory_space<vmem>> -> memref<1x16x128xi32, #tpu.memory_space<vmem>>
          %dma_wait3A_389 = tpu.memref_squeeze %dma_wait3A_388 : memref<1x16x128xi32, #tpu.memory_space<vmem>> -> memref<16x128xi32, #tpu.memory_space<vmem>>
          %dma_wait3A_390 = arith.constant 0 : i32
          %dma_wait3A_391 = arith.constant 0 : i32
          %dma_wait3A_392 = tpu.memref_slice %arg3[%dma_wait3A_374, %dma_wait3A_375, %dma_wait3A_376, %dma_wait3A_390, %dma_wait3A_391] : memref<2x2x16x80x128xi32, #tpu.memory_space<hbm>> -> memref<1x1x1x16x128xi32, #tpu.memory_space<hbm>>
          %dma_wait3A_393 = tpu.memref_squeeze %dma_wait3A_392 : memref<1x1x1x16x128xi32, #tpu.memory_space<hbm>> -> memref<16x128xi32, #tpu.memory_space<hbm>>
          tpu.wait_dma2 semaphore(%arg15 : memref<!tpu.dma_semaphore, #tpu.memory_space<semaphore_mem>>) src(%dma_wait3A_393 : memref<16x128xi32, #tpu.memory_space<hbm>>) dst(%dma_wait3A_389 : memref<16x128xi32, #tpu.memory_space<vmem>>)
          %dma_wait3A_394 = arith.constant 1 : i32
          %dma_wait3A_395 = arith.constant 0 : i32
          %dma_wait3A_396 = arith.constant 0 : i32
          %dma_wait3A_397 = arith.constant 0 : i32
          %dma_wait3A_398 = arith.constant 0 : i32
          %dma_wait3A_399 = arith.constant 0 : i32
          %dma_wait3A_400 = tpu.memref_slice %arg7[%dma_wait3A_397, %dma_wait3A_398, %dma_wait3A_399] : memref<3x16x128xi32, #tpu.memory_space<vmem>> -> memref<1x16x128xi32, #tpu.memory_space<vmem>>
          %dma_wait3A_401 = tpu.memref_squeeze %dma_wait3A_400 : memref<1x16x128xi32, #tpu.memory_space<vmem>> -> memref<16x128xi32, #tpu.memory_space<vmem>>
          %dma_wait3A_402 = arith.constant 0 : i32
          %dma_wait3A_403 = arith.constant 0 : i32
          %dma_wait3A_404 = tpu.memref_slice %arg3[%dma_wait3A_394, %dma_wait3A_395, %dma_wait3A_396, %dma_wait3A_402, %dma_wait3A_403] : memref<2x2x16x80x128xi32, #tpu.memory_space<hbm>> -> memref<1x1x1x16x128xi32, #tpu.memory_space<hbm>>
          %dma_wait3A_405 = tpu.memref_squeeze %dma_wait3A_404 : memref<1x1x1x16x128xi32, #tpu.memory_space<hbm>> -> memref<16x128xi32, #tpu.memory_space<hbm>>
          %dma_wait3A_406 = arith.constant 0 : i32
          %dma_wait3A_407 = arith.constant 0 : i32
          %dma_wait3A_408 = tpu.memref_slice %arg7[%dma_wait3A_397, %dma_wait3A_406, %dma_wait3A_407] : memref<3x16x128xi32, #tpu.memory_space<vmem>> -> memref<1x16x128xi32, #tpu.memory_space<vmem>>
          %dma_wait3A_409 = tpu.memref_squeeze %dma_wait3A_408 : memref<1x16x128xi32, #tpu.memory_space<vmem>> -> memref<16x128xi32, #tpu.memory_space<vmem>>
          %dma_wait3A_410 = arith.constant 0 : i32
          %dma_wait3A_411 = arith.constant 0 : i32
          %dma_wait3A_412 = tpu.memref_slice %arg3[%dma_wait3A_394, %dma_wait3A_395, %dma_wait3A_396, %dma_wait3A_410, %dma_wait3A_411] : memref<2x2x16x80x128xi32, #tpu.memory_space<hbm>> -> memref<1x1x1x16x128xi32, #tpu.memory_space<hbm>>
          %dma_wait3A_413 = tpu.memref_squeeze %dma_wait3A_412 : memref<1x1x1x16x128xi32, #tpu.memory_space<hbm>> -> memref<16x128xi32, #tpu.memory_space<hbm>>
          tpu.wait_dma2 semaphore(%arg15 : memref<!tpu.dma_semaphore, #tpu.memory_space<semaphore_mem>>) src(%dma_wait3A_413 : memref<16x128xi32, #tpu.memory_space<hbm>>) dst(%dma_wait3A_409 : memref<16x128xi32, #tpu.memory_space<vmem>>)
          %jit3A_414 = arith.constant 16 : i32
          %div3A_415 = arith.divsi %add3A_83, %jit3A_414 : i32
          %sign3A_416 = arith.constant 0 : i32
          %sign3A_417 = arith.cmpi sgt, %add3A_83, %sign3A_416 : i32
          %sign3A_418 = arith.extui %sign3A_417 : i1 to i32
          %sign3A_419 = arith.constant 0 : i32
          %sign3A_420 = arith.cmpi slt, %add3A_83, %sign3A_419 : i32
          %sign3A_421 = arith.extui %sign3A_420 : i1 to i32
          %sign3A_422 = arith.subi %sign3A_418, %sign3A_421 : i32
          %sign3A_423 = arith.constant 0 : i32
          %sign3A_424 = arith.cmpi sgt, %jit3A_414, %sign3A_423 : i32
          %sign3A_425 = arith.extui %sign3A_424 : i1 to i32
          %sign3A_426 = arith.constant 0 : i32
          %sign3A_427 = arith.cmpi slt, %jit3A_414, %sign3A_426 : i32
          %sign3A_428 = arith.extui %sign3A_427 : i1 to i32
          %sign3A_429 = arith.subi %sign3A_425, %sign3A_428 : i32
          %ne3A_430 = arith.cmpi ne, %sign3A_422, %sign3A_429 : i32
          %rem3A_431 = arith.remsi %add3A_83, %jit3A_414 : i32
          %ne3A_432 = arith.constant 0 : i32
          %ne3A_433 = arith.cmpi ne, %rem3A_431, %ne3A_432 : i32
          %and3A_434 = arith.andi %ne3A_430, %ne3A_433 : i1
          %sub3A_435 = arith.constant 1 : i32
          %sub3A_436 = arith.subi %div3A_415, %sub3A_435 : i32
          %select_n3A_437 = arith.select %and3A_434, %sub3A_436, %div3A_415 : i32
          %add3A_438 = arith.constant 1 : i32
          %add3A_439 = arith.addi %select_n3A_437, %add3A_438 : i32
          %lt3A_440 = arith.constant 5 : i32
          %lt3A_441 = arith.cmpi slt, %add3A_439, %lt3A_440 : i32
          %convert_element_type3A_442 = arith.extui %lt3A_441 : i1 to i32
          %cond3A_443 = arith.constant 0 : i32
          %cond3A_444 = arith.cmpi ne, %convert_element_type3A_442, %cond3A_443 : i32
          scf.if %cond3A_444 {
            %mul3A_445 = arith.constant 16 : i32
            %mul3A_446 = arith.muli %add3A_439, %mul3A_445 : i32
            %jit3A_447 = arith.constant 3 : i32
            %eq3A_448 = arith.constant 0 : i32
            %eq3A_449 = arith.cmpi eq, %jit3A_447, %eq3A_448 : i32
            %jit3A_450 = arith.constant 1 : i32
            %select_n3A_451 = arith.select %eq3A_449, %jit3A_450, %jit3A_447 : i32
            %rem3A_452 = arith.remsi %add3A_439, %select_n3A_451 : i32
            %ne3A_453 = arith.constant 0 : i32
            %ne3A_454 = arith.cmpi ne, %rem3A_452, %ne3A_453 : i32
            %lt3A_455 = arith.constant 0 : i32
            %lt3A_456 = arith.cmpi slt, %rem3A_452, %lt3A_455 : i32
            %lt3A_457 = arith.constant 0 : i32
            %lt3A_458 = arith.cmpi slt, %select_n3A_451, %lt3A_457 : i32
            %ne3A_459 = arith.xori %lt3A_456, %lt3A_458 : i1
            %and3A_460 = arith.andi %ne3A_459, %ne3A_454 : i1
            %add3A_461 = arith.addi %rem3A_452, %select_n3A_451 : i32
            %select_n3A_462 = arith.select %and3A_460, %add3A_461, %rem3A_452 : i32
            %dma_start3A_463 = arith.constant 0 : i32
            %dma_start3A_464 = arith.constant 0 : i32
            %dma_start3A_465 = arith.constant 0 : i32
            %dma_start3A_466 = tpu.memref_slice %arg6[%select_n3A_462, %dma_start3A_464, %dma_start3A_465] : memref<3x16x128xi32, #tpu.memory_space<vmem>> -> memref<1x16x128xi32, #tpu.memory_space<vmem>>
            %dma_start3A_467 = tpu.memref_squeeze %dma_start3A_466 : memref<1x16x128xi32, #tpu.memory_space<vmem>> -> memref<16x128xi32, #tpu.memory_space<vmem>>
            %dma_start3A_468 = arith.constant 0 : i32
            %dma_start3A_469 = tpu.memref_slice %arg3[%dma_start3A_463, %arg0, %arg1, %mul3A_446, %dma_start3A_468] : memref<2x2x16x80x128xi32, #tpu.memory_space<hbm>> -> memref<1x1x1x16x128xi32, #tpu.memory_space<hbm>>
            %dma_start3A_470 = tpu.memref_squeeze %dma_start3A_469 : memref<1x1x1x16x128xi32, #tpu.memory_space<hbm>> -> memref<16x128xi32, #tpu.memory_space<hbm>>
            %dma_start3A_471 = arith.constant 0 : i32
            %dma_start3A_472 = arith.constant 0 : i32
            %dma_start3A_473 = tpu.memref_slice %arg6[%select_n3A_462, %dma_start3A_471, %dma_start3A_472] : memref<3x16x128xi32, #tpu.memory_space<vmem>> -> memref<1x16x128xi32, #tpu.memory_space<vmem>>
            %dma_start3A_474 = tpu.memref_squeeze %dma_start3A_473 : memref<1x16x128xi32, #tpu.memory_space<vmem>> -> memref<16x128xi32, #tpu.memory_space<vmem>>
            %dma_start3A_475 = arith.constant 0 : i32
            %dma_start3A_476 = tpu.memref_slice %arg3[%dma_start3A_463, %arg0, %arg1, %mul3A_446, %dma_start3A_475] : memref<2x2x16x80x128xi32, #tpu.memory_space<hbm>> -> memref<1x1x1x16x128xi32, #tpu.memory_space<hbm>>
            %dma_start3A_477 = tpu.memref_squeeze %dma_start3A_476 : memref<1x1x1x16x128xi32, #tpu.memory_space<hbm>> -> memref<16x128xi32, #tpu.memory_space<hbm>>
            tpu.enqueue_dma source(%dma_start3A_477 : memref<16x128xi32, #tpu.memory_space<hbm>>) target(%dma_start3A_474 : memref<16x128xi32, #tpu.memory_space<vmem>>) target_semaphore(%arg15 : memref<!tpu.dma_semaphore, #tpu.memory_space<semaphore_mem>>)
            %mul3A_478 = arith.constant 16 : i32
            %mul3A_479 = arith.muli %add3A_439, %mul3A_478 : i32
            %jit3A_480 = arith.constant 3 : i32
            %eq3A_481 = arith.constant 0 : i32
            %eq3A_482 = arith.cmpi eq, %jit3A_480, %eq3A_481 : i32
            %jit3A_483 = arith.constant 1 : i32
            %select_n3A_484 = arith.select %eq3A_482, %jit3A_483, %jit3A_480 : i32
            %rem3A_485 = arith.remsi %add3A_439, %select_n3A_484 : i32
            %ne3A_486 = arith.constant 0 : i32
            %ne3A_487 = arith.cmpi ne, %rem3A_485, %ne3A_486 : i32
            %lt3A_488 = arith.constant 0 : i32
            %lt3A_489 = arith.cmpi slt, %rem3A_485, %lt3A_488 : i32
            %lt3A_490 = arith.constant 0 : i32
            %lt3A_491 = arith.cmpi slt, %select_n3A_484, %lt3A_490 : i32
            %ne3A_492 = arith.xori %lt3A_489, %lt3A_491 : i1
            %and3A_493 = arith.andi %ne3A_492, %ne3A_487 : i1
            %add3A_494 = arith.addi %rem3A_485, %select_n3A_484 : i32
            %select_n3A_495 = arith.select %and3A_493, %add3A_494, %rem3A_485 : i32
            %dma_start3A_496 = arith.constant 1 : i32
            %dma_start3A_497 = arith.constant 0 : i32
            %dma_start3A_498 = arith.constant 0 : i32
            %dma_start3A_499 = tpu.memref_slice %arg7[%select_n3A_495, %dma_start3A_497, %dma_start3A_498] : memref<3x16x128xi32, #tpu.memory_space<vmem>> -> memref<1x16x128xi32, #tpu.memory_space<vmem>>
            %dma_start3A_500 = tpu.memref_squeeze %dma_start3A_499 : memref<1x16x128xi32, #tpu.memory_space<vmem>> -> memref<16x128xi32, #tpu.memory_space<vmem>>
            %dma_start3A_501 = arith.constant 0 : i32
            %dma_start3A_502 = tpu.memref_slice %arg3[%dma_start3A_496, %arg0, %arg1, %mul3A_479, %dma_start3A_501] : memref<2x2x16x80x128xi32, #tpu.memory_space<hbm>> -> memref<1x1x1x16x128xi32, #tpu.memory_space<hbm>>
            %dma_start3A_503 = tpu.memref_squeeze %dma_start3A_502 : memref<1x1x1x16x128xi32, #tpu.memory_space<hbm>> -> memref<16x128xi32, #tpu.memory_space<hbm>>
            %dma_start3A_504 = arith.constant 0 : i32
            %dma_start3A_505 = arith.constant 0 : i32
            %dma_start3A_506 = tpu.memref_slice %arg7[%select_n3A_495, %dma_start3A_504, %dma_start3A_505] : memref<3x16x128xi32, #tpu.memory_space<vmem>> -> memref<1x16x128xi32, #tpu.memory_space<vmem>>
            %dma_start3A_507 = tpu.memref_squeeze %dma_start3A_506 : memref<1x16x128xi32, #tpu.memory_space<vmem>> -> memref<16x128xi32, #tpu.memory_space<vmem>>
            %dma_start3A_508 = arith.constant 0 : i32
            %dma_start3A_509 = tpu.memref_slice %arg3[%dma_start3A_496, %arg0, %arg1, %mul3A_479, %dma_start3A_508] : memref<2x2x16x80x128xi32, #tpu.memory_space<hbm>> -> memref<1x1x1x16x128xi32, #tpu.memory_space<hbm>>
            %dma_start3A_510 = tpu.memref_squeeze %dma_start3A_509 : memref<1x1x1x16x128xi32, #tpu.memory_space<hbm>> -> memref<16x128xi32, #tpu.memory_space<hbm>>
            tpu.enqueue_dma source(%dma_start3A_510 : memref<16x128xi32, #tpu.memory_space<hbm>>) target(%dma_start3A_507 : memref<16x128xi32, #tpu.memory_space<vmem>>) target_semaphore(%arg15 : memref<!tpu.dma_semaphore, #tpu.memory_space<semaphore_mem>>)
          } else {
          }
        } else {
        }
        %jit3A_312 = arith.constant 16 : i32
        %div3A_313 = arith.divsi %add3A_83, %jit3A_312 : i32
        %sign3A_314 = arith.constant 0 : i32
        %sign3A_315 = arith.cmpi sgt, %add3A_83, %sign3A_314 : i32
        %sign3A_316 = arith.extui %sign3A_315 : i1 to i32
        %sign3A_317 = arith.constant 0 : i32
        %sign3A_318 = arith.cmpi slt, %add3A_83, %sign3A_317 : i32
        %sign3A_319 = arith.extui %sign3A_318 : i1 to i32
        %sign3A_320 = arith.subi %sign3A_316, %sign3A_319 : i32
        %sign3A_321 = arith.constant 0 : i32
        %sign3A_322 = arith.cmpi sgt, %jit3A_312, %sign3A_321 : i32
        %sign3A_323 = arith.extui %sign3A_322 : i1 to i32
        %sign3A_324 = arith.constant 0 : i32
        %sign3A_325 = arith.cmpi slt, %jit3A_312, %sign3A_324 : i32
        %sign3A_326 = arith.extui %sign3A_325 : i1 to i32
        %sign3A_327 = arith.subi %sign3A_323, %sign3A_326 : i32
        %ne3A_328 = arith.cmpi ne, %sign3A_320, %sign3A_327 : i32
        %rem3A_329 = arith.remsi %add3A_83, %jit3A_312 : i32
        %ne3A_330 = arith.constant 0 : i32
        %ne3A_331 = arith.cmpi ne, %rem3A_329, %ne3A_330 : i32
        %and3A_332 = arith.andi %ne3A_328, %ne3A_331 : i1
        %sub3A_333 = arith.constant 1 : i32
        %sub3A_334 = arith.subi %div3A_313, %sub3A_333 : i32
        %select_n3A_335 = arith.select %and3A_332, %sub3A_334, %div3A_313 : i32
        %jit3A_336 = arith.constant 3 : i32
        %eq3A_337 = arith.constant 0 : i32
        %eq3A_338 = arith.cmpi eq, %jit3A_336, %eq3A_337 : i32
        %jit3A_339 = arith.constant 1 : i32
        %select_n3A_340 = arith.select %eq3A_338, %jit3A_339, %jit3A_336 : i32
        %rem3A_341 = arith.remsi %select_n3A_335, %select_n3A_340 : i32
        %ne3A_342 = arith.constant 0 : i32
        %ne3A_343 = arith.cmpi ne, %rem3A_341, %ne3A_342 : i32
        %lt3A_344 = arith.constant 0 : i32
        %lt3A_345 = arith.cmpi slt, %rem3A_341, %lt3A_344 : i32
        %lt3A_346 = arith.constant 0 : i32
        %lt3A_347 = arith.cmpi slt, %select_n3A_340, %lt3A_346 : i32
        %ne3A_348 = arith.xori %lt3A_345, %lt3A_347 : i1
        %and3A_349 = arith.andi %ne3A_348, %ne3A_343 : i1
        %add3A_350 = arith.addi %rem3A_341, %select_n3A_340 : i32
        %select_n3A_351 = arith.select %and3A_349, %add3A_350, %rem3A_341 : i32
        %jit3A_352 = arith.constant 16 : i32
        %eq3A_353 = arith.constant 0 : i32
        %eq3A_354 = arith.cmpi eq, %jit3A_352, %eq3A_353 : i32
        %jit3A_355 = arith.constant 1 : i32
        %select_n3A_356 = arith.select %eq3A_354, %jit3A_355, %jit3A_352 : i32
        %rem3A_357 = arith.remsi %add3A_83, %select_n3A_356 : i32
        %ne3A_358 = arith.constant 0 : i32
        %ne3A_359 = arith.cmpi ne, %rem3A_357, %ne3A_358 : i32
        %lt3A_360 = arith.constant 0 : i32
        %lt3A_361 = arith.cmpi slt, %rem3A_357, %lt3A_360 : i32
        %lt3A_362 = arith.constant 0 : i32
        %lt3A_363 = arith.cmpi slt, %select_n3A_356, %lt3A_362 : i32
        %ne3A_364 = arith.xori %lt3A_361, %lt3A_363 : i1
        %and3A_365 = arith.andi %ne3A_364, %ne3A_359 : i1
        %add3A_366 = arith.addi %rem3A_357, %select_n3A_356 : i32
        %select_n3A_367 = arith.select %and3A_365, %add3A_366, %rem3A_357 : i32
        %dma_start3A_368 = arith.constant 0 : i32
        %dma_start3A_369 = tpu.memref_slice %arg6[%select_n3A_351, %select_n3A_367, %dma_start3A_368] : memref<3x16x128xi32, #tpu.memory_space<vmem>> -> memref<1x1x128xi32, #tpu.memory_space<vmem>>
        %dma_start3A_370 = tpu.memref_squeeze %dma_start3A_369 : memref<1x1x128xi32, #tpu.memory_space<vmem>> -> memref<128xi32, #tpu.memory_space<vmem>>
        %dma_start3A_371 = arith.constant 0 : i32
        %dma_start3A_372 = arith.constant 0 : i32
        %dma_start3A_373 = tpu.memref_slice %arg2[%dma_start3A_371, %dma_start3A_372] : memref<10240x128xf32, #tpu.memory_space<hbm>> -> memref<10240x128xf32, #tpu.memory_space<hbm>>
        tpu.enqueue_indirect_dma source(%dma_start3A_373 : memref<10240x128xf32, #tpu.memory_space<hbm>>) target(%arg8 : memref<128x128xf32, #tpu.memory_space<vmem>>) offsets(%dma_start3A_370 : memref<128xi32, #tpu.memory_space<vmem>>) semaphore(%arg11 : memref<!tpu.dma_semaphore, #tpu.memory_space<semaphore_mem>>)
      } else {
      }
      %dma_wait3A_226 = arith.constant 0 : i32
      %dma_wait3A_227 = arith.constant 0 : i32
      %dma_wait3A_228 = tpu.memref_slice %arg2[%dma_wait3A_226, %dma_wait3A_227] : memref<10240x128xf32, #tpu.memory_space<hbm>> -> memref<128x128xf32, #tpu.memory_space<hbm>>
      %dma_wait3A_229 = arith.constant 0 : i32
      %dma_wait3A_230 = arith.constant 0 : i32
      %dma_wait3A_231 = tpu.memref_slice %arg2[%dma_wait3A_229, %dma_wait3A_230] : memref<10240x128xf32, #tpu.memory_space<hbm>> -> memref<128x128xf32, #tpu.memory_space<hbm>>
      tpu.wait_dma2 semaphore(%arg12 : memref<!tpu.dma_semaphore, #tpu.memory_space<semaphore_mem>>) src(%dma_wait3A_231 : memref<128x128xf32, #tpu.memory_space<hbm>>) dst(%arg9 : memref<128x128xf32, #tpu.memory_space<vmem>>)
      %jit3A_232 = arith.constant 16 : i32
      %div3A_233 = arith.divsi %add3A_81, %jit3A_232 : i32
      %sign3A_234 = arith.constant 0 : i32
      %sign3A_235 = arith.cmpi sgt, %add3A_81, %sign3A_234 : i32
      %sign3A_236 = arith.extui %sign3A_235 : i1 to i32
      %sign3A_237 = arith.constant 0 : i32
      %sign3A_238 = arith.cmpi slt, %add3A_81, %sign3A_237 : i32
      %sign3A_239 = arith.extui %sign3A_238 : i1 to i32
      %sign3A_240 = arith.subi %sign3A_236, %sign3A_239 : i32
      %sign3A_241 = arith.constant 0 : i32
      %sign3A_242 = arith.cmpi sgt, %jit3A_232, %sign3A_241 : i32
      %sign3A_243 = arith.extui %sign3A_242 : i1 to i32
      %sign3A_244 = arith.constant 0 : i32
      %sign3A_245 = arith.cmpi slt, %jit3A_232, %sign3A_244 : i32
      %sign3A_246 = arith.extui %sign3A_245 : i1 to i32
      %sign3A_247 = arith.subi %sign3A_243, %sign3A_246 : i32
      %ne3A_248 = arith.cmpi ne, %sign3A_240, %sign3A_247 : i32
      %rem3A_249 = arith.remsi %add3A_81, %jit3A_232 : i32
      %ne3A_250 = arith.constant 0 : i32
      %ne3A_251 = arith.cmpi ne, %rem3A_249, %ne3A_250 : i32
      %and3A_252 = arith.andi %ne3A_248, %ne3A_251 : i1
      %sub3A_253 = arith.constant 1 : i32
      %sub3A_254 = arith.subi %div3A_233, %sub3A_253 : i32
      %select_n3A_255 = arith.select %and3A_252, %sub3A_254, %div3A_233 : i32
      %jit3A_256 = arith.constant 3 : i32
      %eq3A_257 = arith.constant 0 : i32
      %eq3A_258 = arith.cmpi eq, %jit3A_256, %eq3A_257 : i32
      %jit3A_259 = arith.constant 1 : i32
      %select_n3A_260 = arith.select %eq3A_258, %jit3A_259, %jit3A_256 : i32
      %rem3A_261 = arith.remsi %select_n3A_255, %select_n3A_260 : i32
      %ne3A_262 = arith.constant 0 : i32
      %ne3A_263 = arith.cmpi ne, %rem3A_261, %ne3A_262 : i32
      %lt3A_264 = arith.constant 0 : i32
      %lt3A_265 = arith.cmpi slt, %rem3A_261, %lt3A_264 : i32
      %lt3A_266 = arith.constant 0 : i32
      %lt3A_267 = arith.cmpi slt, %select_n3A_260, %lt3A_266 : i32
      %ne3A_268 = arith.xori %lt3A_265, %lt3A_267 : i1
      %and3A_269 = arith.andi %ne3A_268, %ne3A_263 : i1
      %add3A_270 = arith.addi %rem3A_261, %select_n3A_260 : i32
      %select_n3A_271 = arith.select %and3A_269, %add3A_270, %rem3A_261 : i32
      %jit3A_272 = arith.constant 16 : i32
      %eq3A_273 = arith.constant 0 : i32
      %eq3A_274 = arith.cmpi eq, %jit3A_272, %eq3A_273 : i32
      %jit3A_275 = arith.constant 1 : i32
      %select_n3A_276 = arith.select %eq3A_274, %jit3A_275, %jit3A_272 : i32
      %rem3A_277 = arith.remsi %add3A_81, %select_n3A_276 : i32
      %ne3A_278 = arith.constant 0 : i32
      %ne3A_279 = arith.cmpi ne, %rem3A_277, %ne3A_278 : i32
      %lt3A_280 = arith.constant 0 : i32
      %lt3A_281 = arith.cmpi slt, %rem3A_277, %lt3A_280 : i32
      %lt3A_282 = arith.constant 0 : i32
      %lt3A_283 = arith.cmpi slt, %select_n3A_276, %lt3A_282 : i32
      %ne3A_284 = arith.xori %lt3A_281, %lt3A_283 : i1
      %and3A_285 = arith.andi %ne3A_284, %ne3A_279 : i1
      %add3A_286 = arith.addi %rem3A_277, %select_n3A_276 : i32
      %select_n3A_287 = arith.select %and3A_285, %add3A_286, %rem3A_277 : i32
      "tpu.region"() ({
        %run_scoped3A_288 = tpu.sem_alloc : memref<!tpu.dma_semaphore, #tpu.memory_space<semaphore_mem>>
        %dma_start3A_289 = arith.constant 0 : i32
        %dma_start3A_290 = tpu.memref_slice %arg7[%select_n3A_271, %select_n3A_287, %dma_start3A_289] : memref<3x16x128xi32, #tpu.memory_space<vmem>> -> memref<1x1x128xi32, #tpu.memory_space<vmem>>
        %dma_start3A_291 = tpu.memref_squeeze %dma_start3A_290 : memref<1x1x128xi32, #tpu.memory_space<vmem>> -> memref<128xi32, #tpu.memory_space<vmem>>
        %dma_start3A_292 = arith.constant 0 : i32
        %dma_start3A_293 = arith.constant 0 : i32
        %dma_start3A_294 = tpu.memref_slice %arg10[%dma_start3A_292, %dma_start3A_293] : memref<10240x128xf32, #tpu.memory_space<vmem_shared>> -> memref<10240x128xf32, #tpu.memory_space<vmem_shared>>
        tpu.enqueue_indirect_dma source(%arg9 : memref<128x128xf32, #tpu.memory_space<vmem>>) target(%dma_start3A_294 : memref<10240x128xf32, #tpu.memory_space<vmem_shared>>) offsets(%dma_start3A_291 : memref<128xi32, #tpu.memory_space<vmem>>) semaphore(%run_scoped3A_288 : memref<!tpu.dma_semaphore, #tpu.memory_space<semaphore_mem>>) {add = true}
        %dma_wait3A_295 = arith.constant 0 : i32
        %dma_wait3A_296 = tpu.memref_slice %arg7[%select_n3A_271, %select_n3A_287, %dma_wait3A_295] : memref<3x16x128xi32, #tpu.memory_space<vmem>> -> memref<1x1x128xi32, #tpu.memory_space<vmem>>
        %dma_wait3A_297 = tpu.memref_squeeze %dma_wait3A_296 : memref<1x1x128xi32, #tpu.memory_space<vmem>> -> memref<128xi32, #tpu.memory_space<vmem>>
        %dma_wait3A_298 = arith.constant 0 : i32
        %dma_wait3A_299 = arith.constant 0 : i32
        %dma_wait3A_300 = tpu.memref_slice %arg10[%dma_wait3A_298, %dma_wait3A_299] : memref<10240x128xf32, #tpu.memory_space<vmem_shared>> -> memref<10240x128xf32, #tpu.memory_space<vmem_shared>>
        tpu.wait_indirect_dma semaphore(%run_scoped3A_288 : memref<!tpu.dma_semaphore, #tpu.memory_space<semaphore_mem>>) src(%arg9 : memref<128x128xf32, #tpu.memory_space<vmem>>) dst(%dma_wait3A_300 : memref<10240x128xf32, #tpu.memory_space<vmem_shared>>)
        tpu.yield
      }) : () -> ()
    }
    %scan3A_71 = arith.constant 40 : i32
    %barrier3A_72 = arith.constant 0 : index
    tpu.barrier barrier_id(%barrier3A_72)
    %mul3A_73 = arith.constant 640 : i32
    %mul3A_74 = arith.muli %arg1, %mul3A_73 : i32
    %mul3A_75 = arith.constant 640 : i32
    %mul3A_76 = arith.muli %arg1, %mul3A_75 : i32
    "tpu.region"() ({
      %run_scoped3A_77 = tpu.sem_alloc : memref<!tpu.dma_semaphore, #tpu.memory_space<semaphore_mem>>
      %dma_start3A_78 = arith.constant 0 : i32
      %dma_start3A_79 = tpu.memref_slice %arg5[%arg0, %mul3A_76, %dma_start3A_78] : memref<2x10240x128xf32, #tpu.memory_space<hbm>> -> memref<1x640x128xf32, #tpu.memory_space<hbm>>
      %dma_start3A_80 = tpu.memref_squeeze %dma_start3A_79 : memref<1x640x128xf32, #tpu.memory_space<hbm>> -> memref<640x128xf32, #tpu.memory_space<hbm>>
      %dma_start3A_81 = arith.constant 0 : i32
      %dma_start3A_82 = tpu.memref_slice %arg10[%mul3A_74, %dma_start3A_81] : memref<10240x128xf32, #tpu.memory_space<vmem_shared>> -> memref<640x128xf32, #tpu.memory_space<vmem_shared>>
      tpu.enqueue_dma source(%dma_start3A_82 : memref<640x128xf32, #tpu.memory_space<vmem_shared>>) target(%dma_start3A_80 : memref<640x128xf32, #tpu.memory_space<hbm>>) target_semaphore(%run_scoped3A_77 : memref<!tpu.dma_semaphore, #tpu.memory_space<semaphore_mem>>)
      %dma_wait3A = arith.constant 0 : i32
      %dma_wait3A_83 = tpu.memref_slice %arg5[%arg0, %mul3A_76, %dma_wait3A] : memref<2x10240x128xf32, #tpu.memory_space<hbm>> -> memref<1x640x128xf32, #tpu.memory_space<hbm>>
      %dma_wait3A_84 = tpu.memref_squeeze %dma_wait3A_83 : memref<1x640x128xf32, #tpu.memory_space<hbm>> -> memref<640x128xf32, #tpu.memory_space<hbm>>
      %dma_wait3A_85 = arith.constant 0 : i32
      %dma_wait3A_86 = tpu.memref_slice %arg10[%mul3A_74, %dma_wait3A_85] : memref<10240x128xf32, #tpu.memory_space<vmem_shared>> -> memref<640x128xf32, #tpu.memory_space<vmem_shared>>
      tpu.wait_dma2 semaphore(%run_scoped3A_77 : memref<!tpu.dma_semaphore, #tpu.memory_space<semaphore_mem>>) src(%dma_wait3A_86 : memref<640x128xf32, #tpu.memory_space<vmem_shared>>) dst(%dma_wait3A_84 : memref<640x128xf32, #tpu.memory_space<hbm>>)
      tpu.yield
    }) : () -> ()
    return
  }
}

module attributes {stable_mosaic.version = 14 : i64} {
  func.func @body(%arg0: i32, %arg1: memref<2048x128xf32, #tpu.memory_space<vmem>>, %arg2: memref<128x128xf32, #tpu.memory_space<vmem>>, %arg3: memref<2048x128xf32, #tpu.memory_space<vmem>>) attributes {dimension_semantics = [#tpu.dimension_semantics<arbitrary>], iteration_bounds = array<i64: 5>, scalar_prefetch = 0 : i64, scratch_operands = 0 : i64, tpu.core_type = #tpu.core_type<tc>, window_params = [{transform_indices = @transform_0, window_bounds = array<i64: 2048, 128>}, {pipeline_mode = #tpu.pipeline_mode<synchronous>, transform_indices = @transform_1, window_bounds = array<i64: 128, 128>}, {transform_indices = @transform_2, window_bounds = array<i64: 2048, 128>}]} {
    %get3A = arith.constant 0 : index
    %get3A_0 = arith.constant 0 : index
    %get3A_1 = vector.load %arg1[%get3A, %get3A_0] : memref<2048x128xf32, #tpu.memory_space<vmem>>, vector<2048x128xf32>
    %get3A_2 = arith.constant 0 : index
    %get3A_3 = arith.constant 0 : index
    %get3A_4 = vector.load %arg2[%get3A_2, %get3A_3] : memref<128x128xf32, #tpu.memory_space<vmem>>, vector<128x128xf32>
    %dot_general3A = arith.constant dense<0.000000e+00> : vector<2048x128xf32>
    %dot_general3A_5 = tpu.matmul %get3A_1, %get3A_4, %dot_general3A {dimension_numbers = #tpu.dot_dimension_numbers<[1], [0], [0], [1], [0, 0, 1, 1], [], []>, transpose_lhs_hint = false} : vector<2048x128xf32>, vector<128x128xf32>, vector<2048x128xf32> -> vector<2048x128xf32>
    %swap3A = arith.constant 0 : index
    %swap3A_6 = arith.constant 0 : index
    %swap3A_7 = vector.load %arg3[%swap3A, %swap3A_6] : memref<2048x128xf32, #tpu.memory_space<vmem>>, vector<2048x128xf32>
    tpu.vector_store %arg3[%swap3A, %swap3A_6], %dot_general3A_5 {strides = array<i32>} : memref<2048x128xf32, #tpu.memory_space<vmem>>, vector<2048x128xf32>,
    return
  }
  func.func @transform_0(%arg0: i32) -> (i32, i32) {
    %c0_i32 = arith.constant 0 : i32
    %c0_i32_0 = arith.constant 0 : i32
    return %arg0, %c0_i32 : i32, i32
  }
  func.func @transform_1(%arg0: i32) -> (i32, i32) {
    %c0_i32 = arith.constant 0 : i32
    %c0_i32_0 = arith.constant 0 : i32
    %c0_i32_1 = arith.constant 0 : i32
    return %c0_i32, %c0_i32_0 : i32, i32
  }
  func.func @transform_2(%arg0: i32) -> (i32, i32) {
    %c0_i32 = arith.constant 0 : i32
    %c0_i32_0 = arith.constant 0 : i32
    return %arg0, %c0_i32 : i32, i32
  }
}

module attributes {stable_mosaic.version = 14 : i64} {
  func.func @body(%arg0: i32, %arg1: memref<2x2048x128xf32, #tpu.memory_space<vmem>>, %arg2: memref<2048x128xf32, #tpu.memory_space<vmem>>, %arg3: memref<2048x1xf32, #tpu.memory_space<vmem>>, %arg4: memref<2048x128xf32, #tpu.memory_space<vmem>>) attributes {dimension_semantics = [#tpu.dimension_semantics<arbitrary>], iteration_bounds = array<i64: 5>, scalar_prefetch = 0 : i64, scratch_operands = 0 : i64, tpu.core_type = #tpu.core_type<tc>, window_params = [{transform_indices = @transform_0, window_bounds = array<i64: 2, 2048, 128>}, {transform_indices = @transform_1, window_bounds = array<i64: 2048, 128>}, {transform_indices = @transform_2, window_bounds = array<i64: 2048, 1>}, {transform_indices = @transform_3, window_bounds = array<i64: 2048, 128>}]} {
    %get3A = arith.constant 0 : index
    %get3A_0 = arith.constant 0 : index
    %get3A_1 = arith.constant 0 : index
    %get3A_2 = vector.load %arg1[%get3A, %get3A_0, %get3A_1] : memref<2x2048x128xf32, #tpu.memory_space<vmem>>, vector<1x2048x1xf32>
    %get3A_3 = vector.shape_cast %get3A_2 : vector<1x2048x1xf32> to vector<2048x1xf32>
    %get3A_4 = arith.constant 1 : index
    %get3A_5 = arith.constant 0 : index
    %get3A_6 = arith.constant 0 : index
    %get3A_7 = vector.load %arg1[%get3A_4, %get3A_5, %get3A_6] : memref<2x2048x128xf32, #tpu.memory_space<vmem>>, vector<1x2048x1xf32>
    %get3A_8 = vector.shape_cast %get3A_7 : vector<1x2048x1xf32> to vector<2048x1xf32>
    %add3A = arith.addf %get3A_3, %get3A_8 : vector<2048x1xf32>
    %add3A_9 = arith.constant 1.000000e+00 : f32
    %add3A_10 = vector.broadcast %add3A_9 : f32 to vector<2048x1xf32>
    %add3A_11 = arith.addf %add3A, %add3A_10 : vector<2048x1xf32>
    %rsqrt3A = math.rsqrt %add3A_11 : vector<2048x1xf32>
    %swap3A = arith.constant 0 : index
    %swap3A_12 = arith.constant 0 : index
    %swap3A_13 = vector.load %arg3[%swap3A, %swap3A_12] : memref<2048x1xf32, #tpu.memory_space<vmem>>, vector<2048x1xf32>
    tpu.vector_store %arg3[%swap3A, %swap3A_12], %rsqrt3A {strides = array<i32>} : memref<2048x1xf32, #tpu.memory_space<vmem>>, vector<2048x1xf32>,
    %get3A_14 = arith.constant 0 : index
    %get3A_15 = arith.constant 0 : index
    %get3A_16 = vector.load %arg2[%get3A_14, %get3A_15] : memref<2048x128xf32, #tpu.memory_space<vmem>>, vector<2048x128xf32>
    %mul3A = vector.broadcast %rsqrt3A : vector<2048x1xf32> to vector<2048x128xf32>
    %mul3A_17 = arith.mulf %mul3A, %get3A_16 : vector<2048x128xf32>
    %swap3A_18 = arith.constant 0 : index
    %swap3A_19 = arith.constant 0 : index
    %swap3A_20 = vector.load %arg4[%swap3A_18, %swap3A_19] : memref<2048x128xf32, #tpu.memory_space<vmem>>, vector<2048x128xf32>
    tpu.vector_store %arg4[%swap3A_18, %swap3A_19], %mul3A_17 {strides = array<i32>} : memref<2048x128xf32, #tpu.memory_space<vmem>>, vector<2048x128xf32>,
    return
  }
  func.func @transform_0(%arg0: i32) -> (i32, i32, i32) {
    %c0_i32 = arith.constant 0 : i32
    %c0_i32_0 = arith.constant 0 : i32
    %c0_i32_1 = arith.constant 0 : i32
    return %c0_i32, %arg0, %c0_i32_0 : i32, i32, i32
  }
  func.func @transform_1(%arg0: i32) -> (i32, i32) {
    %c0_i32 = arith.constant 0 : i32
    %c0_i32_0 = arith.constant 0 : i32
    return %arg0, %c0_i32 : i32, i32
  }
  func.func @transform_2(%arg0: i32) -> (i32, i32) {
    %c0_i32 = arith.constant 0 : i32
    %c0_i32_0 = arith.constant 0 : i32
    return %arg0, %c0_i32 : i32, i32
  }
  func.func @transform_3(%arg0: i32) -> (i32, i32) {
    %c0_i32 = arith.constant 0 : i32
    %c0_i32_0 = arith.constant 0 : i32
    return %arg0, %c0_i32 : i32, i32
  }
}

module attributes {stable_mosaic.version = 14 : i64} {
  func.func @body(%arg0: i32, %arg1: memref<2x2048x128xf32, #tpu.memory_space<vmem>>, %arg2: memref<2048x128xf32, #tpu.memory_space<vmem>>, %arg3: memref<2048x1xf32, #tpu.memory_space<vmem>>, %arg4: memref<1x128xf32, #tpu.memory_space<vmem>>, %arg5: memref<128x128xf32, #tpu.memory_space<vmem>>, %arg6: memref<2048x128xf32, #tpu.memory_space<vmem>>, %arg7: memref<2048x128xf32, #tpu.memory_space<vmem>>) attributes {dimension_semantics = [#tpu.dimension_semantics<arbitrary>], iteration_bounds = array<i64: 5>, scalar_prefetch = 0 : i64, scratch_operands = 0 : i64, tpu.core_type = #tpu.core_type<tc>, window_params = [{transform_indices = @transform_0, window_bounds = array<i64: 2, 2048, 128>}, {transform_indices = @transform_1, window_bounds = array<i64: 2048, 128>}, {transform_indices = @transform_2, window_bounds = array<i64: 2048, 1>}, {pipeline_mode = #tpu.pipeline_mode<synchronous>, transform_indices = @transform_3, window_bounds = array<i64: 1, 128>}, {pipeline_mode = #tpu.pipeline_mode<synchronous>, transform_indices = @transform_4, window_bounds = array<i64: 128, 128>}, {transform_indices = @transform_5, window_bounds = array<i64: 2048, 128>}, {transform_indices = @transform_6, window_bounds = array<i64: 2048, 128>}]} {
    %get3A = arith.constant 0 : index
    %get3A_0 = arith.constant 0 : index
    %get3A_1 = arith.constant 0 : index
    %get3A_2 = vector.load %arg1[%get3A, %get3A_0, %get3A_1] : memref<2x2048x128xf32, #tpu.memory_space<vmem>>, vector<1x2048x128xf32>
    %get3A_3 = vector.shape_cast %get3A_2 : vector<1x2048x128xf32> to vector<2048x128xf32>
    %get3A_4 = arith.constant 1 : index
    %get3A_5 = arith.constant 0 : index
    %get3A_6 = arith.constant 0 : index
    %get3A_7 = vector.load %arg1[%get3A_4, %get3A_5, %get3A_6] : memref<2x2048x128xf32, #tpu.memory_space<vmem>>, vector<1x2048x128xf32>
    %get3A_8 = vector.shape_cast %get3A_7 : vector<1x2048x128xf32> to vector<2048x128xf32>
    %add3A = arith.addf %get3A_3, %get3A_8 : vector<2048x128xf32>
    %get3A_9 = arith.constant 0 : index
    %get3A_10 = arith.constant 0 : index
    %get3A_11 = vector.load %arg2[%get3A_9, %get3A_10] : memref<2048x128xf32, #tpu.memory_space<vmem>>, vector<2048x128xf32>
    %add3A_12 = arith.addf %add3A, %get3A_11 : vector<2048x128xf32>
    %get3A_13 = arith.constant 0 : index
    %get3A_14 = arith.constant 0 : index
    %get3A_15 = vector.load %arg3[%get3A_13, %get3A_14] : memref<2048x1xf32, #tpu.memory_space<vmem>>, vector<2048x1xf32>
    %mul3A = vector.broadcast %get3A_15 : vector<2048x1xf32> to vector<2048x128xf32>
    %mul3A_16 = arith.mulf %mul3A, %add3A_12 : vector<2048x128xf32>
    %get3A_17 = arith.constant 0 : index
    %get3A_18 = arith.constant 0 : index
    %get3A_19 = vector.load %arg4[%get3A_17, %get3A_18] : memref<1x128xf32, #tpu.memory_space<vmem>>, vector<1x128xf32>
    %add3A_20 = vector.broadcast %get3A_19 : vector<1x128xf32> to vector<2048x128xf32>
    %add3A_21 = arith.addf %mul3A_16, %add3A_20 : vector<2048x128xf32>
    %max3A = arith.constant 0.000000e+00 : f32
    %max3A_22 = vector.broadcast %max3A : f32 to vector<2048x128xf32>
    %max3A_23 = arith.maximumf %add3A_21, %max3A_22 : vector<2048x128xf32>
    %swap3A = arith.constant 0 : index
    %swap3A_24 = arith.constant 0 : index
    %swap3A_25 = vector.load %arg6[%swap3A, %swap3A_24] : memref<2048x128xf32, #tpu.memory_space<vmem>>, vector<2048x128xf32>
    tpu.vector_store %arg6[%swap3A, %swap3A_24], %max3A_23 {strides = array<i32>} : memref<2048x128xf32, #tpu.memory_space<vmem>>, vector<2048x128xf32>,
    %get3A_26 = arith.constant 0 : index
    %get3A_27 = arith.constant 0 : index
    %get3A_28 = vector.load %arg3[%get3A_26, %get3A_27] : memref<2048x1xf32, #tpu.memory_space<vmem>>, vector<2048x1xf32>
    %get3A_29 = arith.constant 0 : index
    %get3A_30 = arith.constant 0 : index
    %get3A_31 = vector.load %arg5[%get3A_29, %get3A_30] : memref<128x128xf32, #tpu.memory_space<vmem>>, vector<128x128xf32>
    %dot_general3A = arith.constant dense<0.000000e+00> : vector<2048x128xf32>
    %dot_general3A_32 = tpu.matmul %max3A_23, %get3A_31, %dot_general3A {dimension_numbers = #tpu.dot_dimension_numbers<[1], [0], [0], [1], [0, 0, 1, 1], [], []>, transpose_lhs_hint = false} : vector<2048x128xf32>, vector<128x128xf32>, vector<2048x128xf32> -> vector<2048x128xf32>
    %mul3A_33 = vector.broadcast %get3A_28 : vector<2048x1xf32> to vector<2048x128xf32>
    %mul3A_34 = arith.mulf %mul3A_33, %dot_general3A_32 : vector<2048x128xf32>
    %swap3A_35 = arith.constant 0 : index
    %swap3A_36 = arith.constant 0 : index
    %swap3A_37 = vector.load %arg7[%swap3A_35, %swap3A_36] : memref<2048x128xf32, #tpu.memory_space<vmem>>, vector<2048x128xf32>
    tpu.vector_store %arg7[%swap3A_35, %swap3A_36], %mul3A_34 {strides = array<i32>} : memref<2048x128xf32, #tpu.memory_space<vmem>>, vector<2048x128xf32>,
    return
  }
  func.func @transform_0(%arg0: i32) -> (i32, i32, i32) {
    %c0_i32 = arith.constant 0 : i32
    %c0_i32_0 = arith.constant 0 : i32
    %c0_i32_1 = arith.constant 0 : i32
    return %c0_i32, %arg0, %c0_i32_0 : i32, i32, i32
  }
  func.func @transform_1(%arg0: i32) -> (i32, i32) {
    %c0_i32 = arith.constant 0 : i32
    %c0_i32_0 = arith.constant 0 : i32
    return %arg0, %c0_i32 : i32, i32
  }
  func.func @transform_2(%arg0: i32) -> (i32, i32) {
    %c0_i32 = arith.constant 0 : i32
    %c0_i32_0 = arith.constant 0 : i32
    return %arg0, %c0_i32 : i32, i32
  }
  func.func @transform_3(%arg0: i32) -> (i32, i32) {
    %c0_i32 = arith.constant 0 : i32
    %c0_i32_0 = arith.constant 0 : i32
    %c0_i32_1 = arith.constant 0 : i32
    return %c0_i32, %c0_i32_0 : i32, i32
  }
  func.func @transform_4(%arg0: i32) -> (i32, i32) {
    %c0_i32 = arith.constant 0 : i32
    %c0_i32_0 = arith.constant 0 : i32
    %c0_i32_1 = arith.constant 0 : i32
    return %c0_i32, %c0_i32_0 : i32, i32
  }
  func.func @transform_5(%arg0: i32) -> (i32, i32) {
    %c0_i32 = arith.constant 0 : i32
    %c0_i32_0 = arith.constant 0 : i32
    return %arg0, %c0_i32 : i32, i32
  }
  func.func @transform_6(%arg0: i32) -> (i32, i32) {
    %c0_i32 = arith.constant 0 : i32
    %c0_i32_0 = arith.constant 0 : i32
    return %arg0, %c0_i32 : i32, i32
  }
}

module attributes {stable_mosaic.version = 14 : i64} {
  func.func @body(%arg0: i32, %arg1: memref<2048x128xf32, #tpu.memory_space<vmem>>, %arg2: memref<2048x128xf32, #tpu.memory_space<vmem>>, %arg3: memref<2048x128xf32, #tpu.memory_space<vmem>>, %arg4: memref<512x128xf32, #tpu.memory_space<vmem>>, %arg5: memref<1x128xf32, #tpu.memory_space<vmem>>, %arg6: memref<2048x128xf32, #tpu.memory_space<vmem>>) attributes {dimension_semantics = [#tpu.dimension_semantics<arbitrary>], iteration_bounds = array<i64: 5>, scalar_prefetch = 0 : i64, scratch_operands = 0 : i64, tpu.core_type = #tpu.core_type<tc>, window_params = [{transform_indices = @transform_0, window_bounds = array<i64: 2048, 128>}, {transform_indices = @transform_1, window_bounds = array<i64: 2048, 128>}, {transform_indices = @transform_2, window_bounds = array<i64: 2048, 128>}, {pipeline_mode = #tpu.pipeline_mode<synchronous>, transform_indices = @transform_3, window_bounds = array<i64: 512, 128>}, {pipeline_mode = #tpu.pipeline_mode<synchronous>, transform_indices = @transform_4, window_bounds = array<i64: 1, 128>}, {transform_indices = @transform_5, window_bounds = array<i64: 2048, 128>}]} {
    %get3A = arith.constant 0 : index
    %get3A_0 = arith.constant 0 : index
    %get3A_1 = vector.load %arg4[%get3A, %get3A_0] : memref<512x128xf32, #tpu.memory_space<vmem>>, vector<512x128xf32>
    %get3A_2 = arith.constant 0 : index
    %get3A_3 = arith.constant 0 : index
    %get3A_4 = vector.load %arg1[%get3A_2, %get3A_3] : memref<2048x128xf32, #tpu.memory_space<vmem>>, vector<2048x128xf32>
    %slice3A = vector.extract_strided_slice %get3A_1 {offsets = [0, 0], sizes = [128, 128], strides = [1, 1]} : vector<512x128xf32> to vector<128x128xf32>
    %dot_general3A = arith.constant dense<0.000000e+00> : vector<2048x128xf32>
    %dot_general3A_5 = tpu.matmul %get3A_4, %slice3A, %dot_general3A {dimension_numbers = #tpu.dot_dimension_numbers<[1], [0], [0], [1], [0, 0, 1, 1], [], []>, transpose_lhs_hint = false} : vector<2048x128xf32>, vector<128x128xf32>, vector<2048x128xf32> -> vector<2048x128xf32>
    %get3A_6 = arith.constant 0 : index
    %get3A_7 = arith.constant 0 : index
    %get3A_8 = vector.load %arg2[%get3A_6, %get3A_7] : memref<2048x128xf32, #tpu.memory_space<vmem>>, vector<2048x128xf32>
    %slice3A_9 = vector.extract_strided_slice %get3A_1 {offsets = [128, 0], sizes = [128, 128], strides = [1, 1]} : vector<512x128xf32> to vector<128x128xf32>
    %dot_general3A_10 = arith.constant dense<0.000000e+00> : vector<2048x128xf32>
    %dot_general3A_11 = tpu.matmul %get3A_8, %slice3A_9, %dot_general3A_10 {dimension_numbers = #tpu.dot_dimension_numbers<[1], [0], [0], [1], [0, 0, 1, 1], [], []>, transpose_lhs_hint = false} : vector<2048x128xf32>, vector<128x128xf32>, vector<2048x128xf32> -> vector<2048x128xf32>
    %add3A = arith.addf %dot_general3A_5, %dot_general3A_11 : vector<2048x128xf32>
    %get3A_12 = arith.constant 0 : index
    %get3A_13 = arith.constant 0 : index
    %get3A_14 = vector.load %arg3[%get3A_12, %get3A_13] : memref<2048x128xf32, #tpu.memory_space<vmem>>, vector<2048x128xf32>
    %slice3A_15 = vector.extract_strided_slice %get3A_1 {offsets = [256, 0], sizes = [128, 128], strides = [1, 1]} : vector<512x128xf32> to vector<128x128xf32>
    %dot_general3A_16 = arith.constant dense<0.000000e+00> : vector<2048x128xf32>
    %dot_general3A_17 = tpu.matmul %get3A_14, %slice3A_15, %dot_general3A_16 {dimension_numbers = #tpu.dot_dimension_numbers<[1], [0], [0], [1], [0, 0, 1, 1], [], []>, transpose_lhs_hint = false} : vector<2048x128xf32>, vector<128x128xf32>, vector<2048x128xf32> -> vector<2048x128xf32>
    %add3A_18 = arith.addf %add3A, %dot_general3A_17 : vector<2048x128xf32>
    %get3A_19 = arith.constant 0 : index
    %get3A_20 = arith.constant 0 : index
    %get3A_21 = vector.load %arg5[%get3A_19, %get3A_20] : memref<1x128xf32, #tpu.memory_space<vmem>>, vector<1x128xf32>
    %add3A_22 = vector.broadcast %get3A_21 : vector<1x128xf32> to vector<2048x128xf32>
    %add3A_23 = arith.addf %add3A_18, %add3A_22 : vector<2048x128xf32>
    %swap3A = arith.constant 0 : index
    %swap3A_24 = arith.constant 0 : index
    %swap3A_25 = vector.load %arg6[%swap3A, %swap3A_24] : memref<2048x128xf32, #tpu.memory_space<vmem>>, vector<2048x128xf32>
    tpu.vector_store %arg6[%swap3A, %swap3A_24], %add3A_23 {strides = array<i32>} : memref<2048x128xf32, #tpu.memory_space<vmem>>, vector<2048x128xf32>,
    return
  }
  func.func @transform_0(%arg0: i32) -> (i32, i32) {
    %c0_i32 = arith.constant 0 : i32
    %c0_i32_0 = arith.constant 0 : i32
    return %arg0, %c0_i32 : i32, i32
  }
  func.func @transform_1(%arg0: i32) -> (i32, i32) {
    %c0_i32 = arith.constant 0 : i32
    %c0_i32_0 = arith.constant 0 : i32
    return %arg0, %c0_i32 : i32, i32
  }
  func.func @transform_2(%arg0: i32) -> (i32, i32) {
    %c0_i32 = arith.constant 0 : i32
    %c0_i32_0 = arith.constant 0 : i32
    return %arg0, %c0_i32 : i32, i32
  }
  func.func @transform_3(%arg0: i32) -> (i32, i32) {
    %c0_i32 = arith.constant 0 : i32
    %c0_i32_0 = arith.constant 0 : i32
    %c0_i32_1 = arith.constant 0 : i32
    return %c0_i32, %c0_i32_0 : i32, i32
  }
  func.func @transform_4(%arg0: i32) -> (i32, i32) {
    %c0_i32 = arith.constant 0 : i32
    %c0_i32_0 = arith.constant 0 : i32
    %c0_i32_1 = arith.constant 0 : i32
    return %c0_i32, %c0_i32_0 : i32, i32
  }
  func.func @transform_5(%arg0: i32) -> (i32, i32) {
    %c0_i32 = arith.constant 0 : i32
    %c0_i32_0 = arith.constant 0 : i32
    return %arg0, %c0_i32 : i32, i32
  }
}

module attributes {stable_mosaic.version = 14 : i64} {
  func.func @body(%arg0: i32, %arg1: memref<2x2048x128xf32, #tpu.memory_space<vmem>>, %arg2: memref<2048x128xf32, #tpu.memory_space<vmem>>, %arg3: memref<2048x1xf32, #tpu.memory_space<vmem>>, %arg4: memref<1x128xf32, #tpu.memory_space<vmem>>, %arg5: memref<2048x128xf32, #tpu.memory_space<vmem>>, %arg6: memref<512x128xf32, #tpu.memory_space<vmem>>, %arg7: memref<2048x128xf32, #tpu.memory_space<vmem>>) attributes {dimension_semantics = [#tpu.dimension_semantics<arbitrary>], iteration_bounds = array<i64: 5>, scalar_prefetch = 0 : i64, scratch_operands = 0 : i64, tpu.core_type = #tpu.core_type<tc>, window_params = [{transform_indices = @transform_0, window_bounds = array<i64: 2, 2048, 128>}, {transform_indices = @transform_1, window_bounds = array<i64: 2048, 128>}, {transform_indices = @transform_2, window_bounds = array<i64: 2048, 1>}, {pipeline_mode = #tpu.pipeline_mode<synchronous>, transform_indices = @transform_3, window_bounds = array<i64: 1, 128>}, {transform_indices = @transform_4, window_bounds = array<i64: 2048, 128>}, {pipeline_mode = #tpu.pipeline_mode<synchronous>, transform_indices = @transform_5, window_bounds = array<i64: 512, 128>}, {transform_indices = @transform_6, window_bounds = array<i64: 2048, 128>}]} {
    %get3A = arith.constant 0 : index
    %get3A_0 = arith.constant 0 : index
    %get3A_1 = arith.constant 0 : index
    %get3A_2 = vector.load %arg1[%get3A, %get3A_0, %get3A_1] : memref<2x2048x128xf32, #tpu.memory_space<vmem>>, vector<1x2048x128xf32>
    %get3A_3 = vector.shape_cast %get3A_2 : vector<1x2048x128xf32> to vector<2048x128xf32>
    %get3A_4 = arith.constant 1 : index
    %get3A_5 = arith.constant 0 : index
    %get3A_6 = arith.constant 0 : index
    %get3A_7 = vector.load %arg1[%get3A_4, %get3A_5, %get3A_6] : memref<2x2048x128xf32, #tpu.memory_space<vmem>>, vector<1x2048x128xf32>
    %get3A_8 = vector.shape_cast %get3A_7 : vector<1x2048x128xf32> to vector<2048x128xf32>
    %add3A = arith.addf %get3A_3, %get3A_8 : vector<2048x128xf32>
    %get3A_9 = arith.constant 0 : index
    %get3A_10 = arith.constant 0 : index
    %get3A_11 = vector.load %arg2[%get3A_9, %get3A_10] : memref<2048x128xf32, #tpu.memory_space<vmem>>, vector<2048x128xf32>
    %add3A_12 = arith.addf %add3A, %get3A_11 : vector<2048x128xf32>
    %get3A_13 = arith.constant 0 : index
    %get3A_14 = arith.constant 0 : index
    %get3A_15 = vector.load %arg3[%get3A_13, %get3A_14] : memref<2048x1xf32, #tpu.memory_space<vmem>>, vector<2048x1xf32>
    %mul3A = vector.broadcast %get3A_15 : vector<2048x1xf32> to vector<2048x128xf32>
    %mul3A_16 = arith.mulf %mul3A, %add3A_12 : vector<2048x128xf32>
    %get3A_17 = arith.constant 0 : index
    %get3A_18 = arith.constant 0 : index
    %get3A_19 = vector.load %arg4[%get3A_17, %get3A_18] : memref<1x128xf32, #tpu.memory_space<vmem>>, vector<1x128xf32>
    %add3A_20 = vector.broadcast %get3A_19 : vector<1x128xf32> to vector<2048x128xf32>
    %add3A_21 = arith.addf %mul3A_16, %add3A_20 : vector<2048x128xf32>
    %max3A = arith.constant 0.000000e+00 : f32
    %max3A_22 = vector.broadcast %max3A : f32 to vector<2048x128xf32>
    %max3A_23 = arith.maximumf %add3A_21, %max3A_22 : vector<2048x128xf32>
    %get3A_24 = arith.constant 0 : index
    %get3A_25 = arith.constant 0 : index
    %get3A_26 = vector.load %arg6[%get3A_24, %get3A_25] : memref<512x128xf32, #tpu.memory_space<vmem>>, vector<512x128xf32>
    %get3A_27 = arith.constant 0 : index
    %get3A_28 = arith.constant 0 : index
    %get3A_29 = vector.load %arg5[%get3A_27, %get3A_28] : memref<2048x128xf32, #tpu.memory_space<vmem>>, vector<2048x128xf32>
    %slice3A = vector.extract_strided_slice %get3A_26 {offsets = [384, 0], sizes = [128, 128], strides = [1, 1]} : vector<512x128xf32> to vector<128x128xf32>
    %dot_general3A = arith.constant dense<0.000000e+00> : vector<2048x128xf32>
    %dot_general3A_30 = tpu.matmul %max3A_23, %slice3A, %dot_general3A {dimension_numbers = #tpu.dot_dimension_numbers<[1], [0], [0], [1], [0, 0, 1, 1], [], []>, transpose_lhs_hint = false} : vector<2048x128xf32>, vector<128x128xf32>, vector<2048x128xf32> -> vector<2048x128xf32>
    %add3A_31 = arith.addf %get3A_29, %dot_general3A_30 : vector<2048x128xf32>
    %swap3A = arith.constant 0 : index
    %swap3A_32 = arith.constant 0 : index
    %swap3A_33 = vector.load %arg7[%swap3A, %swap3A_32] : memref<2048x128xf32, #tpu.memory_space<vmem>>, vector<2048x128xf32>
    tpu.vector_store %arg7[%swap3A, %swap3A_32], %add3A_31 {strides = array<i32>} : memref<2048x128xf32, #tpu.memory_space<vmem>>, vector<2048x128xf32>,
    return
  }
  func.func @transform_0(%arg0: i32) -> (i32, i32, i32) {
    %c0_i32 = arith.constant 0 : i32
    %c0_i32_0 = arith.constant 0 : i32
    %c0_i32_1 = arith.constant 0 : i32
    return %c0_i32, %arg0, %c0_i32_0 : i32, i32, i32
  }
  func.func @transform_1(%arg0: i32) -> (i32, i32) {
    %c0_i32 = arith.constant 0 : i32
    %c0_i32_0 = arith.constant 0 : i32
    return %arg0, %c0_i32 : i32, i32
  }
  func.func @transform_2(%arg0: i32) -> (i32, i32) {
    %c0_i32 = arith.constant 0 : i32
    %c0_i32_0 = arith.constant 0 : i32
    return %arg0, %c0_i32 : i32, i32
  }
  func.func @transform_3(%arg0: i32) -> (i32, i32) {
    %c0_i32 = arith.constant 0 : i32
    %c0_i32_0 = arith.constant 0 : i32
    %c0_i32_1 = arith.constant 0 : i32
    return %c0_i32, %c0_i32_0 : i32, i32
  }
  func.func @transform_4(%arg0: i32) -> (i32, i32) {
    %c0_i32 = arith.constant 0 : i32
    %c0_i32_0 = arith.constant 0 : i32
    return %arg0, %c0_i32 : i32, i32
  }
  func.func @transform_5(%arg0: i32) -> (i32, i32) {
    %c0_i32 = arith.constant 0 : i32
    %c0_i32_0 = arith.constant 0 : i32
    %c0_i32_1 = arith.constant 0 : i32
    return %c0_i32, %c0_i32_0 : i32, i32
  }
  func.func @transform_6(%arg0: i32) -> (i32, i32) {
    %c0_i32 = arith.constant 0 : i32
    %c0_i32_0 = arith.constant 0 : i32
    return %arg0, %c0_i32 : i32, i32
  }
}

</mosaic_0001>

<sc_bundles>
// kernel: kernel.14.cloned.1.call-start
scs
__scs_entry_jumppad:
0x0: {  	(pc) =	sbr.rel $0x88, $3  }
0x1: {  	(tag) =	ssettag $0x0;
	lr =	simm.s32 $0x1  }
0x2: {  	[smem:$0x3F95] =	sst lr;
	_ =	strace $0xD0000000  }
0x3: {  	_ = 	snop  }
0x4: {  	_ = 	snop  }
0x5: {  	_ = 	snop  }
0x6: {  	_ = 	snop  }
0x7: {  	_ = 	snop  }
__scs_overlays_trampoline_lowered:
0x8: {  	[smem:$0x3FA4] =	sst s0  }
0x9: {  	[smem:$0x3FA5] =	sst s1  }
0xa: {  	[smem:$0x3FA6] =	sst s2  }
0xb: {  	[smem:$0x3FA7] =	sst s3  }
0xc: {  	[smem:$0x3FA8] =	sst s4  }
0xd: {  	[smem:$0x3FA9] =	sst s5  }
0xe: {  	[smem:$0x3FAA] =	sst s6  }
0xf: {  	[smem:$0x3FAB] =	sst s7  }
0x10: {  	[smem:$0x3FAC] =	sst s8  }
0x11: {  	[smem:$0x3FAD] =	sst s9;
	s0 =	simm.s32 @!p0 $0x0  }
0x12: {  	s1 =	sld [smem:$0x3F93];
	s0 =	simm.s32 @p0 $0x1  }
0x13: {  	[smem:$0x3FAE] =	sst s0;
	s0 =	simm.s32 @!p1 $0x0  }
0x14: {  	s2 =	sld [smem:$0x3F92];
	s0 =	simm.s32 @p1 $0x1  }
0x15: {  	[smem:$0x3FAF] =	sst s0;
	s0 =	simm.s32 @!p2 $0x0  }
0x16: {  	s3 =	sld [smem:$0x3FDB];
	s0 =	simm.s32 @p2 $0x1  }
0x17: {  	s4 =	simm.s32 $0x1BF5;
	[smem:$0x3FB1] =	sst s0  }
0x18: {  	s0 =	sld [smem:$0x3F94];
	_ =	swait.ge [sflag:s4], $0x0  }
0x19: {  	s7 =	sld [smem:$0x3F95]  }
0x1a: {  	s8 =	sadd.s32 $0xFFFFE003, lr  }
0x1b: {  	s9 =	sadd.s32 $0xFFFFFEF7, lr;
	s5 =	simm.s32 $0xFFFFFFFF;
	p2 =	slt.u32 s8, $0xFFFFF086  }
0x1c: {  	p1 =	slt.u32 s9, $0xF7A;
	s5 =	simm.s32 @!p2 $0x0  }
0x1d: {  	s5 =	simm.s32 @p1 $0x1;
	p0 =	seq.s32 s7, s2  }
0x1e: {  	s7 =	smul.u32 @!p0 $0xF7A, s2;
	p2 =	seq.s32 @!p0 s5, $0x0  }
0x1f: {  	s9 =	smul.u32 $0xF7A, s1;
	s8 =	simm.s32 @!p0 $0x1BF5;
	p2 =	por !p2, p0  }
0x20: {  	[sflag:s8] =	ssyncset.s32 @!p0 $0xFFFFF086;
	s6 =	sadd.s32 @!p0 s3, s7;
	s7 =	simm.s32 @!p0 $0x108  }
0x21: {  	s3 =	sadd.s32 s3, s9;
	s6 =	sadd.s32 @!p0 $0x88, s6;
	s7 =	simm.s32 @p2 $0x1082  }
0x22: {  	[simem:s7], [sflag:s8] =	dma.local @!p0 [hbm:s6], $0xF7A  }
0x23: {  	s9 =	sor.u32 $0xD0000000, s2;
	s6 =	simm.s32 $0x108;
	_ =	swait.ge @!p0 [sflag:s8], $0x0  }
0x24: {  	s3 =	sadd.s32 $0x88, s3;
	s6 =	simm.s32 @!p1 $0x1082;
	[sflag:s4] =	ssyncset.s32 $0xFFFFF086  }
0x25: {  	[simem:s6], [sflag:s4] =	dma.local [hbm:s3], $0xF7A  }
0x26: {  	[smem:$0x3F95] =	sst s1;
	(tag) =	ssettag s2;
	_ =	strace s9  }
0x27: {  	s1 =	sld [smem:$0x3FA5]  }
0x28: {  	s2 =	sld [smem:$0x3FA6]  }
0x29: {  	s4 =	sld [smem:$0x3FA8]  }
0x2a: {  	p0 =	seq.s32 s5, $0x0;
	s5 =	sld [smem:$0x3FA9]  }
0x2b: {  	s6 =	sld [smem:$0x3FAA]  }
0x2c: {  	s7 =	sld [smem:$0x3FAB]  }
0x2d: {  	s3 =	simm.s32 $0x108;
	s8 =	sld [smem:$0x3FAC]  }
0x2e: {  	s3 =	simm.s32 @!p0 $0x1082;
	s9 =	sld [smem:$0x3FAD]  }
0x2f: {  	lr =	sadd.s32 s0, s3;
	s0 =	sld [smem:$0x3FA4]  }
0x30: {  	s3 =	sld [smem:$0x3FA7]  }
0x31: {  	[smem:$0x3FB0] =	sst s10  }
0x32: {  	s10 =	sld [smem:$0x3FAE];
	_ =	sdelay $0x3  }
0x33: {  	p0 =	seq.s32 s10, $0x1;
	s10 =	sld [smem:$0x3FB0];
	_ =	sdelay $0x3  }
0x34: {  	[smem:$0x3FB0] =	sst s10  }
0x35: {  	s10 =	sld [smem:$0x3FAF];
	_ =	sdelay $0x3  }
0x36: {  	p1 =	seq.s32 s10, $0x1;
	s10 =	sld [smem:$0x3FB0];
	_ =	sdelay $0x3  }
0x37: {  	[smem:$0x3FB0] =	sst s10  }
0x38: {  	s10 =	sld [smem:$0x3FB1]  }
0x39: {  	_ = 	snop;
	(pc) =	sbr.ind lr, $3  }
0x3a: {  	_ = 	snop  }
0x3b: {  	_ = 	snop  }
0x3c: {  	p2 =	seq.s32 s10, $0x1;
	s10 =	sld [smem:$0x3FB0]  }
0x3d: {  	_ =	shalt  }
0x3e: {  	_ =	shalt  }
0x3f: {  	_ =	shalt  }
0x40: {  	_ =	shalt  }
0x41: {  	_ =	shalt  }
0x42: {  	_ =	shalt  }
0x43: {  	_ =	shalt  }
0x44: {  	_ =	shalt  }
0x45: {  	_ =	shalt  }
0x46: {  	_ =	shalt  }
0x47: {  	_ =	shalt  }
0x48: {  	_ =	shalt  }
0x49: {  	_ =	shalt  }
0x4a: {  	_ =	shalt  }
0x4b: {  	_ =	shalt  }
0x4c: {  	_ =	shalt  }
0x4d: {  	_ =	shalt  }
0x4e: {  	_ =	shalt  }
0x4f: {  	_ =	shalt  }
0x50: {  	_ =	shalt  }
0x51: {  	_ =	shalt  }
0x52: {  	_ =	shalt  }
0x53: {  	_ =	shalt  }
0x54: {  	_ =	shalt  }
0x55: {  	_ =	shalt  }
0x56: {  	_ =	shalt  }
0x57: {  	_ =	shalt  }
0x58: {  	_ =	shalt  }
0x59: {  	_ =	shalt  }
0x5a: {  	_ =	shalt  }
0x5b: {  	_ =	shalt  }
0x5c: {  	_ =	shalt  }
0x5d: {  	_ =	shalt  }
0x5e: {  	_ =	shalt  }
0x5f: {  	_ =	shalt  }
0x60: {  	_ =	shalt  }
0x61: {  	_ =	shalt  }
0x62: {  	_ =	shalt  }
0x63: {  	_ =	shalt  }
0x64: {  	_ =	shalt  }
0x65: {  	_ =	shalt  }
0x66: {  	_ =	shalt  }
0x67: {  	_ =	shalt  }
0x68: {  	_ =	shalt  }
0x69: {  	_ =	shalt  }
0x6a: {  	_ =	shalt  }
0x6b: {  	_ =	shalt  }
0x6c: {  	_ =	shalt  }
0x6d: {  	_ =	shalt  }
0x6e: {  	_ =	shalt  }
0x6f: {  	_ =	shalt  }
0x70: {  	_ =	shalt  }
0x71: {  	_ =	shalt  }
0x72: {  	_ =	shalt  }
0x73: {  	_ =	shalt  }
0x74: {  	_ =	shalt  }
0x75: {  	_ =	shalt  }
0x76: {  	_ =	shalt  }
0x77: {  	_ =	shalt  }
0x78: {  	_ =	shalt  }
0x79: {  	_ =	shalt  }
0x7a: {  	_ =	shalt  }
0x7b: {  	_ =	shalt  }
0x7c: {  	_ =	shalt  }
0x7d: {  	_ =	shalt  }
0x7e: {  	_ =	shalt  }
0x7f: {  	_ =	shalt  }
0x80: {  	_ =	shalt  }
0x81: {  	_ =	shalt  }
0x82: {  	_ =	shalt  }
0x83: {  	_ =	shalt  }
0x84: {  	_ =	shalt  }
0x85: {  	_ =	shalt  }
0x86: {  	_ =	shalt  }
0x87: {  	_ =	shalt  }
.Lfunc_end0:
.L_simem_size_0:
called_computation_lowered:
.L_overlay_start_0:
0x88: {  	s2 =	sld [smem:$0x3FD9]  }
0x89: {  	s3 =	sld [smem:$0x3FFE];
	_ =	sdelay $0x1  }
0x8a: {  	s1 =	srdreg.scid  }
0x8b: {  	s0 =	sand.u32 $0x1, s1  }
0x8c: {  	s17 =	sshll.u32 s0, $0xA;
	s2 =	sadd.s32 s3, s2  }
0x8d: {  	s2 =	sadd.s32 s2, s17  }
0x8e: {  	[smem:$0x3FBC] =	sst s2  }
0x8f: {  	_ = 	snop  }
0x90: {  	s2 =	sld [smem:$0x3FD0];
	(tm) =	ssettm $0x1  }
0x91: {  	s18 =	sld [smem:$0x3FFB];
	_ =	sdelay $0x3  }
0x92: {  	_ =	strace s18  }
0x93: {  	s3 =	sld [smem:$0x3FFC];
	_ =	sdelay $0x3  }
0x94: {  	_ =	strace s3  }
0x95: {  	s3 =	sld [smem:$0x3FFD];
	_ =	sdelay $0x3  }
0x96: {  	_ =	strace s3  }
0x97: {  	_ =	strace $0x8FFFFFFF  }
0x98: {  	s19 =	sld [smem:$0x3FDB];
	_ =	sdelay $0x1  }
0x99: {  	s4 =	simm.s32 $_scs_section_size  }
0x9a: {  	s5 =	simm.s32 $_size__tile_overlayer_lowered;
	s6 =	simm.s32 $_tile_overlayer_lowered  }
0x9b: {  	s22 =	simm.s32 $0x1BFF;
	s21 =	sshll.u32 s6, $0x1;
	s3 =	sadd.s32 s4, s19  }
0x9c: {  	s7 =	simm.s32 $0x0;
	s20 =	sshll.u32 s5, $0x1;
	s5 =	sadd.s32 s21, s3  }
0x9d: {  	[timem:s7], [sflag:s22] =	dma.local [hbm:s5], s20  }
0x9e: {  	_ =	swait.ge [sflag:s22], s20  }
0x9f: {  	s4 =	ssub.s32 $0x0, s20;
	[sflag:s22] =	ssyncset.done $0x0  }
0xa0: {  	[sflag:s22] =	ssyncadd.s32 s4;
	_ =	sdelay $0x1  }
0xa1: {  	s23 =	simm.s32 $0x1B8B  }
0xa2: {  	_ =	swait.ge [sflag:s23], $0x1  }
0xa3: {  	[sflag:s23] =	ssyncset.done $0x0  }
0xa4: {  	s25 =	simm.s32 $0x1B8E;
	s24 =	sld [smem:$0x3FFE];
	[sflag:s23] =	ssyncadd.s32 $0xFFFFFFFF  }
0xa5: {  	s26 =	simm.s32 $execute0_lowered;
	[smem:$0x3FD2] =	sst s25  }
0xa6: {  	s5 =	sshll.u32 s26, $0x1;
	_ =	strace $0x80000046;
	[dreg:$0x1] =	wrdreg $0xFFFFFFFF  }
0xa7: {  	s28 =	simm.s32 $_size_execute0_lowered;
	s3 =	sadd.s32 s3, s5;
	[dreg:$0x0] =	wrdreg $0x0  }
0xa8: {  	s5 =	sshll.u32 s28, $0x1;
	[dreg:$0x2] =	wrdreg s3  }
0xa9: {  	[dreg:$0x3] =	wrdreg s5  }
0xaa: {  	[dreg:$0x4] =	wrdreg $0xC0  }
0xab: {  	_ =	task [dreg:s7], $0x5FFFF  }
0xac: {  	[dreg:$0x1] =	wrdreg $0xFFFFFFFF  }
0xad: {  	[dreg:$0x0] =	wrdreg $0x60  }
0xae: {  	[dreg:$0x2] =	wrdreg s2  }
0xaf: {  	[dreg:$0x3] =	wrdreg s24  }
0xb0: {  	[dreg:$0x4] =	wrdreg $0x68000  }
0xb1: {  	[dreg:$0x5] =	wrdreg $0x9  }
0xb2: {  	_ =	task.clear_ibuf [dreg:s7], $0x6FFFF;
	_ =	strace $0x90000046  }
0xb3: {  	s29 =	simm.s32 $0x9;
	_ =	strace $0x80000048  }
0xb4: {  	_ =	swait.ge [sflag:s29], $0x1  }
0xb5: {  	[sflag:s29] =	ssyncadd.s32 $0xFFFFFFFF  }
0xb6: {  	_ =	strace $0x90000048  }
0xb7: {  	_ =	sfence  }
0xb8: {  	s30 =	sld [smem:$0x0];
	_ =	sdelay $0x2  }
0xb9: {  	s31 =	sshll.u32 s1, $0xD;
	s1 =	sshrl.u32 s1, $0x2  }
0xba: {  	s3 =	sand.u32 $0x4000, s31;
	s1 =	sadd.s32 s1, s30  }
0xbb: {  	s0 =	sor.u32 s3, s0;
	s1 =	sshll.u32 s1, $0x11  }
0xbc: {  	s0 =	sor.u32 s1, s0  }
0xbd: {  	s0 =	sadd.s32 $0x8F2B, s0  }
0xbe: {  	[sflag:s0] =	ssyncadd.remote.s32 $0x1  }
0xbf: {  	_ =	sfence.sel $0xFFFF  }
0xc0: {  	[dreg:$0x0] =	wrdreg $0xFFFFFFFF;
	(pc) =	sbr.abs _section_cstart, $3  }
0xc1: {  	[dreg:$0x1] =	wrdreg $0xFFFFFFFF  }
0xc2: {  	_ =	task.clear_ibuf [dreg:s7], $0x2FFFF;
	_ =	strace $0x9FFFFFFF  }
0xc3: {  	(tm) =	ssettm $0x7FFFFFFF  }
tec
execute0_lowered:
.L_overlay_start_1:
0x0: {  	(tag) =	ssettag $0x1  }
0x1: {  	s6 =	rddreg [dreg:$0x0]  }
0x2: {  	s7 =	rddreg [dreg:$0x1]  }
0x3: {  	s0 =	srdreg.scid;
	s1 =	stileid.u32  }
0x4: {  	s2 =	rddreg [dreg:$0x2];
	s5 =	smul.u32 $0x14000, s1  }
0x5: {  	s3 =	simm.s32 $0x0;
	s13 =	simm.s32 $0x80;
	s11 =	smul.u32 $0x2800, s1  }
0x6: {  	s14 =	simm.s32 $0x1;
	s8 =	sand.u32 $0x1, s0;
	s28 =	smul.u32 $0x50000, s1  }
0x7: {  	s15 =	simm.s32 $0x0;
	s0 =	rddreg [dreg:$0x3];
	s4 =	smul.u32 $0x140000, s8  }
0x8: {  	[smem:$0x7FF] =	sst s3;
	s9 =	smul.u32 $0x28000, s8;
	s8 =	ssub.s32 $0x2, s8  }
0x9: {  	s31 =	sshll.u32 s1, $0x6;
	_ =	strace $0x80000047;
	s29 =	sshrl.u32 s8, $0x1  }
0xa: {  	s30 =	sshrl.u32 s28, $0x2;
	s10 =	sadd.s32 s5, s4;
	s4 =	sadd.s32 $0x5000, s7  }
0xb: {  	s5 =	sadd.s32 $0x5800, s7;
	s9 =	sadd.s32 s9, s11;
	s8 =	ssub.s32 s8, s29  }
0xc: {  	s12 =	sadd.s32 s30, s2;
	s11 =	sor.u32 $0x1C02, s31;
	s10 =	sshrl.u32 s10, $0x3  }
0xd: {  	s9 =	sshrl.u32 s9, $0x3;
	s8 =	smax.u32 s8, $0x1;
	s12 =	sshrl.u32 s12, $0x3  }
0xe: {  	s7 =	sadd.s32 s10, s7;
	s6 =	sadd.s32 s6, s9;
	s9 =	simm.s32 $0x2  }
0xf: {  	s10 =	simm.s32 $0x2800;
	s6 =	sadd.s32 $0xA000, s6;
	s7 =	sadd.s32 $0x8000, s7  }
.LBB2_1:
0x10: {  	[tilespmem:s3], [sflag:$0x2] =	stream.linear.gather [hbm4b:s6+s3], $0x2800, $0x38;
	[tilespmem:$0x1A800] =	vst v63  }
0x11: {  	_ =	swait.ge [sflag:s9], $0x2800  }
0x12: {  	[sflag:s9] =	ssyncset.done $0x0  }
0x13: {  	[sflag:s9] =	ssyncadd.s32 $0xFFFFD800  }
0x14: {  	[tilespmem:s10], [sflag:$0x2] =	stream.linear.gather [hbm4b:s4+s3], $0x4000, $0x38;
	[tilespmem:$0x1A800] =	vst v63  }
0x15: {  	_ =	swait.ge [sflag:s9], $0x4000  }
0x16: {  	[sflag:s9] =	ssyncset.done $0x0  }
0x17: {  	[sflag:s9] =	ssyncadd.s32 $0xFFFFC000  }
0x18: {  	[spmem:s12], [sflag:s11] =	dma.local [hbm:s5], $0x2800  }
0x19: {  	_ =	swait.ge [sflag:s9], $0x2800  }
0x1a: {  	[sflag:s9] =	ssyncset.done $0x0  }
0x1b: {  	[sflag:s9] =	ssyncadd.s32 $0xFFFFD800  }
0x1c: {  	s16 =	simm.s32 $0x0;
	[bflag:$0x0] =	sbarrier.arrive $0xFFFF  }
.LBB2_2:
0x1d: {  	p0 =	sne.s32 s16, $0x9E00  }
.Ltmp0:
0x1e: {  	_ = 	snop;
	(pc) =	sbr.rel @p0 .LBB2_2-.Ltmp0, $3  }
0x1f: {  	_ =	sdelay $0x1  }
0x20: {  	s17 =	sshra.s32 s16, $0x2;
	s16 =	sadd.s32 $0x200, s16  }
0x21: {  	[spmem:s2] =	stream.indirect.scatter.add.f32 [tilespmem:s10], [sflag:$0x1], $0x80, s17, s13, $0xb8;
	[tilespmem:$0x1A800] =	vst v63  }
0x22: {  	_ =	swait.ge [sflag:s14], $0x4000  }
0x23: {  	s16 =	simm.s32 $0x4F;
	[sflag:s14] =	ssyncset.done $0x0  }
.LBB2_4:
0x24: {  	p0 =	sne.s32 s16, $0x1;
	s16 =	sadd.s32 $0xFFFFFFFF, s16;
	[sflag:s14] =	ssyncadd.s32 $0xFFFFC000  }
.Ltmp1:
0x25: {  	(pc) =	sbr.rel @p0 .LBB2_4-.Ltmp1, $3  }
0x26: {  	_ =	sdelay $0x1  }
0x27: {  	_ =	swait.ge [sflag:s14], $0x4000  }
0x28: {  	[sflag:s14] =	ssyncset.done $0x0  }
0x29: {  	s15 =	sadd.s32 $0x1, s15  }
0x2a: {  	[sflag:s14] =	ssyncadd.s32 $0xFFFFC000;
	p0 =	sne.s32 s15, s8  }
.Ltmp2:
0x2b: {  	[bflag:$0x0] =	sbarrier.arrive $0xFFFF;
	(pc) =	sbr.rel @p0 .LBB2_1-.Ltmp2, $4  }
0x2c: {  	[hbm:s7], [sflag:s11] =	dma.local [spmem:s12], $0x2800  }
0x2d: {  	_ =	swait.ge [sflag:s9], $0x2800  }
0x2e: {  	[sflag:s9] =	ssyncset.done $0x0  }
0x2f: {  	[sflag:s9] =	ssyncadd.s32 $0xFFFFD800  }
0x30: {  	_ =	sfence.sel $0x180000  }
0x31: {  	[bflag:$0x0] =	sbarrier.arrive $0xFFFF  }
0x32: {  	p0 =	sne.s32 s1, $0x0;
	_ =	strace $0x90000047  }
0x33: {  	s0 =	sadd.s32 @!p0 $0x100000, s0;
	[bflag:$0x2] =	sbarrier.arrive $0xFFFF  }
0x34: {  	[sflag:s0] =	ssyncadd.tile.s32 @!p0 $0x1;
	_ =	shalt  }
.Lfunc_end2:
_tile_overlayer_lowered:
.L_overlay_start_2:
0x35: {  	(tag) =	ssettag $0x2  }
0x36: {  	s0 =	rddreg [dreg:$0x0];
	s2 =	stileid.u32  }
0x37: {  	s1 =	rddreg [dreg:$0x1];
	p0 =	sne.s32 s2, $0x0  }
0x38: {  	s3 =	rddreg [dreg:$0x2];
	[bflag:$0x3] =	sbarrier.arrive $0xFFFF;
	s2 =	simm.s32 @!p0 $0x1C02  }
0x39: {  	[timem:s3], [sflag:s2] =	dma.local @!p0 [hbm:s0], s1  }
0x3a: {  	s0 =	simm.s32 @!p0 $0x2  }
0x3b: {  	_ =	swait.ge @!p0 [sflag:s0], s1  }
0x3c: {  	s1 =	ssub.s32 @!p0 $0x0, s1;
	[sflag:s0] =	ssyncset.done @!p0 $0x0  }
0x3d: {  	[sflag:s0] =	ssyncadd.s32 @!p0 s1  }
0x3e: {  	[bflag:$0x3] =	sbarrier.arrive $0xFFFF  }
0x3f: {  	_ =	shalt  }

// kernel: kernel.17.cloned.1.call-start
scs
__scs_entry_jumppad:
0x0: {  	(pc) =	sbr.rel $0x88, $3  }
0x1: {  	(tag) =	ssettag $0x0;
	lr =	simm.s32 $0x1  }
0x2: {  	[smem:$0x3F95] =	sst lr;
	_ =	strace $0xD0000000  }
0x3: {  	_ = 	snop  }
0x4: {  	_ = 	snop  }
0x5: {  	_ = 	snop  }
0x6: {  	_ = 	snop  }
0x7: {  	_ = 	snop  }
__scs_overlays_trampoline_lowered:
0x8: {  	[smem:$0x3FA4] =	sst s0  }
0x9: {  	[smem:$0x3FA5] =	sst s1  }
0xa: {  	[smem:$0x3FA6] =	sst s2  }
0xb: {  	[smem:$0x3FA7] =	sst s3  }
0xc: {  	[smem:$0x3FA8] =	sst s4  }
0xd: {  	[smem:$0x3FA9] =	sst s5  }
0xe: {  	[smem:$0x3FAA] =	sst s6  }
0xf: {  	[smem:$0x3FAB] =	sst s7  }
0x10: {  	[smem:$0x3FAC] =	sst s8  }
0x11: {  	[smem:$0x3FAD] =	sst s9;
	s0 =	simm.s32 @!p0 $0x0  }
0x12: {  	s1 =	sld [smem:$0x3F93];
	s0 =	simm.s32 @p0 $0x1  }
0x13: {  	[smem:$0x3FAE] =	sst s0;
	s0 =	simm.s32 @!p1 $0x0  }
0x14: {  	s2 =	sld [smem:$0x3F92];
	s0 =	simm.s32 @p1 $0x1  }
0x15: {  	[smem:$0x3FAF] =	sst s0;
	s0 =	simm.s32 @!p2 $0x0  }
0x16: {  	s3 =	sld [smem:$0x3FDB];
	s0 =	simm.s32 @p2 $0x1  }
0x17: {  	s4 =	simm.s32 $0x1BF5;
	[smem:$0x3FB1] =	sst s0  }
0x18: {  	s0 =	sld [smem:$0x3F94];
	_ =	swait.ge [sflag:s4], $0x0  }
0x19: {  	s7 =	sld [smem:$0x3F95]  }
0x1a: {  	s8 =	sadd.s32 $0xFFFFE003, lr  }
0x1b: {  	s9 =	sadd.s32 $0xFFFFFEF7, lr;
	s5 =	simm.s32 $0xFFFFFFFF;
	p2 =	slt.u32 s8, $0xFFFFF086  }
0x1c: {  	p1 =	slt.u32 s9, $0xF7A;
	s5 =	simm.s32 @!p2 $0x0  }
0x1d: {  	s5 =	simm.s32 @p1 $0x1;
	p0 =	seq.s32 s7, s2  }
0x1e: {  	s7 =	smul.u32 @!p0 $0xF7A, s2;
	p2 =	seq.s32 @!p0 s5, $0x0  }
0x1f: {  	s9 =	smul.u32 $0xF7A, s1;
	s8 =	simm.s32 @!p0 $0x1BF5;
	p2 =	por !p2, p0  }
0x20: {  	[sflag:s8] =	ssyncset.s32 @!p0 $0xFFFFF086;
	s6 =	sadd.s32 @!p0 s3, s7;
	s7 =	simm.s32 @!p0 $0x108  }
0x21: {  	s3 =	sadd.s32 s3, s9;
	s6 =	sadd.s32 @!p0 $0x88, s6;
	s7 =	simm.s32 @p2 $0x1082  }
0x22: {  	[simem:s7], [sflag:s8] =	dma.local @!p0 [hbm:s6], $0xF7A  }
0x23: {  	s9 =	sor.u32 $0xD0000000, s2;
	s6 =	simm.s32 $0x108;
	_ =	swait.ge @!p0 [sflag:s8], $0x0  }
0x24: {  	s3 =	sadd.s32 $0x88, s3;
	s6 =	simm.s32 @!p1 $0x1082;
	[sflag:s4] =	ssyncset.s32 $0xFFFFF086  }
0x25: {  	[simem:s6], [sflag:s4] =	dma.local [hbm:s3], $0xF7A  }
0x26: {  	[smem:$0x3F95] =	sst s1;
	(tag) =	ssettag s2;
	_ =	strace s9  }
0x27: {  	s1 =	sld [smem:$0x3FA5]  }
0x28: {  	s2 =	sld [smem:$0x3FA6]  }
0x29: {  	s4 =	sld [smem:$0x3FA8]  }
0x2a: {  	p0 =	seq.s32 s5, $0x0;
	s5 =	sld [smem:$0x3FA9]  }
0x2b: {  	s6 =	sld [smem:$0x3FAA]  }
0x2c: {  	s7 =	sld [smem:$0x3FAB]  }
0x2d: {  	s3 =	simm.s32 $0x108;
	s8 =	sld [smem:$0x3FAC]  }
0x2e: {  	s3 =	simm.s32 @!p0 $0x1082;
	s9 =	sld [smem:$0x3FAD]  }
0x2f: {  	lr =	sadd.s32 s0, s3;
	s0 =	sld [smem:$0x3FA4]  }
0x30: {  	s3 =	sld [smem:$0x3FA7]  }
0x31: {  	[smem:$0x3FB0] =	sst s10  }
0x32: {  	s10 =	sld [smem:$0x3FAE];
	_ =	sdelay $0x3  }
0x33: {  	p0 =	seq.s32 s10, $0x1;
	s10 =	sld [smem:$0x3FB0];
	_ =	sdelay $0x3  }
0x34: {  	[smem:$0x3FB0] =	sst s10  }
0x35: {  	s10 =	sld [smem:$0x3FAF];
	_ =	sdelay $0x3  }
0x36: {  	p1 =	seq.s32 s10, $0x1;
	s10 =	sld [smem:$0x3FB0];
	_ =	sdelay $0x3  }
0x37: {  	[smem:$0x3FB0] =	sst s10  }
0x38: {  	s10 =	sld [smem:$0x3FB1]  }
0x39: {  	_ = 	snop;
	(pc) =	sbr.ind lr, $3  }
0x3a: {  	_ = 	snop  }
0x3b: {  	_ = 	snop  }
0x3c: {  	p2 =	seq.s32 s10, $0x1;
	s10 =	sld [smem:$0x3FB0]  }
0x3d: {  	_ =	shalt  }
0x3e: {  	_ =	shalt  }
0x3f: {  	_ =	shalt  }
0x40: {  	_ =	shalt  }
0x41: {  	_ =	shalt  }
0x42: {  	_ =	shalt  }
0x43: {  	_ =	shalt  }
0x44: {  	_ =	shalt  }
0x45: {  	_ =	shalt  }
0x46: {  	_ =	shalt  }
0x47: {  	_ =	shalt  }
0x48: {  	_ =	shalt  }
0x49: {  	_ =	shalt  }
0x4a: {  	_ =	shalt  }
0x4b: {  	_ =	shalt  }
0x4c: {  	_ =	shalt  }
0x4d: {  	_ =	shalt  }
0x4e: {  	_ =	shalt  }
0x4f: {  	_ =	shalt  }
0x50: {  	_ =	shalt  }
0x51: {  	_ =	shalt  }
0x52: {  	_ =	shalt  }
0x53: {  	_ =	shalt  }
0x54: {  	_ =	shalt  }
0x55: {  	_ =	shalt  }
0x56: {  	_ =	shalt  }
0x57: {  	_ =	shalt  }
0x58: {  	_ =	shalt  }
0x59: {  	_ =	shalt  }
0x5a: {  	_ =	shalt  }
0x5b: {  	_ =	shalt  }
0x5c: {  	_ =	shalt  }
0x5d: {  	_ =	shalt  }
0x5e: {  	_ =	shalt  }
0x5f: {  	_ =	shalt  }
0x60: {  	_ =	shalt  }
0x61: {  	_ =	shalt  }
0x62: {  	_ =	shalt  }
0x63: {  	_ =	shalt  }
0x64: {  	_ =	shalt  }
0x65: {  	_ =	shalt  }
0x66: {  	_ =	shalt  }
0x67: {  	_ =	shalt  }
0x68: {  	_ =	shalt  }
0x69: {  	_ =	shalt  }
0x6a: {  	_ =	shalt  }
0x6b: {  	_ =	shalt  }
0x6c: {  	_ =	shalt  }
0x6d: {  	_ =	shalt  }
0x6e: {  	_ =	shalt  }
0x6f: {  	_ =	shalt  }
0x70: {  	_ =	shalt  }
0x71: {  	_ =	shalt  }
0x72: {  	_ =	shalt  }
0x73: {  	_ =	shalt  }
0x74: {  	_ =	shalt  }
0x75: {  	_ =	shalt  }
0x76: {  	_ =	shalt  }
0x77: {  	_ =	shalt  }
0x78: {  	_ =	shalt  }
0x79: {  	_ =	shalt  }
0x7a: {  	_ =	shalt  }
0x7b: {  	_ =	shalt  }
0x7c: {  	_ =	shalt  }
0x7d: {  	_ =	shalt  }
0x7e: {  	_ =	shalt  }
0x7f: {  	_ =	shalt  }
0x80: {  	_ =	shalt  }
0x81: {  	_ =	shalt  }
0x82: {  	_ =	shalt  }
0x83: {  	_ =	shalt  }
0x84: {  	_ =	shalt  }
0x85: {  	_ =	shalt  }
0x86: {  	_ =	shalt  }
0x87: {  	_ =	shalt  }
.Lfunc_end0:
.L_simem_size_0:
called_computation.1_lowered:
.L_overlay_start_0:
0x88: {  	s2 =	sld [smem:$0x3FD9]  }
0x89: {  	s3 =	sld [smem:$0x3FFE];
	_ =	sdelay $0x1  }
0x8a: {  	s1 =	srdreg.scid  }
0x8b: {  	s0 =	sand.u32 $0x1, s1  }
0x8c: {  	s17 =	sshll.u32 s0, $0xA;
	s2 =	sadd.s32 s3, s2  }
0x8d: {  	s2 =	sadd.s32 s2, s17  }
0x8e: {  	[smem:$0x3FBC] =	sst s2  }
0x8f: {  	_ = 	snop  }
0x90: {  	s2 =	sld [smem:$0x3FD0];
	(tm) =	ssettm $0x1  }
0x91: {  	s18 =	sld [smem:$0x3FFB];
	_ =	sdelay $0x3  }
0x92: {  	_ =	strace s18  }
0x93: {  	s3 =	sld [smem:$0x3FFC];
	_ =	sdelay $0x3  }
0x94: {  	_ =	strace s3  }
0x95: {  	s3 =	sld [smem:$0x3FFD];
	_ =	sdelay $0x3  }
0x96: {  	_ =	strace s3  }
0x97: {  	_ =	strace $0x8FFFFFFF  }
0x98: {  	s19 =	sld [smem:$0x3FDB];
	_ =	sdelay $0x1  }
0x99: {  	s4 =	simm.s32 $_scs_section_size  }
0x9a: {  	s5 =	simm.s32 $_size__tile_overlayer_lowered;
	s6 =	simm.s32 $_tile_overlayer_lowered  }
0x9b: {  	s22 =	simm.s32 $0x1BFF;
	s21 =	sshll.u32 s6, $0x1;
	s3 =	sadd.s32 s4, s19  }
0x9c: {  	s7 =	simm.s32 $0x0;
	s20 =	sshll.u32 s5, $0x1;
	s5 =	sadd.s32 s21, s3  }
0x9d: {  	[timem:s7], [sflag:s22] =	dma.local [hbm:s5], s20  }
0x9e: {  	_ =	swait.ge [sflag:s22], s20  }
0x9f: {  	s4 =	ssub.s32 $0x0, s20;
	[sflag:s22] =	ssyncset.done $0x0  }
0xa0: {  	[sflag:s22] =	ssyncadd.s32 s4;
	_ =	sdelay $0x1  }
0xa1: {  	s23 =	simm.s32 $0x1B8B  }
0xa2: {  	_ =	swait.ge [sflag:s23], $0x1  }
0xa3: {  	[sflag:s23] =	ssyncset.done $0x0  }
0xa4: {  	s25 =	simm.s32 $0x1B8E;
	s24 =	sld [smem:$0x3FFE];
	[sflag:s23] =	ssyncadd.s32 $0xFFFFFFFF  }
0xa5: {  	s26 =	simm.s32 $execute0_lowered;
	[smem:$0x3FD2] =	sst s25  }
0xa6: {  	s5 =	sshll.u32 s26, $0x1;
	_ =	strace $0x80000049;
	[dreg:$0x1] =	wrdreg $0xFFFFFFFF  }
0xa7: {  	s28 =	simm.s32 $_size_execute0_lowered;
	s3 =	sadd.s32 s3, s5;
	[dreg:$0x0] =	wrdreg $0x0  }
0xa8: {  	s5 =	sshll.u32 s28, $0x1;
	[dreg:$0x2] =	wrdreg s3  }
0xa9: {  	[dreg:$0x3] =	wrdreg s5  }
0xaa: {  	[dreg:$0x4] =	wrdreg $0xC0  }
0xab: {  	_ =	task [dreg:s7], $0x5FFFF  }
0xac: {  	[dreg:$0x1] =	wrdreg $0xFFFFFFFF  }
0xad: {  	[dreg:$0x0] =	wrdreg $0x60  }
0xae: {  	[dreg:$0x2] =	wrdreg s24  }
0xaf: {  	[dreg:$0x3] =	wrdreg s2  }
0xb0: {  	[dreg:$0x4] =	wrdreg $0xB0000  }
0xb1: {  	[dreg:$0x5] =	wrdreg $0x9  }
0xb2: {  	_ =	task.clear_ibuf [dreg:s7], $0x6FFFF;
	_ =	strace $0x90000049  }
0xb3: {  	s29 =	simm.s32 $0x9;
	_ =	strace $0x8000004B  }
0xb4: {  	_ =	swait.ge [sflag:s29], $0x1  }
0xb5: {  	[sflag:s29] =	ssyncadd.s32 $0xFFFFFFFF  }
0xb6: {  	_ =	strace $0x9000004B  }
0xb7: {  	_ =	sfence  }
0xb8: {  	s30 =	sld [smem:$0x0];
	_ =	sdelay $0x2  }
0xb9: {  	s31 =	sshll.u32 s1, $0xD;
	s1 =	sshrl.u32 s1, $0x2  }
0xba: {  	s3 =	sand.u32 $0x4000, s31;
	s1 =	sadd.s32 s1, s30  }
0xbb: {  	s0 =	sor.u32 s3, s0;
	s1 =	sshll.u32 s1, $0x11  }
0xbc: {  	s0 =	sor.u32 s1, s0  }
0xbd: {  	s0 =	sadd.s32 $0x8F2B, s0  }
0xbe: {  	[sflag:s0] =	ssyncadd.remote.s32 $0x1  }
0xbf: {  	_ =	sfence.sel $0xFFFF  }
0xc0: {  	[dreg:$0x0] =	wrdreg $0xFFFFFFFF;
	(pc) =	sbr.abs _section_cstart, $3  }
0xc1: {  	[dreg:$0x1] =	wrdreg $0xFFFFFFFF  }
0xc2: {  	_ =	task.clear_ibuf [dreg:s7], $0x2FFFF;
	_ =	strace $0x9FFFFFFF  }
0xc3: {  	(tm) =	ssettm $0x7FFFFFFF  }
tec
execute0_lowered:
.L_overlay_start_1:
0x0: {  	(tag) =	ssettag $0x1  }
0x1: {  	s0 =	rddreg [dreg:$0x0]  }
0x2: {  	s2 =	rddreg [dreg:$0x1]  }
0x3: {  	s1 =	srdreg.scid;
	s6 =	stileid.u32  }
0x4: {  	s3 =	rddreg [dreg:$0x2];
	s4 =	simm.s32 $0x0;
	s8 =	smul.u32 $0x14000, s6  }
0x5: {  	s19 =	simm.s32 $0x4;
	s28 =	simm.s32 $0x2;
	s10 =	smul.u32 $0x2800, s6  }
0x6: {  	s29 =	simm.s32 $0x0;
	s1 =	sand.u32 $0x1, s1;
	s20 =	smul.u32 $0x50000, s6  }
0x7: {  	[smem:$0x7FF] =	sst s4;
	s5 =	sadd.s32 $0x5000, s0;
	s7 =	smul.u32 $0x140000, s1  }
0x8: {  	s11 =	sadd.s32 $0x2D000, s0;
	s9 =	smul.u32 $0x28000, s1;
	s1 =	ssub.s32 $0x2, s1  }
0x9: {  	_ =	strace $0x8000004A;
	[dreg:$0x4] =	wrdreg s11;
	s22 =	sshrl.u32 s1, $0x1  }
0xa: {  	s23 =	sshrl.u32 s20, $0x2;
	s7 =	sadd.s32 s8, s7;
	s1 =	ssub.s32 s1, s22  }
0xb: {  	s8 =	sshrl.u32 s7, $0x3;
	s7 =	sadd.s32 s10, s9;
	s10 =	sadd.s32 s23, s3  }
0xc: {  	s0 =	sadd.s32 s8, s0;
	s21 =	sshrl.u32 s7, $0x3;
	s30 =	sadd.s32 $0x4000, s10  }
0xd: {  	s31 =	sadd.s32 $0x8000, s10;
	s8 =	sadd.s32 s2, s21;
	[dreg:$0x8] =	wrdreg s30  }
0xe: {  	s18 =	smax.u32 s1, $0x1;
	[dreg:$0x9] =	wrdreg s31;
	s24 =	sadd.s32 $0xA000, s8  }
0xf: {  	s23 =	simm.s32 $0x3000;
	s25 =	sadd.s32 $0x100, s8;
	[dreg:$0x5] =	wrdreg s24  }
0x10: {  	s15 =	sadd.s32 $0xC000, s10;
	s26 =	sadd.s32 $0xA100, s8;
	[dreg:$0x6] =	wrdreg s25  }
0x11: {  	s16 =	sadd.s32 $0x10000, s10;
	s17 =	sadd.s32 $0x2D800, s0;
	[dreg:$0x7] =	wrdreg s26  }
0x12: {  	s24 =	simm.s32 $0x80;
	s25 =	simm.s32 $0x1;
	s26 =	simm.s32 $0x7000  }
.LBB2_1:
0x13: {  	[tilespmem:s4], [sflag:$0x4] =	stream.linear.gather [hbm4b:s8+s4], $0x800, $0x38;
	[tilespmem:$0x1F000] =	vst v63  }
0x14: {  	_ =	swait.ge [sflag:s19], $0x800  }
0x15: {  	[sflag:s19] =	ssyncset.done $0x0  }
0x16: {  	s1 =	simm.s32 $0x1800;
	s0 =	rddreg [dreg:$0x5];
	[sflag:s19] =	ssyncadd.s32 $0xFFFFF800  }
0x17: {  	[tilespmem:s1], [sflag:$0x4] =	stream.linear.gather [hbm4b:s0+s4], $0x800, $0x38;
	[tilespmem:$0x1F000] =	vst v63  }
0x18: {  	_ =	swait.ge [sflag:s19], $0x800  }
0x19: {  	[sflag:s19] =	ssyncset.done $0x0  }
0x1a: {  	s9 =	simm.s32 $0x800;
	s6 =	rddreg [dreg:$0x6];
	[sflag:s19] =	ssyncadd.s32 $0xFFFFF800  }
0x1b: {  	[tilespmem:s9], [sflag:$0x3] =	stream.linear.gather [hbm4b:s6+s4], $0x800, $0x38;
	[tilespmem:$0x1F000] =	vst v63  }
0x1c: {  	s12 =	simm.s32 $0x2000;
	s11 =	rddreg [dreg:$0x7]  }
0x1d: {  	[tilespmem:s12], [sflag:$0x3] =	stream.linear.gather [hbm4b:s11+s4], $0x800, $0x38;
	[tilespmem:$0x1F000] =	vst v63  }
0x1e: {  	s13 =	rddreg [dreg:$0x4]  }
0x1f: {  	[tilespmem:s23], [sflag:$0x4] =	stream.linear.gather [hbm4b:s13+s4], $0x4000, $0x38;
	[tilespmem:$0x1F000] =	vst v63  }
0x20: {  	_ =	swait.ge [sflag:s19], $0x4000  }
0x21: {  	[sflag:s19] =	ssyncset.done $0x0  }
0x22: {  	[sflag:s19] =	ssyncadd.s32 $0xFFFFC000  }
0x23: {  	[spmem:s10] =	stream.linear.scatter [tilespmem:s23], [sflag:$0x4], $0x4000, $0x38;
	[tilespmem:$0x1F000] =	vst v63  }
0x24: {  	_ =	swait.ge [sflag:s19], $0x4000  }
0x25: {  	[sflag:s19] =	ssyncset.done $0x0  }
0x26: {  	s14 =	rddreg [dreg:$0x8];
	[sflag:s19] =	ssyncadd.s32 $0xFFFFC000  }
0x27: {  	[spmem:s14] =	stream.linear.scatter [tilespmem:s23], [sflag:$0x4], $0x4000, $0x38;
	[tilespmem:$0x1F000] =	vst v63  }
0x28: {  	_ =	swait.ge [sflag:s19], $0x4000  }
0x29: {  	[sflag:s19] =	ssyncset.done $0x0  }
0x2a: {  	s20 =	rddreg [dreg:$0x9];
	[sflag:s19] =	ssyncadd.s32 $0xFFFFC000  }
0x2b: {  	[spmem:s20] =	stream.linear.scatter [tilespmem:s23], [sflag:$0x4], $0x4000, $0x38;
	[tilespmem:$0x1F000] =	vst v63  }
0x2c: {  	_ =	swait.ge [sflag:s19], $0x4000  }
0x2d: {  	[sflag:s19] =	ssyncset.done $0x0  }
0x2e: {  	[sflag:s19] =	ssyncadd.s32 $0xFFFFC000  }
0x2f: {  	[spmem:s15] =	stream.linear.scatter [tilespmem:s23], [sflag:$0x4], $0x4000, $0x38;
	[tilespmem:$0x1F000] =	vst v63  }
0x30: {  	_ =	swait.ge [sflag:s19], $0x4000  }
0x31: {  	p0 =	por $0x0, $0x0;
	[sflag:s19] =	ssyncset.done $0x0  }
0x32: {  	p1 =	por $0x1, $0x1;
	s21 =	sand.u32 $0x700, s4;
	[sflag:s19] =	ssyncadd.s32 $0xFFFFC000  }
0x33: {  	[spmem:s16] =	stream.linear.scatter [tilespmem:s23], [sflag:$0x4], $0x4000, $0x38;
	[tilespmem:$0x1F000] =	vst v63  }
0x34: {  	s0 =	simm.s32 $0x0;
	s1 =	simm.s32 $0xFFFFFFFD;
	_ =	swait.ge [sflag:s19], $0x4000  }
0x35: {  	s1 =	smov.u32 @p1 s0;
	s20 =	sand.u32 @!p0 $0xE, s28;
	[sflag:s19] =	ssyncset.done $0x0  }
0x36: {  	s1 =	sshll.u32 s1, $0xB;
	p2 =	sne.s32 @!p0 s20, $0x0;
	[sflag:s19] =	ssyncadd.s32 $0xFFFFC000  }
0x37: {  	s30 =	sor.u32 s1, s21;
	p1 =	por p2, p0;
	[bflag:$0x0] =	sbarrier.arrive $0xFFFF  }
0x38: {  	[tilespmem:s23], [sflag:$0x1] =	stream.indirect.gather [hbm4b:s5+s24], $0x80, s4, s24, $0xb8;
	[tilespmem:$0x1F000] =	vst v63  }
0x39: {  	s1 =	sand.u32 $0x3FFFF800, s1;
	p3 =	por @!p1 $0x0, $0x0;
	_ =	swait.ge [sflag:s25], $0x4000  }
0x3a: {  	s30 =	sor.u32 $0x80, s30;
	p2 =	por @!p0 p3, p2;
	[sflag:s25] =	ssyncset.done $0x0  }
0x3b: {  	s0 =	sor.u32 s21, s1;
	p2 =	por p2, p0;
	[sflag:s25] =	ssyncadd.s32 $0xFFFFC000  }
0x3c: {  	[tilespmem:s26], [sflag:$0x2] =	stream.indirect.gather [hbm4b:s5+s24], $0x80, s30, s24, $0xb8;
	[tilespmem:$0x1F000] =	vst v63  }
0x3d: {  	s0 =	sadd.s32 $0x1800, s0;
	s1 =	simm.s32 @!p2 $0x1  }
0x3e: {  	[spmem:s3] =	stream.indirect.scatter.add.f32 [tilespmem:s23], [sflag:$0x4], $0x80, s0, s24, $0xb8;
	[tilespmem:$0x1F000] =	vst v63  }
0x3f: {  	s0 =	smul.u32 @!p2 $0xAB, s1;
	_ =	swait.ge [sflag:s19], $0x4000  }
0x40: {  	[sflag:s19] =	ssyncset.done $0x0  }
0x41: {  	s1 =	simm.s32 @!p1 $0x3;
	s0 =	sshrl.u32 @!p2 s0, $0x9;
	[sflag:s19] =	ssyncadd.s32 $0xFFFFC000  }
0x42: {  	s0 =	sand.u32 @!p2 $0x7F, s0;
	_ =	swait.ge @!p1 [sflag:s1], $0x800  }
0x43: {  	s0 =	smul.u32 @!p2 $0x3, s0;
	[sflag:s1] =	ssyncset.done @!p1 $0x0  }
0x44: {  	s31 =	sadd.s32 @!p2 $0x800, s7;
	[sflag:s1] =	ssyncadd.s32 @!p1 $0xFFFFF800  }
0x45: {  	s31 =	sshrl.u32 @!p2 s31, $0x3;
	s0 =	ssub.s32 @!p2 $0x1, s0;
	_ =	swait.ge @!p1 [sflag:s1], $0x800  }
0x46: {  	s31 =	sadd.s32 @!p2 s2, s31;
	s0 =	sand.u32 @!p2 $0xFF, s0;
	[sflag:s1] =	ssyncset.done @!p1 $0x0  }
0x47: {  	s0 =	sshll.u32 @!p2 s0, $0xB;
	[sflag:s1] =	ssyncadd.s32 @!p1 $0xFFFFF800;
	s1 =	simm.s32 @!p2 $0x0  }
0x48: {  	[tilespmem:s0], [sflag:$0x3] =	stream.linear.gather @!p2 [hbm4b:s31+s1], $0x800, $0x38;
	[tilespmem:$0x1F000] =	vst v63  }
0x49: {  	s31 =	sadd.s32 @!p2 $0xA000, s31;
	s0 =	sadd.s32 @!p2 $0x1800, s0  }
0x4a: {  	[tilespmem:s0], [sflag:$0x3] =	stream.linear.gather @!p2 [hbm4b:s31+s1], $0x800, $0x38;
	[tilespmem:$0x1F000] =	vst v63  }
0x4b: {  	s0 =	simm.s32 $0x400  }
0x4c: {  	p1 =	por @!p0 $0x1, $0x1;
	s0 =	sand.u32 @!p0 $0x1E000, s0  }
0x4d: {  	p1 =	por !p1, p0;
	s1 =	sadd.s32 @!p0 $0xFFFFA000, s0  }
0x4e: {  	s0 =	smov.u32 @p1 s1  }
0x4f: {  	s1 =	sshll.u32 @!p0 s20, $0x7;
	s0 =	sshra.s32 @!p0 s0, $0x2  }
0x50: {  	s20 =	simm.s32 @!p0 $0x3000;
	s0 =	sor.u32 @!p0 s1, s0;
	s1 =	simm.s32 @!p0 $0x80  }
0x51: {  	[tilespmem:s20], [sflag:$0x1] =	stream.indirect.gather @!p0 [hbm4b:s5+s1], $0x80, s0, s1, $0xb8;
	[tilespmem:$0x1F000] =	vst v63  }
0x52: {  	s22 =	sadd.s32 $0x1800, s30;
	_ =	swait.ge [sflag:s28], $0x4000  }
0x53: {  	s30 =	simm.s32 $0x1;
	s31 =	simm.s32 $0x4;
	[sflag:s28] =	ssyncset.done $0x0  }
0x54: {  	s0 =	simm.s32 $0x800;
	s1 =	simm.s32 $0x0;
	[sflag:s28] =	ssyncadd.s32 $0xFFFFC000  }
0x55: {  	[spmem:s3] =	stream.indirect.scatter.add.f32 [tilespmem:s26], [sflag:$0x4], $0x80, s22, s24, $0xb8;
	[tilespmem:$0x1F000] =	vst v63  }
.LBB2_2:
0x56: {  	_ =	swait.ge [sflag:s19], $0x4000  }
0x57: {  	s1 =	sadd.s32 $0x100, s1;
	s21 =	smov.u32 s30;
	s30 =	sadd.s32 $0x1, s30  }
0x58: {  	p0 =	sne.s32 s30, $0x28;
	[sflag:s19] =	ssyncset.done $0x0  }
0x59: {  	s20 =	sshrl.u32 s21, $0x3;
	p1 =	seq.s32 s21, $0x27;
	[sflag:s19] =	ssyncadd.s32 $0xFFFFC000  }
0x5a: {  	p2 =	slt.u32 s21, $0x18;
	s22 =	sadd.s32 $0xFFFFFFFD, s20;
	s6 =	sand.u32 @!p1 $0xE, s31  }
0x5b: {  	s9 =	sand.u32 $0x700, s1;
	s22 =	smov.u32 @p2 s20;
	p3 =	sne.s32 @!p1 s6, $0x0  }
0x5c: {  	s20 =	sshll.u32 s22, $0xB;
	p2 =	por p3, p1;
	_ =	swait.ge [sflag:s25], $0x4000  }
0x5d: {  	s22 =	sor.u32 s20, s9;
	s11 =	sand.u32 $0x3FFFF800, s20;
	p4 =	sgt.u32 @!p2 s21, $0x1E  }
0x5e: {  	s20 =	sor.u32 $0x80, s22;
	s9 =	sor.u32 s9, s11;
	p3 =	por @!p1 p4, p3  }
0x5f: {  	s9 =	sadd.s32 $0x1800, s9;
	p3 =	por p3, p1;
	[sflag:s25] =	ssyncset.done $0x0  }
0x60: {  	p4 =	slt.u32 @!p1 s21, $0x17;
	s11 =	sshrl.u32 @!p3 s31, $0x4;
	[sflag:s25] =	ssyncadd.s32 $0xFFFFC000  }
0x61: {  	[tilespmem:s26], [sflag:$0x2] =	stream.indirect.gather [hbm4b:s5+s24], $0x80, s20, s24, $0xb8;
	[tilespmem:$0x1F000] =	vst v63  }
0x62: {  	s21 =	sand.u32 @!p1 $0x1E000, s0;
	p4 =	por !p4, p1;
	s11 =	sadd.s32 @!p3 $0x1, s11  }
0x63: {  	[spmem:s3] =	stream.indirect.scatter.add.f32 [tilespmem:s23], [sflag:$0x4], $0x80, s9, s24, $0xb8;
	[tilespmem:$0x1F000] =	vst v63  }
0x64: {  	s22 =	smul.u32 @!p3 $0xAB, s11;
	s9 =	sshll.u32 @!p3 s11, $0xB;
	_ =	swait.ge [sflag:s19], $0x4000  }
0x65: {  	s12 =	simm.s32 @!p2 $0x3;
	s9 =	sadd.s32 @!p3 s7, s9;
	[sflag:s19] =	ssyncset.done $0x0  }
0x66: {  	s22 =	sshrl.u32 @!p3 s22, $0x9;
	s9 =	sshrl.u32 @!p3 s9, $0x3;
	[sflag:s19] =	ssyncadd.s32 $0xFFFFC000  }
0x67: {  	s22 =	sand.u32 @!p3 $0x7F, s22;
	s9 =	sadd.s32 @!p3 s2, s9;
	_ =	swait.ge @!p2 [sflag:s12], $0x800  }
0x68: {  	s22 =	smul.u32 @!p3 $0x3, s22;
	s13 =	sadd.s32 @!p3 $0xA000, s9;
	[sflag:s12] =	ssyncset.done @!p2 $0x0  }
0x69: {  	s6 =	sshll.u32 @!p1 s6, $0x7;
	s14 =	sadd.s32 @!p1 $0xFFFFA000, s21;
	[sflag:s12] =	ssyncadd.s32 @!p2 $0xFFFFF800  }
0x6a: {  	s21 =	smov.u32 @p4 s14;
	s11 =	ssub.s32 @!p3 s11, s22;
	_ =	swait.ge @!p2 [sflag:s12], $0x800  }
0x6b: {  	s14 =	sshra.s32 @!p1 s21, $0x2;
	s11 =	sand.u32 @!p3 $0xFF, s11;
	[sflag:s12] =	ssyncset.done @!p2 $0x0  }
0x6c: {  	s11 =	sshll.u32 @!p3 s11, $0xB;
	[sflag:s12] =	ssyncadd.s32 @!p2 $0xFFFFF800;
	s12 =	simm.s32 @!p3 $0x0  }
0x6d: {  	[tilespmem:s11], [sflag:$0x3] =	stream.linear.gather @!p3 [hbm4b:s9+s12], $0x800, $0x38;
	[tilespmem:$0x1F000] =	vst v63  }
0x6e: {  	s9 =	sadd.s32 @!p3 $0x1800, s11  }
0x6f: {  	[tilespmem:s9], [sflag:$0x3] =	stream.linear.gather @!p3 [hbm4b:s13+s12], $0x800, $0x38;
	[tilespmem:$0x1F000] =	vst v63  }
0x70: {  	s6 =	sor.u32 @!p1 s6, s14;
	s11 =	simm.s32 @!p1 $0x3000;
	s9 =	simm.s32 @!p1 $0x80  }
0x71: {  	[tilespmem:s11], [sflag:$0x1] =	stream.indirect.gather @!p1 [hbm4b:s5+s9], $0x80, s6, s9, $0xb8;
	[tilespmem:$0x1F000] =	vst v63  }
.Ltmp0:
0x72: {  	_ = 	snop;
	(pc) =	sbr.rel @p0 .LBB2_2-.Ltmp0, $4  }
0x73: {  	_ =	swait.ge [sflag:s28], $0x4000  }
0x74: {  	s31 =	sadd.s32 $0x2, s31;
	[sflag:s28] =	ssyncset.done $0x0  }
0x75: {  	s0 =	sadd.s32 $0x400, s0;
	s6 =	sadd.s32 $0x1800, s20;
	[sflag:s28] =	ssyncadd.s32 $0xFFFFC000  }
0x76: {  	[spmem:s3] =	stream.indirect.scatter.add.f32 [tilespmem:s26], [sflag:$0x4], $0x80, s6, s24, $0xb8;
	[tilespmem:$0x1F000] =	vst v63  }
0x77: {  	_ =	swait.ge [sflag:s19], $0x4000;
	s0 =	stileid.u32  }
0x78: {  	s1 =	sshrl.u32 s10, $0x3;
	s29 =	sadd.s32 $0x1, s29;
	[sflag:s19] =	ssyncset.done $0x0  }
0x79: {  	s0 =	sshll.u32 s0, $0x6;
	p0 =	sne.s32 s29, s18;
	[sflag:s19] =	ssyncadd.s32 $0xFFFFC000  }
.Ltmp1:
0x7a: {  	s0 =	sor.u32 $0x1C04, s0;
	[bflag:$0x0] =	sbarrier.arrive $0xFFFF;
	(pc) =	sbr.rel @p0 .LBB2_1-.Ltmp1, $4  }
0x7b: {  	[hbm:s17], [sflag:s0] =	dma.local [spmem:s1], $0x2800  }
0x7c: {  	_ =	swait.ge [sflag:s19], $0x2800  }
0x7d: {  	[sflag:s19] =	ssyncset.done $0x0  }
0x7e: {  	[sflag:s19] =	ssyncadd.s32 $0xFFFFD800  }
0x7f: {  	_ =	sfence.sel $0x180000  }
0x80: {  	[bflag:$0x0] =	sbarrier.arrive $0xFFFF  }
0x81: {  	_ =	strace $0x9000004A  }
0x82: {  	s0 =	stileid.u32;
	[bflag:$0x2] =	sbarrier.arrive $0xFFFF  }
0x83: {  	p0 =	sne.s32 s0, $0x0;
	s0 =	rddreg [dreg:$0x3]  }
0x84: {  	s0 =	sadd.s32 @!p0 $0x100000, s0  }
0x85: {  	[sflag:s0] =	ssyncadd.tile.s32 @!p0 $0x1;
	_ =	shalt  }
.Lfunc_end2:
_tile_overlayer_lowered:
.L_overlay_start_2:
0x86: {  	(tag) =	ssettag $0x2  }
0x87: {  	s0 =	rddreg [dreg:$0x0];
	s2 =	stileid.u32  }
0x88: {  	s1 =	rddreg [dreg:$0x1];
	p0 =	sne.s32 s2, $0x0  }
0x89: {  	s3 =	rddreg [dreg:$0x2];
	[bflag:$0x3] =	sbarrier.arrive $0xFFFF;
	s2 =	simm.s32 @!p0 $0x1C04  }
0x8a: {  	[timem:s3], [sflag:s2] =	dma.local @!p0 [hbm:s0], s1  }
0x8b: {  	s0 =	simm.s32 @!p0 $0x4  }
0x8c: {  	_ =	swait.ge @!p0 [sflag:s0], s1  }
0x8d: {  	s1 =	ssub.s32 @!p0 $0x0, s1;
	[sflag:s0] =	ssyncset.done @!p0 $0x0  }
0x8e: {  	[sflag:s0] =	ssyncadd.s32 @!p0 s1  }
0x8f: {  	[bflag:$0x3] =	sbarrier.arrive $0xFFFF  }
0x90: {  	_ =	shalt  }

// kernel: kernel.20.cloned.1.call-start
scs
__scs_entry_jumppad:
0x0: {  	(pc) =	sbr.rel $0x88, $3  }
0x1: {  	(tag) =	ssettag $0x0;
	lr =	simm.s32 $0x1  }
0x2: {  	[smem:$0x3F95] =	sst lr;
	_ =	strace $0xD0000000  }
0x3: {  	_ = 	snop  }
0x4: {  	_ = 	snop  }
0x5: {  	_ = 	snop  }
0x6: {  	_ = 	snop  }
0x7: {  	_ = 	snop  }
__scs_overlays_trampoline_lowered:
0x8: {  	[smem:$0x3FA4] =	sst s0  }
0x9: {  	[smem:$0x3FA5] =	sst s1  }
0xa: {  	[smem:$0x3FA6] =	sst s2  }
0xb: {  	[smem:$0x3FA7] =	sst s3  }
0xc: {  	[smem:$0x3FA8] =	sst s4  }
0xd: {  	[smem:$0x3FA9] =	sst s5  }
0xe: {  	[smem:$0x3FAA] =	sst s6  }
0xf: {  	[smem:$0x3FAB] =	sst s7  }
0x10: {  	[smem:$0x3FAC] =	sst s8  }
0x11: {  	[smem:$0x3FAD] =	sst s9;
	s0 =	simm.s32 @!p0 $0x0  }
0x12: {  	s1 =	sld [smem:$0x3F93];
	s0 =	simm.s32 @p0 $0x1  }
0x13: {  	[smem:$0x3FAE] =	sst s0;
	s0 =	simm.s32 @!p1 $0x0  }
0x14: {  	s2 =	sld [smem:$0x3F92];
	s0 =	simm.s32 @p1 $0x1  }
0x15: {  	[smem:$0x3FAF] =	sst s0;
	s0 =	simm.s32 @!p2 $0x0  }
0x16: {  	s3 =	sld [smem:$0x3FDB];
	s0 =	simm.s32 @p2 $0x1  }
0x17: {  	s4 =	simm.s32 $0x1BF5;
	[smem:$0x3FB1] =	sst s0  }
0x18: {  	s0 =	sld [smem:$0x3F94];
	_ =	swait.ge [sflag:s4], $0x0  }
0x19: {  	s7 =	sld [smem:$0x3F95]  }
0x1a: {  	s8 =	sadd.s32 $0xFFFFE003, lr  }
0x1b: {  	s9 =	sadd.s32 $0xFFFFFEF7, lr;
	s5 =	simm.s32 $0xFFFFFFFF;
	p2 =	slt.u32 s8, $0xFFFFF086  }
0x1c: {  	p1 =	slt.u32 s9, $0xF7A;
	s5 =	simm.s32 @!p2 $0x0  }
0x1d: {  	s5 =	simm.s32 @p1 $0x1;
	p0 =	seq.s32 s7, s2  }
0x1e: {  	s7 =	smul.u32 @!p0 $0xF7A, s2;
	p2 =	seq.s32 @!p0 s5, $0x0  }
0x1f: {  	s9 =	smul.u32 $0xF7A, s1;
	s8 =	simm.s32 @!p0 $0x1BF5;
	p2 =	por !p2, p0  }
0x20: {  	[sflag:s8] =	ssyncset.s32 @!p0 $0xFFFFF086;
	s6 =	sadd.s32 @!p0 s3, s7;
	s7 =	simm.s32 @!p0 $0x108  }
0x21: {  	s3 =	sadd.s32 s3, s9;
	s6 =	sadd.s32 @!p0 $0x88, s6;
	s7 =	simm.s32 @p2 $0x1082  }
0x22: {  	[simem:s7], [sflag:s8] =	dma.local @!p0 [hbm:s6], $0xF7A  }
0x23: {  	s9 =	sor.u32 $0xD0000000, s2;
	s6 =	simm.s32 $0x108;
	_ =	swait.ge @!p0 [sflag:s8], $0x0  }
0x24: {  	s3 =	sadd.s32 $0x88, s3;
	s6 =	simm.s32 @!p1 $0x1082;
	[sflag:s4] =	ssyncset.s32 $0xFFFFF086  }
0x25: {  	[simem:s6], [sflag:s4] =	dma.local [hbm:s3], $0xF7A  }
0x26: {  	[smem:$0x3F95] =	sst s1;
	(tag) =	ssettag s2;
	_ =	strace s9  }
0x27: {  	s1 =	sld [smem:$0x3FA5]  }
0x28: {  	s2 =	sld [smem:$0x3FA6]  }
0x29: {  	s4 =	sld [smem:$0x3FA8]  }
0x2a: {  	p0 =	seq.s32 s5, $0x0;
	s5 =	sld [smem:$0x3FA9]  }
0x2b: {  	s6 =	sld [smem:$0x3FAA]  }
0x2c: {  	s7 =	sld [smem:$0x3FAB]  }
0x2d: {  	s3 =	simm.s32 $0x108;
	s8 =	sld [smem:$0x3FAC]  }
0x2e: {  	s3 =	simm.s32 @!p0 $0x1082;
	s9 =	sld [smem:$0x3FAD]  }
0x2f: {  	lr =	sadd.s32 s0, s3;
	s0 =	sld [smem:$0x3FA4]  }
0x30: {  	s3 =	sld [smem:$0x3FA7]  }
0x31: {  	[smem:$0x3FB0] =	sst s10  }
0x32: {  	s10 =	sld [smem:$0x3FAE];
	_ =	sdelay $0x3  }
0x33: {  	p0 =	seq.s32 s10, $0x1;
	s10 =	sld [smem:$0x3FB0];
	_ =	sdelay $0x3  }
0x34: {  	[smem:$0x3FB0] =	sst s10  }
0x35: {  	s10 =	sld [smem:$0x3FAF];
	_ =	sdelay $0x3  }
0x36: {  	p1 =	seq.s32 s10, $0x1;
	s10 =	sld [smem:$0x3FB0];
	_ =	sdelay $0x3  }
0x37: {  	[smem:$0x3FB0] =	sst s10  }
0x38: {  	s10 =	sld [smem:$0x3FB1]  }
0x39: {  	_ = 	snop;
	(pc) =	sbr.ind lr, $3  }
0x3a: {  	_ = 	snop  }
0x3b: {  	_ = 	snop  }
0x3c: {  	p2 =	seq.s32 s10, $0x1;
	s10 =	sld [smem:$0x3FB0]  }
0x3d: {  	_ =	shalt  }
0x3e: {  	_ =	shalt  }
0x3f: {  	_ =	shalt  }
0x40: {  	_ =	shalt  }
0x41: {  	_ =	shalt  }
0x42: {  	_ =	shalt  }
0x43: {  	_ =	shalt  }
0x44: {  	_ =	shalt  }
0x45: {  	_ =	shalt  }
0x46: {  	_ =	shalt  }
0x47: {  	_ =	shalt  }
0x48: {  	_ =	shalt  }
0x49: {  	_ =	shalt  }
0x4a: {  	_ =	shalt  }
0x4b: {  	_ =	shalt  }
0x4c: {  	_ =	shalt  }
0x4d: {  	_ =	shalt  }
0x4e: {  	_ =	shalt  }
0x4f: {  	_ =	shalt  }
0x50: {  	_ =	shalt  }
0x51: {  	_ =	shalt  }
0x52: {  	_ =	shalt  }
0x53: {  	_ =	shalt  }
0x54: {  	_ =	shalt  }
0x55: {  	_ =	shalt  }
0x56: {  	_ =	shalt  }
0x57: {  	_ =	shalt  }
0x58: {  	_ =	shalt  }
0x59: {  	_ =	shalt  }
0x5a: {  	_ =	shalt  }
0x5b: {  	_ =	shalt  }
0x5c: {  	_ =	shalt  }
0x5d: {  	_ =	shalt  }
0x5e: {  	_ =	shalt  }
0x5f: {  	_ =	shalt  }
0x60: {  	_ =	shalt  }
0x61: {  	_ =	shalt  }
0x62: {  	_ =	shalt  }
0x63: {  	_ =	shalt  }
0x64: {  	_ =	shalt  }
0x65: {  	_ =	shalt  }
0x66: {  	_ =	shalt  }
0x67: {  	_ =	shalt  }
0x68: {  	_ =	shalt  }
0x69: {  	_ =	shalt  }
0x6a: {  	_ =	shalt  }
0x6b: {  	_ =	shalt  }
0x6c: {  	_ =	shalt  }
0x6d: {  	_ =	shalt  }
0x6e: {  	_ =	shalt  }
0x6f: {  	_ =	shalt  }
0x70: {  	_ =	shalt  }
0x71: {  	_ =	shalt  }
0x72: {  	_ =	shalt  }
0x73: {  	_ =	shalt  }
0x74: {  	_ =	shalt  }
0x75: {  	_ =	shalt  }
0x76: {  	_ =	shalt  }
0x77: {  	_ =	shalt  }
0x78: {  	_ =	shalt  }
0x79: {  	_ =	shalt  }
0x7a: {  	_ =	shalt  }
0x7b: {  	_ =	shalt  }
0x7c: {  	_ =	shalt  }
0x7d: {  	_ =	shalt  }
0x7e: {  	_ =	shalt  }
0x7f: {  	_ =	shalt  }
0x80: {  	_ =	shalt  }
0x81: {  	_ =	shalt  }
0x82: {  	_ =	shalt  }
0x83: {  	_ =	shalt  }
0x84: {  	_ =	shalt  }
0x85: {  	_ =	shalt  }
0x86: {  	_ =	shalt  }
0x87: {  	_ =	shalt  }
.Lfunc_end0:
.L_simem_size_0:
called_computation.2_lowered:
.L_overlay_start_0:
0x88: {  	s2 =	sld [smem:$0x3FD9]  }
0x89: {  	s3 =	sld [smem:$0x3FFE];
	_ =	sdelay $0x1  }
0x8a: {  	s1 =	srdreg.scid  }
0x8b: {  	s0 =	sand.u32 $0x1, s1  }
0x8c: {  	s17 =	sshll.u32 s0, $0xA;
	s2 =	sadd.s32 s3, s2  }
0x8d: {  	s2 =	sadd.s32 s2, s17  }
0x8e: {  	[smem:$0x3FBC] =	sst s2  }
0x8f: {  	_ = 	snop  }
0x90: {  	s2 =	sld [smem:$0x3FD0];
	(tm) =	ssettm $0x1  }
0x91: {  	s18 =	sld [smem:$0x3FFB];
	_ =	sdelay $0x3  }
0x92: {  	_ =	strace s18  }
0x93: {  	s3 =	sld [smem:$0x3FFC];
	_ =	sdelay $0x3  }
0x94: {  	_ =	strace s3  }
0x95: {  	s3 =	sld [smem:$0x3FFD];
	_ =	sdelay $0x3  }
0x96: {  	_ =	strace s3  }
0x97: {  	_ =	strace $0x8FFFFFFF  }
0x98: {  	s19 =	sld [smem:$0x3FDB];
	_ =	sdelay $0x1  }
0x99: {  	s4 =	simm.s32 $_scs_section_size  }
0x9a: {  	s5 =	simm.s32 $_size__tile_overlayer_lowered;
	s6 =	simm.s32 $_tile_overlayer_lowered  }
0x9b: {  	s22 =	simm.s32 $0x1BFF;
	s21 =	sshll.u32 s6, $0x1;
	s3 =	sadd.s32 s4, s19  }
0x9c: {  	s7 =	simm.s32 $0x0;
	s20 =	sshll.u32 s5, $0x1;
	s5 =	sadd.s32 s21, s3  }
0x9d: {  	[timem:s7], [sflag:s22] =	dma.local [hbm:s5], s20  }
0x9e: {  	_ =	swait.ge [sflag:s22], s20  }
0x9f: {  	s4 =	ssub.s32 $0x0, s20;
	[sflag:s22] =	ssyncset.done $0x0  }
0xa0: {  	[sflag:s22] =	ssyncadd.s32 s4;
	_ =	sdelay $0x1  }
0xa1: {  	s23 =	simm.s32 $0x1B8B  }
0xa2: {  	_ =	swait.ge [sflag:s23], $0x1  }
0xa3: {  	[sflag:s23] =	ssyncset.done $0x0  }
0xa4: {  	s25 =	simm.s32 $0x1B8E;
	s24 =	sld [smem:$0x3FFE];
	[sflag:s23] =	ssyncadd.s32 $0xFFFFFFFF  }
0xa5: {  	s26 =	simm.s32 $execute0_lowered;
	[smem:$0x3FD2] =	sst s25  }
0xa6: {  	s5 =	sshll.u32 s26, $0x1;
	_ =	strace $0x8000004C;
	[dreg:$0x1] =	wrdreg $0xFFFFFFFF  }
0xa7: {  	s28 =	simm.s32 $_size_execute0_lowered;
	s3 =	sadd.s32 s3, s5;
	[dreg:$0x0] =	wrdreg $0x0  }
0xa8: {  	s5 =	sshll.u32 s28, $0x1;
	[dreg:$0x2] =	wrdreg s3  }
0xa9: {  	[dreg:$0x3] =	wrdreg s5  }
0xaa: {  	[dreg:$0x4] =	wrdreg $0xC0  }
0xab: {  	_ =	task [dreg:s7], $0x5FFFF  }
0xac: {  	[dreg:$0x1] =	wrdreg $0xFFFFFFFF  }
0xad: {  	[dreg:$0x0] =	wrdreg $0x60  }
0xae: {  	[dreg:$0x2] =	wrdreg s24  }
0xaf: {  	[dreg:$0x3] =	wrdreg s2  }
0xb0: {  	[dreg:$0x4] =	wrdreg $0xB0000  }
0xb1: {  	[dreg:$0x5] =	wrdreg $0x9  }
0xb2: {  	_ =	task.clear_ibuf [dreg:s7], $0x6FFFF;
	_ =	strace $0x9000004C  }
0xb3: {  	s29 =	simm.s32 $0x9;
	_ =	strace $0x8000004E  }
0xb4: {  	_ =	swait.ge [sflag:s29], $0x1  }
0xb5: {  	[sflag:s29] =	ssyncadd.s32 $0xFFFFFFFF  }
0xb6: {  	_ =	strace $0x9000004E  }
0xb7: {  	_ =	sfence  }
0xb8: {  	s30 =	sld [smem:$0x0];
	_ =	sdelay $0x2  }
0xb9: {  	s31 =	sshll.u32 s1, $0xD;
	s1 =	sshrl.u32 s1, $0x2  }
0xba: {  	s3 =	sand.u32 $0x4000, s31;
	s1 =	sadd.s32 s1, s30  }
0xbb: {  	s0 =	sor.u32 s3, s0;
	s1 =	sshll.u32 s1, $0x11  }
0xbc: {  	s0 =	sor.u32 s1, s0  }
0xbd: {  	s0 =	sadd.s32 $0x8F2B, s0  }
0xbe: {  	[sflag:s0] =	ssyncadd.remote.s32 $0x1  }
0xbf: {  	_ =	sfence.sel $0xFFFF  }
0xc0: {  	[dreg:$0x0] =	wrdreg $0xFFFFFFFF;
	(pc) =	sbr.abs _section_cstart, $3  }
0xc1: {  	[dreg:$0x1] =	wrdreg $0xFFFFFFFF  }
0xc2: {  	_ =	task.clear_ibuf [dreg:s7], $0x2FFFF;
	_ =	strace $0x9FFFFFFF  }
0xc3: {  	(tm) =	ssettm $0x7FFFFFFF  }
tec
execute0_lowered:
.L_overlay_start_1:
0x0: {  	(tag) =	ssettag $0x1  }
0x1: {  	s0 =	rddreg [dreg:$0x0]  }
0x2: {  	s2 =	rddreg [dreg:$0x1]  }
0x3: {  	s1 =	srdreg.scid;
	s6 =	stileid.u32  }
0x4: {  	s3 =	rddreg [dreg:$0x2];
	s4 =	simm.s32 $0x0;
	s8 =	smul.u32 $0x14000, s6  }
0x5: {  	s19 =	simm.s32 $0x4;
	s28 =	simm.s32 $0x2;
	s10 =	smul.u32 $0x2800, s6  }
0x6: {  	s29 =	simm.s32 $0x0;
	s1 =	sand.u32 $0x1, s1;
	s20 =	smul.u32 $0x50000, s6  }
0x7: {  	[smem:$0x7FF] =	sst s4;
	s5 =	sadd.s32 $0x5000, s0;
	s7 =	smul.u32 $0x140000, s1  }
0x8: {  	s11 =	sadd.s32 $0x2D000, s0;
	s9 =	smul.u32 $0x28000, s1;
	s1 =	ssub.s32 $0x2, s1  }
0x9: {  	_ =	strace $0x8000004D;
	[dreg:$0x4] =	wrdreg s11;
	s22 =	sshrl.u32 s1, $0x1  }
0xa: {  	s23 =	sshrl.u32 s20, $0x2;
	s7 =	sadd.s32 s8, s7;
	s1 =	ssub.s32 s1, s22  }
0xb: {  	s8 =	sshrl.u32 s7, $0x3;
	s7 =	sadd.s32 s10, s9;
	s10 =	sadd.s32 s23, s3  }
0xc: {  	s0 =	sadd.s32 s8, s0;
	s21 =	sshrl.u32 s7, $0x3;
	s30 =	sadd.s32 $0x4000, s10  }
0xd: {  	s31 =	sadd.s32 $0x8000, s10;
	s8 =	sadd.s32 s2, s21;
	[dreg:$0x8] =	wrdreg s30  }
0xe: {  	s18 =	smax.u32 s1, $0x1;
	[dreg:$0x9] =	wrdreg s31;
	s24 =	sadd.s32 $0xA000, s8  }
0xf: {  	s23 =	simm.s32 $0x3000;
	s25 =	sadd.s32 $0x100, s8;
	[dreg:$0x5] =	wrdreg s24  }
0x10: {  	s15 =	sadd.s32 $0xC000, s10;
	s26 =	sadd.s32 $0xA100, s8;
	[dreg:$0x6] =	wrdreg s25  }
0x11: {  	s16 =	sadd.s32 $0x10000, s10;
	s17 =	sadd.s32 $0x55800, s0;
	[dreg:$0x7] =	wrdreg s26  }
0x12: {  	s24 =	simm.s32 $0x80;
	s25 =	simm.s32 $0x1;
	s26 =	simm.s32 $0x7000  }
.LBB2_1:
0x13: {  	[tilespmem:s4], [sflag:$0x4] =	stream.linear.gather [hbm4b:s8+s4], $0x800, $0x38;
	[tilespmem:$0x1F000] =	vst v63  }
0x14: {  	_ =	swait.ge [sflag:s19], $0x800  }
0x15: {  	[sflag:s19] =	ssyncset.done $0x0  }
0x16: {  	s1 =	simm.s32 $0x1800;
	s0 =	rddreg [dreg:$0x5];
	[sflag:s19] =	ssyncadd.s32 $0xFFFFF800  }
0x17: {  	[tilespmem:s1], [sflag:$0x4] =	stream.linear.gather [hbm4b:s0+s4], $0x800, $0x38;
	[tilespmem:$0x1F000] =	vst v63  }
0x18: {  	_ =	swait.ge [sflag:s19], $0x800  }
0x19: {  	[sflag:s19] =	ssyncset.done $0x0  }
0x1a: {  	s9 =	simm.s32 $0x800;
	s6 =	rddreg [dreg:$0x6];
	[sflag:s19] =	ssyncadd.s32 $0xFFFFF800  }
0x1b: {  	[tilespmem:s9], [sflag:$0x3] =	stream.linear.gather [hbm4b:s6+s4], $0x800, $0x38;
	[tilespmem:$0x1F000] =	vst v63  }
0x1c: {  	s12 =	simm.s32 $0x2000;
	s11 =	rddreg [dreg:$0x7]  }
0x1d: {  	[tilespmem:s12], [sflag:$0x3] =	stream.linear.gather [hbm4b:s11+s4], $0x800, $0x38;
	[tilespmem:$0x1F000] =	vst v63  }
0x1e: {  	s13 =	rddreg [dreg:$0x4]  }
0x1f: {  	[tilespmem:s23], [sflag:$0x4] =	stream.linear.gather [hbm4b:s13+s4], $0x4000, $0x38;
	[tilespmem:$0x1F000] =	vst v63  }
0x20: {  	_ =	swait.ge [sflag:s19], $0x4000  }
0x21: {  	[sflag:s19] =	ssyncset.done $0x0  }
0x22: {  	[sflag:s19] =	ssyncadd.s32 $0xFFFFC000  }
0x23: {  	[spmem:s10] =	stream.linear.scatter [tilespmem:s23], [sflag:$0x4], $0x4000, $0x38;
	[tilespmem:$0x1F000] =	vst v63  }
0x24: {  	_ =	swait.ge [sflag:s19], $0x4000  }
0x25: {  	[sflag:s19] =	ssyncset.done $0x0  }
0x26: {  	s14 =	rddreg [dreg:$0x8];
	[sflag:s19] =	ssyncadd.s32 $0xFFFFC000  }
0x27: {  	[spmem:s14] =	stream.linear.scatter [tilespmem:s23], [sflag:$0x4], $0x4000, $0x38;
	[tilespmem:$0x1F000] =	vst v63  }
0x28: {  	_ =	swait.ge [sflag:s19], $0x4000  }
0x29: {  	[sflag:s19] =	ssyncset.done $0x0  }
0x2a: {  	s20 =	rddreg [dreg:$0x9];
	[sflag:s19] =	ssyncadd.s32 $0xFFFFC000  }
0x2b: {  	[spmem:s20] =	stream.linear.scatter [tilespmem:s23], [sflag:$0x4], $0x4000, $0x38;
	[tilespmem:$0x1F000] =	vst v63  }
0x2c: {  	_ =	swait.ge [sflag:s19], $0x4000  }
0x2d: {  	[sflag:s19] =	ssyncset.done $0x0  }
0x2e: {  	[sflag:s19] =	ssyncadd.s32 $0xFFFFC000  }
0x2f: {  	[spmem:s15] =	stream.linear.scatter [tilespmem:s23], [sflag:$0x4], $0x4000, $0x38;
	[tilespmem:$0x1F000] =	vst v63  }
0x30: {  	_ =	swait.ge [sflag:s19], $0x4000  }
0x31: {  	p0 =	por $0x0, $0x0;
	[sflag:s19] =	ssyncset.done $0x0  }
0x32: {  	p1 =	por $0x1, $0x1;
	s21 =	sand.u32 $0x700, s4;
	[sflag:s19] =	ssyncadd.s32 $0xFFFFC000  }
0x33: {  	[spmem:s16] =	stream.linear.scatter [tilespmem:s23], [sflag:$0x4], $0x4000, $0x38;
	[tilespmem:$0x1F000] =	vst v63  }
0x34: {  	s0 =	simm.s32 $0x0;
	s1 =	simm.s32 $0xFFFFFFFD;
	_ =	swait.ge [sflag:s19], $0x4000  }
0x35: {  	s1 =	smov.u32 @p1 s0;
	s20 =	sand.u32 @!p0 $0xE, s28;
	[sflag:s19] =	ssyncset.done $0x0  }
0x36: {  	s1 =	sshll.u32 s1, $0xB;
	p2 =	sne.s32 @!p0 s20, $0x0;
	[sflag:s19] =	ssyncadd.s32 $0xFFFFC000  }
0x37: {  	s30 =	sor.u32 s1, s21;
	p1 =	por p2, p0;
	[bflag:$0x0] =	sbarrier.arrive $0xFFFF  }
0x38: {  	[tilespmem:s23], [sflag:$0x1] =	stream.indirect.gather [hbm4b:s5+s24], $0x80, s4, s24, $0xb8;
	[tilespmem:$0x1F000] =	vst v63  }
0x39: {  	s1 =	sand.u32 $0x3FFFF800, s1;
	p3 =	por @!p1 $0x0, $0x0;
	_ =	swait.ge [sflag:s25], $0x4000  }
0x3a: {  	s30 =	sor.u32 $0x80, s30;
	p2 =	por @!p0 p3, p2;
	[sflag:s25] =	ssyncset.done $0x0  }
0x3b: {  	s0 =	sor.u32 s21, s1;
	p2 =	por p2, p0;
	[sflag:s25] =	ssyncadd.s32 $0xFFFFC000  }
0x3c: {  	[tilespmem:s26], [sflag:$0x2] =	stream.indirect.gather [hbm4b:s5+s24], $0x80, s30, s24, $0xb8;
	[tilespmem:$0x1F000] =	vst v63  }
0x3d: {  	s0 =	sadd.s32 $0x1800, s0;
	s1 =	simm.s32 @!p2 $0x1  }
0x3e: {  	[spmem:s3] =	stream.indirect.scatter.add.f32 [tilespmem:s23], [sflag:$0x4], $0x80, s0, s24, $0xb8;
	[tilespmem:$0x1F000] =	vst v63  }
0x3f: {  	s0 =	smul.u32 @!p2 $0xAB, s1;
	_ =	swait.ge [sflag:s19], $0x4000  }
0x40: {  	[sflag:s19] =	ssyncset.done $0x0  }
0x41: {  	s1 =	simm.s32 @!p1 $0x3;
	s0 =	sshrl.u32 @!p2 s0, $0x9;
	[sflag:s19] =	ssyncadd.s32 $0xFFFFC000  }
0x42: {  	s0 =	sand.u32 @!p2 $0x7F, s0;
	_ =	swait.ge @!p1 [sflag:s1], $0x800  }
0x43: {  	s0 =	smul.u32 @!p2 $0x3, s0;
	[sflag:s1] =	ssyncset.done @!p1 $0x0  }
0x44: {  	s31 =	sadd.s32 @!p2 $0x800, s7;
	[sflag:s1] =	ssyncadd.s32 @!p1 $0xFFFFF800  }
0x45: {  	s31 =	sshrl.u32 @!p2 s31, $0x3;
	s0 =	ssub.s32 @!p2 $0x1, s0;
	_ =	swait.ge @!p1 [sflag:s1], $0x800  }
0x46: {  	s31 =	sadd.s32 @!p2 s2, s31;
	s0 =	sand.u32 @!p2 $0xFF, s0;
	[sflag:s1] =	ssyncset.done @!p1 $0x0  }
0x47: {  	s0 =	sshll.u32 @!p2 s0, $0xB;
	[sflag:s1] =	ssyncadd.s32 @!p1 $0xFFFFF800;
	s1 =	simm.s32 @!p2 $0x0  }
0x48: {  	[tilespmem:s0], [sflag:$0x3] =	stream.linear.gather @!p2 [hbm4b:s31+s1], $0x800, $0x38;
	[tilespmem:$0x1F000] =	vst v63  }
0x49: {  	s31 =	sadd.s32 @!p2 $0xA000, s31;
	s0 =	sadd.s32 @!p2 $0x1800, s0  }
0x4a: {  	[tilespmem:s0], [sflag:$0x3] =	stream.linear.gather @!p2 [hbm4b:s31+s1], $0x800, $0x38;
	[tilespmem:$0x1F000] =	vst v63  }
0x4b: {  	s0 =	simm.s32 $0x400  }
0x4c: {  	p1 =	por @!p0 $0x1, $0x1;
	s0 =	sand.u32 @!p0 $0x1E000, s0  }
0x4d: {  	p1 =	por !p1, p0;
	s1 =	sadd.s32 @!p0 $0xFFFFA000, s0  }
0x4e: {  	s0 =	smov.u32 @p1 s1  }
0x4f: {  	s1 =	sshll.u32 @!p0 s20, $0x7;
	s0 =	sshra.s32 @!p0 s0, $0x2  }
0x50: {  	s20 =	simm.s32 @!p0 $0x3000;
	s0 =	sor.u32 @!p0 s1, s0;
	s1 =	simm.s32 @!p0 $0x80  }
0x51: {  	[tilespmem:s20], [sflag:$0x1] =	stream.indirect.gather @!p0 [hbm4b:s5+s1], $0x80, s0, s1, $0xb8;
	[tilespmem:$0x1F000] =	vst v63  }
0x52: {  	s22 =	sadd.s32 $0x1800, s30;
	_ =	swait.ge [sflag:s28], $0x4000  }
0x53: {  	s30 =	simm.s32 $0x1;
	s31 =	simm.s32 $0x4;
	[sflag:s28] =	ssyncset.done $0x0  }
0x54: {  	s0 =	simm.s32 $0x800;
	s1 =	simm.s32 $0x0;
	[sflag:s28] =	ssyncadd.s32 $0xFFFFC000  }
0x55: {  	[spmem:s3] =	stream.indirect.scatter.add.f32 [tilespmem:s26], [sflag:$0x4], $0x80, s22, s24, $0xb8;
	[tilespmem:$0x1F000] =	vst v63  }
.LBB2_2:
0x56: {  	_ =	swait.ge [sflag:s19], $0x4000  }
0x57: {  	s1 =	sadd.s32 $0x100, s1;
	s21 =	smov.u32 s30;
	s30 =	sadd.s32 $0x1, s30  }
0x58: {  	p0 =	sne.s32 s30, $0x28;
	[sflag:s19] =	ssyncset.done $0x0  }
0x59: {  	s20 =	sshrl.u32 s21, $0x3;
	p1 =	seq.s32 s21, $0x27;
	[sflag:s19] =	ssyncadd.s32 $0xFFFFC000  }
0x5a: {  	p2 =	slt.u32 s21, $0x18;
	s22 =	sadd.s32 $0xFFFFFFFD, s20;
	s6 =	sand.u32 @!p1 $0xE, s31  }
0x5b: {  	s9 =	sand.u32 $0x700, s1;
	s22 =	smov.u32 @p2 s20;
	p3 =	sne.s32 @!p1 s6, $0x0  }
0x5c: {  	s20 =	sshll.u32 s22, $0xB;
	p2 =	por p3, p1;
	_ =	swait.ge [sflag:s25], $0x4000  }
0x5d: {  	s22 =	sor.u32 s20, s9;
	s11 =	sand.u32 $0x3FFFF800, s20;
	p4 =	sgt.u32 @!p2 s21, $0x1E  }
0x5e: {  	s20 =	sor.u32 $0x80, s22;
	s9 =	sor.u32 s9, s11;
	p3 =	por @!p1 p4, p3  }
0x5f: {  	s9 =	sadd.s32 $0x1800, s9;
	p3 =	por p3, p1;
	[sflag:s25] =	ssyncset.done $0x0  }
0x60: {  	p4 =	slt.u32 @!p1 s21, $0x17;
	s11 =	sshrl.u32 @!p3 s31, $0x4;
	[sflag:s25] =	ssyncadd.s32 $0xFFFFC000  }
0x61: {  	[tilespmem:s26], [sflag:$0x2] =	stream.indirect.gather [hbm4b:s5+s24], $0x80, s20, s24, $0xb8;
	[tilespmem:$0x1F000] =	vst v63  }
0x62: {  	s21 =	sand.u32 @!p1 $0x1E000, s0;
	p4 =	por !p4, p1;
	s11 =	sadd.s32 @!p3 $0x1, s11  }
0x63: {  	[spmem:s3] =	stream.indirect.scatter.add.f32 [tilespmem:s23], [sflag:$0x4], $0x80, s9, s24, $0xb8;
	[tilespmem:$0x1F000] =	vst v63  }
0x64: {  	s22 =	smul.u32 @!p3 $0xAB, s11;
	s9 =	sshll.u32 @!p3 s11, $0xB;
	_ =	swait.ge [sflag:s19], $0x4000  }
0x65: {  	s12 =	simm.s32 @!p2 $0x3;
	s9 =	sadd.s32 @!p3 s7, s9;
	[sflag:s19] =	ssyncset.done $0x0  }
0x66: {  	s22 =	sshrl.u32 @!p3 s22, $0x9;
	s9 =	sshrl.u32 @!p3 s9, $0x3;
	[sflag:s19] =	ssyncadd.s32 $0xFFFFC000  }
0x67: {  	s22 =	sand.u32 @!p3 $0x7F, s22;
	s9 =	sadd.s32 @!p3 s2, s9;
	_ =	swait.ge @!p2 [sflag:s12], $0x800  }
0x68: {  	s22 =	smul.u32 @!p3 $0x3, s22;
	s13 =	sadd.s32 @!p3 $0xA000, s9;
	[sflag:s12] =	ssyncset.done @!p2 $0x0  }
0x69: {  	s6 =	sshll.u32 @!p1 s6, $0x7;
	s14 =	sadd.s32 @!p1 $0xFFFFA000, s21;
	[sflag:s12] =	ssyncadd.s32 @!p2 $0xFFFFF800  }
0x6a: {  	s21 =	smov.u32 @p4 s14;
	s11 =	ssub.s32 @!p3 s11, s22;
	_ =	swait.ge @!p2 [sflag:s12], $0x800  }
0x6b: {  	s14 =	sshra.s32 @!p1 s21, $0x2;
	s11 =	sand.u32 @!p3 $0xFF, s11;
	[sflag:s12] =	ssyncset.done @!p2 $0x0  }
0x6c: {  	s11 =	sshll.u32 @!p3 s11, $0xB;
	[sflag:s12] =	ssyncadd.s32 @!p2 $0xFFFFF800;
	s12 =	simm.s32 @!p3 $0x0  }
0x6d: {  	[tilespmem:s11], [sflag:$0x3] =	stream.linear.gather @!p3 [hbm4b:s9+s12], $0x800, $0x38;
	[tilespmem:$0x1F000] =	vst v63  }
0x6e: {  	s9 =	sadd.s32 @!p3 $0x1800, s11  }
0x6f: {  	[tilespmem:s9], [sflag:$0x3] =	stream.linear.gather @!p3 [hbm4b:s13+s12], $0x800, $0x38;
	[tilespmem:$0x1F000] =	vst v63  }
0x70: {  	s6 =	sor.u32 @!p1 s6, s14;
	s11 =	simm.s32 @!p1 $0x3000;
	s9 =	simm.s32 @!p1 $0x80  }
0x71: {  	[tilespmem:s11], [sflag:$0x1] =	stream.indirect.gather @!p1 [hbm4b:s5+s9], $0x80, s6, s9, $0xb8;
	[tilespmem:$0x1F000] =	vst v63  }
.Ltmp0:
0x72: {  	_ = 	snop;
	(pc) =	sbr.rel @p0 .LBB2_2-.Ltmp0, $4  }
0x73: {  	_ =	swait.ge [sflag:s28], $0x4000  }
0x74: {  	s31 =	sadd.s32 $0x2, s31;
	[sflag:s28] =	ssyncset.done $0x0  }
0x75: {  	s0 =	sadd.s32 $0x400, s0;
	s6 =	sadd.s32 $0x1800, s20;
	[sflag:s28] =	ssyncadd.s32 $0xFFFFC000  }
0x76: {  	[spmem:s3] =	stream.indirect.scatter.add.f32 [tilespmem:s26], [sflag:$0x4], $0x80, s6, s24, $0xb8;
	[tilespmem:$0x1F000] =	vst v63  }
0x77: {  	_ =	swait.ge [sflag:s19], $0x4000;
	s0 =	stileid.u32  }
0x78: {  	s1 =	sshrl.u32 s10, $0x3;
	s29 =	sadd.s32 $0x1, s29;
	[sflag:s19] =	ssyncset.done $0x0  }
0x79: {  	s0 =	sshll.u32 s0, $0x6;
	p0 =	sne.s32 s29, s18;
	[sflag:s19] =	ssyncadd.s32 $0xFFFFC000  }
.Ltmp1:
0x7a: {  	s0 =	sor.u32 $0x1C04, s0;
	[bflag:$0x0] =	sbarrier.arrive $0xFFFF;
	(pc) =	sbr.rel @p0 .LBB2_1-.Ltmp1, $4  }
0x7b: {  	[hbm:s17], [sflag:s0] =	dma.local [spmem:s1], $0x2800  }
0x7c: {  	_ =	swait.ge [sflag:s19], $0x2800  }
0x7d: {  	[sflag:s19] =	ssyncset.done $0x0  }
0x7e: {  	[sflag:s19] =	ssyncadd.s32 $0xFFFFD800  }
0x7f: {  	_ =	sfence.sel $0x180000  }
0x80: {  	[bflag:$0x0] =	sbarrier.arrive $0xFFFF  }
0x81: {  	_ =	strace $0x9000004D  }
0x82: {  	s0 =	stileid.u32;
	[bflag:$0x2] =	sbarrier.arrive $0xFFFF  }
0x83: {  	p0 =	sne.s32 s0, $0x0;
	s0 =	rddreg [dreg:$0x3]  }
0x84: {  	s0 =	sadd.s32 @!p0 $0x100000, s0  }
0x85: {  	[sflag:s0] =	ssyncadd.tile.s32 @!p0 $0x1;
	_ =	shalt  }
.Lfunc_end2:
_tile_overlayer_lowered:
.L_overlay_start_2:
0x86: {  	(tag) =	ssettag $0x2  }
0x87: {  	s0 =	rddreg [dreg:$0x0];
	s2 =	stileid.u32  }
0x88: {  	s1 =	rddreg [dreg:$0x1];
	p0 =	sne.s32 s2, $0x0  }
0x89: {  	s3 =	rddreg [dreg:$0x2];
	[bflag:$0x3] =	sbarrier.arrive $0xFFFF;
	s2 =	simm.s32 @!p0 $0x1C04  }
0x8a: {  	[timem:s3], [sflag:s2] =	dma.local @!p0 [hbm:s0], s1  }
0x8b: {  	s0 =	simm.s32 @!p0 $0x4  }
0x8c: {  	_ =	swait.ge @!p0 [sflag:s0], s1  }
0x8d: {  	s1 =	ssub.s32 @!p0 $0x0, s1;
	[sflag:s0] =	ssyncset.done @!p0 $0x0  }
0x8e: {  	[sflag:s0] =	ssyncadd.s32 @!p0 s1  }
0x8f: {  	[bflag:$0x3] =	sbarrier.arrive $0xFFFF  }
0x90: {  	_ =	shalt  }

// kernel: kernel.23.cloned.1.call-start
scs
__scs_entry_jumppad:
0x0: {  	(pc) =	sbr.rel $0x88, $3  }
0x1: {  	(tag) =	ssettag $0x0;
	lr =	simm.s32 $0x1  }
0x2: {  	[smem:$0x3F95] =	sst lr;
	_ =	strace $0xD0000000  }
0x3: {  	_ = 	snop  }
0x4: {  	_ = 	snop  }
0x5: {  	_ = 	snop  }
0x6: {  	_ = 	snop  }
0x7: {  	_ = 	snop  }
__scs_overlays_trampoline_lowered:
0x8: {  	[smem:$0x3FA4] =	sst s0  }
0x9: {  	[smem:$0x3FA5] =	sst s1  }
0xa: {  	[smem:$0x3FA6] =	sst s2  }
0xb: {  	[smem:$0x3FA7] =	sst s3  }
0xc: {  	[smem:$0x3FA8] =	sst s4  }
0xd: {  	[smem:$0x3FA9] =	sst s5  }
0xe: {  	[smem:$0x3FAA] =	sst s6  }
0xf: {  	[smem:$0x3FAB] =	sst s7  }
0x10: {  	[smem:$0x3FAC] =	sst s8  }
0x11: {  	[smem:$0x3FAD] =	sst s9;
	s0 =	simm.s32 @!p0 $0x0  }
0x12: {  	s1 =	sld [smem:$0x3F93];
	s0 =	simm.s32 @p0 $0x1  }
0x13: {  	[smem:$0x3FAE] =	sst s0;
	s0 =	simm.s32 @!p1 $0x0  }
0x14: {  	s2 =	sld [smem:$0x3F92];
	s0 =	simm.s32 @p1 $0x1  }
0x15: {  	[smem:$0x3FAF] =	sst s0;
	s0 =	simm.s32 @!p2 $0x0  }
0x16: {  	s3 =	sld [smem:$0x3FDB];
	s0 =	simm.s32 @p2 $0x1  }
0x17: {  	s4 =	simm.s32 $0x1BF5;
	[smem:$0x3FB1] =	sst s0  }
0x18: {  	s0 =	sld [smem:$0x3F94];
	_ =	swait.ge [sflag:s4], $0x0  }
0x19: {  	s7 =	sld [smem:$0x3F95]  }
0x1a: {  	s8 =	sadd.s32 $0xFFFFE003, lr  }
0x1b: {  	s9 =	sadd.s32 $0xFFFFFEF7, lr;
	s5 =	simm.s32 $0xFFFFFFFF;
	p2 =	slt.u32 s8, $0xFFFFF086  }
0x1c: {  	p1 =	slt.u32 s9, $0xF7A;
	s5 =	simm.s32 @!p2 $0x0  }
0x1d: {  	s5 =	simm.s32 @p1 $0x1;
	p0 =	seq.s32 s7, s2  }
0x1e: {  	s7 =	smul.u32 @!p0 $0xF7A, s2;
	p2 =	seq.s32 @!p0 s5, $0x0  }
0x1f: {  	s9 =	smul.u32 $0xF7A, s1;
	s8 =	simm.s32 @!p0 $0x1BF5;
	p2 =	por !p2, p0  }
0x20: {  	[sflag:s8] =	ssyncset.s32 @!p0 $0xFFFFF086;
	s6 =	sadd.s32 @!p0 s3, s7;
	s7 =	simm.s32 @!p0 $0x108  }
0x21: {  	s3 =	sadd.s32 s3, s9;
	s6 =	sadd.s32 @!p0 $0x88, s6;
	s7 =	simm.s32 @p2 $0x1082  }
0x22: {  	[simem:s7], [sflag:s8] =	dma.local @!p0 [hbm:s6], $0xF7A  }
0x23: {  	s9 =	sor.u32 $0xD0000000, s2;
	s6 =	simm.s32 $0x108;
	_ =	swait.ge @!p0 [sflag:s8], $0x0  }
0x24: {  	s3 =	sadd.s32 $0x88, s3;
	s6 =	simm.s32 @!p1 $0x1082;
	[sflag:s4] =	ssyncset.s32 $0xFFFFF086  }
0x25: {  	[simem:s6], [sflag:s4] =	dma.local [hbm:s3], $0xF7A  }
0x26: {  	[smem:$0x3F95] =	sst s1;
	(tag) =	ssettag s2;
	_ =	strace s9  }
0x27: {  	s1 =	sld [smem:$0x3FA5]  }
0x28: {  	s2 =	sld [smem:$0x3FA6]  }
0x29: {  	s4 =	sld [smem:$0x3FA8]  }
0x2a: {  	p0 =	seq.s32 s5, $0x0;
	s5 =	sld [smem:$0x3FA9]  }
0x2b: {  	s6 =	sld [smem:$0x3FAA]  }
0x2c: {  	s7 =	sld [smem:$0x3FAB]  }
0x2d: {  	s3 =	simm.s32 $0x108;
	s8 =	sld [smem:$0x3FAC]  }
0x2e: {  	s3 =	simm.s32 @!p0 $0x1082;
	s9 =	sld [smem:$0x3FAD]  }
0x2f: {  	lr =	sadd.s32 s0, s3;
	s0 =	sld [smem:$0x3FA4]  }
0x30: {  	s3 =	sld [smem:$0x3FA7]  }
0x31: {  	[smem:$0x3FB0] =	sst s10  }
0x32: {  	s10 =	sld [smem:$0x3FAE];
	_ =	sdelay $0x3  }
0x33: {  	p0 =	seq.s32 s10, $0x1;
	s10 =	sld [smem:$0x3FB0];
	_ =	sdelay $0x3  }
0x34: {  	[smem:$0x3FB0] =	sst s10  }
0x35: {  	s10 =	sld [smem:$0x3FAF];
	_ =	sdelay $0x3  }
0x36: {  	p1 =	seq.s32 s10, $0x1;
	s10 =	sld [smem:$0x3FB0];
	_ =	sdelay $0x3  }
0x37: {  	[smem:$0x3FB0] =	sst s10  }
0x38: {  	s10 =	sld [smem:$0x3FB1]  }
0x39: {  	_ = 	snop;
	(pc) =	sbr.ind lr, $3  }
0x3a: {  	_ = 	snop  }
0x3b: {  	_ = 	snop  }
0x3c: {  	p2 =	seq.s32 s10, $0x1;
	s10 =	sld [smem:$0x3FB0]  }
0x3d: {  	_ =	shalt  }
0x3e: {  	_ =	shalt  }
0x3f: {  	_ =	shalt  }
0x40: {  	_ =	shalt  }
0x41: {  	_ =	shalt  }
0x42: {  	_ =	shalt  }
0x43: {  	_ =	shalt  }
0x44: {  	_ =	shalt  }
0x45: {  	_ =	shalt  }
0x46: {  	_ =	shalt  }
0x47: {  	_ =	shalt  }
0x48: {  	_ =	shalt  }
0x49: {  	_ =	shalt  }
0x4a: {  	_ =	shalt  }
0x4b: {  	_ =	shalt  }
0x4c: {  	_ =	shalt  }
0x4d: {  	_ =	shalt  }
0x4e: {  	_ =	shalt  }
0x4f: {  	_ =	shalt  }
0x50: {  	_ =	shalt  }
0x51: {  	_ =	shalt  }
0x52: {  	_ =	shalt  }
0x53: {  	_ =	shalt  }
0x54: {  	_ =	shalt  }
0x55: {  	_ =	shalt  }
0x56: {  	_ =	shalt  }
0x57: {  	_ =	shalt  }
0x58: {  	_ =	shalt  }
0x59: {  	_ =	shalt  }
0x5a: {  	_ =	shalt  }
0x5b: {  	_ =	shalt  }
0x5c: {  	_ =	shalt  }
0x5d: {  	_ =	shalt  }
0x5e: {  	_ =	shalt  }
0x5f: {  	_ =	shalt  }
0x60: {  	_ =	shalt  }
0x61: {  	_ =	shalt  }
0x62: {  	_ =	shalt  }
0x63: {  	_ =	shalt  }
0x64: {  	_ =	shalt  }
0x65: {  	_ =	shalt  }
0x66: {  	_ =	shalt  }
0x67: {  	_ =	shalt  }
0x68: {  	_ =	shalt  }
0x69: {  	_ =	shalt  }
0x6a: {  	_ =	shalt  }
0x6b: {  	_ =	shalt  }
0x6c: {  	_ =	shalt  }
0x6d: {  	_ =	shalt  }
0x6e: {  	_ =	shalt  }
0x6f: {  	_ =	shalt  }
0x70: {  	_ =	shalt  }
0x71: {  	_ =	shalt  }
0x72: {  	_ =	shalt  }
0x73: {  	_ =	shalt  }
0x74: {  	_ =	shalt  }
0x75: {  	_ =	shalt  }
0x76: {  	_ =	shalt  }
0x77: {  	_ =	shalt  }
0x78: {  	_ =	shalt  }
0x79: {  	_ =	shalt  }
0x7a: {  	_ =	shalt  }
0x7b: {  	_ =	shalt  }
0x7c: {  	_ =	shalt  }
0x7d: {  	_ =	shalt  }
0x7e: {  	_ =	shalt  }
0x7f: {  	_ =	shalt  }
0x80: {  	_ =	shalt  }
0x81: {  	_ =	shalt  }
0x82: {  	_ =	shalt  }
0x83: {  	_ =	shalt  }
0x84: {  	_ =	shalt  }
0x85: {  	_ =	shalt  }
0x86: {  	_ =	shalt  }
0x87: {  	_ =	shalt  }
.Lfunc_end0:
.L_simem_size_0:
called_computation.3_lowered:
.L_overlay_start_0:
0x88: {  	s2 =	sld [smem:$0x3FD9]  }
0x89: {  	s3 =	sld [smem:$0x3FFE];
	_ =	sdelay $0x1  }
0x8a: {  	s1 =	srdreg.scid  }
0x8b: {  	s0 =	sand.u32 $0x1, s1  }
0x8c: {  	s17 =	sshll.u32 s0, $0xA;
	s2 =	sadd.s32 s3, s2  }
0x8d: {  	s2 =	sadd.s32 s2, s17  }
0x8e: {  	[smem:$0x3FBC] =	sst s2  }
0x8f: {  	_ = 	snop  }
0x90: {  	s2 =	sld [smem:$0x3FD0];
	(tm) =	ssettm $0x1  }
0x91: {  	s18 =	sld [smem:$0x3FFB];
	_ =	sdelay $0x3  }
0x92: {  	_ =	strace s18  }
0x93: {  	s3 =	sld [smem:$0x3FFC];
	_ =	sdelay $0x3  }
0x94: {  	_ =	strace s3  }
0x95: {  	s3 =	sld [smem:$0x3FFD];
	_ =	sdelay $0x3  }
0x96: {  	_ =	strace s3  }
0x97: {  	_ =	strace $0x8FFFFFFF  }
0x98: {  	s19 =	sld [smem:$0x3FDB];
	_ =	sdelay $0x1  }
0x99: {  	s4 =	simm.s32 $_scs_section_size  }
0x9a: {  	s5 =	simm.s32 $_size__tile_overlayer_lowered;
	s6 =	simm.s32 $_tile_overlayer_lowered  }
0x9b: {  	s22 =	simm.s32 $0x1BFF;
	s21 =	sshll.u32 s6, $0x1;
	s3 =	sadd.s32 s4, s19  }
0x9c: {  	s7 =	simm.s32 $0x0;
	s20 =	sshll.u32 s5, $0x1;
	s5 =	sadd.s32 s21, s3  }
0x9d: {  	[timem:s7], [sflag:s22] =	dma.local [hbm:s5], s20  }
0x9e: {  	_ =	swait.ge [sflag:s22], s20  }
0x9f: {  	s4 =	ssub.s32 $0x0, s20;
	[sflag:s22] =	ssyncset.done $0x0  }
0xa0: {  	[sflag:s22] =	ssyncadd.s32 s4;
	_ =	sdelay $0x1  }
0xa1: {  	s23 =	simm.s32 $0x1B8B  }
0xa2: {  	_ =	swait.ge [sflag:s23], $0x1  }
0xa3: {  	[sflag:s23] =	ssyncset.done $0x0  }
0xa4: {  	s25 =	simm.s32 $0x1B8E;
	s24 =	sld [smem:$0x3FFE];
	[sflag:s23] =	ssyncadd.s32 $0xFFFFFFFF  }
0xa5: {  	s26 =	simm.s32 $execute0_lowered;
	[smem:$0x3FD2] =	sst s25  }
0xa6: {  	s5 =	sshll.u32 s26, $0x1;
	_ =	strace $0x8000004F;
	[dreg:$0x1] =	wrdreg $0xFFFFFFFF  }
0xa7: {  	s28 =	simm.s32 $_size_execute0_lowered;
	s3 =	sadd.s32 s3, s5;
	[dreg:$0x0] =	wrdreg $0x0  }
0xa8: {  	s5 =	sshll.u32 s28, $0x1;
	[dreg:$0x2] =	wrdreg s3  }
0xa9: {  	[dreg:$0x3] =	wrdreg s5  }
0xaa: {  	[dreg:$0x4] =	wrdreg $0xC0  }
0xab: {  	_ =	task [dreg:s7], $0x5FFFF  }
0xac: {  	[dreg:$0x1] =	wrdreg $0xFFFFFFFF  }
0xad: {  	[dreg:$0x0] =	wrdreg $0x60  }
0xae: {  	[dreg:$0x2] =	wrdreg s24  }
0xaf: {  	[dreg:$0x3] =	wrdreg s2  }
0xb0: {  	[dreg:$0x4] =	wrdreg $0xB0000  }
0xb1: {  	[dreg:$0x5] =	wrdreg $0x9  }
0xb2: {  	_ =	task.clear_ibuf [dreg:s7], $0x6FFFF;
	_ =	strace $0x9000004F  }
0xb3: {  	s29 =	simm.s32 $0x9;
	_ =	strace $0x80000051  }
0xb4: {  	_ =	swait.ge [sflag:s29], $0x1  }
0xb5: {  	[sflag:s29] =	ssyncadd.s32 $0xFFFFFFFF  }
0xb6: {  	_ =	strace $0x90000051  }
0xb7: {  	_ =	sfence  }
0xb8: {  	s30 =	sld [smem:$0x0];
	_ =	sdelay $0x2  }
0xb9: {  	s31 =	sshll.u32 s1, $0xD;
	s1 =	sshrl.u32 s1, $0x2  }
0xba: {  	s3 =	sand.u32 $0x4000, s31;
	s1 =	sadd.s32 s1, s30  }
0xbb: {  	s0 =	sor.u32 s3, s0;
	s1 =	sshll.u32 s1, $0x11  }
0xbc: {  	s0 =	sor.u32 s1, s0  }
0xbd: {  	s0 =	sadd.s32 $0x8F2B, s0  }
0xbe: {  	[sflag:s0] =	ssyncadd.remote.s32 $0x1  }
0xbf: {  	_ =	sfence.sel $0xFFFF  }
0xc0: {  	[dreg:$0x0] =	wrdreg $0xFFFFFFFF;
	(pc) =	sbr.abs _section_cstart, $3  }
0xc1: {  	[dreg:$0x1] =	wrdreg $0xFFFFFFFF  }
0xc2: {  	_ =	task.clear_ibuf [dreg:s7], $0x2FFFF;
	_ =	strace $0x9FFFFFFF  }
0xc3: {  	(tm) =	ssettm $0x7FFFFFFF  }
tec
execute0_lowered:
.L_overlay_start_1:
0x0: {  	(tag) =	ssettag $0x1  }
0x1: {  	s0 =	rddreg [dreg:$0x0]  }
0x2: {  	s2 =	rddreg [dreg:$0x1]  }
0x3: {  	s1 =	srdreg.scid;
	s6 =	stileid.u32  }
0x4: {  	s3 =	rddreg [dreg:$0x2];
	s4 =	simm.s32 $0x0;
	s8 =	smul.u32 $0x14000, s6  }
0x5: {  	s19 =	simm.s32 $0x4;
	s28 =	simm.s32 $0x2;
	s10 =	smul.u32 $0x2800, s6  }
0x6: {  	s29 =	simm.s32 $0x0;
	s1 =	sand.u32 $0x1, s1;
	s20 =	smul.u32 $0x50000, s6  }
0x7: {  	[smem:$0x7FF] =	sst s4;
	s5 =	sadd.s32 $0x5000, s0;
	s7 =	smul.u32 $0x140000, s1  }
0x8: {  	s11 =	sadd.s32 $0x2D000, s0;
	s9 =	smul.u32 $0x28000, s1;
	s1 =	ssub.s32 $0x2, s1  }
0x9: {  	_ =	strace $0x80000050;
	[dreg:$0x4] =	wrdreg s11;
	s22 =	sshrl.u32 s1, $0x1  }
0xa: {  	s23 =	sshrl.u32 s20, $0x2;
	s7 =	sadd.s32 s8, s7;
	s1 =	ssub.s32 s1, s22  }
0xb: {  	s8 =	sshrl.u32 s7, $0x3;
	s7 =	sadd.s32 s10, s9;
	s10 =	sadd.s32 s23, s3  }
0xc: {  	s0 =	sadd.s32 s8, s0;
	s21 =	sshrl.u32 s7, $0x3;
	s30 =	sadd.s32 $0x4000, s10  }
0xd: {  	s31 =	sadd.s32 $0x8000, s10;
	s8 =	sadd.s32 s2, s21;
	[dreg:$0x8] =	wrdreg s30  }
0xe: {  	s18 =	smax.u32 s1, $0x1;
	[dreg:$0x9] =	wrdreg s31;
	s24 =	sadd.s32 $0xA000, s8  }
0xf: {  	s23 =	simm.s32 $0x3000;
	s25 =	sadd.s32 $0x100, s8;
	[dreg:$0x5] =	wrdreg s24  }
0x10: {  	s15 =	sadd.s32 $0xC000, s10;
	s26 =	sadd.s32 $0xA100, s8;
	[dreg:$0x6] =	wrdreg s25  }
0x11: {  	s16 =	sadd.s32 $0x10000, s10;
	s17 =	sadd.s32 $0x7D800, s0;
	[dreg:$0x7] =	wrdreg s26  }
0x12: {  	s24 =	simm.s32 $0x80;
	s25 =	simm.s32 $0x1;
	s26 =	simm.s32 $0x7000  }
.LBB2_1:
0x13: {  	[tilespmem:s4], [sflag:$0x4] =	stream.linear.gather [hbm4b:s8+s4], $0x800, $0x38;
	[tilespmem:$0x1F000] =	vst v63  }
0x14: {  	_ =	swait.ge [sflag:s19], $0x800  }
0x15: {  	[sflag:s19] =	ssyncset.done $0x0  }
0x16: {  	s1 =	simm.s32 $0x1800;
	s0 =	rddreg [dreg:$0x5];
	[sflag:s19] =	ssyncadd.s32 $0xFFFFF800  }
0x17: {  	[tilespmem:s1], [sflag:$0x4] =	stream.linear.gather [hbm4b:s0+s4], $0x800, $0x38;
	[tilespmem:$0x1F000] =	vst v63  }
0x18: {  	_ =	swait.ge [sflag:s19], $0x800  }
0x19: {  	[sflag:s19] =	ssyncset.done $0x0  }
0x1a: {  	s9 =	simm.s32 $0x800;
	s6 =	rddreg [dreg:$0x6];
	[sflag:s19] =	ssyncadd.s32 $0xFFFFF800  }
0x1b: {  	[tilespmem:s9], [sflag:$0x3] =	stream.linear.gather [hbm4b:s6+s4], $0x800, $0x38;
	[tilespmem:$0x1F000] =	vst v63  }
0x1c: {  	s12 =	simm.s32 $0x2000;
	s11 =	rddreg [dreg:$0x7]  }
0x1d: {  	[tilespmem:s12], [sflag:$0x3] =	stream.linear.gather [hbm4b:s11+s4], $0x800, $0x38;
	[tilespmem:$0x1F000] =	vst v63  }
0x1e: {  	s13 =	rddreg [dreg:$0x4]  }
0x1f: {  	[tilespmem:s23], [sflag:$0x4] =	stream.linear.gather [hbm4b:s13+s4], $0x4000, $0x38;
	[tilespmem:$0x1F000] =	vst v63  }
0x20: {  	_ =	swait.ge [sflag:s19], $0x4000  }
0x21: {  	[sflag:s19] =	ssyncset.done $0x0  }
0x22: {  	[sflag:s19] =	ssyncadd.s32 $0xFFFFC000  }
0x23: {  	[spmem:s10] =	stream.linear.scatter [tilespmem:s23], [sflag:$0x4], $0x4000, $0x38;
	[tilespmem:$0x1F000] =	vst v63  }
0x24: {  	_ =	swait.ge [sflag:s19], $0x4000  }
0x25: {  	[sflag:s19] =	ssyncset.done $0x0  }
0x26: {  	s14 =	rddreg [dreg:$0x8];
	[sflag:s19] =	ssyncadd.s32 $0xFFFFC000  }
0x27: {  	[spmem:s14] =	stream.linear.scatter [tilespmem:s23], [sflag:$0x4], $0x4000, $0x38;
	[tilespmem:$0x1F000] =	vst v63  }
0x28: {  	_ =	swait.ge [sflag:s19], $0x4000  }
0x29: {  	[sflag:s19] =	ssyncset.done $0x0  }
0x2a: {  	s20 =	rddreg [dreg:$0x9];
	[sflag:s19] =	ssyncadd.s32 $0xFFFFC000  }
0x2b: {  	[spmem:s20] =	stream.linear.scatter [tilespmem:s23], [sflag:$0x4], $0x4000, $0x38;
	[tilespmem:$0x1F000] =	vst v63  }
0x2c: {  	_ =	swait.ge [sflag:s19], $0x4000  }
0x2d: {  	[sflag:s19] =	ssyncset.done $0x0  }
0x2e: {  	[sflag:s19] =	ssyncadd.s32 $0xFFFFC000  }
0x2f: {  	[spmem:s15] =	stream.linear.scatter [tilespmem:s23], [sflag:$0x4], $0x4000, $0x38;
	[tilespmem:$0x1F000] =	vst v63  }
0x30: {  	_ =	swait.ge [sflag:s19], $0x4000  }
0x31: {  	p0 =	por $0x0, $0x0;
	[sflag:s19] =	ssyncset.done $0x0  }
0x32: {  	p1 =	por $0x1, $0x1;
	s21 =	sand.u32 $0x700, s4;
	[sflag:s19] =	ssyncadd.s32 $0xFFFFC000  }
0x33: {  	[spmem:s16] =	stream.linear.scatter [tilespmem:s23], [sflag:$0x4], $0x4000, $0x38;
	[tilespmem:$0x1F000] =	vst v63  }
0x34: {  	s0 =	simm.s32 $0x0;
	s1 =	simm.s32 $0xFFFFFFFD;
	_ =	swait.ge [sflag:s19], $0x4000  }
0x35: {  	s1 =	smov.u32 @p1 s0;
	s20 =	sand.u32 @!p0 $0xE, s28;
	[sflag:s19] =	ssyncset.done $0x0  }
0x36: {  	s1 =	sshll.u32 s1, $0xB;
	p2 =	sne.s32 @!p0 s20, $0x0;
	[sflag:s19] =	ssyncadd.s32 $0xFFFFC000  }
0x37: {  	s30 =	sor.u32 s1, s21;
	p1 =	por p2, p0;
	[bflag:$0x0] =	sbarrier.arrive $0xFFFF  }
0x38: {  	[tilespmem:s23], [sflag:$0x1] =	stream.indirect.gather [hbm4b:s5+s24], $0x80, s4, s24, $0xb8;
	[tilespmem:$0x1F000] =	vst v63  }
0x39: {  	s1 =	sand.u32 $0x3FFFF800, s1;
	p3 =	por @!p1 $0x0, $0x0;
	_ =	swait.ge [sflag:s25], $0x4000  }
0x3a: {  	s30 =	sor.u32 $0x80, s30;
	p2 =	por @!p0 p3, p2;
	[sflag:s25] =	ssyncset.done $0x0  }
0x3b: {  	s0 =	sor.u32 s21, s1;
	p2 =	por p2, p0;
	[sflag:s25] =	ssyncadd.s32 $0xFFFFC000  }
0x3c: {  	[tilespmem:s26], [sflag:$0x2] =	stream.indirect.gather [hbm4b:s5+s24], $0x80, s30, s24, $0xb8;
	[tilespmem:$0x1F000] =	vst v63  }
0x3d: {  	s0 =	sadd.s32 $0x1800, s0;
	s1 =	simm.s32 @!p2 $0x1  }
0x3e: {  	[spmem:s3] =	stream.indirect.scatter.add.f32 [tilespmem:s23], [sflag:$0x4], $0x80, s0, s24, $0xb8;
	[tilespmem:$0x1F000] =	vst v63  }
0x3f: {  	s0 =	smul.u32 @!p2 $0xAB, s1;
	_ =	swait.ge [sflag:s19], $0x4000  }
0x40: {  	[sflag:s19] =	ssyncset.done $0x0  }
0x41: {  	s1 =	simm.s32 @!p1 $0x3;
	s0 =	sshrl.u32 @!p2 s0, $0x9;
	[sflag:s19] =	ssyncadd.s32 $0xFFFFC000  }
0x42: {  	s0 =	sand.u32 @!p2 $0x7F, s0;
	_ =	swait.ge @!p1 [sflag:s1], $0x800  }
0x43: {  	s0 =	smul.u32 @!p2 $0x3, s0;
	[sflag:s1] =	ssyncset.done @!p1 $0x0  }
0x44: {  	s31 =	sadd.s32 @!p2 $0x800, s7;
	[sflag:s1] =	ssyncadd.s32 @!p1 $0xFFFFF800  }
0x45: {  	s31 =	sshrl.u32 @!p2 s31, $0x3;
	s0 =	ssub.s32 @!p2 $0x1, s0;
	_ =	swait.ge @!p1 [sflag:s1], $0x800  }
0x46: {  	s31 =	sadd.s32 @!p2 s2, s31;
	s0 =	sand.u32 @!p2 $0xFF, s0;
	[sflag:s1] =	ssyncset.done @!p1 $0x0  }
0x47: {  	s0 =	sshll.u32 @!p2 s0, $0xB;
	[sflag:s1] =	ssyncadd.s32 @!p1 $0xFFFFF800;
	s1 =	simm.s32 @!p2 $0x0  }
0x48: {  	[tilespmem:s0], [sflag:$0x3] =	stream.linear.gather @!p2 [hbm4b:s31+s1], $0x800, $0x38;
	[tilespmem:$0x1F000] =	vst v63  }
0x49: {  	s31 =	sadd.s32 @!p2 $0xA000, s31;
	s0 =	sadd.s32 @!p2 $0x1800, s0  }
0x4a: {  	[tilespmem:s0], [sflag:$0x3] =	stream.linear.gather @!p2 [hbm4b:s31+s1], $0x800, $0x38;
	[tilespmem:$0x1F000] =	vst v63  }
0x4b: {  	s0 =	simm.s32 $0x400  }
0x4c: {  	p1 =	por @!p0 $0x1, $0x1;
	s0 =	sand.u32 @!p0 $0x1E000, s0  }
0x4d: {  	p1 =	por !p1, p0;
	s1 =	sadd.s32 @!p0 $0xFFFFA000, s0  }
0x4e: {  	s0 =	smov.u32 @p1 s1  }
0x4f: {  	s1 =	sshll.u32 @!p0 s20, $0x7;
	s0 =	sshra.s32 @!p0 s0, $0x2  }
0x50: {  	s20 =	simm.s32 @!p0 $0x3000;
	s0 =	sor.u32 @!p0 s1, s0;
	s1 =	simm.s32 @!p0 $0x80  }
0x51: {  	[tilespmem:s20], [sflag:$0x1] =	stream.indirect.gather @!p0 [hbm4b:s5+s1], $0x80, s0, s1, $0xb8;
	[tilespmem:$0x1F000] =	vst v63  }
0x52: {  	s22 =	sadd.s32 $0x1800, s30;
	_ =	swait.ge [sflag:s28], $0x4000  }
0x53: {  	s30 =	simm.s32 $0x1;
	s31 =	simm.s32 $0x4;
	[sflag:s28] =	ssyncset.done $0x0  }
0x54: {  	s0 =	simm.s32 $0x800;
	s1 =	simm.s32 $0x0;
	[sflag:s28] =	ssyncadd.s32 $0xFFFFC000  }
0x55: {  	[spmem:s3] =	stream.indirect.scatter.add.f32 [tilespmem:s26], [sflag:$0x4], $0x80, s22, s24, $0xb8;
	[tilespmem:$0x1F000] =	vst v63  }
.LBB2_2:
0x56: {  	_ =	swait.ge [sflag:s19], $0x4000  }
0x57: {  	s1 =	sadd.s32 $0x100, s1;
	s21 =	smov.u32 s30;
	s30 =	sadd.s32 $0x1, s30  }
0x58: {  	p0 =	sne.s32 s30, $0x28;
	[sflag:s19] =	ssyncset.done $0x0  }
0x59: {  	s20 =	sshrl.u32 s21, $0x3;
	p1 =	seq.s32 s21, $0x27;
	[sflag:s19] =	ssyncadd.s32 $0xFFFFC000  }
0x5a: {  	p2 =	slt.u32 s21, $0x18;
	s22 =	sadd.s32 $0xFFFFFFFD, s20;
	s6 =	sand.u32 @!p1 $0xE, s31  }
0x5b: {  	s9 =	sand.u32 $0x700, s1;
	s22 =	smov.u32 @p2 s20;
	p3 =	sne.s32 @!p1 s6, $0x0  }
0x5c: {  	s20 =	sshll.u32 s22, $0xB;
	p2 =	por p3, p1;
	_ =	swait.ge [sflag:s25], $0x4000  }
0x5d: {  	s22 =	sor.u32 s20, s9;
	s11 =	sand.u32 $0x3FFFF800, s20;
	p4 =	sgt.u32 @!p2 s21, $0x1E  }
0x5e: {  	s20 =	sor.u32 $0x80, s22;
	s9 =	sor.u32 s9, s11;
	p3 =	por @!p1 p4, p3  }
0x5f: {  	s9 =	sadd.s32 $0x1800, s9;
	p3 =	por p3, p1;
	[sflag:s25] =	ssyncset.done $0x0  }
0x60: {  	p4 =	slt.u32 @!p1 s21, $0x17;
	s11 =	sshrl.u32 @!p3 s31, $0x4;
	[sflag:s25] =	ssyncadd.s32 $0xFFFFC000  }
0x61: {  	[tilespmem:s26], [sflag:$0x2] =	stream.indirect.gather [hbm4b:s5+s24], $0x80, s20, s24, $0xb8;
	[tilespmem:$0x1F000] =	vst v63  }
0x62: {  	s21 =	sand.u32 @!p1 $0x1E000, s0;
	p4 =	por !p4, p1;
	s11 =	sadd.s32 @!p3 $0x1, s11  }
0x63: {  	[spmem:s3] =	stream.indirect.scatter.add.f32 [tilespmem:s23], [sflag:$0x4], $0x80, s9, s24, $0xb8;
	[tilespmem:$0x1F000] =	vst v63  }
0x64: {  	s22 =	smul.u32 @!p3 $0xAB, s11;
	s9 =	sshll.u32 @!p3 s11, $0xB;
	_ =	swait.ge [sflag:s19], $0x4000  }
0x65: {  	s12 =	simm.s32 @!p2 $0x3;
	s9 =	sadd.s32 @!p3 s7, s9;
	[sflag:s19] =	ssyncset.done $0x0  }
0x66: {  	s22 =	sshrl.u32 @!p3 s22, $0x9;
	s9 =	sshrl.u32 @!p3 s9, $0x3;
	[sflag:s19] =	ssyncadd.s32 $0xFFFFC000  }
0x67: {  	s22 =	sand.u32 @!p3 $0x7F, s22;
	s9 =	sadd.s32 @!p3 s2, s9;
	_ =	swait.ge @!p2 [sflag:s12], $0x800  }
0x68: {  	s22 =	smul.u32 @!p3 $0x3, s22;
	s13 =	sadd.s32 @!p3 $0xA000, s9;
	[sflag:s12] =	ssyncset.done @!p2 $0x0  }
0x69: {  	s6 =	sshll.u32 @!p1 s6, $0x7;
	s14 =	sadd.s32 @!p1 $0xFFFFA000, s21;
	[sflag:s12] =	ssyncadd.s32 @!p2 $0xFFFFF800  }
0x6a: {  	s21 =	smov.u32 @p4 s14;
	s11 =	ssub.s32 @!p3 s11, s22;
	_ =	swait.ge @!p2 [sflag:s12], $0x800  }
0x6b: {  	s14 =	sshra.s32 @!p1 s21, $0x2;
	s11 =	sand.u32 @!p3 $0xFF, s11;
	[sflag:s12] =	ssyncset.done @!p2 $0x0  }
0x6c: {  	s11 =	sshll.u32 @!p3 s11, $0xB;
	[sflag:s12] =	ssyncadd.s32 @!p2 $0xFFFFF800;
	s12 =	simm.s32 @!p3 $0x0  }
0x6d: {  	[tilespmem:s11], [sflag:$0x3] =	stream.linear.gather @!p3 [hbm4b:s9+s12], $0x800, $0x38;
	[tilespmem:$0x1F000] =	vst v63  }
0x6e: {  	s9 =	sadd.s32 @!p3 $0x1800, s11  }
0x6f: {  	[tilespmem:s9], [sflag:$0x3] =	stream.linear.gather @!p3 [hbm4b:s13+s12], $0x800, $0x38;
	[tilespmem:$0x1F000] =	vst v63  }
0x70: {  	s6 =	sor.u32 @!p1 s6, s14;
	s11 =	simm.s32 @!p1 $0x3000;
	s9 =	simm.s32 @!p1 $0x80  }
0x71: {  	[tilespmem:s11], [sflag:$0x1] =	stream.indirect.gather @!p1 [hbm4b:s5+s9], $0x80, s6, s9, $0xb8;
	[tilespmem:$0x1F000] =	vst v63  }
.Ltmp0:
0x72: {  	_ = 	snop;
	(pc) =	sbr.rel @p0 .LBB2_2-.Ltmp0, $4  }
0x73: {  	_ =	swait.ge [sflag:s28], $0x4000  }
0x74: {  	s31 =	sadd.s32 $0x2, s31;
	[sflag:s28] =	ssyncset.done $0x0  }
0x75: {  	s0 =	sadd.s32 $0x400, s0;
	s6 =	sadd.s32 $0x1800, s20;
	[sflag:s28] =	ssyncadd.s32 $0xFFFFC000  }
0x76: {  	[spmem:s3] =	stream.indirect.scatter.add.f32 [tilespmem:s26], [sflag:$0x4], $0x80, s6, s24, $0xb8;
	[tilespmem:$0x1F000] =	vst v63  }
0x77: {  	_ =	swait.ge [sflag:s19], $0x4000;
	s0 =	stileid.u32  }
0x78: {  	s1 =	sshrl.u32 s10, $0x3;
	s29 =	sadd.s32 $0x1, s29;
	[sflag:s19] =	ssyncset.done $0x0  }
0x79: {  	s0 =	sshll.u32 s0, $0x6;
	p0 =	sne.s32 s29, s18;
	[sflag:s19] =	ssyncadd.s32 $0xFFFFC000  }
.Ltmp1:
0x7a: {  	s0 =	sor.u32 $0x1C04, s0;
	[bflag:$0x0] =	sbarrier.arrive $0xFFFF;
	(pc) =	sbr.rel @p0 .LBB2_1-.Ltmp1, $4  }
0x7b: {  	[hbm:s17], [sflag:s0] =	dma.local [spmem:s1], $0x2800  }
0x7c: {  	_ =	swait.ge [sflag:s19], $0x2800  }
0x7d: {  	[sflag:s19] =	ssyncset.done $0x0  }
0x7e: {  	[sflag:s19] =	ssyncadd.s32 $0xFFFFD800  }
0x7f: {  	_ =	sfence.sel $0x180000  }
0x80: {  	[bflag:$0x0] =	sbarrier.arrive $0xFFFF  }
0x81: {  	_ =	strace $0x90000050  }
0x82: {  	s0 =	stileid.u32;
	[bflag:$0x2] =	sbarrier.arrive $0xFFFF  }
0x83: {  	p0 =	sne.s32 s0, $0x0;
	s0 =	rddreg [dreg:$0x3]  }
0x84: {  	s0 =	sadd.s32 @!p0 $0x100000, s0  }
0x85: {  	[sflag:s0] =	ssyncadd.tile.s32 @!p0 $0x1;
	_ =	shalt  }
.Lfunc_end2:
_tile_overlayer_lowered:
.L_overlay_start_2:
0x86: {  	(tag) =	ssettag $0x2  }
0x87: {  	s0 =	rddreg [dreg:$0x0];
	s2 =	stileid.u32  }
0x88: {  	s1 =	rddreg [dreg:$0x1];
	p0 =	sne.s32 s2, $0x0  }
0x89: {  	s3 =	rddreg [dreg:$0x2];
	[bflag:$0x3] =	sbarrier.arrive $0xFFFF;
	s2 =	simm.s32 @!p0 $0x1C04  }
0x8a: {  	[timem:s3], [sflag:s2] =	dma.local @!p0 [hbm:s0], s1  }
0x8b: {  	s0 =	simm.s32 @!p0 $0x4  }
0x8c: {  	_ =	swait.ge @!p0 [sflag:s0], s1  }
0x8d: {  	s1 =	ssub.s32 @!p0 $0x0, s1;
	[sflag:s0] =	ssyncset.done @!p0 $0x0  }
0x8e: {  	[sflag:s0] =	ssyncadd.s32 @!p0 s1  }
0x8f: {  	[bflag:$0x3] =	sbarrier.arrive $0xFFFF  }
0x90: {  	_ =	shalt  }

// kernel: kernel.26.cloned.1.call-start
scs
__scs_entry_jumppad:
0x0: {  	(pc) =	sbr.rel $0x88, $3  }
0x1: {  	(tag) =	ssettag $0x0;
	lr =	simm.s32 $0x1  }
0x2: {  	[smem:$0x3F95] =	sst lr;
	_ =	strace $0xD0000000  }
0x3: {  	_ = 	snop  }
0x4: {  	_ = 	snop  }
0x5: {  	_ = 	snop  }
0x6: {  	_ = 	snop  }
0x7: {  	_ = 	snop  }
__scs_overlays_trampoline_lowered:
0x8: {  	[smem:$0x3FA4] =	sst s0  }
0x9: {  	[smem:$0x3FA5] =	sst s1  }
0xa: {  	[smem:$0x3FA6] =	sst s2  }
0xb: {  	[smem:$0x3FA7] =	sst s3  }
0xc: {  	[smem:$0x3FA8] =	sst s4  }
0xd: {  	[smem:$0x3FA9] =	sst s5  }
0xe: {  	[smem:$0x3FAA] =	sst s6  }
0xf: {  	[smem:$0x3FAB] =	sst s7  }
0x10: {  	[smem:$0x3FAC] =	sst s8  }
0x11: {  	[smem:$0x3FAD] =	sst s9;
	s0 =	simm.s32 @!p0 $0x0  }
0x12: {  	s1 =	sld [smem:$0x3F93];
	s0 =	simm.s32 @p0 $0x1  }
0x13: {  	[smem:$0x3FAE] =	sst s0;
	s0 =	simm.s32 @!p1 $0x0  }
0x14: {  	s2 =	sld [smem:$0x3F92];
	s0 =	simm.s32 @p1 $0x1  }
0x15: {  	[smem:$0x3FAF] =	sst s0;
	s0 =	simm.s32 @!p2 $0x0  }
0x16: {  	s3 =	sld [smem:$0x3FDB];
	s0 =	simm.s32 @p2 $0x1  }
0x17: {  	s4 =	simm.s32 $0x1BF5;
	[smem:$0x3FB1] =	sst s0  }
0x18: {  	s0 =	sld [smem:$0x3F94];
	_ =	swait.ge [sflag:s4], $0x0  }
0x19: {  	s7 =	sld [smem:$0x3F95]  }
0x1a: {  	s8 =	sadd.s32 $0xFFFFE003, lr  }
0x1b: {  	s9 =	sadd.s32 $0xFFFFFEF7, lr;
	s5 =	simm.s32 $0xFFFFFFFF;
	p2 =	slt.u32 s8, $0xFFFFF086  }
0x1c: {  	p1 =	slt.u32 s9, $0xF7A;
	s5 =	simm.s32 @!p2 $0x0  }
0x1d: {  	s5 =	simm.s32 @p1 $0x1;
	p0 =	seq.s32 s7, s2  }
0x1e: {  	s7 =	smul.u32 @!p0 $0xF7A, s2;
	p2 =	seq.s32 @!p0 s5, $0x0  }
0x1f: {  	s9 =	smul.u32 $0xF7A, s1;
	s8 =	simm.s32 @!p0 $0x1BF5;
	p2 =	por !p2, p0  }
0x20: {  	[sflag:s8] =	ssyncset.s32 @!p0 $0xFFFFF086;
	s6 =	sadd.s32 @!p0 s3, s7;
	s7 =	simm.s32 @!p0 $0x108  }
0x21: {  	s3 =	sadd.s32 s3, s9;
	s6 =	sadd.s32 @!p0 $0x88, s6;
	s7 =	simm.s32 @p2 $0x1082  }
0x22: {  	[simem:s7], [sflag:s8] =	dma.local @!p0 [hbm:s6], $0xF7A  }
0x23: {  	s9 =	sor.u32 $0xD0000000, s2;
	s6 =	simm.s32 $0x108;
	_ =	swait.ge @!p0 [sflag:s8], $0x0  }
0x24: {  	s3 =	sadd.s32 $0x88, s3;
	s6 =	simm.s32 @!p1 $0x1082;
	[sflag:s4] =	ssyncset.s32 $0xFFFFF086  }
0x25: {  	[simem:s6], [sflag:s4] =	dma.local [hbm:s3], $0xF7A  }
0x26: {  	[smem:$0x3F95] =	sst s1;
	(tag) =	ssettag s2;
	_ =	strace s9  }
0x27: {  	s1 =	sld [smem:$0x3FA5]  }
0x28: {  	s2 =	sld [smem:$0x3FA6]  }
0x29: {  	s4 =	sld [smem:$0x3FA8]  }
0x2a: {  	p0 =	seq.s32 s5, $0x0;
	s5 =	sld [smem:$0x3FA9]  }
0x2b: {  	s6 =	sld [smem:$0x3FAA]  }
0x2c: {  	s7 =	sld [smem:$0x3FAB]  }
0x2d: {  	s3 =	simm.s32 $0x108;
	s8 =	sld [smem:$0x3FAC]  }
0x2e: {  	s3 =	simm.s32 @!p0 $0x1082;
	s9 =	sld [smem:$0x3FAD]  }
0x2f: {  	lr =	sadd.s32 s0, s3;
	s0 =	sld [smem:$0x3FA4]  }
0x30: {  	s3 =	sld [smem:$0x3FA7]  }
0x31: {  	[smem:$0x3FB0] =	sst s10  }
0x32: {  	s10 =	sld [smem:$0x3FAE];
	_ =	sdelay $0x3  }
0x33: {  	p0 =	seq.s32 s10, $0x1;
	s10 =	sld [smem:$0x3FB0];
	_ =	sdelay $0x3  }
0x34: {  	[smem:$0x3FB0] =	sst s10  }
0x35: {  	s10 =	sld [smem:$0x3FAF];
	_ =	sdelay $0x3  }
0x36: {  	p1 =	seq.s32 s10, $0x1;
	s10 =	sld [smem:$0x3FB0];
	_ =	sdelay $0x3  }
0x37: {  	[smem:$0x3FB0] =	sst s10  }
0x38: {  	s10 =	sld [smem:$0x3FB1]  }
0x39: {  	_ = 	snop;
	(pc) =	sbr.ind lr, $3  }
0x3a: {  	_ = 	snop  }
0x3b: {  	_ = 	snop  }
0x3c: {  	p2 =	seq.s32 s10, $0x1;
	s10 =	sld [smem:$0x3FB0]  }
0x3d: {  	_ =	shalt  }
0x3e: {  	_ =	shalt  }
0x3f: {  	_ =	shalt  }
0x40: {  	_ =	shalt  }
0x41: {  	_ =	shalt  }
0x42: {  	_ =	shalt  }
0x43: {  	_ =	shalt  }
0x44: {  	_ =	shalt  }
0x45: {  	_ =	shalt  }
0x46: {  	_ =	shalt  }
0x47: {  	_ =	shalt  }
0x48: {  	_ =	shalt  }
0x49: {  	_ =	shalt  }
0x4a: {  	_ =	shalt  }
0x4b: {  	_ =	shalt  }
0x4c: {  	_ =	shalt  }
0x4d: {  	_ =	shalt  }
0x4e: {  	_ =	shalt  }
0x4f: {  	_ =	shalt  }
0x50: {  	_ =	shalt  }
0x51: {  	_ =	shalt  }
0x52: {  	_ =	shalt  }
0x53: {  	_ =	shalt  }
0x54: {  	_ =	shalt  }
0x55: {  	_ =	shalt  }
0x56: {  	_ =	shalt  }
0x57: {  	_ =	shalt  }
0x58: {  	_ =	shalt  }
0x59: {  	_ =	shalt  }
0x5a: {  	_ =	shalt  }
0x5b: {  	_ =	shalt  }
0x5c: {  	_ =	shalt  }
0x5d: {  	_ =	shalt  }
0x5e: {  	_ =	shalt  }
0x5f: {  	_ =	shalt  }
0x60: {  	_ =	shalt  }
0x61: {  	_ =	shalt  }
0x62: {  	_ =	shalt  }
0x63: {  	_ =	shalt  }
0x64: {  	_ =	shalt  }
0x65: {  	_ =	shalt  }
0x66: {  	_ =	shalt  }
0x67: {  	_ =	shalt  }
0x68: {  	_ =	shalt  }
0x69: {  	_ =	shalt  }
0x6a: {  	_ =	shalt  }
0x6b: {  	_ =	shalt  }
0x6c: {  	_ =	shalt  }
0x6d: {  	_ =	shalt  }
0x6e: {  	_ =	shalt  }
0x6f: {  	_ =	shalt  }
0x70: {  	_ =	shalt  }
0x71: {  	_ =	shalt  }
0x72: {  	_ =	shalt  }
0x73: {  	_ =	shalt  }
0x74: {  	_ =	shalt  }
0x75: {  	_ =	shalt  }
0x76: {  	_ =	shalt  }
0x77: {  	_ =	shalt  }
0x78: {  	_ =	shalt  }
0x79: {  	_ =	shalt  }
0x7a: {  	_ =	shalt  }
0x7b: {  	_ =	shalt  }
0x7c: {  	_ =	shalt  }
0x7d: {  	_ =	shalt  }
0x7e: {  	_ =	shalt  }
0x7f: {  	_ =	shalt  }
0x80: {  	_ =	shalt  }
0x81: {  	_ =	shalt  }
0x82: {  	_ =	shalt  }
0x83: {  	_ =	shalt  }
0x84: {  	_ =	shalt  }
0x85: {  	_ =	shalt  }
0x86: {  	_ =	shalt  }
0x87: {  	_ =	shalt  }
.Lfunc_end0:
.L_simem_size_0:
called_computation.4_lowered:
.L_overlay_start_0:
0x88: {  	s2 =	sld [smem:$0x3FD9]  }
0x89: {  	s3 =	sld [smem:$0x3FFE];
	_ =	sdelay $0x1  }
0x8a: {  	s1 =	srdreg.scid  }
0x8b: {  	s0 =	sand.u32 $0x1, s1  }
0x8c: {  	s17 =	sshll.u32 s0, $0xA;
	s2 =	sadd.s32 s3, s2  }
0x8d: {  	s2 =	sadd.s32 s2, s17  }
0x8e: {  	[smem:$0x3FBC] =	sst s2  }
0x8f: {  	_ = 	snop  }
0x90: {  	s2 =	sld [smem:$0x3FD0];
	(tm) =	ssettm $0x1  }
0x91: {  	s18 =	sld [smem:$0x3FFB];
	_ =	sdelay $0x3  }
0x92: {  	_ =	strace s18  }
0x93: {  	s3 =	sld [smem:$0x3FFC];
	_ =	sdelay $0x3  }
0x94: {  	_ =	strace s3  }
0x95: {  	s3 =	sld [smem:$0x3FFD];
	_ =	sdelay $0x3  }
0x96: {  	_ =	strace s3  }
0x97: {  	_ =	strace $0x8FFFFFFF  }
0x98: {  	s19 =	sld [smem:$0x3FDB];
	_ =	sdelay $0x1  }
0x99: {  	s4 =	simm.s32 $_scs_section_size  }
0x9a: {  	s5 =	simm.s32 $_size__tile_overlayer_lowered;
	s6 =	simm.s32 $_tile_overlayer_lowered  }
0x9b: {  	s22 =	simm.s32 $0x1BFF;
	s21 =	sshll.u32 s6, $0x1;
	s3 =	sadd.s32 s4, s19  }
0x9c: {  	s7 =	simm.s32 $0x0;
	s20 =	sshll.u32 s5, $0x1;
	s5 =	sadd.s32 s21, s3  }
0x9d: {  	[timem:s7], [sflag:s22] =	dma.local [hbm:s5], s20  }
0x9e: {  	_ =	swait.ge [sflag:s22], s20  }
0x9f: {  	s4 =	ssub.s32 $0x0, s20;
	[sflag:s22] =	ssyncset.done $0x0  }
0xa0: {  	[sflag:s22] =	ssyncadd.s32 s4;
	_ =	sdelay $0x1  }
0xa1: {  	s23 =	simm.s32 $0x1B8B  }
0xa2: {  	_ =	swait.ge [sflag:s23], $0x1  }
0xa3: {  	[sflag:s23] =	ssyncset.done $0x0  }
0xa4: {  	s25 =	simm.s32 $0x1B8E;
	s24 =	sld [smem:$0x3FFE];
	[sflag:s23] =	ssyncadd.s32 $0xFFFFFFFF  }
0xa5: {  	s26 =	simm.s32 $execute0_lowered;
	[smem:$0x3FD2] =	sst s25  }
0xa6: {  	s5 =	sshll.u32 s26, $0x1;
	_ =	strace $0x80000052;
	[dreg:$0x1] =	wrdreg $0xFFFFFFFF  }
0xa7: {  	s28 =	simm.s32 $_size_execute0_lowered;
	s3 =	sadd.s32 s3, s5;
	[dreg:$0x0] =	wrdreg $0x0  }
0xa8: {  	s5 =	sshll.u32 s28, $0x1;
	[dreg:$0x2] =	wrdreg s3  }
0xa9: {  	[dreg:$0x3] =	wrdreg s5  }
0xaa: {  	[dreg:$0x4] =	wrdreg $0xC0  }
0xab: {  	_ =	task [dreg:s7], $0x5FFFF  }
0xac: {  	[dreg:$0x1] =	wrdreg $0xFFFFFFFF  }
0xad: {  	[dreg:$0x0] =	wrdreg $0x60  }
0xae: {  	[dreg:$0x2] =	wrdreg s24  }
0xaf: {  	[dreg:$0x3] =	wrdreg s2  }
0xb0: {  	[dreg:$0x4] =	wrdreg $0xB0000  }
0xb1: {  	[dreg:$0x5] =	wrdreg $0x9  }
0xb2: {  	_ =	task.clear_ibuf [dreg:s7], $0x6FFFF;
	_ =	strace $0x90000052  }
0xb3: {  	s29 =	simm.s32 $0x9;
	_ =	strace $0x80000054  }
0xb4: {  	_ =	swait.ge [sflag:s29], $0x1  }
0xb5: {  	[sflag:s29] =	ssyncadd.s32 $0xFFFFFFFF  }
0xb6: {  	_ =	strace $0x90000054  }
0xb7: {  	_ =	sfence  }
0xb8: {  	s30 =	sld [smem:$0x0];
	_ =	sdelay $0x2  }
0xb9: {  	s31 =	sshll.u32 s1, $0xD;
	s1 =	sshrl.u32 s1, $0x2  }
0xba: {  	s3 =	sand.u32 $0x4000, s31;
	s1 =	sadd.s32 s1, s30  }
0xbb: {  	s0 =	sor.u32 s3, s0;
	s1 =	sshll.u32 s1, $0x11  }
0xbc: {  	s0 =	sor.u32 s1, s0  }
0xbd: {  	s0 =	sadd.s32 $0x8F2B, s0  }
0xbe: {  	[sflag:s0] =	ssyncadd.remote.s32 $0x1  }
0xbf: {  	_ =	sfence.sel $0xFFFF  }
0xc0: {  	[dreg:$0x0] =	wrdreg $0xFFFFFFFF;
	(pc) =	sbr.abs _section_cstart, $3  }
0xc1: {  	[dreg:$0x1] =	wrdreg $0xFFFFFFFF  }
0xc2: {  	_ =	task.clear_ibuf [dreg:s7], $0x2FFFF;
	_ =	strace $0x9FFFFFFF  }
0xc3: {  	(tm) =	ssettm $0x7FFFFFFF  }
tec
execute0_lowered:
.L_overlay_start_1:
0x0: {  	(tag) =	ssettag $0x1  }
0x1: {  	s0 =	rddreg [dreg:$0x0]  }
0x2: {  	s2 =	rddreg [dreg:$0x1]  }
0x3: {  	s1 =	srdreg.scid;
	s6 =	stileid.u32  }
0x4: {  	s3 =	rddreg [dreg:$0x2];
	s4 =	simm.s32 $0x0;
	s8 =	smul.u32 $0x14000, s6  }
0x5: {  	s19 =	simm.s32 $0x4;
	s28 =	simm.s32 $0x2;
	s10 =	smul.u32 $0x2800, s6  }
0x6: {  	s29 =	simm.s32 $0x0;
	s1 =	sand.u32 $0x1, s1;
	s20 =	smul.u32 $0x50000, s6  }
0x7: {  	[smem:$0x7FF] =	sst s4;
	s5 =	sadd.s32 $0x5000, s0;
	s7 =	smul.u32 $0x140000, s1  }
0x8: {  	s11 =	sadd.s32 $0x2D000, s0;
	s9 =	smul.u32 $0x28000, s1;
	s1 =	ssub.s32 $0x2, s1  }
0x9: {  	_ =	strace $0x80000053;
	[dreg:$0x4] =	wrdreg s11;
	s22 =	sshrl.u32 s1, $0x1  }
0xa: {  	s23 =	sshrl.u32 s20, $0x2;
	s7 =	sadd.s32 s8, s7;
	s1 =	ssub.s32 s1, s22  }
0xb: {  	s8 =	sshrl.u32 s7, $0x3;
	s7 =	sadd.s32 s10, s9;
	s10 =	sadd.s32 s23, s3  }
0xc: {  	s0 =	sadd.s32 s8, s0;
	s21 =	sshrl.u32 s7, $0x3;
	s30 =	sadd.s32 $0x4000, s10  }
0xd: {  	s31 =	sadd.s32 $0x8000, s10;
	s8 =	sadd.s32 s2, s21;
	[dreg:$0x8] =	wrdreg s30  }
0xe: {  	s18 =	smax.u32 s1, $0x1;
	[dreg:$0x9] =	wrdreg s31;
	s24 =	sadd.s32 $0xA000, s8  }
0xf: {  	s23 =	simm.s32 $0x3000;
	s25 =	sadd.s32 $0x100, s8;
	[dreg:$0x5] =	wrdreg s24  }
0x10: {  	s15 =	sadd.s32 $0xC000, s10;
	s26 =	sadd.s32 $0xA100, s8;
	[dreg:$0x6] =	wrdreg s25  }
0x11: {  	s16 =	sadd.s32 $0x10000, s10;
	s17 =	sadd.s32 $0x7D800, s0;
	[dreg:$0x7] =	wrdreg s26  }
0x12: {  	s24 =	simm.s32 $0x80;
	s25 =	simm.s32 $0x1;
	s26 =	simm.s32 $0x7000  }
.LBB2_1:
0x13: {  	[tilespmem:s4], [sflag:$0x4] =	stream.linear.gather [hbm4b:s8+s4], $0x800, $0x38;
	[tilespmem:$0x1F000] =	vst v63  }
0x14: {  	_ =	swait.ge [sflag:s19], $0x800  }
0x15: {  	[sflag:s19] =	ssyncset.done $0x0  }
0x16: {  	s1 =	simm.s32 $0x1800;
	s0 =	rddreg [dreg:$0x5];
	[sflag:s19] =	ssyncadd.s32 $0xFFFFF800  }
0x17: {  	[tilespmem:s1], [sflag:$0x4] =	stream.linear.gather [hbm4b:s0+s4], $0x800, $0x38;
	[tilespmem:$0x1F000] =	vst v63  }
0x18: {  	_ =	swait.ge [sflag:s19], $0x800  }
0x19: {  	[sflag:s19] =	ssyncset.done $0x0  }
0x1a: {  	s9 =	simm.s32 $0x800;
	s6 =	rddreg [dreg:$0x6];
	[sflag:s19] =	ssyncadd.s32 $0xFFFFF800  }
0x1b: {  	[tilespmem:s9], [sflag:$0x3] =	stream.linear.gather [hbm4b:s6+s4], $0x800, $0x38;
	[tilespmem:$0x1F000] =	vst v63  }
0x1c: {  	s12 =	simm.s32 $0x2000;
	s11 =	rddreg [dreg:$0x7]  }
0x1d: {  	[tilespmem:s12], [sflag:$0x3] =	stream.linear.gather [hbm4b:s11+s4], $0x800, $0x38;
	[tilespmem:$0x1F000] =	vst v63  }
0x1e: {  	s13 =	rddreg [dreg:$0x4]  }
0x1f: {  	[tilespmem:s23], [sflag:$0x4] =	stream.linear.gather [hbm4b:s13+s4], $0x4000, $0x38;
	[tilespmem:$0x1F000] =	vst v63  }
0x20: {  	_ =	swait.ge [sflag:s19], $0x4000  }
0x21: {  	[sflag:s19] =	ssyncset.done $0x0  }
0x22: {  	[sflag:s19] =	ssyncadd.s32 $0xFFFFC000  }
0x23: {  	[spmem:s10] =	stream.linear.scatter [tilespmem:s23], [sflag:$0x4], $0x4000, $0x38;
	[tilespmem:$0x1F000] =	vst v63  }
0x24: {  	_ =	swait.ge [sflag:s19], $0x4000  }
0x25: {  	[sflag:s19] =	ssyncset.done $0x0  }
0x26: {  	s14 =	rddreg [dreg:$0x8];
	[sflag:s19] =	ssyncadd.s32 $0xFFFFC000  }
0x27: {  	[spmem:s14] =	stream.linear.scatter [tilespmem:s23], [sflag:$0x4], $0x4000, $0x38;
	[tilespmem:$0x1F000] =	vst v63  }
0x28: {  	_ =	swait.ge [sflag:s19], $0x4000  }
0x29: {  	[sflag:s19] =	ssyncset.done $0x0  }
0x2a: {  	s20 =	rddreg [dreg:$0x9];
	[sflag:s19] =	ssyncadd.s32 $0xFFFFC000  }
0x2b: {  	[spmem:s20] =	stream.linear.scatter [tilespmem:s23], [sflag:$0x4], $0x4000, $0x38;
	[tilespmem:$0x1F000] =	vst v63  }
0x2c: {  	_ =	swait.ge [sflag:s19], $0x4000  }
0x2d: {  	[sflag:s19] =	ssyncset.done $0x0  }
0x2e: {  	[sflag:s19] =	ssyncadd.s32 $0xFFFFC000  }
0x2f: {  	[spmem:s15] =	stream.linear.scatter [tilespmem:s23], [sflag:$0x4], $0x4000, $0x38;
	[tilespmem:$0x1F000] =	vst v63  }
0x30: {  	_ =	swait.ge [sflag:s19], $0x4000  }
0x31: {  	p0 =	por $0x0, $0x0;
	[sflag:s19] =	ssyncset.done $0x0  }
0x32: {  	p1 =	por $0x1, $0x1;
	s21 =	sand.u32 $0x700, s4;
	[sflag:s19] =	ssyncadd.s32 $0xFFFFC000  }
0x33: {  	[spmem:s16] =	stream.linear.scatter [tilespmem:s23], [sflag:$0x4], $0x4000, $0x38;
	[tilespmem:$0x1F000] =	vst v63  }
0x34: {  	s0 =	simm.s32 $0x0;
	s1 =	simm.s32 $0xFFFFFFFD;
	_ =	swait.ge [sflag:s19], $0x4000  }
0x35: {  	s1 =	smov.u32 @p1 s0;
	s20 =	sand.u32 @!p0 $0xE, s28;
	[sflag:s19] =	ssyncset.done $0x0  }
0x36: {  	s1 =	sshll.u32 s1, $0xB;
	p2 =	sne.s32 @!p0 s20, $0x0;
	[sflag:s19] =	ssyncadd.s32 $0xFFFFC000  }
0x37: {  	s30 =	sor.u32 s1, s21;
	p1 =	por p2, p0;
	[bflag:$0x0] =	sbarrier.arrive $0xFFFF  }
0x38: {  	[tilespmem:s23], [sflag:$0x1] =	stream.indirect.gather [hbm4b:s5+s24], $0x80, s4, s24, $0xb8;
	[tilespmem:$0x1F000] =	vst v63  }
0x39: {  	s1 =	sand.u32 $0x3FFFF800, s1;
	p3 =	por @!p1 $0x0, $0x0;
	_ =	swait.ge [sflag:s25], $0x4000  }
0x3a: {  	s30 =	sor.u32 $0x80, s30;
	p2 =	por @!p0 p3, p2;
	[sflag:s25] =	ssyncset.done $0x0  }
0x3b: {  	s0 =	sor.u32 s21, s1;
	p2 =	por p2, p0;
	[sflag:s25] =	ssyncadd.s32 $0xFFFFC000  }
0x3c: {  	[tilespmem:s26], [sflag:$0x2] =	stream.indirect.gather [hbm4b:s5+s24], $0x80, s30, s24, $0xb8;
	[tilespmem:$0x1F000] =	vst v63  }
0x3d: {  	s0 =	sadd.s32 $0x1800, s0;
	s1 =	simm.s32 @!p2 $0x1  }
0x3e: {  	[spmem:s3] =	stream.indirect.scatter.add.f32 [tilespmem:s23], [sflag:$0x4], $0x80, s0, s24, $0xb8;
	[tilespmem:$0x1F000] =	vst v63  }
0x3f: {  	s0 =	smul.u32 @!p2 $0xAB, s1;
	_ =	swait.ge [sflag:s19], $0x4000  }
0x40: {  	[sflag:s19] =	ssyncset.done $0x0  }
0x41: {  	s1 =	simm.s32 @!p1 $0x3;
	s0 =	sshrl.u32 @!p2 s0, $0x9;
	[sflag:s19] =	ssyncadd.s32 $0xFFFFC000  }
0x42: {  	s0 =	sand.u32 @!p2 $0x7F, s0;
	_ =	swait.ge @!p1 [sflag:s1], $0x800  }
0x43: {  	s0 =	smul.u32 @!p2 $0x3, s0;
	[sflag:s1] =	ssyncset.done @!p1 $0x0  }
0x44: {  	s31 =	sadd.s32 @!p2 $0x800, s7;
	[sflag:s1] =	ssyncadd.s32 @!p1 $0xFFFFF800  }
0x45: {  	s31 =	sshrl.u32 @!p2 s31, $0x3;
	s0 =	ssub.s32 @!p2 $0x1, s0;
	_ =	swait.ge @!p1 [sflag:s1], $0x800  }
0x46: {  	s31 =	sadd.s32 @!p2 s2, s31;
	s0 =	sand.u32 @!p2 $0xFF, s0;
	[sflag:s1] =	ssyncset.done @!p1 $0x0  }
0x47: {  	s0 =	sshll.u32 @!p2 s0, $0xB;
	[sflag:s1] =	ssyncadd.s32 @!p1 $0xFFFFF800;
	s1 =	simm.s32 @!p2 $0x0  }
0x48: {  	[tilespmem:s0], [sflag:$0x3] =	stream.linear.gather @!p2 [hbm4b:s31+s1], $0x800, $0x38;
	[tilespmem:$0x1F000] =	vst v63  }
0x49: {  	s31 =	sadd.s32 @!p2 $0xA000, s31;
	s0 =	sadd.s32 @!p2 $0x1800, s0  }
0x4a: {  	[tilespmem:s0], [sflag:$0x3] =	stream.linear.gather @!p2 [hbm4b:s31+s1], $0x800, $0x38;
	[tilespmem:$0x1F000] =	vst v63  }
0x4b: {  	s0 =	simm.s32 $0x400  }
0x4c: {  	p1 =	por @!p0 $0x1, $0x1;
	s0 =	sand.u32 @!p0 $0x1E000, s0  }
0x4d: {  	p1 =	por !p1, p0;
	s1 =	sadd.s32 @!p0 $0xFFFFA000, s0  }
0x4e: {  	s0 =	smov.u32 @p1 s1  }
0x4f: {  	s1 =	sshll.u32 @!p0 s20, $0x7;
	s0 =	sshra.s32 @!p0 s0, $0x2  }
0x50: {  	s20 =	simm.s32 @!p0 $0x3000;
	s0 =	sor.u32 @!p0 s1, s0;
	s1 =	simm.s32 @!p0 $0x80  }
0x51: {  	[tilespmem:s20], [sflag:$0x1] =	stream.indirect.gather @!p0 [hbm4b:s5+s1], $0x80, s0, s1, $0xb8;
	[tilespmem:$0x1F000] =	vst v63  }
0x52: {  	s22 =	sadd.s32 $0x1800, s30;
	_ =	swait.ge [sflag:s28], $0x4000  }
0x53: {  	s30 =	simm.s32 $0x1;
	s31 =	simm.s32 $0x4;
	[sflag:s28] =	ssyncset.done $0x0  }
0x54: {  	s0 =	simm.s32 $0x800;
	s1 =	simm.s32 $0x0;
	[sflag:s28] =	ssyncadd.s32 $0xFFFFC000  }
0x55: {  	[spmem:s3] =	stream.indirect.scatter.add.f32 [tilespmem:s26], [sflag:$0x4], $0x80, s22, s24, $0xb8;
	[tilespmem:$0x1F000] =	vst v63  }
.LBB2_2:
0x56: {  	_ =	swait.ge [sflag:s19], $0x4000  }
0x57: {  	s1 =	sadd.s32 $0x100, s1;
	s21 =	smov.u32 s30;
	s30 =	sadd.s32 $0x1, s30  }
0x58: {  	p0 =	sne.s32 s30, $0x28;
	[sflag:s19] =	ssyncset.done $0x0  }
0x59: {  	s20 =	sshrl.u32 s21, $0x3;
	p1 =	seq.s32 s21, $0x27;
	[sflag:s19] =	ssyncadd.s32 $0xFFFFC000  }
0x5a: {  	p2 =	slt.u32 s21, $0x18;
	s22 =	sadd.s32 $0xFFFFFFFD, s20;
	s6 =	sand.u32 @!p1 $0xE, s31  }
0x5b: {  	s9 =	sand.u32 $0x700, s1;
	s22 =	smov.u32 @p2 s20;
	p3 =	sne.s32 @!p1 s6, $0x0  }
0x5c: {  	s20 =	sshll.u32 s22, $0xB;
	p2 =	por p3, p1;
	_ =	swait.ge [sflag:s25], $0x4000  }
0x5d: {  	s22 =	sor.u32 s20, s9;
	s11 =	sand.u32 $0x3FFFF800, s20;
	p4 =	sgt.u32 @!p2 s21, $0x1E  }
0x5e: {  	s20 =	sor.u32 $0x80, s22;
	s9 =	sor.u32 s9, s11;
	p3 =	por @!p1 p4, p3  }
0x5f: {  	s9 =	sadd.s32 $0x1800, s9;
	p3 =	por p3, p1;
	[sflag:s25] =	ssyncset.done $0x0  }
0x60: {  	p4 =	slt.u32 @!p1 s21, $0x17;
	s11 =	sshrl.u32 @!p3 s31, $0x4;
	[sflag:s25] =	ssyncadd.s32 $0xFFFFC000  }
0x61: {  	[tilespmem:s26], [sflag:$0x2] =	stream.indirect.gather [hbm4b:s5+s24], $0x80, s20, s24, $0xb8;
	[tilespmem:$0x1F000] =	vst v63  }
0x62: {  	s21 =	sand.u32 @!p1 $0x1E000, s0;
	p4 =	por !p4, p1;
	s11 =	sadd.s32 @!p3 $0x1, s11  }
0x63: {  	[spmem:s3] =	stream.indirect.scatter.add.f32 [tilespmem:s23], [sflag:$0x4], $0x80, s9, s24, $0xb8;
	[tilespmem:$0x1F000] =	vst v63  }
0x64: {  	s22 =	smul.u32 @!p3 $0xAB, s11;
	s9 =	sshll.u32 @!p3 s11, $0xB;
	_ =	swait.ge [sflag:s19], $0x4000  }
0x65: {  	s12 =	simm.s32 @!p2 $0x3;
	s9 =	sadd.s32 @!p3 s7, s9;
	[sflag:s19] =	ssyncset.done $0x0  }
0x66: {  	s22 =	sshrl.u32 @!p3 s22, $0x9;
	s9 =	sshrl.u32 @!p3 s9, $0x3;
	[sflag:s19] =	ssyncadd.s32 $0xFFFFC000  }
0x67: {  	s22 =	sand.u32 @!p3 $0x7F, s22;
	s9 =	sadd.s32 @!p3 s2, s9;
	_ =	swait.ge @!p2 [sflag:s12], $0x800  }
0x68: {  	s22 =	smul.u32 @!p3 $0x3, s22;
	s13 =	sadd.s32 @!p3 $0xA000, s9;
	[sflag:s12] =	ssyncset.done @!p2 $0x0  }
0x69: {  	s6 =	sshll.u32 @!p1 s6, $0x7;
	s14 =	sadd.s32 @!p1 $0xFFFFA000, s21;
	[sflag:s12] =	ssyncadd.s32 @!p2 $0xFFFFF800  }
0x6a: {  	s21 =	smov.u32 @p4 s14;
	s11 =	ssub.s32 @!p3 s11, s22;
	_ =	swait.ge @!p2 [sflag:s12], $0x800  }
0x6b: {  	s14 =	sshra.s32 @!p1 s21, $0x2;
	s11 =	sand.u32 @!p3 $0xFF, s11;
	[sflag:s12] =	ssyncset.done @!p2 $0x0  }
0x6c: {  	s11 =	sshll.u32 @!p3 s11, $0xB;
	[sflag:s12] =	ssyncadd.s32 @!p2 $0xFFFFF800;
	s12 =	simm.s32 @!p3 $0x0  }
0x6d: {  	[tilespmem:s11], [sflag:$0x3] =	stream.linear.gather @!p3 [hbm4b:s9+s12], $0x800, $0x38;
	[tilespmem:$0x1F000] =	vst v63  }
0x6e: {  	s9 =	sadd.s32 @!p3 $0x1800, s11  }
0x6f: {  	[tilespmem:s9], [sflag:$0x3] =	stream.linear.gather @!p3 [hbm4b:s13+s12], $0x800, $0x38;
	[tilespmem:$0x1F000] =	vst v63  }
0x70: {  	s6 =	sor.u32 @!p1 s6, s14;
	s11 =	simm.s32 @!p1 $0x3000;
	s9 =	simm.s32 @!p1 $0x80  }
0x71: {  	[tilespmem:s11], [sflag:$0x1] =	stream.indirect.gather @!p1 [hbm4b:s5+s9], $0x80, s6, s9, $0xb8;
	[tilespmem:$0x1F000] =	vst v63  }
.Ltmp0:
0x72: {  	_ = 	snop;
	(pc) =	sbr.rel @p0 .LBB2_2-.Ltmp0, $4  }
0x73: {  	_ =	swait.ge [sflag:s28], $0x4000  }
0x74: {  	s31 =	sadd.s32 $0x2, s31;
	[sflag:s28] =	ssyncset.done $0x0  }
0x75: {  	s0 =	sadd.s32 $0x400, s0;
	s6 =	sadd.s32 $0x1800, s20;
	[sflag:s28] =	ssyncadd.s32 $0xFFFFC000  }
0x76: {  	[spmem:s3] =	stream.indirect.scatter.add.f32 [tilespmem:s26], [sflag:$0x4], $0x80, s6, s24, $0xb8;
	[tilespmem:$0x1F000] =	vst v63  }
0x77: {  	_ =	swait.ge [sflag:s19], $0x4000;
	s0 =	stileid.u32  }
0x78: {  	s1 =	sshrl.u32 s10, $0x3;
	s29 =	sadd.s32 $0x1, s29;
	[sflag:s19] =	ssyncset.done $0x0  }
0x79: {  	s0 =	sshll.u32 s0, $0x6;
	p0 =	sne.s32 s29, s18;
	[sflag:s19] =	ssyncadd.s32 $0xFFFFC000  }
.Ltmp1:
0x7a: {  	s0 =	sor.u32 $0x1C04, s0;
	[bflag:$0x0] =	sbarrier.arrive $0xFFFF;
	(pc) =	sbr.rel @p0 .LBB2_1-.Ltmp1, $4  }
0x7b: {  	[hbm:s17], [sflag:s0] =	dma.local [spmem:s1], $0x2800  }
0x7c: {  	_ =	swait.ge [sflag:s19], $0x2800  }
0x7d: {  	[sflag:s19] =	ssyncset.done $0x0  }
0x7e: {  	[sflag:s19] =	ssyncadd.s32 $0xFFFFD800  }
0x7f: {  	_ =	sfence.sel $0x180000  }
0x80: {  	[bflag:$0x0] =	sbarrier.arrive $0xFFFF  }
0x81: {  	_ =	strace $0x90000053  }
0x82: {  	s0 =	stileid.u32;
	[bflag:$0x2] =	sbarrier.arrive $0xFFFF  }
0x83: {  	p0 =	sne.s32 s0, $0x0;
	s0 =	rddreg [dreg:$0x3]  }
0x84: {  	s0 =	sadd.s32 @!p0 $0x100000, s0  }
0x85: {  	[sflag:s0] =	ssyncadd.tile.s32 @!p0 $0x1;
	_ =	shalt  }
.Lfunc_end2:
_tile_overlayer_lowered:
.L_overlay_start_2:
0x86: {  	(tag) =	ssettag $0x2  }
0x87: {  	s0 =	rddreg [dreg:$0x0];
	s2 =	stileid.u32  }
0x88: {  	s1 =	rddreg [dreg:$0x1];
	p0 =	sne.s32 s2, $0x0  }
0x89: {  	s3 =	rddreg [dreg:$0x2];
	[bflag:$0x3] =	sbarrier.arrive $0xFFFF;
	s2 =	simm.s32 @!p0 $0x1C04  }
0x8a: {  	[timem:s3], [sflag:s2] =	dma.local @!p0 [hbm:s0], s1  }
0x8b: {  	s0 =	simm.s32 @!p0 $0x4  }
0x8c: {  	_ =	swait.ge @!p0 [sflag:s0], s1  }
0x8d: {  	s1 =	ssub.s32 @!p0 $0x0, s1;
	[sflag:s0] =	ssyncset.done @!p0 $0x0  }
0x8e: {  	[sflag:s0] =	ssyncadd.s32 @!p0 s1  }
0x8f: {  	[bflag:$0x3] =	sbarrier.arrive $0xFFFF  }
0x90: {  	_ =	shalt  }

</sc_bundles>
